<compile_context>
chip_gen: v7x
topology: tpu7x:2x2x1
jax: 0.10.2.dev20260603
libtpu: 0.0.44.dev20260713+nightly
codegen_flags: <defaults>
</compile_context>

<pallas_src>
import functools

import jax
import jax.numpy as jnp
from jax import lax
from jax.experimental import pallas as pl
from jax.experimental.pallas import tpu as pltpu
from jax.experimental.pallas import tpu_sc as plsc

WINDOW = 5
MAX_MOR = 4
EMBED_DIM = 128
VOCAB_TOTAL = 1201
NB_NEG = 64
LAMBDA_FOR_MOR = 0.5

NIW = 2 * WINDOW
NMW = 2 * WINDOW * MAX_MOR
NSC = NB_NEG + 1
SUBC = 16
NPAIR = EMBED_DIM // 4
ACCW = NPAIR + 1
IWW = NIW + 1
MWW = NMW + 1
BLK = 1024
VS = 1024
DB = 16


def _sc_bag(B):
    bps = B // SUBC
    mesh = plsc.VectorSubcoreMesh(core_axis_name="c", subcore_axis_name="s")

    @functools.partial(
        pl.kernel,
        out_type=jax.ShapeDtypeStruct((2, B * ACCW), jnp.int32),
        mesh=mesh,
        compiler_params=pltpu.CompilerParams(needs_layout_passes=False),
        scratch_types=[
            pltpu.VMEM((bps * IWW + 16,), jnp.int32),
            pltpu.VMEM((bps * MWW + 16,), jnp.int32),
            pltpu.VMEM((bps * MWW + 16,), jnp.int32),
            pltpu.VMEM((NPAIR * VOCAB_TOTAL,), jnp.int32),
            pltpu.VMEM((bps * ACCW,), jnp.int32),
        ],
    )
    def bag(iw_hbm, mw_hbm, wp_hbm, tp_hbm, sh_hbm,
            iw_v, mw_v, wp_v, tp_v, acc_v):
        c = lax.axis_index("c")
        s = lax.axis_index("s")
        pltpu.sync_copy(tp_hbm.at[c], tp_v)
        pltpu.sync_copy(iw_hbm.at[s], iw_v)
        pltpu.sync_copy(mw_hbm.at[s], mw_v)
        pltpu.sync_copy(wp_hbm.at[s], wp_v)

        lane = lax.broadcasted_iota(jnp.int32, (16,), 0)
        half = jnp.full((32,), LAMBDA_FOR_MOR, jnp.bfloat16)

        @pl.loop(0, bps, step=16)
        def _(g):
            iwrow = (g + lane) * IWW
            mwrow = (g + lane) * MWW
            srow = (g + lane) * ACCW
            for db in range(0, NPAIR, DB):
                accs = [jnp.zeros((32,), jnp.bfloat16) for _ in range(DB)]
                iv = plsc.load_gather(iw_v, [iwrow])
                for j in range(NIW):
                    ivn = plsc.load_gather(iw_v, [iwrow + (j + 1)])
                    tvs = [plsc.load_gather(tp_v, [iv + (db + k) * VOCAB_TOTAL])
                           for k in range(DB)]
                    accs = [a + half * plsc.bitcast(tv, jnp.bfloat16)
                            for a, tv in zip(accs, tvs)]
                    iv = ivn
                iv0 = plsc.load_gather(mw_v, [mwrow])
                wv0 = plsc.bitcast(plsc.load_gather(wp_v, [mwrow]),
                                   jnp.bfloat16)
                iv1 = plsc.load_gather(mw_v, [mwrow + 1])
                wv1 = plsc.bitcast(plsc.load_gather(wp_v, [mwrow + 1]),
                                   jnp.bfloat16)

                def mw_pair(t, st):
                    acc, iva, wva, ivb, wvb = st
                    base = mwrow + 2 * t
                    ivn0 = plsc.load_gather(mw_v, [base + 2])
                    wvn0 = plsc.bitcast(plsc.load_gather(wp_v, [base + 2]),
                                        jnp.bfloat16)
                    ivn1 = plsc.load_gather(mw_v, [base + 3])
                    wvn1 = plsc.bitcast(plsc.load_gather(wp_v, [base + 3]),
                                        jnp.bfloat16)
                    tva = [plsc.load_gather(tp_v,
                                            [iva + (db + k) * VOCAB_TOTAL])
                           for k in range(DB)]
                    acc = tuple(a + wva * plsc.bitcast(tv, jnp.bfloat16)
                                for a, tv in zip(acc, tva))
                    tvb = [plsc.load_gather(tp_v,
                                            [ivb + (db + k) * VOCAB_TOTAL])
                           for k in range(DB)]
                    acc = tuple(a + wvb * plsc.bitcast(tv, jnp.bfloat16)
                                for a, tv in zip(acc, tvb))
                    return (acc, ivn0, wvn0, ivn1, wvn1)

                accs, _, _, _, _ = lax.fori_loop(
                    0, NMW // 2, mw_pair,
                    (tuple(accs), iv0, wv0, iv1, wv1))
                for k in range(DB):
                    plsc.store_scatter(acc_v, [srow + (db + k)],
                                       plsc.bitcast(accs[k], jnp.int32))

        pltpu.sync_copy(acc_v,
                        sh_hbm.at[c].at[pl.ds(s * bps * ACCW, bps * ACCW)])

    return bag


def _tc_body(sh_ref, ns_ref, tblT_ref, out_ref):
    sh = sh_ref[...]
    S = jnp.concatenate([sh[0, :, :EMBED_DIM // 2],
                         sh[1, :, :EMBED_DIM // 2]], axis=1)
    nsv = jnp.concatenate(
        [ns_ref[...], jnp.zeros((BLK, 128 - NSC), jnp.int32)], axis=1)
    lane = jnp.bitwise_and(nsv, 127)
    chunk = jnp.right_shift(nsv, 7)
    acc = jnp.zeros((BLK, 128), jnp.float32)
    for ci in range(VS // 128):
        Vc = jnp.dot(S, tblT_ref[:, ci * 128:(ci + 1) * 128],
                     preferred_element_type=jnp.float32)
        g = jnp.take_along_axis(Vc, lane, axis=1)
        acc = acc + jnp.where(chunk == ci, g, 0.0)
    logits = acc[:, :NSC]
    m = jnp.max(logits, axis=1, keepdims=True)
    e = jnp.exp(logits - m)
    out_ref[...] = e / jnp.sum(e, axis=1, keepdims=True)


def _pad_rows(x, width, B):
    bps = B // SUBC
    n = x.shape[1]
    x = jnp.pad(x.reshape(SUBC, bps, n), ((0, 0), (0, 0), (0, width - n)))
    return jnp.pad(x.reshape(SUBC, bps * width), ((0, 0), (0, 16)))


NCH = 1


def kernel(input_words, negative_samples, mor_words, mor_mask, table):
    B = input_words.shape[0]
    tbf = table.astype(jnp.bfloat16)
    tp = lax.bitcast_convert_type(
        tbf.reshape(VOCAB_TOTAL, EMBED_DIM // 2, 2), jnp.int32)
    tpT = tp.T.reshape(2, NPAIR * VOCAB_TOTAL)
    tblT = tbf[:VS].T
    wbf = (mor_mask.reshape(B, NMW)
           * ((1.0 - LAMBDA_FOR_MOR) / MAX_MOR)).astype(jnp.bfloat16)
    wp = lax.bitcast_convert_type(
        jnp.stack([wbf, wbf], axis=-1), jnp.int32)

    Bc = B // NCH
    bag = _sc_bag(Bc)
    score = pl.pallas_call(
        _tc_body,
        grid=(Bc // BLK,),
        in_specs=[
            pl.BlockSpec((2, BLK, 2 * ACCW), lambda i: (0, i, 0)),
            pl.BlockSpec((BLK, NSC), lambda i: (i, 0)),
            pl.BlockSpec((EMBED_DIM, VS), lambda i: (0, 0)),
        ],
        out_specs=pl.BlockSpec((BLK, NSC), lambda i: (i, 0)),
        out_shape=jax.ShapeDtypeStruct((Bc, NSC), jnp.float32),
    )

    outs = []
    for ch in range(NCH):
        sl = slice(ch * Bc, (ch + 1) * Bc)
        iw_r = _pad_rows(input_words[sl].astype(jnp.int32), IWW, Bc)
        mw_r = _pad_rows(mor_words[sl].astype(jnp.int32), MWW, Bc)
        wp_r = _pad_rows(wp[sl], MWW, Bc)
        sh = bag(iw_r, mw_r, wp_r, tpT)
        sh3 = lax.bitcast_convert_type(
            sh.reshape(2, Bc, ACCW), jnp.bfloat16).reshape(2, Bc, 2 * ACCW)
        outs.append(score(sh3, negative_samples[sl].astype(jnp.int32), tblT))
    return outs[0] if NCH == 1 else jnp.concatenate(outs, axis=0)

# --- scband reference (transcript-rebuilt; emitter-appended) ---
"""Pipeline reference for scband-word2-vec-cbow-74586402062709 (READ-ONLY COPY).

The authoritative reference and input builder live on the scoring server;
editing this copy changes nothing except your own understanding.
"""

import jax, jax.numpy as jnp
import numpy as np

WINDOW = 5
MAX_MOR = 4
EMBED_DIM = 128
VOCAB_TOTAL = 1201  # len(id2word)=1000 + len(mor2idx)=200 + 1
NB_NEG = 64
LAMBDA_FOR_MOR = 0.5
B = 4096


def setup_inputs(seed: int = 0) -> dict:
    key = jax.random.key(seed)
    k1, k2, k3, k4, k5 = jax.random.split(key, 5)
    input_words = jax.random.randint(k1, (B, 2 * WINDOW), 0, 1000)
    negative_samples = jax.random.randint(k2, (B, NB_NEG + 1), 0, 1000)
    mor_words = jax.random.randint(k3, (B, 2 * WINDOW * MAX_MOR), 0, VOCAB_TOTAL)
    mor_mask = jax.random.uniform(k4, (B, 2 * WINDOW * MAX_MOR, 1), dtype=jnp.float32)
    # learned parameter: shared embedding table
    table = jax.random.normal(k5, (VOCAB_TOTAL, EMBED_DIM), dtype=jnp.float32) * 0.02
    return {
        "input_words": input_words,
        "negative_samples": negative_samples,
        "mor_words": mor_words,
        "mor_mask": mor_mask,
        "table": table,
    }


def reference(input_words, negative_samples, mor_words, mor_mask, table):
    bsz = input_words.shape[0]
    input_vecs = jnp.take(table, input_words, axis=0)  # [B, 2w, D]
    mor_vecs = jnp.take(table, mor_words, axis=0)
    mor_vecs = mor_vecs.reshape(bsz, 2 * WINDOW, MAX_MOR, -1)  # [B, 2w, M, D]
    mm = mor_mask.reshape(bsz, 2 * WINDOW, MAX_MOR, -1)  # [B, 2w, M, 1]
    mor_vecs_sum = jnp.sum(mor_vecs * mm, axis=2) / MAX_MOR  # [B, 2w, D]
    input_vecs = input_vecs * LAMBDA_FOR_MOR + mor_vecs_sum * (1.0 - LAMBDA_FOR_MOR)
    input_vecs_sum = jnp.sum(input_vecs, axis=1)  # [B, D]
    negative_sample_vecs = jnp.take(table, negative_samples, axis=0)  # [B, Nneg+1, D]
    out = jnp.matmul(negative_sample_vecs, input_vecs_sum[:, :, None])  # [B, Nneg+1, 1]
    out = jnp.squeeze(out, axis=-1)  # [B, Nneg+1]
    out = jax.nn.softmax(out, axis=-1)
    return out

if __name__ == "__main__":
    import jax
    _d = setup_inputs()
    print(jax.jit(kernel)(*tuple(_d.values())))

</pallas_src>

<mosaic_0001>
#map = affine_map<(d0, d1) -> (0, 0)>
module attributes {stable_mosaic.version = 14 : i64} {
  func.func @bag(%arg0: i32, %arg1: i32, %arg2: memref<16x2832xi32, #tpu.memory_space<hbm>>, %arg3: memref<16x10512xi32, #tpu.memory_space<hbm>>, %arg4: memref<16x10512xi32, #tpu.memory_space<hbm>>, %arg5: memref<2x38432xi32, #tpu.memory_space<hbm>>, %arg6: memref<2x135168xi32, #tpu.memory_space<hbm>>, %arg7: memref<2832xi32, #tpu.memory_space<vmem>>, %arg8: memref<10512xi32, #tpu.memory_space<vmem>>, %arg9: memref<10512xi32, #tpu.memory_space<vmem>>, %arg10: memref<38432xi32, #tpu.memory_space<vmem>>, %arg11: memref<8448xi32, #tpu.memory_space<vmem>>) attributes {dimension_semantics = [#tpu.dimension_semantics<core_parallel>, #tpu.dimension_semantics<subcore_parallel>], iteration_bounds = array<i64: 2, 16>, scalar_prefetch = 0 : i64, scratch_operands = 5 : i64, tpu.core_type = #tpu.core_type<sc_vector_subcore>, window_params = [{transform_indices = #map}, {transform_indices = #map}, {transform_indices = #map}, {transform_indices = #map}, {transform_indices = #map}]} {
    "tpu.region"() ({
      %run_scoped3A = tpu.sem_alloc : memref<!tpu.dma_semaphore, #tpu.memory_space<semaphore_mem>>
      %dma_start3A = arith.constant 0 : i32
      %dma_start3A_8 = tpu.memref_slice %arg5[%arg0, %dma_start3A] : memref<2x38432xi32, #tpu.memory_space<hbm>> -> memref<1x38432xi32, #tpu.memory_space<hbm>>
      %dma_start3A_9 = tpu.memref_squeeze %dma_start3A_8 : memref<1x38432xi32, #tpu.memory_space<hbm>> -> memref<38432xi32, #tpu.memory_space<hbm>>
      %dma_start3A_10 = arith.constant 0 : i32
      %dma_start3A_11 = tpu.memref_slice %arg5[%arg0, %dma_start3A_10] : memref<2x38432xi32, #tpu.memory_space<hbm>> -> memref<1x38432xi32, #tpu.memory_space<hbm>>
      %dma_start3A_12 = tpu.memref_squeeze %dma_start3A_11 : memref<1x38432xi32, #tpu.memory_space<hbm>> -> memref<38432xi32, #tpu.memory_space<hbm>>
      tpu.enqueue_dma source(%dma_start3A_12 : memref<38432xi32, #tpu.memory_space<hbm>>) target(%arg10 : memref<38432xi32, #tpu.memory_space<vmem>>) target_semaphore(%run_scoped3A : memref<!tpu.dma_semaphore, #tpu.memory_space<semaphore_mem>>)
      %dma_wait3A = arith.constant 0 : i32
      %dma_wait3A_13 = tpu.memref_slice %arg5[%arg0, %dma_wait3A] : memref<2x38432xi32, #tpu.memory_space<hbm>> -> memref<1x38432xi32, #tpu.memory_space<hbm>>
      %dma_wait3A_14 = tpu.memref_squeeze %dma_wait3A_13 : memref<1x38432xi32, #tpu.memory_space<hbm>> -> memref<38432xi32, #tpu.memory_space<hbm>>
      %dma_wait3A_15 = arith.constant 0 : i32
      %dma_wait3A_16 = tpu.memref_slice %arg5[%arg0, %dma_wait3A_15] : memref<2x38432xi32, #tpu.memory_space<hbm>> -> memref<1x38432xi32, #tpu.memory_space<hbm>>
      %dma_wait3A_17 = tpu.memref_squeeze %dma_wait3A_16 : memref<1x38432xi32, #tpu.memory_space<hbm>> -> memref<38432xi32, #tpu.memory_space<hbm>>
      tpu.wait_dma2 semaphore(%run_scoped3A : memref<!tpu.dma_semaphore, #tpu.memory_space<semaphore_mem>>) src(%dma_wait3A_17 : memref<38432xi32, #tpu.memory_space<hbm>>) dst(%arg10 : memref<38432xi32, #tpu.memory_space<vmem>>)
      tpu.yield
    }) : () -> ()
    "tpu.region"() ({
      %run_scoped3A = tpu.sem_alloc : memref<!tpu.dma_semaphore, #tpu.memory_space<semaphore_mem>>
      %dma_start3A = arith.constant 0 : i32
      %dma_start3A_8 = tpu.memref_slice %arg2[%arg1, %dma_start3A] : memref<16x2832xi32, #tpu.memory_space<hbm>> -> memref<1x2832xi32, #tpu.memory_space<hbm>>
      %dma_start3A_9 = tpu.memref_squeeze %dma_start3A_8 : memref<1x2832xi32, #tpu.memory_space<hbm>> -> memref<2832xi32, #tpu.memory_space<hbm>>
      %dma_start3A_10 = arith.constant 0 : i32
      %dma_start3A_11 = tpu.memref_slice %arg2[%arg1, %dma_start3A_10] : memref<16x2832xi32, #tpu.memory_space<hbm>> -> memref<1x2832xi32, #tpu.memory_space<hbm>>
      %dma_start3A_12 = tpu.memref_squeeze %dma_start3A_11 : memref<1x2832xi32, #tpu.memory_space<hbm>> -> memref<2832xi32, #tpu.memory_space<hbm>>
      tpu.enqueue_dma source(%dma_start3A_12 : memref<2832xi32, #tpu.memory_space<hbm>>) target(%arg7 : memref<2832xi32, #tpu.memory_space<vmem>>) target_semaphore(%run_scoped3A : memref<!tpu.dma_semaphore, #tpu.memory_space<semaphore_mem>>)
      %dma_wait3A = arith.constant 0 : i32
      %dma_wait3A_13 = tpu.memref_slice %arg2[%arg1, %dma_wait3A] : memref<16x2832xi32, #tpu.memory_space<hbm>> -> memref<1x2832xi32, #tpu.memory_space<hbm>>
      %dma_wait3A_14 = tpu.memref_squeeze %dma_wait3A_13 : memref<1x2832xi32, #tpu.memory_space<hbm>> -> memref<2832xi32, #tpu.memory_space<hbm>>
      %dma_wait3A_15 = arith.constant 0 : i32
      %dma_wait3A_16 = tpu.memref_slice %arg2[%arg1, %dma_wait3A_15] : memref<16x2832xi32, #tpu.memory_space<hbm>> -> memref<1x2832xi32, #tpu.memory_space<hbm>>
      %dma_wait3A_17 = tpu.memref_squeeze %dma_wait3A_16 : memref<1x2832xi32, #tpu.memory_space<hbm>> -> memref<2832xi32, #tpu.memory_space<hbm>>
      tpu.wait_dma2 semaphore(%run_scoped3A : memref<!tpu.dma_semaphore, #tpu.memory_space<semaphore_mem>>) src(%dma_wait3A_17 : memref<2832xi32, #tpu.memory_space<hbm>>) dst(%arg7 : memref<2832xi32, #tpu.memory_space<vmem>>)
      tpu.yield
    }) : () -> ()
    "tpu.region"() ({
      %run_scoped3A = tpu.sem_alloc : memref<!tpu.dma_semaphore, #tpu.memory_space<semaphore_mem>>
      %dma_start3A = arith.constant 0 : i32
      %dma_start3A_8 = tpu.memref_slice %arg3[%arg1, %dma_start3A] : memref<16x10512xi32, #tpu.memory_space<hbm>> -> memref<1x10512xi32, #tpu.memory_space<hbm>>
      %dma_start3A_9 = tpu.memref_squeeze %dma_start3A_8 : memref<1x10512xi32, #tpu.memory_space<hbm>> -> memref<10512xi32, #tpu.memory_space<hbm>>
      %dma_start3A_10 = arith.constant 0 : i32
      %dma_start3A_11 = tpu.memref_slice %arg3[%arg1, %dma_start3A_10] : memref<16x10512xi32, #tpu.memory_space<hbm>> -> memref<1x10512xi32, #tpu.memory_space<hbm>>
      %dma_start3A_12 = tpu.memref_squeeze %dma_start3A_11 : memref<1x10512xi32, #tpu.memory_space<hbm>> -> memref<10512xi32, #tpu.memory_space<hbm>>
      tpu.enqueue_dma source(%dma_start3A_12 : memref<10512xi32, #tpu.memory_space<hbm>>) target(%arg8 : memref<10512xi32, #tpu.memory_space<vmem>>) target_semaphore(%run_scoped3A : memref<!tpu.dma_semaphore, #tpu.memory_space<semaphore_mem>>)
      %dma_wait3A = arith.constant 0 : i32
      %dma_wait3A_13 = tpu.memref_slice %arg3[%arg1, %dma_wait3A] : memref<16x10512xi32, #tpu.memory_space<hbm>> -> memref<1x10512xi32, #tpu.memory_space<hbm>>
      %dma_wait3A_14 = tpu.memref_squeeze %dma_wait3A_13 : memref<1x10512xi32, #tpu.memory_space<hbm>> -> memref<10512xi32, #tpu.memory_space<hbm>>
      %dma_wait3A_15 = arith.constant 0 : i32
      %dma_wait3A_16 = tpu.memref_slice %arg3[%arg1, %dma_wait3A_15] : memref<16x10512xi32, #tpu.memory_space<hbm>> -> memref<1x10512xi32, #tpu.memory_space<hbm>>
      %dma_wait3A_17 = tpu.memref_squeeze %dma_wait3A_16 : memref<1x10512xi32, #tpu.memory_space<hbm>> -> memref<10512xi32, #tpu.memory_space<hbm>>
      tpu.wait_dma2 semaphore(%run_scoped3A : memref<!tpu.dma_semaphore, #tpu.memory_space<semaphore_mem>>) src(%dma_wait3A_17 : memref<10512xi32, #tpu.memory_space<hbm>>) dst(%arg8 : memref<10512xi32, #tpu.memory_space<vmem>>)
      tpu.yield
    }) : () -> ()
    "tpu.region"() ({
      %run_scoped3A = tpu.sem_alloc : memref<!tpu.dma_semaphore, #tpu.memory_space<semaphore_mem>>
      %dma_start3A = arith.constant 0 : i32
      %dma_start3A_8 = tpu.memref_slice %arg4[%arg1, %dma_start3A] : memref<16x10512xi32, #tpu.memory_space<hbm>> -> memref<1x10512xi32, #tpu.memory_space<hbm>>
      %dma_start3A_9 = tpu.memref_squeeze %dma_start3A_8 : memref<1x10512xi32, #tpu.memory_space<hbm>> -> memref<10512xi32, #tpu.memory_space<hbm>>
      %dma_start3A_10 = arith.constant 0 : i32
      %dma_start3A_11 = tpu.memref_slice %arg4[%arg1, %dma_start3A_10] : memref<16x10512xi32, #tpu.memory_space<hbm>> -> memref<1x10512xi32, #tpu.memory_space<hbm>>
      %dma_start3A_12 = tpu.memref_squeeze %dma_start3A_11 : memref<1x10512xi32, #tpu.memory_space<hbm>> -> memref<10512xi32, #tpu.memory_space<hbm>>
      tpu.enqueue_dma source(%dma_start3A_12 : memref<10512xi32, #tpu.memory_space<hbm>>) target(%arg9 : memref<10512xi32, #tpu.memory_space<vmem>>) target_semaphore(%run_scoped3A : memref<!tpu.dma_semaphore, #tpu.memory_space<semaphore_mem>>)
      %dma_wait3A = arith.constant 0 : i32
      %dma_wait3A_13 = tpu.memref_slice %arg4[%arg1, %dma_wait3A] : memref<16x10512xi32, #tpu.memory_space<hbm>> -> memref<1x10512xi32, #tpu.memory_space<hbm>>
      %dma_wait3A_14 = tpu.memref_squeeze %dma_wait3A_13 : memref<1x10512xi32, #tpu.memory_space<hbm>> -> memref<10512xi32, #tpu.memory_space<hbm>>
      %dma_wait3A_15 = arith.constant 0 : i32
      %dma_wait3A_16 = tpu.memref_slice %arg4[%arg1, %dma_wait3A_15] : memref<16x10512xi32, #tpu.memory_space<hbm>> -> memref<1x10512xi32, #tpu.memory_space<hbm>>
      %dma_wait3A_17 = tpu.memref_squeeze %dma_wait3A_16 : memref<1x10512xi32, #tpu.memory_space<hbm>> -> memref<10512xi32, #tpu.memory_space<hbm>>
      tpu.wait_dma2 semaphore(%run_scoped3A : memref<!tpu.dma_semaphore, #tpu.memory_space<semaphore_mem>>) src(%dma_wait3A_17 : memref<10512xi32, #tpu.memory_space<hbm>>) dst(%arg9 : memref<10512xi32, #tpu.memory_space<vmem>>)
      tpu.yield
    }) : () -> ()
    %iota3A = tpu.iota {dimensions = array<i32: 0>} : vector<16xi32>
    %broadcast_in_dim3A = arith.constant 5.000000e-01 : bf16
    %broadcast_in_dim3A_0 = vector.broadcast %broadcast_in_dim3A : bf16 to vector<32xbf16>
    %scan3A = arith.constant 0 : i32
    %scan3A_1 = arith.constant 16 : i32
    %scan3A_2 = arith.addi %scan3A, %scan3A_1 : i32
    %scan3A_3 = arith.constant 1 : i32
    scf.for %scan3A_8 = %scan3A to %scan3A_2 step %scan3A_3  : i32 {
      %mul3A_9 = arith.constant 16 : i32
      %mul3A_10 = arith.muli %scan3A_8, %mul3A_9 : i32
      %add3A = arith.constant 0 : i32
      %add3A_11 = arith.addi %add3A, %mul3A_10 : i32
      %add3A_12 = vector.broadcast %add3A_11 : i32 to vector<16xi32>
      %add3A_13 = arith.addi %add3A_12, %iota3A : vector<16xi32>
      %mul3A_14 = arith.constant 11 : i32
      %mul3A_15 = vector.broadcast %mul3A_14 : i32 to vector<16xi32>
      %mul3A_16 = arith.muli %add3A_13, %mul3A_15 : vector<16xi32>
      %add3A_17 = vector.broadcast %add3A_11 : i32 to vector<16xi32>
      %add3A_18 = arith.addi %add3A_17, %iota3A : vector<16xi32>
      %mul3A_19 = arith.constant 41 : i32
      %mul3A_20 = vector.broadcast %mul3A_19 : i32 to vector<16xi32>
      %mul3A_21 = arith.muli %add3A_18, %mul3A_20 : vector<16xi32>
      %add3A_22 = vector.broadcast %add3A_11 : i32 to vector<16xi32>
      %add3A_23 = arith.addi %add3A_22, %iota3A : vector<16xi32>
      %mul3A_24 = arith.constant 33 : i32
      %mul3A_25 = vector.broadcast %mul3A_24 : i32 to vector<16xi32>
      %mul3A_26 = arith.muli %add3A_23, %mul3A_25 : vector<16xi32>
      %broadcast_in_dim3A_27 = arith.constant 0.000000e+00 : bf16
      %broadcast_in_dim3A_28 = vector.broadcast %broadcast_in_dim3A_27 : bf16 to vector<32xbf16>
      %broadcast_in_dim3A_29 = arith.constant 0.000000e+00 : bf16
      %broadcast_in_dim3A_30 = vector.broadcast %broadcast_in_dim3A_29 : bf16 to vector<32xbf16>
      %broadcast_in_dim3A_31 = arith.constant 0.000000e+00 : bf16
      %broadcast_in_dim3A_32 = vector.broadcast %broadcast_in_dim3A_31 : bf16 to vector<32xbf16>
      %broadcast_in_dim3A_33 = arith.constant 0.000000e+00 : bf16
      %broadcast_in_dim3A_34 = vector.broadcast %broadcast_in_dim3A_33 : bf16 to vector<32xbf16>
      %broadcast_in_dim3A_35 = arith.constant 0.000000e+00 : bf16
      %broadcast_in_dim3A_36 = vector.broadcast %broadcast_in_dim3A_35 : bf16 to vector<32xbf16>
      %broadcast_in_dim3A_37 = arith.constant 0.000000e+00 : bf16
      %broadcast_in_dim3A_38 = vector.broadcast %broadcast_in_dim3A_37 : bf16 to vector<32xbf16>
      %broadcast_in_dim3A_39 = arith.constant 0.000000e+00 : bf16
      %broadcast_in_dim3A_40 = vector.broadcast %broadcast_in_dim3A_39 : bf16 to vector<32xbf16>
      %broadcast_in_dim3A_41 = arith.constant 0.000000e+00 : bf16
      %broadcast_in_dim3A_42 = vector.broadcast %broadcast_in_dim3A_41 : bf16 to vector<32xbf16>
      %broadcast_in_dim3A_43 = arith.constant 0.000000e+00 : bf16
      %broadcast_in_dim3A_44 = vector.broadcast %broadcast_in_dim3A_43 : bf16 to vector<32xbf16>
      %broadcast_in_dim3A_45 = arith.constant 0.000000e+00 : bf16
      %broadcast_in_dim3A_46 = vector.broadcast %broadcast_in_dim3A_45 : bf16 to vector<32xbf16>
      %broadcast_in_dim3A_47 = arith.constant 0.000000e+00 : bf16
      %broadcast_in_dim3A_48 = vector.broadcast %broadcast_in_dim3A_47 : bf16 to vector<32xbf16>
      %broadcast_in_dim3A_49 = arith.constant 0.000000e+00 : bf16
      %broadcast_in_dim3A_50 = vector.broadcast %broadcast_in_dim3A_49 : bf16 to vector<32xbf16>
      %broadcast_in_dim3A_51 = arith.constant 0.000000e+00 : bf16
      %broadcast_in_dim3A_52 = vector.broadcast %broadcast_in_dim3A_51 : bf16 to vector<32xbf16>
      %broadcast_in_dim3A_53 = arith.constant 0.000000e+00 : bf16
      %broadcast_in_dim3A_54 = vector.broadcast %broadcast_in_dim3A_53 : bf16 to vector<32xbf16>
      %broadcast_in_dim3A_55 = arith.constant 0.000000e+00 : bf16
      %broadcast_in_dim3A_56 = vector.broadcast %broadcast_in_dim3A_55 : bf16 to vector<32xbf16>
      %broadcast_in_dim3A_57 = arith.constant 0.000000e+00 : bf16
      %broadcast_in_dim3A_58 = vector.broadcast %broadcast_in_dim3A_57 : bf16 to vector<32xbf16>
      %gather3A = tpu.vector_load_idx %arg7[%mul3A_16] : memref<2832xi32, #tpu.memory_space<vmem>>[vector<16xi32>], vector<16xi32>,
      %add3A_59 = arith.constant 1 : i32
      %add3A_60 = vector.broadcast %add3A_59 : i32 to vector<16xi32>
      %add3A_61 = arith.addi %mul3A_16, %add3A_60 : vector<16xi32>
      %gather3A_62 = tpu.vector_load_idx %arg7[%add3A_61] : memref<2832xi32, #tpu.memory_space<vmem>>[vector<16xi32>], vector<16xi32>,
      %add3A_63 = arith.constant 0 : i32
      %add3A_64 = vector.broadcast %add3A_63 : i32 to vector<16xi32>
      %add3A_65 = arith.addi %gather3A, %add3A_64 : vector<16xi32>
      %gather3A_66 = tpu.vector_load_idx %arg10[%add3A_65] : memref<38432xi32, #tpu.memory_space<vmem>>[vector<16xi32>], vector<16xi32>,
      %add3A_67 = arith.constant 1201 : i32
      %add3A_68 = vector.broadcast %add3A_67 : i32 to vector<16xi32>
      %add3A_69 = arith.addi %gather3A, %add3A_68 : vector<16xi32>
      %gather3A_70 = tpu.vector_load_idx %arg10[%add3A_69] : memref<38432xi32, #tpu.memory_space<vmem>>[vector<16xi32>], vector<16xi32>,
      %add3A_71 = arith.constant 2402 : i32
      %add3A_72 = vector.broadcast %add3A_71 : i32 to vector<16xi32>
      %add3A_73 = arith.addi %gather3A, %add3A_72 : vector<16xi32>
      %gather3A_74 = tpu.vector_load_idx %arg10[%add3A_73] : memref<38432xi32, #tpu.memory_space<vmem>>[vector<16xi32>], vector<16xi32>,
      %add3A_75 = arith.constant 3603 : i32
      %add3A_76 = vector.broadcast %add3A_75 : i32 to vector<16xi32>
      %add3A_77 = arith.addi %gather3A, %add3A_76 : vector<16xi32>
      %gather3A_78 = tpu.vector_load_idx %arg10[%add3A_77] : memref<38432xi32, #tpu.memory_space<vmem>>[vector<16xi32>], vector<16xi32>,
      %add3A_79 = arith.constant 4804 : i32
      %add3A_80 = vector.broadcast %add3A_79 : i32 to vector<16xi32>
      %add3A_81 = arith.addi %gather3A, %add3A_80 : vector<16xi32>
      %gather3A_82 = tpu.vector_load_idx %arg10[%add3A_81] : memref<38432xi32, #tpu.memory_space<vmem>>[vector<16xi32>], vector<16xi32>,
      %add3A_83 = arith.constant 6005 : i32
      %add3A_84 = vector.broadcast %add3A_83 : i32 to vector<16xi32>
      %add3A_85 = arith.addi %gather3A, %add3A_84 : vector<16xi32>
      %gather3A_86 = tpu.vector_load_idx %arg10[%add3A_85] : memref<38432xi32, #tpu.memory_space<vmem>>[vector<16xi32>], vector<16xi32>,
      %add3A_87 = arith.constant 7206 : i32
      %add3A_88 = vector.broadcast %add3A_87 : i32 to vector<16xi32>
      %add3A_89 = arith.addi %gather3A, %add3A_88 : vector<16xi32>
      %gather3A_90 = tpu.vector_load_idx %arg10[%add3A_89] : memref<38432xi32, #tpu.memory_space<vmem>>[vector<16xi32>], vector<16xi32>,
      %add3A_91 = arith.constant 8407 : i32
      %add3A_92 = vector.broadcast %add3A_91 : i32 to vector<16xi32>
      %add3A_93 = arith.addi %gather3A, %add3A_92 : vector<16xi32>
      %gather3A_94 = tpu.vector_load_idx %arg10[%add3A_93] : memref<38432xi32, #tpu.memory_space<vmem>>[vector<16xi32>], vector<16xi32>,
      %add3A_95 = arith.constant 9608 : i32
      %add3A_96 = vector.broadcast %add3A_95 : i32 to vector<16xi32>
      %add3A_97 = arith.addi %gather3A, %add3A_96 : vector<16xi32>
      %gather3A_98 = tpu.vector_load_idx %arg10[%add3A_97] : memref<38432xi32, #tpu.memory_space<vmem>>[vector<16xi32>], vector<16xi32>,
      %add3A_99 = arith.constant 10809 : i32
      %add3A_100 = vector.broadcast %add3A_99 : i32 to vector<16xi32>
      %add3A_101 = arith.addi %gather3A, %add3A_100 : vector<16xi32>
      %gather3A_102 = tpu.vector_load_idx %arg10[%add3A_101] : memref<38432xi32, #tpu.memory_space<vmem>>[vector<16xi32>], vector<16xi32>,
      %add3A_103 = arith.constant 12010 : i32
      %add3A_104 = vector.broadcast %add3A_103 : i32 to vector<16xi32>
      %add3A_105 = arith.addi %gather3A, %add3A_104 : vector<16xi32>
      %gather3A_106 = tpu.vector_load_idx %arg10[%add3A_105] : memref<38432xi32, #tpu.memory_space<vmem>>[vector<16xi32>], vector<16xi32>,
      %add3A_107 = arith.constant 13211 : i32
      %add3A_108 = vector.broadcast %add3A_107 : i32 to vector<16xi32>
      %add3A_109 = arith.addi %gather3A, %add3A_108 : vector<16xi32>
      %gather3A_110 = tpu.vector_load_idx %arg10[%add3A_109] : memref<38432xi32, #tpu.memory_space<vmem>>[vector<16xi32>], vector<16xi32>,
      %add3A_111 = arith.constant 14412 : i32
      %add3A_112 = vector.broadcast %add3A_111 : i32 to vector<16xi32>
      %add3A_113 = arith.addi %gather3A, %add3A_112 : vector<16xi32>
      %gather3A_114 = tpu.vector_load_idx %arg10[%add3A_113] : memref<38432xi32, #tpu.memory_space<vmem>>[vector<16xi32>], vector<16xi32>,
      %add3A_115 = arith.constant 15613 : i32
      %add3A_116 = vector.broadcast %add3A_115 : i32 to vector<16xi32>
      %add3A_117 = arith.addi %gather3A, %add3A_116 : vector<16xi32>
      %gather3A_118 = tpu.vector_load_idx %arg10[%add3A_117] : memref<38432xi32, #tpu.memory_space<vmem>>[vector<16xi32>], vector<16xi32>,
      %add3A_119 = arith.constant 16814 : i32
      %add3A_120 = vector.broadcast %add3A_119 : i32 to vector<16xi32>
      %add3A_121 = arith.addi %gather3A, %add3A_120 : vector<16xi32>
      %gather3A_122 = tpu.vector_load_idx %arg10[%add3A_121] : memref<38432xi32, #tpu.memory_space<vmem>>[vector<16xi32>], vector<16xi32>,
      %add3A_123 = arith.constant 18015 : i32
      %add3A_124 = vector.broadcast %add3A_123 : i32 to vector<16xi32>
      %add3A_125 = arith.addi %gather3A, %add3A_124 : vector<16xi32>
      %gather3A_126 = tpu.vector_load_idx %arg10[%add3A_125] : memref<38432xi32, #tpu.memory_space<vmem>>[vector<16xi32>], vector<16xi32>,
      %bitcast3A = vector.bitcast %gather3A_66 : vector<16xi32> to vector<32xbf16>
      %mul3A_127 = arith.mulf %broadcast_in_dim3A_0, %bitcast3A : vector<32xbf16>
      %add3A_128 = arith.addf %broadcast_in_dim3A_28, %mul3A_127 : vector<32xbf16>
      %bitcast3A_129 = vector.bitcast %gather3A_70 : vector<16xi32> to vector<32xbf16>
      %mul3A_130 = arith.mulf %broadcast_in_dim3A_0, %bitcast3A_129 : vector<32xbf16>
      %add3A_131 = arith.addf %broadcast_in_dim3A_30, %mul3A_130 : vector<32xbf16>
      %bitcast3A_132 = vector.bitcast %gather3A_74 : vector<16xi32> to vector<32xbf16>
      %mul3A_133 = arith.mulf %broadcast_in_dim3A_0, %bitcast3A_132 : vector<32xbf16>
      %add3A_134 = arith.addf %broadcast_in_dim3A_32, %mul3A_133 : vector<32xbf16>
      %bitcast3A_135 = vector.bitcast %gather3A_78 : vector<16xi32> to vector<32xbf16>
      %mul3A_136 = arith.mulf %broadcast_in_dim3A_0, %bitcast3A_135 : vector<32xbf16>
      %add3A_137 = arith.addf %broadcast_in_dim3A_34, %mul3A_136 : vector<32xbf16>
      %bitcast3A_138 = vector.bitcast %gather3A_82 : vector<16xi32> to vector<32xbf16>
      %mul3A_139 = arith.mulf %broadcast_in_dim3A_0, %bitcast3A_138 : vector<32xbf16>
      %add3A_140 = arith.addf %broadcast_in_dim3A_36, %mul3A_139 : vector<32xbf16>
      %bitcast3A_141 = vector.bitcast %gather3A_86 : vector<16xi32> to vector<32xbf16>
      %mul3A_142 = arith.mulf %broadcast_in_dim3A_0, %bitcast3A_141 : vector<32xbf16>
      %add3A_143 = arith.addf %broadcast_in_dim3A_38, %mul3A_142 : vector<32xbf16>
      %bitcast3A_144 = vector.bitcast %gather3A_90 : vector<16xi32> to vector<32xbf16>
      %mul3A_145 = arith.mulf %broadcast_in_dim3A_0, %bitcast3A_144 : vector<32xbf16>
      %add3A_146 = arith.addf %broadcast_in_dim3A_40, %mul3A_145 : vector<32xbf16>
      %bitcast3A_147 = vector.bitcast %gather3A_94 : vector<16xi32> to vector<32xbf16>
      %mul3A_148 = arith.mulf %broadcast_in_dim3A_0, %bitcast3A_147 : vector<32xbf16>
      %add3A_149 = arith.addf %broadcast_in_dim3A_42, %mul3A_148 : vector<32xbf16>
      %bitcast3A_150 = vector.bitcast %gather3A_98 : vector<16xi32> to vector<32xbf16>
      %mul3A_151 = arith.mulf %broadcast_in_dim3A_0, %bitcast3A_150 : vector<32xbf16>
      %add3A_152 = arith.addf %broadcast_in_dim3A_44, %mul3A_151 : vector<32xbf16>
      %bitcast3A_153 = vector.bitcast %gather3A_102 : vector<16xi32> to vector<32xbf16>
      %mul3A_154 = arith.mulf %broadcast_in_dim3A_0, %bitcast3A_153 : vector<32xbf16>
      %add3A_155 = arith.addf %broadcast_in_dim3A_46, %mul3A_154 : vector<32xbf16>
      %bitcast3A_156 = vector.bitcast %gather3A_106 : vector<16xi32> to vector<32xbf16>
      %mul3A_157 = arith.mulf %broadcast_in_dim3A_0, %bitcast3A_156 : vector<32xbf16>
      %add3A_158 = arith.addf %broadcast_in_dim3A_48, %mul3A_157 : vector<32xbf16>
      %bitcast3A_159 = vector.bitcast %gather3A_110 : vector<16xi32> to vector<32xbf16>
      %mul3A_160 = arith.mulf %broadcast_in_dim3A_0, %bitcast3A_159 : vector<32xbf16>
      %add3A_161 = arith.addf %broadcast_in_dim3A_50, %mul3A_160 : vector<32xbf16>
      %bitcast3A_162 = vector.bitcast %gather3A_114 : vector<16xi32> to vector<32xbf16>
      %mul3A_163 = arith.mulf %broadcast_in_dim3A_0, %bitcast3A_162 : vector<32xbf16>
      %add3A_164 = arith.addf %broadcast_in_dim3A_52, %mul3A_163 : vector<32xbf16>
      %bitcast3A_165 = vector.bitcast %gather3A_118 : vector<16xi32> to vector<32xbf16>
      %mul3A_166 = arith.mulf %broadcast_in_dim3A_0, %bitcast3A_165 : vector<32xbf16>
      %add3A_167 = arith.addf %broadcast_in_dim3A_54, %mul3A_166 : vector<32xbf16>
      %bitcast3A_168 = vector.bitcast %gather3A_122 : vector<16xi32> to vector<32xbf16>
      %mul3A_169 = arith.mulf %broadcast_in_dim3A_0, %bitcast3A_168 : vector<32xbf16>
      %add3A_170 = arith.addf %broadcast_in_dim3A_56, %mul3A_169 : vector<32xbf16>
      %bitcast3A_171 = vector.bitcast %gather3A_126 : vector<16xi32> to vector<32xbf16>
      %mul3A_172 = arith.mulf %broadcast_in_dim3A_0, %bitcast3A_171 : vector<32xbf16>
      %add3A_173 = arith.addf %broadcast_in_dim3A_58, %mul3A_172 : vector<32xbf16>
      %add3A_174 = arith.constant 2 : i32
      %add3A_175 = vector.broadcast %add3A_174 : i32 to vector<16xi32>
      %add3A_176 = arith.addi %mul3A_16, %add3A_175 : vector<16xi32>
      %gather3A_177 = tpu.vector_load_idx %arg7[%add3A_176] : memref<2832xi32, #tpu.memory_space<vmem>>[vector<16xi32>], vector<16xi32>,
      %add3A_178 = arith.constant 0 : i32
      %add3A_179 = vector.broadcast %add3A_178 : i32 to vector<16xi32>
      %add3A_180 = arith.addi %gather3A_62, %add3A_179 : vector<16xi32>
      %gather3A_181 = tpu.vector_load_idx %arg10[%add3A_180] : memref<38432xi32, #tpu.memory_space<vmem>>[vector<16xi32>], vector<16xi32>,
      %add3A_182 = arith.constant 1201 : i32
      %add3A_183 = vector.broadcast %add3A_182 : i32 to vector<16xi32>
      %add3A_184 = arith.addi %gather3A_62, %add3A_183 : vector<16xi32>
      %gather3A_185 = tpu.vector_load_idx %arg10[%add3A_184] : memref<38432xi32, #tpu.memory_space<vmem>>[vector<16xi32>], vector<16xi32>,
      %add3A_186 = arith.constant 2402 : i32
      %add3A_187 = vector.broadcast %add3A_186 : i32 to vector<16xi32>
      %add3A_188 = arith.addi %gather3A_62, %add3A_187 : vector<16xi32>
      %gather3A_189 = tpu.vector_load_idx %arg10[%add3A_188] : memref<38432xi32, #tpu.memory_space<vmem>>[vector<16xi32>], vector<16xi32>,
      %add3A_190 = arith.constant 3603 : i32
      %add3A_191 = vector.broadcast %add3A_190 : i32 to vector<16xi32>
      %add3A_192 = arith.addi %gather3A_62, %add3A_191 : vector<16xi32>
      %gather3A_193 = tpu.vector_load_idx %arg10[%add3A_192] : memref<38432xi32, #tpu.memory_space<vmem>>[vector<16xi32>], vector<16xi32>,
      %add3A_194 = arith.constant 4804 : i32
      %add3A_195 = vector.broadcast %add3A_194 : i32 to vector<16xi32>
      %add3A_196 = arith.addi %gather3A_62, %add3A_195 : vector<16xi32>
      %gather3A_197 = tpu.vector_load_idx %arg10[%add3A_196] : memref<38432xi32, #tpu.memory_space<vmem>>[vector<16xi32>], vector<16xi32>,
      %add3A_198 = arith.constant 6005 : i32
      %add3A_199 = vector.broadcast %add3A_198 : i32 to vector<16xi32>
      %add3A_200 = arith.addi %gather3A_62, %add3A_199 : vector<16xi32>
      %gather3A_201 = tpu.vector_load_idx %arg10[%add3A_200] : memref<38432xi32, #tpu.memory_space<vmem>>[vector<16xi32>], vector<16xi32>,
      %add3A_202 = arith.constant 7206 : i32
      %add3A_203 = vector.broadcast %add3A_202 : i32 to vector<16xi32>
      %add3A_204 = arith.addi %gather3A_62, %add3A_203 : vector<16xi32>
      %gather3A_205 = tpu.vector_load_idx %arg10[%add3A_204] : memref<38432xi32, #tpu.memory_space<vmem>>[vector<16xi32>], vector<16xi32>,
      %add3A_206 = arith.constant 8407 : i32
      %add3A_207 = vector.broadcast %add3A_206 : i32 to vector<16xi32>
      %add3A_208 = arith.addi %gather3A_62, %add3A_207 : vector<16xi32>
      %gather3A_209 = tpu.vector_load_idx %arg10[%add3A_208] : memref<38432xi32, #tpu.memory_space<vmem>>[vector<16xi32>], vector<16xi32>,
      %add3A_210 = arith.constant 9608 : i32
      %add3A_211 = vector.broadcast %add3A_210 : i32 to vector<16xi32>
      %add3A_212 = arith.addi %gather3A_62, %add3A_211 : vector<16xi32>
      %gather3A_213 = tpu.vector_load_idx %arg10[%add3A_212] : memref<38432xi32, #tpu.memory_space<vmem>>[vector<16xi32>], vector<16xi32>,
      %add3A_214 = arith.constant 10809 : i32
      %add3A_215 = vector.broadcast %add3A_214 : i32 to vector<16xi32>
      %add3A_216 = arith.addi %gather3A_62, %add3A_215 : vector<16xi32>
      %gather3A_217 = tpu.vector_load_idx %arg10[%add3A_216] : memref<38432xi32, #tpu.memory_space<vmem>>[vector<16xi32>], vector<16xi32>,
      %add3A_218 = arith.constant 12010 : i32
      %add3A_219 = vector.broadcast %add3A_218 : i32 to vector<16xi32>
      %add3A_220 = arith.addi %gather3A_62, %add3A_219 : vector<16xi32>
      %gather3A_221 = tpu.vector_load_idx %arg10[%add3A_220] : memref<38432xi32, #tpu.memory_space<vmem>>[vector<16xi32>], vector<16xi32>,
      %add3A_222 = arith.constant 13211 : i32
      %add3A_223 = vector.broadcast %add3A_222 : i32 to vector<16xi32>
      %add3A_224 = arith.addi %gather3A_62, %add3A_223 : vector<16xi32>
      %gather3A_225 = tpu.vector_load_idx %arg10[%add3A_224] : memref<38432xi32, #tpu.memory_space<vmem>>[vector<16xi32>], vector<16xi32>,
      %add3A_226 = arith.constant 14412 : i32
      %add3A_227 = vector.broadcast %add3A_226 : i32 to vector<16xi32>
      %add3A_228 = arith.addi %gather3A_62, %add3A_227 : vector<16xi32>
      %gather3A_229 = tpu.vector_load_idx %arg10[%add3A_228] : memref<38432xi32, #tpu.memory_space<vmem>>[vector<16xi32>], vector<16xi32>,
      %add3A_230 = arith.constant 15613 : i32
      %add3A_231 = vector.broadcast %add3A_230 : i32 to vector<16xi32>
      %add3A_232 = arith.addi %gather3A_62, %add3A_231 : vector<16xi32>
      %gather3A_233 = tpu.vector_load_idx %arg10[%add3A_232] : memref<38432xi32, #tpu.memory_space<vmem>>[vector<16xi32>], vector<16xi32>,
      %add3A_234 = arith.constant 16814 : i32
      %add3A_235 = vector.broadcast %add3A_234 : i32 to vector<16xi32>
      %add3A_236 = arith.addi %gather3A_62, %add3A_235 : vector<16xi32>
      %gather3A_237 = tpu.vector_load_idx %arg10[%add3A_236] : memref<38432xi32, #tpu.memory_space<vmem>>[vector<16xi32>], vector<16xi32>,
      %add3A_238 = arith.constant 18015 : i32
      %add3A_239 = vector.broadcast %add3A_238 : i32 to vector<16xi32>
      %add3A_240 = arith.addi %gather3A_62, %add3A_239 : vector<16xi32>
      %gather3A_241 = tpu.vector_load_idx %arg10[%add3A_240] : memref<38432xi32, #tpu.memory_space<vmem>>[vector<16xi32>], vector<16xi32>,
      %bitcast3A_242 = vector.bitcast %gather3A_181 : vector<16xi32> to vector<32xbf16>
      %mul3A_243 = arith.mulf %broadcast_in_dim3A_0, %bitcast3A_242 : vector<32xbf16>
      %add3A_244 = arith.addf %add3A_128, %mul3A_243 : vector<32xbf16>
      %bitcast3A_245 = vector.bitcast %gather3A_185 : vector<16xi32> to vector<32xbf16>
      %mul3A_246 = arith.mulf %broadcast_in_dim3A_0, %bitcast3A_245 : vector<32xbf16>
      %add3A_247 = arith.addf %add3A_131, %mul3A_246 : vector<32xbf16>
      %bitcast3A_248 = vector.bitcast %gather3A_189 : vector<16xi32> to vector<32xbf16>
      %mul3A_249 = arith.mulf %broadcast_in_dim3A_0, %bitcast3A_248 : vector<32xbf16>
      %add3A_250 = arith.addf %add3A_134, %mul3A_249 : vector<32xbf16>
      %bitcast3A_251 = vector.bitcast %gather3A_193 : vector<16xi32> to vector<32xbf16>
      %mul3A_252 = arith.mulf %broadcast_in_dim3A_0, %bitcast3A_251 : vector<32xbf16>
      %add3A_253 = arith.addf %add3A_137, %mul3A_252 : vector<32xbf16>
      %bitcast3A_254 = vector.bitcast %gather3A_197 : vector<16xi32> to vector<32xbf16>
      %mul3A_255 = arith.mulf %broadcast_in_dim3A_0, %bitcast3A_254 : vector<32xbf16>
      %add3A_256 = arith.addf %add3A_140, %mul3A_255 : vector<32xbf16>
      %bitcast3A_257 = vector.bitcast %gather3A_201 : vector<16xi32> to vector<32xbf16>
      %mul3A_258 = arith.mulf %broadcast_in_dim3A_0, %bitcast3A_257 : vector<32xbf16>
      %add3A_259 = arith.addf %add3A_143, %mul3A_258 : vector<32xbf16>
      %bitcast3A_260 = vector.bitcast %gather3A_205 : vector<16xi32> to vector<32xbf16>
      %mul3A_261 = arith.mulf %broadcast_in_dim3A_0, %bitcast3A_260 : vector<32xbf16>
      %add3A_262 = arith.addf %add3A_146, %mul3A_261 : vector<32xbf16>
      %bitcast3A_263 = vector.bitcast %gather3A_209 : vector<16xi32> to vector<32xbf16>
      %mul3A_264 = arith.mulf %broadcast_in_dim3A_0, %bitcast3A_263 : vector<32xbf16>
      %add3A_265 = arith.addf %add3A_149, %mul3A_264 : vector<32xbf16>
      %bitcast3A_266 = vector.bitcast %gather3A_213 : vector<16xi32> to vector<32xbf16>
      %mul3A_267 = arith.mulf %broadcast_in_dim3A_0, %bitcast3A_266 : vector<32xbf16>
      %add3A_268 = arith.addf %add3A_152, %mul3A_267 : vector<32xbf16>
      %bitcast3A_269 = vector.bitcast %gather3A_217 : vector<16xi32> to vector<32xbf16>
      %mul3A_270 = arith.mulf %broadcast_in_dim3A_0, %bitcast3A_269 : vector<32xbf16>
      %add3A_271 = arith.addf %add3A_155, %mul3A_270 : vector<32xbf16>
      %bitcast3A_272 = vector.bitcast %gather3A_221 : vector<16xi32> to vector<32xbf16>
      %mul3A_273 = arith.mulf %broadcast_in_dim3A_0, %bitcast3A_272 : vector<32xbf16>
      %add3A_274 = arith.addf %add3A_158, %mul3A_273 : vector<32xbf16>
      %bitcast3A_275 = vector.bitcast %gather3A_225 : vector<16xi32> to vector<32xbf16>
      %mul3A_276 = arith.mulf %broadcast_in_dim3A_0, %bitcast3A_275 : vector<32xbf16>
      %add3A_277 = arith.addf %add3A_161, %mul3A_276 : vector<32xbf16>
      %bitcast3A_278 = vector.bitcast %gather3A_229 : vector<16xi32> to vector<32xbf16>
      %mul3A_279 = arith.mulf %broadcast_in_dim3A_0, %bitcast3A_278 : vector<32xbf16>
      %add3A_280 = arith.addf %add3A_164, %mul3A_279 : vector<32xbf16>
      %bitcast3A_281 = vector.bitcast %gather3A_233 : vector<16xi32> to vector<32xbf16>
      %mul3A_282 = arith.mulf %broadcast_in_dim3A_0, %bitcast3A_281 : vector<32xbf16>
      %add3A_283 = arith.addf %add3A_167, %mul3A_282 : vector<32xbf16>
      %bitcast3A_284 = vector.bitcast %gather3A_237 : vector<16xi32> to vector<32xbf16>
      %mul3A_285 = arith.mulf %broadcast_in_dim3A_0, %bitcast3A_284 : vector<32xbf16>
      %add3A_286 = arith.addf %add3A_170, %mul3A_285 : vector<32xbf16>
      %bitcast3A_287 = vector.bitcast %gather3A_241 : vector<16xi32> to vector<32xbf16>
      %mul3A_288 = arith.mulf %broadcast_in_dim3A_0, %bitcast3A_287 : vector<32xbf16>
      %add3A_289 = arith.addf %add3A_173, %mul3A_288 : vector<32xbf16>
      %add3A_290 = arith.constant 3 : i32
      %add3A_291 = vector.broadcast %add3A_290 : i32 to vector<16xi32>
      %add3A_292 = arith.addi %mul3A_16, %add3A_291 : vector<16xi32>
      %gather3A_293 = tpu.vector_load_idx %arg7[%add3A_292] : memref<2832xi32, #tpu.memory_space<vmem>>[vector<16xi32>], vector<16xi32>,
      %add3A_294 = arith.constant 0 : i32
      %add3A_295 = vector.broadcast %add3A_294 : i32 to vector<16xi32>
      %add3A_296 = arith.addi %gather3A_177, %add3A_295 : vector<16xi32>
      %gather3A_297 = tpu.vector_load_idx %arg10[%add3A_296] : memref<38432xi32, #tpu.memory_space<vmem>>[vector<16xi32>], vector<16xi32>,
      %add3A_298 = arith.constant 1201 : i32
      %add3A_299 = vector.broadcast %add3A_298 : i32 to vector<16xi32>
      %add3A_300 = arith.addi %gather3A_177, %add3A_299 : vector<16xi32>
      %gather3A_301 = tpu.vector_load_idx %arg10[%add3A_300] : memref<38432xi32, #tpu.memory_space<vmem>>[vector<16xi32>], vector<16xi32>,
      %add3A_302 = arith.constant 2402 : i32
      %add3A_303 = vector.broadcast %add3A_302 : i32 to vector<16xi32>
      %add3A_304 = arith.addi %gather3A_177, %add3A_303 : vector<16xi32>
      %gather3A_305 = tpu.vector_load_idx %arg10[%add3A_304] : memref<38432xi32, #tpu.memory_space<vmem>>[vector<16xi32>], vector<16xi32>,
      %add3A_306 = arith.constant 3603 : i32
      %add3A_307 = vector.broadcast %add3A_306 : i32 to vector<16xi32>
      %add3A_308 = arith.addi %gather3A_177, %add3A_307 : vector<16xi32>
      %gather3A_309 = tpu.vector_load_idx %arg10[%add3A_308] : memref<38432xi32, #tpu.memory_space<vmem>>[vector<16xi32>], vector<16xi32>,
      %add3A_310 = arith.constant 4804 : i32
      %add3A_311 = vector.broadcast %add3A_310 : i32 to vector<16xi32>
      %add3A_312 = arith.addi %gather3A_177, %add3A_311 : vector<16xi32>
      %gather3A_313 = tpu.vector_load_idx %arg10[%add3A_312] : memref<38432xi32, #tpu.memory_space<vmem>>[vector<16xi32>], vector<16xi32>,
      %add3A_314 = arith.constant 6005 : i32
      %add3A_315 = vector.broadcast %add3A_314 : i32 to vector<16xi32>
      %add3A_316 = arith.addi %gather3A_177, %add3A_315 : vector<16xi32>
      %gather3A_317 = tpu.vector_load_idx %arg10[%add3A_316] : memref<38432xi32, #tpu.memory_space<vmem>>[vector<16xi32>], vector<16xi32>,
      %add3A_318 = arith.constant 7206 : i32
      %add3A_319 = vector.broadcast %add3A_318 : i32 to vector<16xi32>
      %add3A_320 = arith.addi %gather3A_177, %add3A_319 : vector<16xi32>
      %gather3A_321 = tpu.vector_load_idx %arg10[%add3A_320] : memref<38432xi32, #tpu.memory_space<vmem>>[vector<16xi32>], vector<16xi32>,
      %add3A_322 = arith.constant 8407 : i32
      %add3A_323 = vector.broadcast %add3A_322 : i32 to vector<16xi32>
      %add3A_324 = arith.addi %gather3A_177, %add3A_323 : vector<16xi32>
      %gather3A_325 = tpu.vector_load_idx %arg10[%add3A_324] : memref<38432xi32, #tpu.memory_space<vmem>>[vector<16xi32>], vector<16xi32>,
      %add3A_326 = arith.constant 9608 : i32
      %add3A_327 = vector.broadcast %add3A_326 : i32 to vector<16xi32>
      %add3A_328 = arith.addi %gather3A_177, %add3A_327 : vector<16xi32>
      %gather3A_329 = tpu.vector_load_idx %arg10[%add3A_328] : memref<38432xi32, #tpu.memory_space<vmem>>[vector<16xi32>], vector<16xi32>,
      %add3A_330 = arith.constant 10809 : i32
      %add3A_331 = vector.broadcast %add3A_330 : i32 to vector<16xi32>
      %add3A_332 = arith.addi %gather3A_177, %add3A_331 : vector<16xi32>
      %gather3A_333 = tpu.vector_load_idx %arg10[%add3A_332] : memref<38432xi32, #tpu.memory_space<vmem>>[vector<16xi32>], vector<16xi32>,
      %add3A_334 = arith.constant 12010 : i32
      %add3A_335 = vector.broadcast %add3A_334 : i32 to vector<16xi32>
      %add3A_336 = arith.addi %gather3A_177, %add3A_335 : vector<16xi32>
      %gather3A_337 = tpu.vector_load_idx %arg10[%add3A_336] : memref<38432xi32, #tpu.memory_space<vmem>>[vector<16xi32>], vector<16xi32>,
      %add3A_338 = arith.constant 13211 : i32
      %add3A_339 = vector.broadcast %add3A_338 : i32 to vector<16xi32>
      %add3A_340 = arith.addi %gather3A_177, %add3A_339 : vector<16xi32>
      %gather3A_341 = tpu.vector_load_idx %arg10[%add3A_340] : memref<38432xi32, #tpu.memory_space<vmem>>[vector<16xi32>], vector<16xi32>,
      %add3A_342 = arith.constant 14412 : i32
      %add3A_343 = vector.broadcast %add3A_342 : i32 to vector<16xi32>
      %add3A_344 = arith.addi %gather3A_177, %add3A_343 : vector<16xi32>
      %gather3A_345 = tpu.vector_load_idx %arg10[%add3A_344] : memref<38432xi32, #tpu.memory_space<vmem>>[vector<16xi32>], vector<16xi32>,
      %add3A_346 = arith.constant 15613 : i32
      %add3A_347 = vector.broadcast %add3A_346 : i32 to vector<16xi32>
      %add3A_348 = arith.addi %gather3A_177, %add3A_347 : vector<16xi32>
      %gather3A_349 = tpu.vector_load_idx %arg10[%add3A_348] : memref<38432xi32, #tpu.memory_space<vmem>>[vector<16xi32>], vector<16xi32>,
      %add3A_350 = arith.constant 16814 : i32
      %add3A_351 = vector.broadcast %add3A_350 : i32 to vector<16xi32>
      %add3A_352 = arith.addi %gather3A_177, %add3A_351 : vector<16xi32>
      %gather3A_353 = tpu.vector_load_idx %arg10[%add3A_352] : memref<38432xi32, #tpu.memory_space<vmem>>[vector<16xi32>], vector<16xi32>,
      %add3A_354 = arith.constant 18015 : i32
      %add3A_355 = vector.broadcast %add3A_354 : i32 to vector<16xi32>
      %add3A_356 = arith.addi %gather3A_177, %add3A_355 : vector<16xi32>
      %gather3A_357 = tpu.vector_load_idx %arg10[%add3A_356] : memref<38432xi32, #tpu.memory_space<vmem>>[vector<16xi32>], vector<16xi32>,
      %bitcast3A_358 = vector.bitcast %gather3A_297 : vector<16xi32> to vector<32xbf16>
      %mul3A_359 = arith.mulf %broadcast_in_dim3A_0, %bitcast3A_358 : vector<32xbf16>
      %add3A_360 = arith.addf %add3A_244, %mul3A_359 : vector<32xbf16>
      %bitcast3A_361 = vector.bitcast %gather3A_301 : vector<16xi32> to vector<32xbf16>
      %mul3A_362 = arith.mulf %broadcast_in_dim3A_0, %bitcast3A_361 : vector<32xbf16>
      %add3A_363 = arith.addf %add3A_247, %mul3A_362 : vector<32xbf16>
      %bitcast3A_364 = vector.bitcast %gather3A_305 : vector<16xi32> to vector<32xbf16>
      %mul3A_365 = arith.mulf %broadcast_in_dim3A_0, %bitcast3A_364 : vector<32xbf16>
      %add3A_366 = arith.addf %add3A_250, %mul3A_365 : vector<32xbf16>
      %bitcast3A_367 = vector.bitcast %gather3A_309 : vector<16xi32> to vector<32xbf16>
      %mul3A_368 = arith.mulf %broadcast_in_dim3A_0, %bitcast3A_367 : vector<32xbf16>
      %add3A_369 = arith.addf %add3A_253, %mul3A_368 : vector<32xbf16>
      %bitcast3A_370 = vector.bitcast %gather3A_313 : vector<16xi32> to vector<32xbf16>
      %mul3A_371 = arith.mulf %broadcast_in_dim3A_0, %bitcast3A_370 : vector<32xbf16>
      %add3A_372 = arith.addf %add3A_256, %mul3A_371 : vector<32xbf16>
      %bitcast3A_373 = vector.bitcast %gather3A_317 : vector<16xi32> to vector<32xbf16>
      %mul3A_374 = arith.mulf %broadcast_in_dim3A_0, %bitcast3A_373 : vector<32xbf16>
      %add3A_375 = arith.addf %add3A_259, %mul3A_374 : vector<32xbf16>
      %bitcast3A_376 = vector.bitcast %gather3A_321 : vector<16xi32> to vector<32xbf16>
      %mul3A_377 = arith.mulf %broadcast_in_dim3A_0, %bitcast3A_376 : vector<32xbf16>
      %add3A_378 = arith.addf %add3A_262, %mul3A_377 : vector<32xbf16>
      %bitcast3A_379 = vector.bitcast %gather3A_325 : vector<16xi32> to vector<32xbf16>
      %mul3A_380 = arith.mulf %broadcast_in_dim3A_0, %bitcast3A_379 : vector<32xbf16>
      %add3A_381 = arith.addf %add3A_265, %mul3A_380 : vector<32xbf16>
      %bitcast3A_382 = vector.bitcast %gather3A_329 : vector<16xi32> to vector<32xbf16>
      %mul3A_383 = arith.mulf %broadcast_in_dim3A_0, %bitcast3A_382 : vector<32xbf16>
      %add3A_384 = arith.addf %add3A_268, %mul3A_383 : vector<32xbf16>
      %bitcast3A_385 = vector.bitcast %gather3A_333 : vector<16xi32> to vector<32xbf16>
      %mul3A_386 = arith.mulf %broadcast_in_dim3A_0, %bitcast3A_385 : vector<32xbf16>
      %add3A_387 = arith.addf %add3A_271, %mul3A_386 : vector<32xbf16>
      %bitcast3A_388 = vector.bitcast %gather3A_337 : vector<16xi32> to vector<32xbf16>
      %mul3A_389 = arith.mulf %broadcast_in_dim3A_0, %bitcast3A_388 : vector<32xbf16>
      %add3A_390 = arith.addf %add3A_274, %mul3A_389 : vector<32xbf16>
      %bitcast3A_391 = vector.bitcast %gather3A_341 : vector<16xi32> to vector<32xbf16>
      %mul3A_392 = arith.mulf %broadcast_in_dim3A_0, %bitcast3A_391 : vector<32xbf16>
      %add3A_393 = arith.addf %add3A_277, %mul3A_392 : vector<32xbf16>
      %bitcast3A_394 = vector.bitcast %gather3A_345 : vector<16xi32> to vector<32xbf16>
      %mul3A_395 = arith.mulf %broadcast_in_dim3A_0, %bitcast3A_394 : vector<32xbf16>
      %add3A_396 = arith.addf %add3A_280, %mul3A_395 : vector<32xbf16>
      %bitcast3A_397 = vector.bitcast %gather3A_349 : vector<16xi32> to vector<32xbf16>
      %mul3A_398 = arith.mulf %broadcast_in_dim3A_0, %bitcast3A_397 : vector<32xbf16>
      %add3A_399 = arith.addf %add3A_283, %mul3A_398 : vector<32xbf16>
      %bitcast3A_400 = vector.bitcast %gather3A_353 : vector<16xi32> to vector<32xbf16>
      %mul3A_401 = arith.mulf %broadcast_in_dim3A_0, %bitcast3A_400 : vector<32xbf16>
      %add3A_402 = arith.addf %add3A_286, %mul3A_401 : vector<32xbf16>
      %bitcast3A_403 = vector.bitcast %gather3A_357 : vector<16xi32> to vector<32xbf16>
      %mul3A_404 = arith.mulf %broadcast_in_dim3A_0, %bitcast3A_403 : vector<32xbf16>
      %add3A_405 = arith.addf %add3A_289, %mul3A_404 : vector<32xbf16>
      %add3A_406 = arith.constant 4 : i32
      %add3A_407 = vector.broadcast %add3A_406 : i32 to vector<16xi32>
      %add3A_408 = arith.addi %mul3A_16, %add3A_407 : vector<16xi32>
      %gather3A_409 = tpu.vector_load_idx %arg7[%add3A_408] : memref<2832xi32, #tpu.memory_space<vmem>>[vector<16xi32>], vector<16xi32>,
      %add3A_410 = arith.constant 0 : i32
      %add3A_411 = vector.broadcast %add3A_410 : i32 to vector<16xi32>
      %add3A_412 = arith.addi %gather3A_293, %add3A_411 : vector<16xi32>
      %gather3A_413 = tpu.vector_load_idx %arg10[%add3A_412] : memref<38432xi32, #tpu.memory_space<vmem>>[vector<16xi32>], vector<16xi32>,
      %add3A_414 = arith.constant 1201 : i32
      %add3A_415 = vector.broadcast %add3A_414 : i32 to vector<16xi32>
      %add3A_416 = arith.addi %gather3A_293, %add3A_415 : vector<16xi32>
      %gather3A_417 = tpu.vector_load_idx %arg10[%add3A_416] : memref<38432xi32, #tpu.memory_space<vmem>>[vector<16xi32>], vector<16xi32>,
      %add3A_418 = arith.constant 2402 : i32
      %add3A_419 = vector.broadcast %add3A_418 : i32 to vector<16xi32>
      %add3A_420 = arith.addi %gather3A_293, %add3A_419 : vector<16xi32>
      %gather3A_421 = tpu.vector_load_idx %arg10[%add3A_420] : memref<38432xi32, #tpu.memory_space<vmem>>[vector<16xi32>], vector<16xi32>,
      %add3A_422 = arith.constant 3603 : i32
      %add3A_423 = vector.broadcast %add3A_422 : i32 to vector<16xi32>
      %add3A_424 = arith.addi %gather3A_293, %add3A_423 : vector<16xi32>
      %gather3A_425 = tpu.vector_load_idx %arg10[%add3A_424] : memref<38432xi32, #tpu.memory_space<vmem>>[vector<16xi32>], vector<16xi32>,
      %add3A_426 = arith.constant 4804 : i32
      %add3A_427 = vector.broadcast %add3A_426 : i32 to vector<16xi32>
      %add3A_428 = arith.addi %gather3A_293, %add3A_427 : vector<16xi32>
      %gather3A_429 = tpu.vector_load_idx %arg10[%add3A_428] : memref<38432xi32, #tpu.memory_space<vmem>>[vector<16xi32>], vector<16xi32>,
      %add3A_430 = arith.constant 6005 : i32
      %add3A_431 = vector.broadcast %add3A_430 : i32 to vector<16xi32>
      %add3A_432 = arith.addi %gather3A_293, %add3A_431 : vector<16xi32>
      %gather3A_433 = tpu.vector_load_idx %arg10[%add3A_432] : memref<38432xi32, #tpu.memory_space<vmem>>[vector<16xi32>], vector<16xi32>,
      %add3A_434 = arith.constant 7206 : i32
      %add3A_435 = vector.broadcast %add3A_434 : i32 to vector<16xi32>
      %add3A_436 = arith.addi %gather3A_293, %add3A_435 : vector<16xi32>
      %gather3A_437 = tpu.vector_load_idx %arg10[%add3A_436] : memref<38432xi32, #tpu.memory_space<vmem>>[vector<16xi32>], vector<16xi32>,
      %add3A_438 = arith.constant 8407 : i32
      %add3A_439 = vector.broadcast %add3A_438 : i32 to vector<16xi32>
      %add3A_440 = arith.addi %gather3A_293, %add3A_439 : vector<16xi32>
      %gather3A_441 = tpu.vector_load_idx %arg10[%add3A_440] : memref<38432xi32, #tpu.memory_space<vmem>>[vector<16xi32>], vector<16xi32>,
      %add3A_442 = arith.constant 9608 : i32
      %add3A_443 = vector.broadcast %add3A_442 : i32 to vector<16xi32>
      %add3A_444 = arith.addi %gather3A_293, %add3A_443 : vector<16xi32>
      %gather3A_445 = tpu.vector_load_idx %arg10[%add3A_444] : memref<38432xi32, #tpu.memory_space<vmem>>[vector<16xi32>], vector<16xi32>,
      %add3A_446 = arith.constant 10809 : i32
      %add3A_447 = vector.broadcast %add3A_446 : i32 to vector<16xi32>
      %add3A_448 = arith.addi %gather3A_293, %add3A_447 : vector<16xi32>
      %gather3A_449 = tpu.vector_load_idx %arg10[%add3A_448] : memref<38432xi32, #tpu.memory_space<vmem>>[vector<16xi32>], vector<16xi32>,
      %add3A_450 = arith.constant 12010 : i32
      %add3A_451 = vector.broadcast %add3A_450 : i32 to vector<16xi32>
      %add3A_452 = arith.addi %gather3A_293, %add3A_451 : vector<16xi32>
      %gather3A_453 = tpu.vector_load_idx %arg10[%add3A_452] : memref<38432xi32, #tpu.memory_space<vmem>>[vector<16xi32>], vector<16xi32>,
      %add3A_454 = arith.constant 13211 : i32
      %add3A_455 = vector.broadcast %add3A_454 : i32 to vector<16xi32>
      %add3A_456 = arith.addi %gather3A_293, %add3A_455 : vector<16xi32>
      %gather3A_457 = tpu.vector_load_idx %arg10[%add3A_456] : memref<38432xi32, #tpu.memory_space<vmem>>[vector<16xi32>], vector<16xi32>,
      %add3A_458 = arith.constant 14412 : i32
      %add3A_459 = vector.broadcast %add3A_458 : i32 to vector<16xi32>
      %add3A_460 = arith.addi %gather3A_293, %add3A_459 : vector<16xi32>
      %gather3A_461 = tpu.vector_load_idx %arg10[%add3A_460] : memref<38432xi32, #tpu.memory_space<vmem>>[vector<16xi32>], vector<16xi32>,
      %add3A_462 = arith.constant 15613 : i32
      %add3A_463 = vector.broadcast %add3A_462 : i32 to vector<16xi32>
      %add3A_464 = arith.addi %gather3A_293, %add3A_463 : vector<16xi32>
      %gather3A_465 = tpu.vector_load_idx %arg10[%add3A_464] : memref<38432xi32, #tpu.memory_space<vmem>>[vector<16xi32>], vector<16xi32>,
      %add3A_466 = arith.constant 16814 : i32
      %add3A_467 = vector.broadcast %add3A_466 : i32 to vector<16xi32>
      %add3A_468 = arith.addi %gather3A_293, %add3A_467 : vector<16xi32>
      %gather3A_469 = tpu.vector_load_idx %arg10[%add3A_468] : memref<38432xi32, #tpu.memory_space<vmem>>[vector<16xi32>], vector<16xi32>,
      %add3A_470 = arith.constant 18015 : i32
      %add3A_471 = vector.broadcast %add3A_470 : i32 to vector<16xi32>
      %add3A_472 = arith.addi %gather3A_293, %add3A_471 : vector<16xi32>
      %gather3A_473 = tpu.vector_load_idx %arg10[%add3A_472] : memref<38432xi32, #tpu.memory_space<vmem>>[vector<16xi32>], vector<16xi32>,
      %bitcast3A_474 = vector.bitcast %gather3A_413 : vector<16xi32> to vector<32xbf16>
      %mul3A_475 = arith.mulf %broadcast_in_dim3A_0, %bitcast3A_474 : vector<32xbf16>
      %add3A_476 = arith.addf %add3A_360, %mul3A_475 : vector<32xbf16>
      %bitcast3A_477 = vector.bitcast %gather3A_417 : vector<16xi32> to vector<32xbf16>
      %mul3A_478 = arith.mulf %broadcast_in_dim3A_0, %bitcast3A_477 : vector<32xbf16>
      %add3A_479 = arith.addf %add3A_363, %mul3A_478 : vector<32xbf16>
      %bitcast3A_480 = vector.bitcast %gather3A_421 : vector<16xi32> to vector<32xbf16>
      %mul3A_481 = arith.mulf %broadcast_in_dim3A_0, %bitcast3A_480 : vector<32xbf16>
      %add3A_482 = arith.addf %add3A_366, %mul3A_481 : vector<32xbf16>
      %bitcast3A_483 = vector.bitcast %gather3A_425 : vector<16xi32> to vector<32xbf16>
      %mul3A_484 = arith.mulf %broadcast_in_dim3A_0, %bitcast3A_483 : vector<32xbf16>
      %add3A_485 = arith.addf %add3A_369, %mul3A_484 : vector<32xbf16>
      %bitcast3A_486 = vector.bitcast %gather3A_429 : vector<16xi32> to vector<32xbf16>
      %mul3A_487 = arith.mulf %broadcast_in_dim3A_0, %bitcast3A_486 : vector<32xbf16>
      %add3A_488 = arith.addf %add3A_372, %mul3A_487 : vector<32xbf16>
      %bitcast3A_489 = vector.bitcast %gather3A_433 : vector<16xi32> to vector<32xbf16>
      %mul3A_490 = arith.mulf %broadcast_in_dim3A_0, %bitcast3A_489 : vector<32xbf16>
      %add3A_491 = arith.addf %add3A_375, %mul3A_490 : vector<32xbf16>
      %bitcast3A_492 = vector.bitcast %gather3A_437 : vector<16xi32> to vector<32xbf16>
      %mul3A_493 = arith.mulf %broadcast_in_dim3A_0, %bitcast3A_492 : vector<32xbf16>
      %add3A_494 = arith.addf %add3A_378, %mul3A_493 : vector<32xbf16>
      %bitcast3A_495 = vector.bitcast %gather3A_441 : vector<16xi32> to vector<32xbf16>
      %mul3A_496 = arith.mulf %broadcast_in_dim3A_0, %bitcast3A_495 : vector<32xbf16>
      %add3A_497 = arith.addf %add3A_381, %mul3A_496 : vector<32xbf16>
      %bitcast3A_498 = vector.bitcast %gather3A_445 : vector<16xi32> to vector<32xbf16>
      %mul3A_499 = arith.mulf %broadcast_in_dim3A_0, %bitcast3A_498 : vector<32xbf16>
      %add3A_500 = arith.addf %add3A_384, %mul3A_499 : vector<32xbf16>
      %bitcast3A_501 = vector.bitcast %gather3A_449 : vector<16xi32> to vector<32xbf16>
      %mul3A_502 = arith.mulf %broadcast_in_dim3A_0, %bitcast3A_501 : vector<32xbf16>
      %add3A_503 = arith.addf %add3A_387, %mul3A_502 : vector<32xbf16>
      %bitcast3A_504 = vector.bitcast %gather3A_453 : vector<16xi32> to vector<32xbf16>
      %mul3A_505 = arith.mulf %broadcast_in_dim3A_0, %bitcast3A_504 : vector<32xbf16>
      %add3A_506 = arith.addf %add3A_390, %mul3A_505 : vector<32xbf16>
      %bitcast3A_507 = vector.bitcast %gather3A_457 : vector<16xi32> to vector<32xbf16>
      %mul3A_508 = arith.mulf %broadcast_in_dim3A_0, %bitcast3A_507 : vector<32xbf16>
      %add3A_509 = arith.addf %add3A_393, %mul3A_508 : vector<32xbf16>
      %bitcast3A_510 = vector.bitcast %gather3A_461 : vector<16xi32> to vector<32xbf16>
      %mul3A_511 = arith.mulf %broadcast_in_dim3A_0, %bitcast3A_510 : vector<32xbf16>
      %add3A_512 = arith.addf %add3A_396, %mul3A_511 : vector<32xbf16>
      %bitcast3A_513 = vector.bitcast %gather3A_465 : vector<16xi32> to vector<32xbf16>
      %mul3A_514 = arith.mulf %broadcast_in_dim3A_0, %bitcast3A_513 : vector<32xbf16>
      %add3A_515 = arith.addf %add3A_399, %mul3A_514 : vector<32xbf16>
      %bitcast3A_516 = vector.bitcast %gather3A_469 : vector<16xi32> to vector<32xbf16>
      %mul3A_517 = arith.mulf %broadcast_in_dim3A_0, %bitcast3A_516 : vector<32xbf16>
      %add3A_518 = arith.addf %add3A_402, %mul3A_517 : vector<32xbf16>
      %bitcast3A_519 = vector.bitcast %gather3A_473 : vector<16xi32> to vector<32xbf16>
      %mul3A_520 = arith.mulf %broadcast_in_dim3A_0, %bitcast3A_519 : vector<32xbf16>
      %add3A_521 = arith.addf %add3A_405, %mul3A_520 : vector<32xbf16>
      %add3A_522 = arith.constant 5 : i32
      %add3A_523 = vector.broadcast %add3A_522 : i32 to vector<16xi32>
      %add3A_524 = arith.addi %mul3A_16, %add3A_523 : vector<16xi32>
      %gather3A_525 = tpu.vector_load_idx %arg7[%add3A_524] : memref<2832xi32, #tpu.memory_space<vmem>>[vector<16xi32>], vector<16xi32>,
      %add3A_526 = arith.constant 0 : i32
      %add3A_527 = vector.broadcast %add3A_526 : i32 to vector<16xi32>
      %add3A_528 = arith.addi %gather3A_409, %add3A_527 : vector<16xi32>
      %gather3A_529 = tpu.vector_load_idx %arg10[%add3A_528] : memref<38432xi32, #tpu.memory_space<vmem>>[vector<16xi32>], vector<16xi32>,
      %add3A_530 = arith.constant 1201 : i32
      %add3A_531 = vector.broadcast %add3A_530 : i32 to vector<16xi32>
      %add3A_532 = arith.addi %gather3A_409, %add3A_531 : vector<16xi32>
      %gather3A_533 = tpu.vector_load_idx %arg10[%add3A_532] : memref<38432xi32, #tpu.memory_space<vmem>>[vector<16xi32>], vector<16xi32>,
      %add3A_534 = arith.constant 2402 : i32
      %add3A_535 = vector.broadcast %add3A_534 : i32 to vector<16xi32>
      %add3A_536 = arith.addi %gather3A_409, %add3A_535 : vector<16xi32>
      %gather3A_537 = tpu.vector_load_idx %arg10[%add3A_536] : memref<38432xi32, #tpu.memory_space<vmem>>[vector<16xi32>], vector<16xi32>,
      %add3A_538 = arith.constant 3603 : i32
      %add3A_539 = vector.broadcast %add3A_538 : i32 to vector<16xi32>
      %add3A_540 = arith.addi %gather3A_409, %add3A_539 : vector<16xi32>
      %gather3A_541 = tpu.vector_load_idx %arg10[%add3A_540] : memref<38432xi32, #tpu.memory_space<vmem>>[vector<16xi32>], vector<16xi32>,
      %add3A_542 = arith.constant 4804 : i32
      %add3A_543 = vector.broadcast %add3A_542 : i32 to vector<16xi32>
      %add3A_544 = arith.addi %gather3A_409, %add3A_543 : vector<16xi32>
      %gather3A_545 = tpu.vector_load_idx %arg10[%add3A_544] : memref<38432xi32, #tpu.memory_space<vmem>>[vector<16xi32>], vector<16xi32>,
      %add3A_546 = arith.constant 6005 : i32
      %add3A_547 = vector.broadcast %add3A_546 : i32 to vector<16xi32>
      %add3A_548 = arith.addi %gather3A_409, %add3A_547 : vector<16xi32>
      %gather3A_549 = tpu.vector_load_idx %arg10[%add3A_548] : memref<38432xi32, #tpu.memory_space<vmem>>[vector<16xi32>], vector<16xi32>,
      %add3A_550 = arith.constant 7206 : i32
      %add3A_551 = vector.broadcast %add3A_550 : i32 to vector<16xi32>
      %add3A_552 = arith.addi %gather3A_409, %add3A_551 : vector<16xi32>
      %gather3A_553 = tpu.vector_load_idx %arg10[%add3A_552] : memref<38432xi32, #tpu.memory_space<vmem>>[vector<16xi32>], vector<16xi32>,
      %add3A_554 = arith.constant 8407 : i32
      %add3A_555 = vector.broadcast %add3A_554 : i32 to vector<16xi32>
      %add3A_556 = arith.addi %gather3A_409, %add3A_555 : vector<16xi32>
      %gather3A_557 = tpu.vector_load_idx %arg10[%add3A_556] : memref<38432xi32, #tpu.memory_space<vmem>>[vector<16xi32>], vector<16xi32>,
      %add3A_558 = arith.constant 9608 : i32
      %add3A_559 = vector.broadcast %add3A_558 : i32 to vector<16xi32>
      %add3A_560 = arith.addi %gather3A_409, %add3A_559 : vector<16xi32>
      %gather3A_561 = tpu.vector_load_idx %arg10[%add3A_560] : memref<38432xi32, #tpu.memory_space<vmem>>[vector<16xi32>], vector<16xi32>,
      %add3A_562 = arith.constant 10809 : i32
      %add3A_563 = vector.broadcast %add3A_562 : i32 to vector<16xi32>
      %add3A_564 = arith.addi %gather3A_409, %add3A_563 : vector<16xi32>
      %gather3A_565 = tpu.vector_load_idx %arg10[%add3A_564] : memref<38432xi32, #tpu.memory_space<vmem>>[vector<16xi32>], vector<16xi32>,
      %add3A_566 = arith.constant 12010 : i32
      %add3A_567 = vector.broadcast %add3A_566 : i32 to vector<16xi32>
      %add3A_568 = arith.addi %gather3A_409, %add3A_567 : vector<16xi32>
      %gather3A_569 = tpu.vector_load_idx %arg10[%add3A_568] : memref<38432xi32, #tpu.memory_space<vmem>>[vector<16xi32>], vector<16xi32>,
      %add3A_570 = arith.constant 13211 : i32
      %add3A_571 = vector.broadcast %add3A_570 : i32 to vector<16xi32>
      %add3A_572 = arith.addi %gather3A_409, %add3A_571 : vector<16xi32>
      %gather3A_573 = tpu.vector_load_idx %arg10[%add3A_572] : memref<38432xi32, #tpu.memory_space<vmem>>[vector<16xi32>], vector<16xi32>,
      %add3A_574 = arith.constant 14412 : i32
      %add3A_575 = vector.broadcast %add3A_574 : i32 to vector<16xi32>
      %add3A_576 = arith.addi %gather3A_409, %add3A_575 : vector<16xi32>
      %gather3A_577 = tpu.vector_load_idx %arg10[%add3A_576] : memref<38432xi32, #tpu.memory_space<vmem>>[vector<16xi32>], vector<16xi32>,
      %add3A_578 = arith.constant 15613 : i32
      %add3A_579 = vector.broadcast %add3A_578 : i32 to vector<16xi32>
      %add3A_580 = arith.addi %gather3A_409, %add3A_579 : vector<16xi32>
      %gather3A_581 = tpu.vector_load_idx %arg10[%add3A_580] : memref<38432xi32, #tpu.memory_space<vmem>>[vector<16xi32>], vector<16xi32>,
      %add3A_582 = arith.constant 16814 : i32
      %add3A_583 = vector.broadcast %add3A_582 : i32 to vector<16xi32>
      %add3A_584 = arith.addi %gather3A_409, %add3A_583 : vector<16xi32>
      %gather3A_585 = tpu.vector_load_idx %arg10[%add3A_584] : memref<38432xi32, #tpu.memory_space<vmem>>[vector<16xi32>], vector<16xi32>,
      %add3A_586 = arith.constant 18015 : i32
      %add3A_587 = vector.broadcast %add3A_586 : i32 to vector<16xi32>
      %add3A_588 = arith.addi %gather3A_409, %add3A_587 : vector<16xi32>
      %gather3A_589 = tpu.vector_load_idx %arg10[%add3A_588] : memref<38432xi32, #tpu.memory_space<vmem>>[vector<16xi32>], vector<16xi32>,
      %bitcast3A_590 = vector.bitcast %gather3A_529 : vector<16xi32> to vector<32xbf16>
      %mul3A_591 = arith.mulf %broadcast_in_dim3A_0, %bitcast3A_590 : vector<32xbf16>
      %add3A_592 = arith.addf %add3A_476, %mul3A_591 : vector<32xbf16>
      %bitcast3A_593 = vector.bitcast %gather3A_533 : vector<16xi32> to vector<32xbf16>
      %mul3A_594 = arith.mulf %broadcast_in_dim3A_0, %bitcast3A_593 : vector<32xbf16>
      %add3A_595 = arith.addf %add3A_479, %mul3A_594 : vector<32xbf16>
      %bitcast3A_596 = vector.bitcast %gather3A_537 : vector<16xi32> to vector<32xbf16>
      %mul3A_597 = arith.mulf %broadcast_in_dim3A_0, %bitcast3A_596 : vector<32xbf16>
      %add3A_598 = arith.addf %add3A_482, %mul3A_597 : vector<32xbf16>
      %bitcast3A_599 = vector.bitcast %gather3A_541 : vector<16xi32> to vector<32xbf16>
      %mul3A_600 = arith.mulf %broadcast_in_dim3A_0, %bitcast3A_599 : vector<32xbf16>
      %add3A_601 = arith.addf %add3A_485, %mul3A_600 : vector<32xbf16>
      %bitcast3A_602 = vector.bitcast %gather3A_545 : vector<16xi32> to vector<32xbf16>
      %mul3A_603 = arith.mulf %broadcast_in_dim3A_0, %bitcast3A_602 : vector<32xbf16>
      %add3A_604 = arith.addf %add3A_488, %mul3A_603 : vector<32xbf16>
      %bitcast3A_605 = vector.bitcast %gather3A_549 : vector<16xi32> to vector<32xbf16>
      %mul3A_606 = arith.mulf %broadcast_in_dim3A_0, %bitcast3A_605 : vector<32xbf16>
      %add3A_607 = arith.addf %add3A_491, %mul3A_606 : vector<32xbf16>
      %bitcast3A_608 = vector.bitcast %gather3A_553 : vector<16xi32> to vector<32xbf16>
      %mul3A_609 = arith.mulf %broadcast_in_dim3A_0, %bitcast3A_608 : vector<32xbf16>
      %add3A_610 = arith.addf %add3A_494, %mul3A_609 : vector<32xbf16>
      %bitcast3A_611 = vector.bitcast %gather3A_557 : vector<16xi32> to vector<32xbf16>
      %mul3A_612 = arith.mulf %broadcast_in_dim3A_0, %bitcast3A_611 : vector<32xbf16>
      %add3A_613 = arith.addf %add3A_497, %mul3A_612 : vector<32xbf16>
      %bitcast3A_614 = vector.bitcast %gather3A_561 : vector<16xi32> to vector<32xbf16>
      %mul3A_615 = arith.mulf %broadcast_in_dim3A_0, %bitcast3A_614 : vector<32xbf16>
      %add3A_616 = arith.addf %add3A_500, %mul3A_615 : vector<32xbf16>
      %bitcast3A_617 = vector.bitcast %gather3A_565 : vector<16xi32> to vector<32xbf16>
      %mul3A_618 = arith.mulf %broadcast_in_dim3A_0, %bitcast3A_617 : vector<32xbf16>
      %add3A_619 = arith.addf %add3A_503, %mul3A_618 : vector<32xbf16>
      %bitcast3A_620 = vector.bitcast %gather3A_569 : vector<16xi32> to vector<32xbf16>
      %mul3A_621 = arith.mulf %broadcast_in_dim3A_0, %bitcast3A_620 : vector<32xbf16>
      %add3A_622 = arith.addf %add3A_506, %mul3A_621 : vector<32xbf16>
      %bitcast3A_623 = vector.bitcast %gather3A_573 : vector<16xi32> to vector<32xbf16>
      %mul3A_624 = arith.mulf %broadcast_in_dim3A_0, %bitcast3A_623 : vector<32xbf16>
      %add3A_625 = arith.addf %add3A_509, %mul3A_624 : vector<32xbf16>
      %bitcast3A_626 = vector.bitcast %gather3A_577 : vector<16xi32> to vector<32xbf16>
      %mul3A_627 = arith.mulf %broadcast_in_dim3A_0, %bitcast3A_626 : vector<32xbf16>
      %add3A_628 = arith.addf %add3A_512, %mul3A_627 : vector<32xbf16>
      %bitcast3A_629 = vector.bitcast %gather3A_581 : vector<16xi32> to vector<32xbf16>
      %mul3A_630 = arith.mulf %broadcast_in_dim3A_0, %bitcast3A_629 : vector<32xbf16>
      %add3A_631 = arith.addf %add3A_515, %mul3A_630 : vector<32xbf16>
      %bitcast3A_632 = vector.bitcast %gather3A_585 : vector<16xi32> to vector<32xbf16>
      %mul3A_633 = arith.mulf %broadcast_in_dim3A_0, %bitcast3A_632 : vector<32xbf16>
      %add3A_634 = arith.addf %add3A_518, %mul3A_633 : vector<32xbf16>
      %bitcast3A_635 = vector.bitcast %gather3A_589 : vector<16xi32> to vector<32xbf16>
      %mul3A_636 = arith.mulf %broadcast_in_dim3A_0, %bitcast3A_635 : vector<32xbf16>
      %add3A_637 = arith.addf %add3A_521, %mul3A_636 : vector<32xbf16>
      %add3A_638 = arith.constant 6 : i32
      %add3A_639 = vector.broadcast %add3A_638 : i32 to vector<16xi32>
      %add3A_640 = arith.addi %mul3A_16, %add3A_639 : vector<16xi32>
      %gather3A_641 = tpu.vector_load_idx %arg7[%add3A_640] : memref<2832xi32, #tpu.memory_space<vmem>>[vector<16xi32>], vector<16xi32>,
      %add3A_642 = arith.constant 0 : i32
      %add3A_643 = vector.broadcast %add3A_642 : i32 to vector<16xi32>
      %add3A_644 = arith.addi %gather3A_525, %add3A_643 : vector<16xi32>
      %gather3A_645 = tpu.vector_load_idx %arg10[%add3A_644] : memref<38432xi32, #tpu.memory_space<vmem>>[vector<16xi32>], vector<16xi32>,
      %add3A_646 = arith.constant 1201 : i32
      %add3A_647 = vector.broadcast %add3A_646 : i32 to vector<16xi32>
      %add3A_648 = arith.addi %gather3A_525, %add3A_647 : vector<16xi32>
      %gather3A_649 = tpu.vector_load_idx %arg10[%add3A_648] : memref<38432xi32, #tpu.memory_space<vmem>>[vector<16xi32>], vector<16xi32>,
      %add3A_650 = arith.constant 2402 : i32
      %add3A_651 = vector.broadcast %add3A_650 : i32 to vector<16xi32>
      %add3A_652 = arith.addi %gather3A_525, %add3A_651 : vector<16xi32>
      %gather3A_653 = tpu.vector_load_idx %arg10[%add3A_652] : memref<38432xi32, #tpu.memory_space<vmem>>[vector<16xi32>], vector<16xi32>,
      %add3A_654 = arith.constant 3603 : i32
      %add3A_655 = vector.broadcast %add3A_654 : i32 to vector<16xi32>
      %add3A_656 = arith.addi %gather3A_525, %add3A_655 : vector<16xi32>
      %gather3A_657 = tpu.vector_load_idx %arg10[%add3A_656] : memref<38432xi32, #tpu.memory_space<vmem>>[vector<16xi32>], vector<16xi32>,
      %add3A_658 = arith.constant 4804 : i32
      %add3A_659 = vector.broadcast %add3A_658 : i32 to vector<16xi32>
      %add3A_660 = arith.addi %gather3A_525, %add3A_659 : vector<16xi32>
      %gather3A_661 = tpu.vector_load_idx %arg10[%add3A_660] : memref<38432xi32, #tpu.memory_space<vmem>>[vector<16xi32>], vector<16xi32>,
      %add3A_662 = arith.constant 6005 : i32
      %add3A_663 = vector.broadcast %add3A_662 : i32 to vector<16xi32>
      %add3A_664 = arith.addi %gather3A_525, %add3A_663 : vector<16xi32>
      %gather3A_665 = tpu.vector_load_idx %arg10[%add3A_664] : memref<38432xi32, #tpu.memory_space<vmem>>[vector<16xi32>], vector<16xi32>,
      %add3A_666 = arith.constant 7206 : i32
      %add3A_667 = vector.broadcast %add3A_666 : i32 to vector<16xi32>
      %add3A_668 = arith.addi %gather3A_525, %add3A_667 : vector<16xi32>
      %gather3A_669 = tpu.vector_load_idx %arg10[%add3A_668] : memref<38432xi32, #tpu.memory_space<vmem>>[vector<16xi32>], vector<16xi32>,
      %add3A_670 = arith.constant 8407 : i32
      %add3A_671 = vector.broadcast %add3A_670 : i32 to vector<16xi32>
      %add3A_672 = arith.addi %gather3A_525, %add3A_671 : vector<16xi32>
      %gather3A_673 = tpu.vector_load_idx %arg10[%add3A_672] : memref<38432xi32, #tpu.memory_space<vmem>>[vector<16xi32>], vector<16xi32>,
      %add3A_674 = arith.constant 9608 : i32
      %add3A_675 = vector.broadcast %add3A_674 : i32 to vector<16xi32>
      %add3A_676 = arith.addi %gather3A_525, %add3A_675 : vector<16xi32>
      %gather3A_677 = tpu.vector_load_idx %arg10[%add3A_676] : memref<38432xi32, #tpu.memory_space<vmem>>[vector<16xi32>], vector<16xi32>,
      %add3A_678 = arith.constant 10809 : i32
      %add3A_679 = vector.broadcast %add3A_678 : i32 to vector<16xi32>
      %add3A_680 = arith.addi %gather3A_525, %add3A_679 : vector<16xi32>
      %gather3A_681 = tpu.vector_load_idx %arg10[%add3A_680] : memref<38432xi32, #tpu.memory_space<vmem>>[vector<16xi32>], vector<16xi32>,
      %add3A_682 = arith.constant 12010 : i32
      %add3A_683 = vector.broadcast %add3A_682 : i32 to vector<16xi32>
      %add3A_684 = arith.addi %gather3A_525, %add3A_683 : vector<16xi32>
      %gather3A_685 = tpu.vector_load_idx %arg10[%add3A_684] : memref<38432xi32, #tpu.memory_space<vmem>>[vector<16xi32>], vector<16xi32>,
      %add3A_686 = arith.constant 13211 : i32
      %add3A_687 = vector.broadcast %add3A_686 : i32 to vector<16xi32>
      %add3A_688 = arith.addi %gather3A_525, %add3A_687 : vector<16xi32>
      %gather3A_689 = tpu.vector_load_idx %arg10[%add3A_688] : memref<38432xi32, #tpu.memory_space<vmem>>[vector<16xi32>], vector<16xi32>,
      %add3A_690 = arith.constant 14412 : i32
      %add3A_691 = vector.broadcast %add3A_690 : i32 to vector<16xi32>
      %add3A_692 = arith.addi %gather3A_525, %add3A_691 : vector<16xi32>
      %gather3A_693 = tpu.vector_load_idx %arg10[%add3A_692] : memref<38432xi32, #tpu.memory_space<vmem>>[vector<16xi32>], vector<16xi32>,
      %add3A_694 = arith.constant 15613 : i32
      %add3A_695 = vector.broadcast %add3A_694 : i32 to vector<16xi32>
      %add3A_696 = arith.addi %gather3A_525, %add3A_695 : vector<16xi32>
      %gather3A_697 = tpu.vector_load_idx %arg10[%add3A_696] : memref<38432xi32, #tpu.memory_space<vmem>>[vector<16xi32>], vector<16xi32>,
      %add3A_698 = arith.constant 16814 : i32
      %add3A_699 = vector.broadcast %add3A_698 : i32 to vector<16xi32>
      %add3A_700 = arith.addi %gather3A_525, %add3A_699 : vector<16xi32>
      %gather3A_701 = tpu.vector_load_idx %arg10[%add3A_700] : memref<38432xi32, #tpu.memory_space<vmem>>[vector<16xi32>], vector<16xi32>,
      %add3A_702 = arith.constant 18015 : i32
      %add3A_703 = vector.broadcast %add3A_702 : i32 to vector<16xi32>
      %add3A_704 = arith.addi %gather3A_525, %add3A_703 : vector<16xi32>
      %gather3A_705 = tpu.vector_load_idx %arg10[%add3A_704] : memref<38432xi32, #tpu.memory_space<vmem>>[vector<16xi32>], vector<16xi32>,
      %bitcast3A_706 = vector.bitcast %gather3A_645 : vector<16xi32> to vector<32xbf16>
      %mul3A_707 = arith.mulf %broadcast_in_dim3A_0, %bitcast3A_706 : vector<32xbf16>
      %add3A_708 = arith.addf %add3A_592, %mul3A_707 : vector<32xbf16>
      %bitcast3A_709 = vector.bitcast %gather3A_649 : vector<16xi32> to vector<32xbf16>
      %mul3A_710 = arith.mulf %broadcast_in_dim3A_0, %bitcast3A_709 : vector<32xbf16>
      %add3A_711 = arith.addf %add3A_595, %mul3A_710 : vector<32xbf16>
      %bitcast3A_712 = vector.bitcast %gather3A_653 : vector<16xi32> to vector<32xbf16>
      %mul3A_713 = arith.mulf %broadcast_in_dim3A_0, %bitcast3A_712 : vector<32xbf16>
      %add3A_714 = arith.addf %add3A_598, %mul3A_713 : vector<32xbf16>
      %bitcast3A_715 = vector.bitcast %gather3A_657 : vector<16xi32> to vector<32xbf16>
      %mul3A_716 = arith.mulf %broadcast_in_dim3A_0, %bitcast3A_715 : vector<32xbf16>
      %add3A_717 = arith.addf %add3A_601, %mul3A_716 : vector<32xbf16>
      %bitcast3A_718 = vector.bitcast %gather3A_661 : vector<16xi32> to vector<32xbf16>
      %mul3A_719 = arith.mulf %broadcast_in_dim3A_0, %bitcast3A_718 : vector<32xbf16>
      %add3A_720 = arith.addf %add3A_604, %mul3A_719 : vector<32xbf16>
      %bitcast3A_721 = vector.bitcast %gather3A_665 : vector<16xi32> to vector<32xbf16>
      %mul3A_722 = arith.mulf %broadcast_in_dim3A_0, %bitcast3A_721 : vector<32xbf16>
      %add3A_723 = arith.addf %add3A_607, %mul3A_722 : vector<32xbf16>
      %bitcast3A_724 = vector.bitcast %gather3A_669 : vector<16xi32> to vector<32xbf16>
      %mul3A_725 = arith.mulf %broadcast_in_dim3A_0, %bitcast3A_724 : vector<32xbf16>
      %add3A_726 = arith.addf %add3A_610, %mul3A_725 : vector<32xbf16>
      %bitcast3A_727 = vector.bitcast %gather3A_673 : vector<16xi32> to vector<32xbf16>
      %mul3A_728 = arith.mulf %broadcast_in_dim3A_0, %bitcast3A_727 : vector<32xbf16>
      %add3A_729 = arith.addf %add3A_613, %mul3A_728 : vector<32xbf16>
      %bitcast3A_730 = vector.bitcast %gather3A_677 : vector<16xi32> to vector<32xbf16>
      %mul3A_731 = arith.mulf %broadcast_in_dim3A_0, %bitcast3A_730 : vector<32xbf16>
      %add3A_732 = arith.addf %add3A_616, %mul3A_731 : vector<32xbf16>
      %bitcast3A_733 = vector.bitcast %gather3A_681 : vector<16xi32> to vector<32xbf16>
      %mul3A_734 = arith.mulf %broadcast_in_dim3A_0, %bitcast3A_733 : vector<32xbf16>
      %add3A_735 = arith.addf %add3A_619, %mul3A_734 : vector<32xbf16>
      %bitcast3A_736 = vector.bitcast %gather3A_685 : vector<16xi32> to vector<32xbf16>
      %mul3A_737 = arith.mulf %broadcast_in_dim3A_0, %bitcast3A_736 : vector<32xbf16>
      %add3A_738 = arith.addf %add3A_622, %mul3A_737 : vector<32xbf16>
      %bitcast3A_739 = vector.bitcast %gather3A_689 : vector<16xi32> to vector<32xbf16>
      %mul3A_740 = arith.mulf %broadcast_in_dim3A_0, %bitcast3A_739 : vector<32xbf16>
      %add3A_741 = arith.addf %add3A_625, %mul3A_740 : vector<32xbf16>
      %bitcast3A_742 = vector.bitcast %gather3A_693 : vector<16xi32> to vector<32xbf16>
      %mul3A_743 = arith.mulf %broadcast_in_dim3A_0, %bitcast3A_742 : vector<32xbf16>
      %add3A_744 = arith.addf %add3A_628, %mul3A_743 : vector<32xbf16>
      %bitcast3A_745 = vector.bitcast %gather3A_697 : vector<16xi32> to vector<32xbf16>
      %mul3A_746 = arith.mulf %broadcast_in_dim3A_0, %bitcast3A_745 : vector<32xbf16>
      %add3A_747 = arith.addf %add3A_631, %mul3A_746 : vector<32xbf16>
      %bitcast3A_748 = vector.bitcast %gather3A_701 : vector<16xi32> to vector<32xbf16>
      %mul3A_749 = arith.mulf %broadcast_in_dim3A_0, %bitcast3A_748 : vector<32xbf16>
      %add3A_750 = arith.addf %add3A_634, %mul3A_749 : vector<32xbf16>
      %bitcast3A_751 = vector.bitcast %gather3A_705 : vector<16xi32> to vector<32xbf16>
      %mul3A_752 = arith.mulf %broadcast_in_dim3A_0, %bitcast3A_751 : vector<32xbf16>
      %add3A_753 = arith.addf %add3A_637, %mul3A_752 : vector<32xbf16>
      %add3A_754 = arith.constant 7 : i32
      %add3A_755 = vector.broadcast %add3A_754 : i32 to vector<16xi32>
      %add3A_756 = arith.addi %mul3A_16, %add3A_755 : vector<16xi32>
      %gather3A_757 = tpu.vector_load_idx %arg7[%add3A_756] : memref<2832xi32, #tpu.memory_space<vmem>>[vector<16xi32>], vector<16xi32>,
      %add3A_758 = arith.constant 0 : i32
      %add3A_759 = vector.broadcast %add3A_758 : i32 to vector<16xi32>
      %add3A_760 = arith.addi %gather3A_641, %add3A_759 : vector<16xi32>
      %gather3A_761 = tpu.vector_load_idx %arg10[%add3A_760] : memref<38432xi32, #tpu.memory_space<vmem>>[vector<16xi32>], vector<16xi32>,
      %add3A_762 = arith.constant 1201 : i32
      %add3A_763 = vector.broadcast %add3A_762 : i32 to vector<16xi32>
      %add3A_764 = arith.addi %gather3A_641, %add3A_763 : vector<16xi32>
      %gather3A_765 = tpu.vector_load_idx %arg10[%add3A_764] : memref<38432xi32, #tpu.memory_space<vmem>>[vector<16xi32>], vector<16xi32>,
      %add3A_766 = arith.constant 2402 : i32
      %add3A_767 = vector.broadcast %add3A_766 : i32 to vector<16xi32>
      %add3A_768 = arith.addi %gather3A_641, %add3A_767 : vector<16xi32>
      %gather3A_769 = tpu.vector_load_idx %arg10[%add3A_768] : memref<38432xi32, #tpu.memory_space<vmem>>[vector<16xi32>], vector<16xi32>,
      %add3A_770 = arith.constant 3603 : i32
      %add3A_771 = vector.broadcast %add3A_770 : i32 to vector<16xi32>
      %add3A_772 = arith.addi %gather3A_641, %add3A_771 : vector<16xi32>
      %gather3A_773 = tpu.vector_load_idx %arg10[%add3A_772] : memref<38432xi32, #tpu.memory_space<vmem>>[vector<16xi32>], vector<16xi32>,
      %add3A_774 = arith.constant 4804 : i32
      %add3A_775 = vector.broadcast %add3A_774 : i32 to vector<16xi32>
      %add3A_776 = arith.addi %gather3A_641, %add3A_775 : vector<16xi32>
      %gather3A_777 = tpu.vector_load_idx %arg10[%add3A_776] : memref<38432xi32, #tpu.memory_space<vmem>>[vector<16xi32>], vector<16xi32>,
      %add3A_778 = arith.constant 6005 : i32
      %add3A_779 = vector.broadcast %add3A_778 : i32 to vector<16xi32>
      %add3A_780 = arith.addi %gather3A_641, %add3A_779 : vector<16xi32>
      %gather3A_781 = tpu.vector_load_idx %arg10[%add3A_780] : memref<38432xi32, #tpu.memory_space<vmem>>[vector<16xi32>], vector<16xi32>,
      %add3A_782 = arith.constant 7206 : i32
      %add3A_783 = vector.broadcast %add3A_782 : i32 to vector<16xi32>
      %add3A_784 = arith.addi %gather3A_641, %add3A_783 : vector<16xi32>
      %gather3A_785 = tpu.vector_load_idx %arg10[%add3A_784] : memref<38432xi32, #tpu.memory_space<vmem>>[vector<16xi32>], vector<16xi32>,
      %add3A_786 = arith.constant 8407 : i32
      %add3A_787 = vector.broadcast %add3A_786 : i32 to vector<16xi32>
      %add3A_788 = arith.addi %gather3A_641, %add3A_787 : vector<16xi32>
      %gather3A_789 = tpu.vector_load_idx %arg10[%add3A_788] : memref<38432xi32, #tpu.memory_space<vmem>>[vector<16xi32>], vector<16xi32>,
      %add3A_790 = arith.constant 9608 : i32
      %add3A_791 = vector.broadcast %add3A_790 : i32 to vector<16xi32>
      %add3A_792 = arith.addi %gather3A_641, %add3A_791 : vector<16xi32>
      %gather3A_793 = tpu.vector_load_idx %arg10[%add3A_792] : memref<38432xi32, #tpu.memory_space<vmem>>[vector<16xi32>], vector<16xi32>,
      %add3A_794 = arith.constant 10809 : i32
      %add3A_795 = vector.broadcast %add3A_794 : i32 to vector<16xi32>
      %add3A_796 = arith.addi %gather3A_641, %add3A_795 : vector<16xi32>
      %gather3A_797 = tpu.vector_load_idx %arg10[%add3A_796] : memref<38432xi32, #tpu.memory_space<vmem>>[vector<16xi32>], vector<16xi32>,
      %add3A_798 = arith.constant 12010 : i32
      %add3A_799 = vector.broadcast %add3A_798 : i32 to vector<16xi32>
      %add3A_800 = arith.addi %gather3A_641, %add3A_799 : vector<16xi32>
      %gather3A_801 = tpu.vector_load_idx %arg10[%add3A_800] : memref<38432xi32, #tpu.memory_space<vmem>>[vector<16xi32>], vector<16xi32>,
      %add3A_802 = arith.constant 13211 : i32
      %add3A_803 = vector.broadcast %add3A_802 : i32 to vector<16xi32>
      %add3A_804 = arith.addi %gather3A_641, %add3A_803 : vector<16xi32>
      %gather3A_805 = tpu.vector_load_idx %arg10[%add3A_804] : memref<38432xi32, #tpu.memory_space<vmem>>[vector<16xi32>], vector<16xi32>,
      %add3A_806 = arith.constant 14412 : i32
      %add3A_807 = vector.broadcast %add3A_806 : i32 to vector<16xi32>
      %add3A_808 = arith.addi %gather3A_641, %add3A_807 : vector<16xi32>
      %gather3A_809 = tpu.vector_load_idx %arg10[%add3A_808] : memref<38432xi32, #tpu.memory_space<vmem>>[vector<16xi32>], vector<16xi32>,
      %add3A_810 = arith.constant 15613 : i32
      %add3A_811 = vector.broadcast %add3A_810 : i32 to vector<16xi32>
      %add3A_812 = arith.addi %gather3A_641, %add3A_811 : vector<16xi32>
      %gather3A_813 = tpu.vector_load_idx %arg10[%add3A_812] : memref<38432xi32, #tpu.memory_space<vmem>>[vector<16xi32>], vector<16xi32>,
      %add3A_814 = arith.constant 16814 : i32
      %add3A_815 = vector.broadcast %add3A_814 : i32 to vector<16xi32>
      %add3A_816 = arith.addi %gather3A_641, %add3A_815 : vector<16xi32>
      %gather3A_817 = tpu.vector_load_idx %arg10[%add3A_816] : memref<38432xi32, #tpu.memory_space<vmem>>[vector<16xi32>], vector<16xi32>,
      %add3A_818 = arith.constant 18015 : i32
      %add3A_819 = vector.broadcast %add3A_818 : i32 to vector<16xi32>
      %add3A_820 = arith.addi %gather3A_641, %add3A_819 : vector<16xi32>
      %gather3A_821 = tpu.vector_load_idx %arg10[%add3A_820] : memref<38432xi32, #tpu.memory_space<vmem>>[vector<16xi32>], vector<16xi32>,
      %bitcast3A_822 = vector.bitcast %gather3A_761 : vector<16xi32> to vector<32xbf16>
      %mul3A_823 = arith.mulf %broadcast_in_dim3A_0, %bitcast3A_822 : vector<32xbf16>
      %add3A_824 = arith.addf %add3A_708, %mul3A_823 : vector<32xbf16>
      %bitcast3A_825 = vector.bitcast %gather3A_765 : vector<16xi32> to vector<32xbf16>
      %mul3A_826 = arith.mulf %broadcast_in_dim3A_0, %bitcast3A_825 : vector<32xbf16>
      %add3A_827 = arith.addf %add3A_711, %mul3A_826 : vector<32xbf16>
      %bitcast3A_828 = vector.bitcast %gather3A_769 : vector<16xi32> to vector<32xbf16>
      %mul3A_829 = arith.mulf %broadcast_in_dim3A_0, %bitcast3A_828 : vector<32xbf16>
      %add3A_830 = arith.addf %add3A_714, %mul3A_829 : vector<32xbf16>
      %bitcast3A_831 = vector.bitcast %gather3A_773 : vector<16xi32> to vector<32xbf16>
      %mul3A_832 = arith.mulf %broadcast_in_dim3A_0, %bitcast3A_831 : vector<32xbf16>
      %add3A_833 = arith.addf %add3A_717, %mul3A_832 : vector<32xbf16>
      %bitcast3A_834 = vector.bitcast %gather3A_777 : vector<16xi32> to vector<32xbf16>
      %mul3A_835 = arith.mulf %broadcast_in_dim3A_0, %bitcast3A_834 : vector<32xbf16>
      %add3A_836 = arith.addf %add3A_720, %mul3A_835 : vector<32xbf16>
      %bitcast3A_837 = vector.bitcast %gather3A_781 : vector<16xi32> to vector<32xbf16>
      %mul3A_838 = arith.mulf %broadcast_in_dim3A_0, %bitcast3A_837 : vector<32xbf16>
      %add3A_839 = arith.addf %add3A_723, %mul3A_838 : vector<32xbf16>
      %bitcast3A_840 = vector.bitcast %gather3A_785 : vector<16xi32> to vector<32xbf16>
      %mul3A_841 = arith.mulf %broadcast_in_dim3A_0, %bitcast3A_840 : vector<32xbf16>
      %add3A_842 = arith.addf %add3A_726, %mul3A_841 : vector<32xbf16>
      %bitcast3A_843 = vector.bitcast %gather3A_789 : vector<16xi32> to vector<32xbf16>
      %mul3A_844 = arith.mulf %broadcast_in_dim3A_0, %bitcast3A_843 : vector<32xbf16>
      %add3A_845 = arith.addf %add3A_729, %mul3A_844 : vector<32xbf16>
      %bitcast3A_846 = vector.bitcast %gather3A_793 : vector<16xi32> to vector<32xbf16>
      %mul3A_847 = arith.mulf %broadcast_in_dim3A_0, %bitcast3A_846 : vector<32xbf16>
      %add3A_848 = arith.addf %add3A_732, %mul3A_847 : vector<32xbf16>
      %bitcast3A_849 = vector.bitcast %gather3A_797 : vector<16xi32> to vector<32xbf16>
      %mul3A_850 = arith.mulf %broadcast_in_dim3A_0, %bitcast3A_849 : vector<32xbf16>
      %add3A_851 = arith.addf %add3A_735, %mul3A_850 : vector<32xbf16>
      %bitcast3A_852 = vector.bitcast %gather3A_801 : vector<16xi32> to vector<32xbf16>
      %mul3A_853 = arith.mulf %broadcast_in_dim3A_0, %bitcast3A_852 : vector<32xbf16>
      %add3A_854 = arith.addf %add3A_738, %mul3A_853 : vector<32xbf16>
      %bitcast3A_855 = vector.bitcast %gather3A_805 : vector<16xi32> to vector<32xbf16>
      %mul3A_856 = arith.mulf %broadcast_in_dim3A_0, %bitcast3A_855 : vector<32xbf16>
      %add3A_857 = arith.addf %add3A_741, %mul3A_856 : vector<32xbf16>
      %bitcast3A_858 = vector.bitcast %gather3A_809 : vector<16xi32> to vector<32xbf16>
      %mul3A_859 = arith.mulf %broadcast_in_dim3A_0, %bitcast3A_858 : vector<32xbf16>
      %add3A_860 = arith.addf %add3A_744, %mul3A_859 : vector<32xbf16>
      %bitcast3A_861 = vector.bitcast %gather3A_813 : vector<16xi32> to vector<32xbf16>
      %mul3A_862 = arith.mulf %broadcast_in_dim3A_0, %bitcast3A_861 : vector<32xbf16>
      %add3A_863 = arith.addf %add3A_747, %mul3A_862 : vector<32xbf16>
      %bitcast3A_864 = vector.bitcast %gather3A_817 : vector<16xi32> to vector<32xbf16>
      %mul3A_865 = arith.mulf %broadcast_in_dim3A_0, %bitcast3A_864 : vector<32xbf16>
      %add3A_866 = arith.addf %add3A_750, %mul3A_865 : vector<32xbf16>
      %bitcast3A_867 = vector.bitcast %gather3A_821 : vector<16xi32> to vector<32xbf16>
      %mul3A_868 = arith.mulf %broadcast_in_dim3A_0, %bitcast3A_867 : vector<32xbf16>
      %add3A_869 = arith.addf %add3A_753, %mul3A_868 : vector<32xbf16>
      %add3A_870 = arith.constant 8 : i32
      %add3A_871 = vector.broadcast %add3A_870 : i32 to vector<16xi32>
      %add3A_872 = arith.addi %mul3A_16, %add3A_871 : vector<16xi32>
      %gather3A_873 = tpu.vector_load_idx %arg7[%add3A_872] : memref<2832xi32, #tpu.memory_space<vmem>>[vector<16xi32>], vector<16xi32>,
      %add3A_874 = arith.constant 0 : i32
      %add3A_875 = vector.broadcast %add3A_874 : i32 to vector<16xi32>
      %add3A_876 = arith.addi %gather3A_757, %add3A_875 : vector<16xi32>
      %gather3A_877 = tpu.vector_load_idx %arg10[%add3A_876] : memref<38432xi32, #tpu.memory_space<vmem>>[vector<16xi32>], vector<16xi32>,
      %add3A_878 = arith.constant 1201 : i32
      %add3A_879 = vector.broadcast %add3A_878 : i32 to vector<16xi32>
      %add3A_880 = arith.addi %gather3A_757, %add3A_879 : vector<16xi32>
      %gather3A_881 = tpu.vector_load_idx %arg10[%add3A_880] : memref<38432xi32, #tpu.memory_space<vmem>>[vector<16xi32>], vector<16xi32>,
      %add3A_882 = arith.constant 2402 : i32
      %add3A_883 = vector.broadcast %add3A_882 : i32 to vector<16xi32>
      %add3A_884 = arith.addi %gather3A_757, %add3A_883 : vector<16xi32>
      %gather3A_885 = tpu.vector_load_idx %arg10[%add3A_884] : memref<38432xi32, #tpu.memory_space<vmem>>[vector<16xi32>], vector<16xi32>,
      %add3A_886 = arith.constant 3603 : i32
      %add3A_887 = vector.broadcast %add3A_886 : i32 to vector<16xi32>
      %add3A_888 = arith.addi %gather3A_757, %add3A_887 : vector<16xi32>
      %gather3A_889 = tpu.vector_load_idx %arg10[%add3A_888] : memref<38432xi32, #tpu.memory_space<vmem>>[vector<16xi32>], vector<16xi32>,
      %add3A_890 = arith.constant 4804 : i32
      %add3A_891 = vector.broadcast %add3A_890 : i32 to vector<16xi32>
      %add3A_892 = arith.addi %gather3A_757, %add3A_891 : vector<16xi32>
      %gather3A_893 = tpu.vector_load_idx %arg10[%add3A_892] : memref<38432xi32, #tpu.memory_space<vmem>>[vector<16xi32>], vector<16xi32>,
      %add3A_894 = arith.constant 6005 : i32
      %add3A_895 = vector.broadcast %add3A_894 : i32 to vector<16xi32>
      %add3A_896 = arith.addi %gather3A_757, %add3A_895 : vector<16xi32>
      %gather3A_897 = tpu.vector_load_idx %arg10[%add3A_896] : memref<38432xi32, #tpu.memory_space<vmem>>[vector<16xi32>], vector<16xi32>,
      %add3A_898 = arith.constant 7206 : i32
      %add3A_899 = vector.broadcast %add3A_898 : i32 to vector<16xi32>
      %add3A_900 = arith.addi %gather3A_757, %add3A_899 : vector<16xi32>
      %gather3A_901 = tpu.vector_load_idx %arg10[%add3A_900] : memref<38432xi32, #tpu.memory_space<vmem>>[vector<16xi32>], vector<16xi32>,
      %add3A_902 = arith.constant 8407 : i32
      %add3A_903 = vector.broadcast %add3A_902 : i32 to vector<16xi32>
      %add3A_904 = arith.addi %gather3A_757, %add3A_903 : vector<16xi32>
      %gather3A_905 = tpu.vector_load_idx %arg10[%add3A_904] : memref<38432xi32, #tpu.memory_space<vmem>>[vector<16xi32>], vector<16xi32>,
      %add3A_906 = arith.constant 9608 : i32
      %add3A_907 = vector.broadcast %add3A_906 : i32 to vector<16xi32>
      %add3A_908 = arith.addi %gather3A_757, %add3A_907 : vector<16xi32>
      %gather3A_909 = tpu.vector_load_idx %arg10[%add3A_908] : memref<38432xi32, #tpu.memory_space<vmem>>[vector<16xi32>], vector<16xi32>,
      %add3A_910 = arith.constant 10809 : i32
      %add3A_911 = vector.broadcast %add3A_910 : i32 to vector<16xi32>
      %add3A_912 = arith.addi %gather3A_757, %add3A_911 : vector<16xi32>
      %gather3A_913 = tpu.vector_load_idx %arg10[%add3A_912] : memref<38432xi32, #tpu.memory_space<vmem>>[vector<16xi32>], vector<16xi32>,
      %add3A_914 = arith.constant 12010 : i32
      %add3A_915 = vector.broadcast %add3A_914 : i32 to vector<16xi32>
      %add3A_916 = arith.addi %gather3A_757, %add3A_915 : vector<16xi32>
      %gather3A_917 = tpu.vector_load_idx %arg10[%add3A_916] : memref<38432xi32, #tpu.memory_space<vmem>>[vector<16xi32>], vector<16xi32>,
      %add3A_918 = arith.constant 13211 : i32
      %add3A_919 = vector.broadcast %add3A_918 : i32 to vector<16xi32>
      %add3A_920 = arith.addi %gather3A_757, %add3A_919 : vector<16xi32>
      %gather3A_921 = tpu.vector_load_idx %arg10[%add3A_920] : memref<38432xi32, #tpu.memory_space<vmem>>[vector<16xi32>], vector<16xi32>,
      %add3A_922 = arith.constant 14412 : i32
      %add3A_923 = vector.broadcast %add3A_922 : i32 to vector<16xi32>
      %add3A_924 = arith.addi %gather3A_757, %add3A_923 : vector<16xi32>
      %gather3A_925 = tpu.vector_load_idx %arg10[%add3A_924] : memref<38432xi32, #tpu.memory_space<vmem>>[vector<16xi32>], vector<16xi32>,
      %add3A_926 = arith.constant 15613 : i32
      %add3A_927 = vector.broadcast %add3A_926 : i32 to vector<16xi32>
      %add3A_928 = arith.addi %gather3A_757, %add3A_927 : vector<16xi32>
      %gather3A_929 = tpu.vector_load_idx %arg10[%add3A_928] : memref<38432xi32, #tpu.memory_space<vmem>>[vector<16xi32>], vector<16xi32>,
      %add3A_930 = arith.constant 16814 : i32
      %add3A_931 = vector.broadcast %add3A_930 : i32 to vector<16xi32>
      %add3A_932 = arith.addi %gather3A_757, %add3A_931 : vector<16xi32>
      %gather3A_933 = tpu.vector_load_idx %arg10[%add3A_932] : memref<38432xi32, #tpu.memory_space<vmem>>[vector<16xi32>], vector<16xi32>,
      %add3A_934 = arith.constant 18015 : i32
      %add3A_935 = vector.broadcast %add3A_934 : i32 to vector<16xi32>
      %add3A_936 = arith.addi %gather3A_757, %add3A_935 : vector<16xi32>
      %gather3A_937 = tpu.vector_load_idx %arg10[%add3A_936] : memref<38432xi32, #tpu.memory_space<vmem>>[vector<16xi32>], vector<16xi32>,
      %bitcast3A_938 = vector.bitcast %gather3A_877 : vector<16xi32> to vector<32xbf16>
      %mul3A_939 = arith.mulf %broadcast_in_dim3A_0, %bitcast3A_938 : vector<32xbf16>
      %add3A_940 = arith.addf %add3A_824, %mul3A_939 : vector<32xbf16>
      %bitcast3A_941 = vector.bitcast %gather3A_881 : vector<16xi32> to vector<32xbf16>
      %mul3A_942 = arith.mulf %broadcast_in_dim3A_0, %bitcast3A_941 : vector<32xbf16>
      %add3A_943 = arith.addf %add3A_827, %mul3A_942 : vector<32xbf16>
      %bitcast3A_944 = vector.bitcast %gather3A_885 : vector<16xi32> to vector<32xbf16>
      %mul3A_945 = arith.mulf %broadcast_in_dim3A_0, %bitcast3A_944 : vector<32xbf16>
      %add3A_946 = arith.addf %add3A_830, %mul3A_945 : vector<32xbf16>
      %bitcast3A_947 = vector.bitcast %gather3A_889 : vector<16xi32> to vector<32xbf16>
      %mul3A_948 = arith.mulf %broadcast_in_dim3A_0, %bitcast3A_947 : vector<32xbf16>
      %add3A_949 = arith.addf %add3A_833, %mul3A_948 : vector<32xbf16>
      %bitcast3A_950 = vector.bitcast %gather3A_893 : vector<16xi32> to vector<32xbf16>
      %mul3A_951 = arith.mulf %broadcast_in_dim3A_0, %bitcast3A_950 : vector<32xbf16>
      %add3A_952 = arith.addf %add3A_836, %mul3A_951 : vector<32xbf16>
      %bitcast3A_953 = vector.bitcast %gather3A_897 : vector<16xi32> to vector<32xbf16>
      %mul3A_954 = arith.mulf %broadcast_in_dim3A_0, %bitcast3A_953 : vector<32xbf16>
      %add3A_955 = arith.addf %add3A_839, %mul3A_954 : vector<32xbf16>
      %bitcast3A_956 = vector.bitcast %gather3A_901 : vector<16xi32> to vector<32xbf16>
      %mul3A_957 = arith.mulf %broadcast_in_dim3A_0, %bitcast3A_956 : vector<32xbf16>
      %add3A_958 = arith.addf %add3A_842, %mul3A_957 : vector<32xbf16>
      %bitcast3A_959 = vector.bitcast %gather3A_905 : vector<16xi32> to vector<32xbf16>
      %mul3A_960 = arith.mulf %broadcast_in_dim3A_0, %bitcast3A_959 : vector<32xbf16>
      %add3A_961 = arith.addf %add3A_845, %mul3A_960 : vector<32xbf16>
      %bitcast3A_962 = vector.bitcast %gather3A_909 : vector<16xi32> to vector<32xbf16>
      %mul3A_963 = arith.mulf %broadcast_in_dim3A_0, %bitcast3A_962 : vector<32xbf16>
      %add3A_964 = arith.addf %add3A_848, %mul3A_963 : vector<32xbf16>
      %bitcast3A_965 = vector.bitcast %gather3A_913 : vector<16xi32> to vector<32xbf16>
      %mul3A_966 = arith.mulf %broadcast_in_dim3A_0, %bitcast3A_965 : vector<32xbf16>
      %add3A_967 = arith.addf %add3A_851, %mul3A_966 : vector<32xbf16>
      %bitcast3A_968 = vector.bitcast %gather3A_917 : vector<16xi32> to vector<32xbf16>
      %mul3A_969 = arith.mulf %broadcast_in_dim3A_0, %bitcast3A_968 : vector<32xbf16>
      %add3A_970 = arith.addf %add3A_854, %mul3A_969 : vector<32xbf16>
      %bitcast3A_971 = vector.bitcast %gather3A_921 : vector<16xi32> to vector<32xbf16>
      %mul3A_972 = arith.mulf %broadcast_in_dim3A_0, %bitcast3A_971 : vector<32xbf16>
      %add3A_973 = arith.addf %add3A_857, %mul3A_972 : vector<32xbf16>
      %bitcast3A_974 = vector.bitcast %gather3A_925 : vector<16xi32> to vector<32xbf16>
      %mul3A_975 = arith.mulf %broadcast_in_dim3A_0, %bitcast3A_974 : vector<32xbf16>
      %add3A_976 = arith.addf %add3A_860, %mul3A_975 : vector<32xbf16>
      %bitcast3A_977 = vector.bitcast %gather3A_929 : vector<16xi32> to vector<32xbf16>
      %mul3A_978 = arith.mulf %broadcast_in_dim3A_0, %bitcast3A_977 : vector<32xbf16>
      %add3A_979 = arith.addf %add3A_863, %mul3A_978 : vector<32xbf16>
      %bitcast3A_980 = vector.bitcast %gather3A_933 : vector<16xi32> to vector<32xbf16>
      %mul3A_981 = arith.mulf %broadcast_in_dim3A_0, %bitcast3A_980 : vector<32xbf16>
      %add3A_982 = arith.addf %add3A_866, %mul3A_981 : vector<32xbf16>
      %bitcast3A_983 = vector.bitcast %gather3A_937 : vector<16xi32> to vector<32xbf16>
      %mul3A_984 = arith.mulf %broadcast_in_dim3A_0, %bitcast3A_983 : vector<32xbf16>
      %add3A_985 = arith.addf %add3A_869, %mul3A_984 : vector<32xbf16>
      %add3A_986 = arith.constant 9 : i32
      %add3A_987 = vector.broadcast %add3A_986 : i32 to vector<16xi32>
      %add3A_988 = arith.addi %mul3A_16, %add3A_987 : vector<16xi32>
      %gather3A_989 = tpu.vector_load_idx %arg7[%add3A_988] : memref<2832xi32, #tpu.memory_space<vmem>>[vector<16xi32>], vector<16xi32>,
      %add3A_990 = arith.constant 0 : i32
      %add3A_991 = vector.broadcast %add3A_990 : i32 to vector<16xi32>
      %add3A_992 = arith.addi %gather3A_873, %add3A_991 : vector<16xi32>
      %gather3A_993 = tpu.vector_load_idx %arg10[%add3A_992] : memref<38432xi32, #tpu.memory_space<vmem>>[vector<16xi32>], vector<16xi32>,
      %add3A_994 = arith.constant 1201 : i32
      %add3A_995 = vector.broadcast %add3A_994 : i32 to vector<16xi32>
      %add3A_996 = arith.addi %gather3A_873, %add3A_995 : vector<16xi32>
      %gather3A_997 = tpu.vector_load_idx %arg10[%add3A_996] : memref<38432xi32, #tpu.memory_space<vmem>>[vector<16xi32>], vector<16xi32>,
      %add3A_998 = arith.constant 2402 : i32
      %add3A_999 = vector.broadcast %add3A_998 : i32 to vector<16xi32>
      %add3A_1000 = arith.addi %gather3A_873, %add3A_999 : vector<16xi32>
      %gather3A_1001 = tpu.vector_load_idx %arg10[%add3A_1000] : memref<38432xi32, #tpu.memory_space<vmem>>[vector<16xi32>], vector<16xi32>,
      %add3A_1002 = arith.constant 3603 : i32
      %add3A_1003 = vector.broadcast %add3A_1002 : i32 to vector<16xi32>
      %add3A_1004 = arith.addi %gather3A_873, %add3A_1003 : vector<16xi32>
      %gather3A_1005 = tpu.vector_load_idx %arg10[%add3A_1004] : memref<38432xi32, #tpu.memory_space<vmem>>[vector<16xi32>], vector<16xi32>,
      %add3A_1006 = arith.constant 4804 : i32
      %add3A_1007 = vector.broadcast %add3A_1006 : i32 to vector<16xi32>
      %add3A_1008 = arith.addi %gather3A_873, %add3A_1007 : vector<16xi32>
      %gather3A_1009 = tpu.vector_load_idx %arg10[%add3A_1008] : memref<38432xi32, #tpu.memory_space<vmem>>[vector<16xi32>], vector<16xi32>,
      %add3A_1010 = arith.constant 6005 : i32
      %add3A_1011 = vector.broadcast %add3A_1010 : i32 to vector<16xi32>
      %add3A_1012 = arith.addi %gather3A_873, %add3A_1011 : vector<16xi32>
      %gather3A_1013 = tpu.vector_load_idx %arg10[%add3A_1012] : memref<38432xi32, #tpu.memory_space<vmem>>[vector<16xi32>], vector<16xi32>,
      %add3A_1014 = arith.constant 7206 : i32
      %add3A_1015 = vector.broadcast %add3A_1014 : i32 to vector<16xi32>
      %add3A_1016 = arith.addi %gather3A_873, %add3A_1015 : vector<16xi32>
      %gather3A_1017 = tpu.vector_load_idx %arg10[%add3A_1016] : memref<38432xi32, #tpu.memory_space<vmem>>[vector<16xi32>], vector<16xi32>,
      %add3A_1018 = arith.constant 8407 : i32
      %add3A_1019 = vector.broadcast %add3A_1018 : i32 to vector<16xi32>
      %add3A_1020 = arith.addi %gather3A_873, %add3A_1019 : vector<16xi32>
      %gather3A_1021 = tpu.vector_load_idx %arg10[%add3A_1020] : memref<38432xi32, #tpu.memory_space<vmem>>[vector<16xi32>], vector<16xi32>,
      %add3A_1022 = arith.constant 9608 : i32
      %add3A_1023 = vector.broadcast %add3A_1022 : i32 to vector<16xi32>
      %add3A_1024 = arith.addi %gather3A_873, %add3A_1023 : vector<16xi32>
      %gather3A_1025 = tpu.vector_load_idx %arg10[%add3A_1024] : memref<38432xi32, #tpu.memory_space<vmem>>[vector<16xi32>], vector<16xi32>,
      %add3A_1026 = arith.constant 10809 : i32
      %add3A_1027 = vector.broadcast %add3A_1026 : i32 to vector<16xi32>
      %add3A_1028 = arith.addi %gather3A_873, %add3A_1027 : vector<16xi32>
      %gather3A_1029 = tpu.vector_load_idx %arg10[%add3A_1028] : memref<38432xi32, #tpu.memory_space<vmem>>[vector<16xi32>], vector<16xi32>,
      %add3A_1030 = arith.constant 12010 : i32
      %add3A_1031 = vector.broadcast %add3A_1030 : i32 to vector<16xi32>
      %add3A_1032 = arith.addi %gather3A_873, %add3A_1031 : vector<16xi32>
      %gather3A_1033 = tpu.vector_load_idx %arg10[%add3A_1032] : memref<38432xi32, #tpu.memory_space<vmem>>[vector<16xi32>], vector<16xi32>,
      %add3A_1034 = arith.constant 13211 : i32
      %add3A_1035 = vector.broadcast %add3A_1034 : i32 to vector<16xi32>
      %add3A_1036 = arith.addi %gather3A_873, %add3A_1035 : vector<16xi32>
      %gather3A_1037 = tpu.vector_load_idx %arg10[%add3A_1036] : memref<38432xi32, #tpu.memory_space<vmem>>[vector<16xi32>], vector<16xi32>,
      %add3A_1038 = arith.constant 14412 : i32
      %add3A_1039 = vector.broadcast %add3A_1038 : i32 to vector<16xi32>
      %add3A_1040 = arith.addi %gather3A_873, %add3A_1039 : vector<16xi32>
      %gather3A_1041 = tpu.vector_load_idx %arg10[%add3A_1040] : memref<38432xi32, #tpu.memory_space<vmem>>[vector<16xi32>], vector<16xi32>,
      %add3A_1042 = arith.constant 15613 : i32
      %add3A_1043 = vector.broadcast %add3A_1042 : i32 to vector<16xi32>
      %add3A_1044 = arith.addi %gather3A_873, %add3A_1043 : vector<16xi32>
      %gather3A_1045 = tpu.vector_load_idx %arg10[%add3A_1044] : memref<38432xi32, #tpu.memory_space<vmem>>[vector<16xi32>], vector<16xi32>,
      %add3A_1046 = arith.constant 16814 : i32
      %add3A_1047 = vector.broadcast %add3A_1046 : i32 to vector<16xi32>
      %add3A_1048 = arith.addi %gather3A_873, %add3A_1047 : vector<16xi32>
      %gather3A_1049 = tpu.vector_load_idx %arg10[%add3A_1048] : memref<38432xi32, #tpu.memory_space<vmem>>[vector<16xi32>], vector<16xi32>,
      %add3A_1050 = arith.constant 18015 : i32
      %add3A_1051 = vector.broadcast %add3A_1050 : i32 to vector<16xi32>
      %add3A_1052 = arith.addi %gather3A_873, %add3A_1051 : vector<16xi32>
      %gather3A_1053 = tpu.vector_load_idx %arg10[%add3A_1052] : memref<38432xi32, #tpu.memory_space<vmem>>[vector<16xi32>], vector<16xi32>,
      %bitcast3A_1054 = vector.bitcast %gather3A_993 : vector<16xi32> to vector<32xbf16>
      %mul3A_1055 = arith.mulf %broadcast_in_dim3A_0, %bitcast3A_1054 : vector<32xbf16>
      %add3A_1056 = arith.addf %add3A_940, %mul3A_1055 : vector<32xbf16>
      %bitcast3A_1057 = vector.bitcast %gather3A_997 : vector<16xi32> to vector<32xbf16>
      %mul3A_1058 = arith.mulf %broadcast_in_dim3A_0, %bitcast3A_1057 : vector<32xbf16>
      %add3A_1059 = arith.addf %add3A_943, %mul3A_1058 : vector<32xbf16>
      %bitcast3A_1060 = vector.bitcast %gather3A_1001 : vector<16xi32> to vector<32xbf16>
      %mul3A_1061 = arith.mulf %broadcast_in_dim3A_0, %bitcast3A_1060 : vector<32xbf16>
      %add3A_1062 = arith.addf %add3A_946, %mul3A_1061 : vector<32xbf16>
      %bitcast3A_1063 = vector.bitcast %gather3A_1005 : vector<16xi32> to vector<32xbf16>
      %mul3A_1064 = arith.mulf %broadcast_in_dim3A_0, %bitcast3A_1063 : vector<32xbf16>
      %add3A_1065 = arith.addf %add3A_949, %mul3A_1064 : vector<32xbf16>
      %bitcast3A_1066 = vector.bitcast %gather3A_1009 : vector<16xi32> to vector<32xbf16>
      %mul3A_1067 = arith.mulf %broadcast_in_dim3A_0, %bitcast3A_1066 : vector<32xbf16>
      %add3A_1068 = arith.addf %add3A_952, %mul3A_1067 : vector<32xbf16>
      %bitcast3A_1069 = vector.bitcast %gather3A_1013 : vector<16xi32> to vector<32xbf16>
      %mul3A_1070 = arith.mulf %broadcast_in_dim3A_0, %bitcast3A_1069 : vector<32xbf16>
      %add3A_1071 = arith.addf %add3A_955, %mul3A_1070 : vector<32xbf16>
      %bitcast3A_1072 = vector.bitcast %gather3A_1017 : vector<16xi32> to vector<32xbf16>
      %mul3A_1073 = arith.mulf %broadcast_in_dim3A_0, %bitcast3A_1072 : vector<32xbf16>
      %add3A_1074 = arith.addf %add3A_958, %mul3A_1073 : vector<32xbf16>
      %bitcast3A_1075 = vector.bitcast %gather3A_1021 : vector<16xi32> to vector<32xbf16>
      %mul3A_1076 = arith.mulf %broadcast_in_dim3A_0, %bitcast3A_1075 : vector<32xbf16>
      %add3A_1077 = arith.addf %add3A_961, %mul3A_1076 : vector<32xbf16>
      %bitcast3A_1078 = vector.bitcast %gather3A_1025 : vector<16xi32> to vector<32xbf16>
      %mul3A_1079 = arith.mulf %broadcast_in_dim3A_0, %bitcast3A_1078 : vector<32xbf16>
      %add3A_1080 = arith.addf %add3A_964, %mul3A_1079 : vector<32xbf16>
      %bitcast3A_1081 = vector.bitcast %gather3A_1029 : vector<16xi32> to vector<32xbf16>
      %mul3A_1082 = arith.mulf %broadcast_in_dim3A_0, %bitcast3A_1081 : vector<32xbf16>
      %add3A_1083 = arith.addf %add3A_967, %mul3A_1082 : vector<32xbf16>
      %bitcast3A_1084 = vector.bitcast %gather3A_1033 : vector<16xi32> to vector<32xbf16>
      %mul3A_1085 = arith.mulf %broadcast_in_dim3A_0, %bitcast3A_1084 : vector<32xbf16>
      %add3A_1086 = arith.addf %add3A_970, %mul3A_1085 : vector<32xbf16>
      %bitcast3A_1087 = vector.bitcast %gather3A_1037 : vector<16xi32> to vector<32xbf16>
      %mul3A_1088 = arith.mulf %broadcast_in_dim3A_0, %bitcast3A_1087 : vector<32xbf16>
      %add3A_1089 = arith.addf %add3A_973, %mul3A_1088 : vector<32xbf16>
      %bitcast3A_1090 = vector.bitcast %gather3A_1041 : vector<16xi32> to vector<32xbf16>
      %mul3A_1091 = arith.mulf %broadcast_in_dim3A_0, %bitcast3A_1090 : vector<32xbf16>
      %add3A_1092 = arith.addf %add3A_976, %mul3A_1091 : vector<32xbf16>
      %bitcast3A_1093 = vector.bitcast %gather3A_1045 : vector<16xi32> to vector<32xbf16>
      %mul3A_1094 = arith.mulf %broadcast_in_dim3A_0, %bitcast3A_1093 : vector<32xbf16>
      %add3A_1095 = arith.addf %add3A_979, %mul3A_1094 : vector<32xbf16>
      %bitcast3A_1096 = vector.bitcast %gather3A_1049 : vector<16xi32> to vector<32xbf16>
      %mul3A_1097 = arith.mulf %broadcast_in_dim3A_0, %bitcast3A_1096 : vector<32xbf16>
      %add3A_1098 = arith.addf %add3A_982, %mul3A_1097 : vector<32xbf16>
      %bitcast3A_1099 = vector.bitcast %gather3A_1053 : vector<16xi32> to vector<32xbf16>
      %mul3A_1100 = arith.mulf %broadcast_in_dim3A_0, %bitcast3A_1099 : vector<32xbf16>
      %add3A_1101 = arith.addf %add3A_985, %mul3A_1100 : vector<32xbf16>
      %add3A_1102 = arith.constant 10 : i32
      %add3A_1103 = vector.broadcast %add3A_1102 : i32 to vector<16xi32>
      %add3A_1104 = arith.addi %mul3A_16, %add3A_1103 : vector<16xi32>
      %gather3A_1105 = tpu.vector_load_idx %arg7[%add3A_1104] : memref<2832xi32, #tpu.memory_space<vmem>>[vector<16xi32>], vector<16xi32>,
      %add3A_1106 = arith.constant 0 : i32
      %add3A_1107 = vector.broadcast %add3A_1106 : i32 to vector<16xi32>
      %add3A_1108 = arith.addi %gather3A_989, %add3A_1107 : vector<16xi32>
      %gather3A_1109 = tpu.vector_load_idx %arg10[%add3A_1108] : memref<38432xi32, #tpu.memory_space<vmem>>[vector<16xi32>], vector<16xi32>,
      %add3A_1110 = arith.constant 1201 : i32
      %add3A_1111 = vector.broadcast %add3A_1110 : i32 to vector<16xi32>
      %add3A_1112 = arith.addi %gather3A_989, %add3A_1111 : vector<16xi32>
      %gather3A_1113 = tpu.vector_load_idx %arg10[%add3A_1112] : memref<38432xi32, #tpu.memory_space<vmem>>[vector<16xi32>], vector<16xi32>,
      %add3A_1114 = arith.constant 2402 : i32
      %add3A_1115 = vector.broadcast %add3A_1114 : i32 to vector<16xi32>
      %add3A_1116 = arith.addi %gather3A_989, %add3A_1115 : vector<16xi32>
      %gather3A_1117 = tpu.vector_load_idx %arg10[%add3A_1116] : memref<38432xi32, #tpu.memory_space<vmem>>[vector<16xi32>], vector<16xi32>,
      %add3A_1118 = arith.constant 3603 : i32
      %add3A_1119 = vector.broadcast %add3A_1118 : i32 to vector<16xi32>
      %add3A_1120 = arith.addi %gather3A_989, %add3A_1119 : vector<16xi32>
      %gather3A_1121 = tpu.vector_load_idx %arg10[%add3A_1120] : memref<38432xi32, #tpu.memory_space<vmem>>[vector<16xi32>], vector<16xi32>,
      %add3A_1122 = arith.constant 4804 : i32
      %add3A_1123 = vector.broadcast %add3A_1122 : i32 to vector<16xi32>
      %add3A_1124 = arith.addi %gather3A_989, %add3A_1123 : vector<16xi32>
      %gather3A_1125 = tpu.vector_load_idx %arg10[%add3A_1124] : memref<38432xi32, #tpu.memory_space<vmem>>[vector<16xi32>], vector<16xi32>,
      %add3A_1126 = arith.constant 6005 : i32
      %add3A_1127 = vector.broadcast %add3A_1126 : i32 to vector<16xi32>
      %add3A_1128 = arith.addi %gather3A_989, %add3A_1127 : vector<16xi32>
      %gather3A_1129 = tpu.vector_load_idx %arg10[%add3A_1128] : memref<38432xi32, #tpu.memory_space<vmem>>[vector<16xi32>], vector<16xi32>,
      %add3A_1130 = arith.constant 7206 : i32
      %add3A_1131 = vector.broadcast %add3A_1130 : i32 to vector<16xi32>
      %add3A_1132 = arith.addi %gather3A_989, %add3A_1131 : vector<16xi32>
      %gather3A_1133 = tpu.vector_load_idx %arg10[%add3A_1132] : memref<38432xi32, #tpu.memory_space<vmem>>[vector<16xi32>], vector<16xi32>,
      %add3A_1134 = arith.constant 8407 : i32
      %add3A_1135 = vector.broadcast %add3A_1134 : i32 to vector<16xi32>
      %add3A_1136 = arith.addi %gather3A_989, %add3A_1135 : vector<16xi32>
      %gather3A_1137 = tpu.vector_load_idx %arg10[%add3A_1136] : memref<38432xi32, #tpu.memory_space<vmem>>[vector<16xi32>], vector<16xi32>,
      %add3A_1138 = arith.constant 9608 : i32
      %add3A_1139 = vector.broadcast %add3A_1138 : i32 to vector<16xi32>
      %add3A_1140 = arith.addi %gather3A_989, %add3A_1139 : vector<16xi32>
      %gather3A_1141 = tpu.vector_load_idx %arg10[%add3A_1140] : memref<38432xi32, #tpu.memory_space<vmem>>[vector<16xi32>], vector<16xi32>,
      %add3A_1142 = arith.constant 10809 : i32
      %add3A_1143 = vector.broadcast %add3A_1142 : i32 to vector<16xi32>
      %add3A_1144 = arith.addi %gather3A_989, %add3A_1143 : vector<16xi32>
      %gather3A_1145 = tpu.vector_load_idx %arg10[%add3A_1144] : memref<38432xi32, #tpu.memory_space<vmem>>[vector<16xi32>], vector<16xi32>,
      %add3A_1146 = arith.constant 12010 : i32
      %add3A_1147 = vector.broadcast %add3A_1146 : i32 to vector<16xi32>
      %add3A_1148 = arith.addi %gather3A_989, %add3A_1147 : vector<16xi32>
      %gather3A_1149 = tpu.vector_load_idx %arg10[%add3A_1148] : memref<38432xi32, #tpu.memory_space<vmem>>[vector<16xi32>], vector<16xi32>,
      %add3A_1150 = arith.constant 13211 : i32
      %add3A_1151 = vector.broadcast %add3A_1150 : i32 to vector<16xi32>
      %add3A_1152 = arith.addi %gather3A_989, %add3A_1151 : vector<16xi32>
      %gather3A_1153 = tpu.vector_load_idx %arg10[%add3A_1152] : memref<38432xi32, #tpu.memory_space<vmem>>[vector<16xi32>], vector<16xi32>,
      %add3A_1154 = arith.constant 14412 : i32
      %add3A_1155 = vector.broadcast %add3A_1154 : i32 to vector<16xi32>
      %add3A_1156 = arith.addi %gather3A_989, %add3A_1155 : vector<16xi32>
      %gather3A_1157 = tpu.vector_load_idx %arg10[%add3A_1156] : memref<38432xi32, #tpu.memory_space<vmem>>[vector<16xi32>], vector<16xi32>,
      %add3A_1158 = arith.constant 15613 : i32
      %add3A_1159 = vector.broadcast %add3A_1158 : i32 to vector<16xi32>
      %add3A_1160 = arith.addi %gather3A_989, %add3A_1159 : vector<16xi32>
      %gather3A_1161 = tpu.vector_load_idx %arg10[%add3A_1160] : memref<38432xi32, #tpu.memory_space<vmem>>[vector<16xi32>], vector<16xi32>,
      %add3A_1162 = arith.constant 16814 : i32
      %add3A_1163 = vector.broadcast %add3A_1162 : i32 to vector<16xi32>
      %add3A_1164 = arith.addi %gather3A_989, %add3A_1163 : vector<16xi32>
      %gather3A_1165 = tpu.vector_load_idx %arg10[%add3A_1164] : memref<38432xi32, #tpu.memory_space<vmem>>[vector<16xi32>], vector<16xi32>,
      %add3A_1166 = arith.constant 18015 : i32
      %add3A_1167 = vector.broadcast %add3A_1166 : i32 to vector<16xi32>
      %add3A_1168 = arith.addi %gather3A_989, %add3A_1167 : vector<16xi32>
      %gather3A_1169 = tpu.vector_load_idx %arg10[%add3A_1168] : memref<38432xi32, #tpu.memory_space<vmem>>[vector<16xi32>], vector<16xi32>,
      %bitcast3A_1170 = vector.bitcast %gather3A_1109 : vector<16xi32> to vector<32xbf16>
      %mul3A_1171 = arith.mulf %broadcast_in_dim3A_0, %bitcast3A_1170 : vector<32xbf16>
      %add3A_1172 = arith.addf %add3A_1056, %mul3A_1171 : vector<32xbf16>
      %bitcast3A_1173 = vector.bitcast %gather3A_1113 : vector<16xi32> to vector<32xbf16>
      %mul3A_1174 = arith.mulf %broadcast_in_dim3A_0, %bitcast3A_1173 : vector<32xbf16>
      %add3A_1175 = arith.addf %add3A_1059, %mul3A_1174 : vector<32xbf16>
      %bitcast3A_1176 = vector.bitcast %gather3A_1117 : vector<16xi32> to vector<32xbf16>
      %mul3A_1177 = arith.mulf %broadcast_in_dim3A_0, %bitcast3A_1176 : vector<32xbf16>
      %add3A_1178 = arith.addf %add3A_1062, %mul3A_1177 : vector<32xbf16>
      %bitcast3A_1179 = vector.bitcast %gather3A_1121 : vector<16xi32> to vector<32xbf16>
      %mul3A_1180 = arith.mulf %broadcast_in_dim3A_0, %bitcast3A_1179 : vector<32xbf16>
      %add3A_1181 = arith.addf %add3A_1065, %mul3A_1180 : vector<32xbf16>
      %bitcast3A_1182 = vector.bitcast %gather3A_1125 : vector<16xi32> to vector<32xbf16>
      %mul3A_1183 = arith.mulf %broadcast_in_dim3A_0, %bitcast3A_1182 : vector<32xbf16>
      %add3A_1184 = arith.addf %add3A_1068, %mul3A_1183 : vector<32xbf16>
      %bitcast3A_1185 = vector.bitcast %gather3A_1129 : vector<16xi32> to vector<32xbf16>
      %mul3A_1186 = arith.mulf %broadcast_in_dim3A_0, %bitcast3A_1185 : vector<32xbf16>
      %add3A_1187 = arith.addf %add3A_1071, %mul3A_1186 : vector<32xbf16>
      %bitcast3A_1188 = vector.bitcast %gather3A_1133 : vector<16xi32> to vector<32xbf16>
      %mul3A_1189 = arith.mulf %broadcast_in_dim3A_0, %bitcast3A_1188 : vector<32xbf16>
      %add3A_1190 = arith.addf %add3A_1074, %mul3A_1189 : vector<32xbf16>
      %bitcast3A_1191 = vector.bitcast %gather3A_1137 : vector<16xi32> to vector<32xbf16>
      %mul3A_1192 = arith.mulf %broadcast_in_dim3A_0, %bitcast3A_1191 : vector<32xbf16>
      %add3A_1193 = arith.addf %add3A_1077, %mul3A_1192 : vector<32xbf16>
      %bitcast3A_1194 = vector.bitcast %gather3A_1141 : vector<16xi32> to vector<32xbf16>
      %mul3A_1195 = arith.mulf %broadcast_in_dim3A_0, %bitcast3A_1194 : vector<32xbf16>
      %add3A_1196 = arith.addf %add3A_1080, %mul3A_1195 : vector<32xbf16>
      %bitcast3A_1197 = vector.bitcast %gather3A_1145 : vector<16xi32> to vector<32xbf16>
      %mul3A_1198 = arith.mulf %broadcast_in_dim3A_0, %bitcast3A_1197 : vector<32xbf16>
      %add3A_1199 = arith.addf %add3A_1083, %mul3A_1198 : vector<32xbf16>
      %bitcast3A_1200 = vector.bitcast %gather3A_1149 : vector<16xi32> to vector<32xbf16>
      %mul3A_1201 = arith.mulf %broadcast_in_dim3A_0, %bitcast3A_1200 : vector<32xbf16>
      %add3A_1202 = arith.addf %add3A_1086, %mul3A_1201 : vector<32xbf16>
      %bitcast3A_1203 = vector.bitcast %gather3A_1153 : vector<16xi32> to vector<32xbf16>
      %mul3A_1204 = arith.mulf %broadcast_in_dim3A_0, %bitcast3A_1203 : vector<32xbf16>
      %add3A_1205 = arith.addf %add3A_1089, %mul3A_1204 : vector<32xbf16>
      %bitcast3A_1206 = vector.bitcast %gather3A_1157 : vector<16xi32> to vector<32xbf16>
      %mul3A_1207 = arith.mulf %broadcast_in_dim3A_0, %bitcast3A_1206 : vector<32xbf16>
      %add3A_1208 = arith.addf %add3A_1092, %mul3A_1207 : vector<32xbf16>
      %bitcast3A_1209 = vector.bitcast %gather3A_1161 : vector<16xi32> to vector<32xbf16>
      %mul3A_1210 = arith.mulf %broadcast_in_dim3A_0, %bitcast3A_1209 : vector<32xbf16>
      %add3A_1211 = arith.addf %add3A_1095, %mul3A_1210 : vector<32xbf16>
      %bitcast3A_1212 = vector.bitcast %gather3A_1165 : vector<16xi32> to vector<32xbf16>
      %mul3A_1213 = arith.mulf %broadcast_in_dim3A_0, %bitcast3A_1212 : vector<32xbf16>
      %add3A_1214 = arith.addf %add3A_1098, %mul3A_1213 : vector<32xbf16>
      %bitcast3A_1215 = vector.bitcast %gather3A_1169 : vector<16xi32> to vector<32xbf16>
      %mul3A_1216 = arith.mulf %broadcast_in_dim3A_0, %bitcast3A_1215 : vector<32xbf16>
      %add3A_1217 = arith.addf %add3A_1101, %mul3A_1216 : vector<32xbf16>
      %gather3A_1218 = tpu.vector_load_idx %arg8[%mul3A_21] : memref<10512xi32, #tpu.memory_space<vmem>>[vector<16xi32>], vector<16xi32>,
      %gather3A_1219 = tpu.vector_load_idx %arg9[%mul3A_21] : memref<10512xi32, #tpu.memory_space<vmem>>[vector<16xi32>], vector<16xi32>,
      %bitcast3A_1220 = vector.bitcast %gather3A_1219 : vector<16xi32> to vector<32xbf16>
      %add3A_1221 = arith.constant 1 : i32
      %add3A_1222 = vector.broadcast %add3A_1221 : i32 to vector<16xi32>
      %add3A_1223 = arith.addi %mul3A_21, %add3A_1222 : vector<16xi32>
      %gather3A_1224 = tpu.vector_load_idx %arg8[%add3A_1223] : memref<10512xi32, #tpu.memory_space<vmem>>[vector<16xi32>], vector<16xi32>,
      %add3A_1225 = arith.constant 1 : i32
      %add3A_1226 = vector.broadcast %add3A_1225 : i32 to vector<16xi32>
      %add3A_1227 = arith.addi %mul3A_21, %add3A_1226 : vector<16xi32>
      %gather3A_1228 = tpu.vector_load_idx %arg9[%add3A_1227] : memref<10512xi32, #tpu.memory_space<vmem>>[vector<16xi32>], vector<16xi32>,
      %bitcast3A_1229 = vector.bitcast %gather3A_1228 : vector<16xi32> to vector<32xbf16>
      %scan3A_1230 = arith.constant 0 : i32
      %scan3A_1231 = arith.constant 20 : i32
      %scan3A_1232 = arith.addi %scan3A_1230, %scan3A_1231 : i32
      %scan3A_1233 = arith.constant 1 : i32
      %scan3A_1234:20 = scf.for %scan3A_2575 = %scan3A_1230 to %scan3A_1232 step %scan3A_1233 iter_args(%scan3A_2576 = %add3A_1172, %scan3A_2577 = %add3A_1175, %scan3A_2578 = %add3A_1178, %scan3A_2579 = %add3A_1181, %scan3A_2580 = %add3A_1184, %scan3A_2581 = %add3A_1187, %scan3A_2582 = %add3A_1190, %scan3A_2583 = %add3A_1193, %scan3A_2584 = %add3A_1196, %scan3A_2585 = %add3A_1199, %scan3A_2586 = %add3A_1202, %scan3A_2587 = %add3A_1205, %scan3A_2588 = %add3A_1208, %scan3A_2589 = %add3A_1211, %scan3A_2590 = %add3A_1214, %scan3A_2591 = %add3A_1217, %scan3A_2592 = %gather3A_1218, %scan3A_2593 = %bitcast3A_1220, %scan3A_2594 = %gather3A_1224, %scan3A_2595 = %bitcast3A_1229) -> (vector<32xbf16>, vector<32xbf16>, vector<32xbf16>, vector<32xbf16>, vector<32xbf16>, vector<32xbf16>, vector<32xbf16>, vector<32xbf16>, vector<32xbf16>, vector<32xbf16>, vector<32xbf16>, vector<32xbf16>, vector<32xbf16>, vector<32xbf16>, vector<32xbf16>, vector<32xbf16>, vector<16xi32>, vector<32xbf16>, vector<16xi32>, vector<32xbf16>)  : i32 {
        %mul3A_2596 = arith.constant 2 : i32
        %mul3A_2597 = arith.muli %mul3A_2596, %scan3A_2575 : i32
        %add3A_2598 = vector.broadcast %mul3A_2597 : i32 to vector<16xi32>
        %add3A_2599 = arith.addi %mul3A_21, %add3A_2598 : vector<16xi32>
        %add3A_2600 = arith.constant 2 : i32
        %add3A_2601 = vector.broadcast %add3A_2600 : i32 to vector<16xi32>
        %add3A_2602 = arith.addi %add3A_2599, %add3A_2601 : vector<16xi32>
        %gather3A_2603 = tpu.vector_load_idx %arg8[%add3A_2602] : memref<10512xi32, #tpu.memory_space<vmem>>[vector<16xi32>], vector<16xi32>,
        %add3A_2604 = arith.constant 2 : i32
        %add3A_2605 = vector.broadcast %add3A_2604 : i32 to vector<16xi32>
        %add3A_2606 = arith.addi %add3A_2599, %add3A_2605 : vector<16xi32>
        %gather3A_2607 = tpu.vector_load_idx %arg9[%add3A_2606] : memref<10512xi32, #tpu.memory_space<vmem>>[vector<16xi32>], vector<16xi32>,
        %bitcast3A_2608 = vector.bitcast %gather3A_2607 : vector<16xi32> to vector<32xbf16>
        %add3A_2609 = arith.constant 3 : i32
        %add3A_2610 = vector.broadcast %add3A_2609 : i32 to vector<16xi32>
        %add3A_2611 = arith.addi %add3A_2599, %add3A_2610 : vector<16xi32>
        %gather3A_2612 = tpu.vector_load_idx %arg8[%add3A_2611] : memref<10512xi32, #tpu.memory_space<vmem>>[vector<16xi32>], vector<16xi32>,
        %add3A_2613 = arith.constant 3 : i32
        %add3A_2614 = vector.broadcast %add3A_2613 : i32 to vector<16xi32>
        %add3A_2615 = arith.addi %add3A_2599, %add3A_2614 : vector<16xi32>
        %gather3A_2616 = tpu.vector_load_idx %arg9[%add3A_2615] : memref<10512xi32, #tpu.memory_space<vmem>>[vector<16xi32>], vector<16xi32>,
        %bitcast3A_2617 = vector.bitcast %gather3A_2616 : vector<16xi32> to vector<32xbf16>
        %add3A_2618 = arith.constant 0 : i32
        %add3A_2619 = vector.broadcast %add3A_2618 : i32 to vector<16xi32>
        %add3A_2620 = arith.addi %scan3A_2592, %add3A_2619 : vector<16xi32>
        %gather3A_2621 = tpu.vector_load_idx %arg10[%add3A_2620] : memref<38432xi32, #tpu.memory_space<vmem>>[vector<16xi32>], vector<16xi32>,
        %add3A_2622 = arith.constant 1201 : i32
        %add3A_2623 = vector.broadcast %add3A_2622 : i32 to vector<16xi32>
        %add3A_2624 = arith.addi %scan3A_2592, %add3A_2623 : vector<16xi32>
        %gather3A_2625 = tpu.vector_load_idx %arg10[%add3A_2624] : memref<38432xi32, #tpu.memory_space<vmem>>[vector<16xi32>], vector<16xi32>,
        %add3A_2626 = arith.constant 2402 : i32
        %add3A_2627 = vector.broadcast %add3A_2626 : i32 to vector<16xi32>
        %add3A_2628 = arith.addi %scan3A_2592, %add3A_2627 : vector<16xi32>
        %gather3A_2629 = tpu.vector_load_idx %arg10[%add3A_2628] : memref<38432xi32, #tpu.memory_space<vmem>>[vector<16xi32>], vector<16xi32>,
        %add3A_2630 = arith.constant 3603 : i32
        %add3A_2631 = vector.broadcast %add3A_2630 : i32 to vector<16xi32>
        %add3A_2632 = arith.addi %scan3A_2592, %add3A_2631 : vector<16xi32>
        %gather3A_2633 = tpu.vector_load_idx %arg10[%add3A_2632] : memref<38432xi32, #tpu.memory_space<vmem>>[vector<16xi32>], vector<16xi32>,
        %add3A_2634 = arith.constant 4804 : i32
        %add3A_2635 = vector.broadcast %add3A_2634 : i32 to vector<16xi32>
        %add3A_2636 = arith.addi %scan3A_2592, %add3A_2635 : vector<16xi32>
        %gather3A_2637 = tpu.vector_load_idx %arg10[%add3A_2636] : memref<38432xi32, #tpu.memory_space<vmem>>[vector<16xi32>], vector<16xi32>,
        %add3A_2638 = arith.constant 6005 : i32
        %add3A_2639 = vector.broadcast %add3A_2638 : i32 to vector<16xi32>
        %add3A_2640 = arith.addi %scan3A_2592, %add3A_2639 : vector<16xi32>
        %gather3A_2641 = tpu.vector_load_idx %arg10[%add3A_2640] : memref<38432xi32, #tpu.memory_space<vmem>>[vector<16xi32>], vector<16xi32>,
        %add3A_2642 = arith.constant 7206 : i32
        %add3A_2643 = vector.broadcast %add3A_2642 : i32 to vector<16xi32>
        %add3A_2644 = arith.addi %scan3A_2592, %add3A_2643 : vector<16xi32>
        %gather3A_2645 = tpu.vector_load_idx %arg10[%add3A_2644] : memref<38432xi32, #tpu.memory_space<vmem>>[vector<16xi32>], vector<16xi32>,
        %add3A_2646 = arith.constant 8407 : i32
        %add3A_2647 = vector.broadcast %add3A_2646 : i32 to vector<16xi32>
        %add3A_2648 = arith.addi %scan3A_2592, %add3A_2647 : vector<16xi32>
        %gather3A_2649 = tpu.vector_load_idx %arg10[%add3A_2648] : memref<38432xi32, #tpu.memory_space<vmem>>[vector<16xi32>], vector<16xi32>,
        %add3A_2650 = arith.constant 9608 : i32
        %add3A_2651 = vector.broadcast %add3A_2650 : i32 to vector<16xi32>
        %add3A_2652 = arith.addi %scan3A_2592, %add3A_2651 : vector<16xi32>
        %gather3A_2653 = tpu.vector_load_idx %arg10[%add3A_2652] : memref<38432xi32, #tpu.memory_space<vmem>>[vector<16xi32>], vector<16xi32>,
        %add3A_2654 = arith.constant 10809 : i32
        %add3A_2655 = vector.broadcast %add3A_2654 : i32 to vector<16xi32>
        %add3A_2656 = arith.addi %scan3A_2592, %add3A_2655 : vector<16xi32>
        %gather3A_2657 = tpu.vector_load_idx %arg10[%add3A_2656] : memref<38432xi32, #tpu.memory_space<vmem>>[vector<16xi32>], vector<16xi32>,
        %add3A_2658 = arith.constant 12010 : i32
        %add3A_2659 = vector.broadcast %add3A_2658 : i32 to vector<16xi32>
        %add3A_2660 = arith.addi %scan3A_2592, %add3A_2659 : vector<16xi32>
        %gather3A_2661 = tpu.vector_load_idx %arg10[%add3A_2660] : memref<38432xi32, #tpu.memory_space<vmem>>[vector<16xi32>], vector<16xi32>,
        %add3A_2662 = arith.constant 13211 : i32
        %add3A_2663 = vector.broadcast %add3A_2662 : i32 to vector<16xi32>
        %add3A_2664 = arith.addi %scan3A_2592, %add3A_2663 : vector<16xi32>
        %gather3A_2665 = tpu.vector_load_idx %arg10[%add3A_2664] : memref<38432xi32, #tpu.memory_space<vmem>>[vector<16xi32>], vector<16xi32>,
        %add3A_2666 = arith.constant 14412 : i32
        %add3A_2667 = vector.broadcast %add3A_2666 : i32 to vector<16xi32>
        %add3A_2668 = arith.addi %scan3A_2592, %add3A_2667 : vector<16xi32>
        %gather3A_2669 = tpu.vector_load_idx %arg10[%add3A_2668] : memref<38432xi32, #tpu.memory_space<vmem>>[vector<16xi32>], vector<16xi32>,
        %add3A_2670 = arith.constant 15613 : i32
        %add3A_2671 = vector.broadcast %add3A_2670 : i32 to vector<16xi32>
        %add3A_2672 = arith.addi %scan3A_2592, %add3A_2671 : vector<16xi32>
        %gather3A_2673 = tpu.vector_load_idx %arg10[%add3A_2672] : memref<38432xi32, #tpu.memory_space<vmem>>[vector<16xi32>], vector<16xi32>,
        %add3A_2674 = arith.constant 16814 : i32
        %add3A_2675 = vector.broadcast %add3A_2674 : i32 to vector<16xi32>
        %add3A_2676 = arith.addi %scan3A_2592, %add3A_2675 : vector<16xi32>
        %gather3A_2677 = tpu.vector_load_idx %arg10[%add3A_2676] : memref<38432xi32, #tpu.memory_space<vmem>>[vector<16xi32>], vector<16xi32>,
        %add3A_2678 = arith.constant 18015 : i32
        %add3A_2679 = vector.broadcast %add3A_2678 : i32 to vector<16xi32>
        %add3A_2680 = arith.addi %scan3A_2592, %add3A_2679 : vector<16xi32>
        %gather3A_2681 = tpu.vector_load_idx %arg10[%add3A_2680] : memref<38432xi32, #tpu.memory_space<vmem>>[vector<16xi32>], vector<16xi32>,
        %bitcast3A_2682 = vector.bitcast %gather3A_2621 : vector<16xi32> to vector<32xbf16>
        %mul3A_2683 = arith.mulf %scan3A_2593, %bitcast3A_2682 : vector<32xbf16>
        %add3A_2684 = arith.addf %scan3A_2576, %mul3A_2683 : vector<32xbf16>
        %bitcast3A_2685 = vector.bitcast %gather3A_2625 : vector<16xi32> to vector<32xbf16>
        %mul3A_2686 = arith.mulf %scan3A_2593, %bitcast3A_2685 : vector<32xbf16>
        %add3A_2687 = arith.addf %scan3A_2577, %mul3A_2686 : vector<32xbf16>
        %bitcast3A_2688 = vector.bitcast %gather3A_2629 : vector<16xi32> to vector<32xbf16>
        %mul3A_2689 = arith.mulf %scan3A_2593, %bitcast3A_2688 : vector<32xbf16>
        %add3A_2690 = arith.addf %scan3A_2578, %mul3A_2689 : vector<32xbf16>
        %bitcast3A_2691 = vector.bitcast %gather3A_2633 : vector<16xi32> to vector<32xbf16>
        %mul3A_2692 = arith.mulf %scan3A_2593, %bitcast3A_2691 : vector<32xbf16>
        %add3A_2693 = arith.addf %scan3A_2579, %mul3A_2692 : vector<32xbf16>
        %bitcast3A_2694 = vector.bitcast %gather3A_2637 : vector<16xi32> to vector<32xbf16>
        %mul3A_2695 = arith.mulf %scan3A_2593, %bitcast3A_2694 : vector<32xbf16>
        %add3A_2696 = arith.addf %scan3A_2580, %mul3A_2695 : vector<32xbf16>
        %bitcast3A_2697 = vector.bitcast %gather3A_2641 : vector<16xi32> to vector<32xbf16>
        %mul3A_2698 = arith.mulf %scan3A_2593, %bitcast3A_2697 : vector<32xbf16>
        %add3A_2699 = arith.addf %scan3A_2581, %mul3A_2698 : vector<32xbf16>
        %bitcast3A_2700 = vector.bitcast %gather3A_2645 : vector<16xi32> to vector<32xbf16>
        %mul3A_2701 = arith.mulf %scan3A_2593, %bitcast3A_2700 : vector<32xbf16>
        %add3A_2702 = arith.addf %scan3A_2582, %mul3A_2701 : vector<32xbf16>
        %bitcast3A_2703 = vector.bitcast %gather3A_2649 : vector<16xi32> to vector<32xbf16>
        %mul3A_2704 = arith.mulf %scan3A_2593, %bitcast3A_2703 : vector<32xbf16>
        %add3A_2705 = arith.addf %scan3A_2583, %mul3A_2704 : vector<32xbf16>
        %bitcast3A_2706 = vector.bitcast %gather3A_2653 : vector<16xi32> to vector<32xbf16>
        %mul3A_2707 = arith.mulf %scan3A_2593, %bitcast3A_2706 : vector<32xbf16>
        %add3A_2708 = arith.addf %scan3A_2584, %mul3A_2707 : vector<32xbf16>
        %bitcast3A_2709 = vector.bitcast %gather3A_2657 : vector<16xi32> to vector<32xbf16>
        %mul3A_2710 = arith.mulf %scan3A_2593, %bitcast3A_2709 : vector<32xbf16>
        %add3A_2711 = arith.addf %scan3A_2585, %mul3A_2710 : vector<32xbf16>
        %bitcast3A_2712 = vector.bitcast %gather3A_2661 : vector<16xi32> to vector<32xbf16>
        %mul3A_2713 = arith.mulf %scan3A_2593, %bitcast3A_2712 : vector<32xbf16>
        %add3A_2714 = arith.addf %scan3A_2586, %mul3A_2713 : vector<32xbf16>
        %bitcast3A_2715 = vector.bitcast %gather3A_2665 : vector<16xi32> to vector<32xbf16>
        %mul3A_2716 = arith.mulf %scan3A_2593, %bitcast3A_2715 : vector<32xbf16>
        %add3A_2717 = arith.addf %scan3A_2587, %mul3A_2716 : vector<32xbf16>
        %bitcast3A_2718 = vector.bitcast %gather3A_2669 : vector<16xi32> to vector<32xbf16>
        %mul3A_2719 = arith.mulf %scan3A_2593, %bitcast3A_2718 : vector<32xbf16>
        %add3A_2720 = arith.addf %scan3A_2588, %mul3A_2719 : vector<32xbf16>
        %bitcast3A_2721 = vector.bitcast %gather3A_2673 : vector<16xi32> to vector<32xbf16>
        %mul3A_2722 = arith.mulf %scan3A_2593, %bitcast3A_2721 : vector<32xbf16>
        %add3A_2723 = arith.addf %scan3A_2589, %mul3A_2722 : vector<32xbf16>
        %bitcast3A_2724 = vector.bitcast %gather3A_2677 : vector<16xi32> to vector<32xbf16>
        %mul3A_2725 = arith.mulf %scan3A_2593, %bitcast3A_2724 : vector<32xbf16>
        %add3A_2726 = arith.addf %scan3A_2590, %mul3A_2725 : vector<32xbf16>
        %bitcast3A_2727 = vector.bitcast %gather3A_2681 : vector<16xi32> to vector<32xbf16>
        %mul3A_2728 = arith.mulf %scan3A_2593, %bitcast3A_2727 : vector<32xbf16>
        %add3A_2729 = arith.addf %scan3A_2591, %mul3A_2728 : vector<32xbf16>
        %add3A_2730 = arith.constant 0 : i32
        %add3A_2731 = vector.broadcast %add3A_2730 : i32 to vector<16xi32>
        %add3A_2732 = arith.addi %scan3A_2594, %add3A_2731 : vector<16xi32>
        %gather3A_2733 = tpu.vector_load_idx %arg10[%add3A_2732] : memref<38432xi32, #tpu.memory_space<vmem>>[vector<16xi32>], vector<16xi32>,
        %add3A_2734 = arith.constant 1201 : i32
        %add3A_2735 = vector.broadcast %add3A_2734 : i32 to vector<16xi32>
        %add3A_2736 = arith.addi %scan3A_2594, %add3A_2735 : vector<16xi32>
        %gather3A_2737 = tpu.vector_load_idx %arg10[%add3A_2736] : memref<38432xi32, #tpu.memory_space<vmem>>[vector<16xi32>], vector<16xi32>,
        %add3A_2738 = arith.constant 2402 : i32
        %add3A_2739 = vector.broadcast %add3A_2738 : i32 to vector<16xi32>
        %add3A_2740 = arith.addi %scan3A_2594, %add3A_2739 : vector<16xi32>
        %gather3A_2741 = tpu.vector_load_idx %arg10[%add3A_2740] : memref<38432xi32, #tpu.memory_space<vmem>>[vector<16xi32>], vector<16xi32>,
        %add3A_2742 = arith.constant 3603 : i32
        %add3A_2743 = vector.broadcast %add3A_2742 : i32 to vector<16xi32>
        %add3A_2744 = arith.addi %scan3A_2594, %add3A_2743 : vector<16xi32>
        %gather3A_2745 = tpu.vector_load_idx %arg10[%add3A_2744] : memref<38432xi32, #tpu.memory_space<vmem>>[vector<16xi32>], vector<16xi32>,
        %add3A_2746 = arith.constant 4804 : i32
        %add3A_2747 = vector.broadcast %add3A_2746 : i32 to vector<16xi32>
        %add3A_2748 = arith.addi %scan3A_2594, %add3A_2747 : vector<16xi32>
        %gather3A_2749 = tpu.vector_load_idx %arg10[%add3A_2748] : memref<38432xi32, #tpu.memory_space<vmem>>[vector<16xi32>], vector<16xi32>,
        %add3A_2750 = arith.constant 6005 : i32
        %add3A_2751 = vector.broadcast %add3A_2750 : i32 to vector<16xi32>
        %add3A_2752 = arith.addi %scan3A_2594, %add3A_2751 : vector<16xi32>
        %gather3A_2753 = tpu.vector_load_idx %arg10[%add3A_2752] : memref<38432xi32, #tpu.memory_space<vmem>>[vector<16xi32>], vector<16xi32>,
        %add3A_2754 = arith.constant 7206 : i32
        %add3A_2755 = vector.broadcast %add3A_2754 : i32 to vector<16xi32>
        %add3A_2756 = arith.addi %scan3A_2594, %add3A_2755 : vector<16xi32>
        %gather3A_2757 = tpu.vector_load_idx %arg10[%add3A_2756] : memref<38432xi32, #tpu.memory_space<vmem>>[vector<16xi32>], vector<16xi32>,
        %add3A_2758 = arith.constant 8407 : i32
        %add3A_2759 = vector.broadcast %add3A_2758 : i32 to vector<16xi32>
        %add3A_2760 = arith.addi %scan3A_2594, %add3A_2759 : vector<16xi32>
        %gather3A_2761 = tpu.vector_load_idx %arg10[%add3A_2760] : memref<38432xi32, #tpu.memory_space<vmem>>[vector<16xi32>], vector<16xi32>,
        %add3A_2762 = arith.constant 9608 : i32
        %add3A_2763 = vector.broadcast %add3A_2762 : i32 to vector<16xi32>
        %add3A_2764 = arith.addi %scan3A_2594, %add3A_2763 : vector<16xi32>
        %gather3A_2765 = tpu.vector_load_idx %arg10[%add3A_2764] : memref<38432xi32, #tpu.memory_space<vmem>>[vector<16xi32>], vector<16xi32>,
        %add3A_2766 = arith.constant 10809 : i32
        %add3A_2767 = vector.broadcast %add3A_2766 : i32 to vector<16xi32>
        %add3A_2768 = arith.addi %scan3A_2594, %add3A_2767 : vector<16xi32>
        %gather3A_2769 = tpu.vector_load_idx %arg10[%add3A_2768] : memref<38432xi32, #tpu.memory_space<vmem>>[vector<16xi32>], vector<16xi32>,
        %add3A_2770 = arith.constant 12010 : i32
        %add3A_2771 = vector.broadcast %add3A_2770 : i32 to vector<16xi32>
        %add3A_2772 = arith.addi %scan3A_2594, %add3A_2771 : vector<16xi32>
        %gather3A_2773 = tpu.vector_load_idx %arg10[%add3A_2772] : memref<38432xi32, #tpu.memory_space<vmem>>[vector<16xi32>], vector<16xi32>,
        %add3A_2774 = arith.constant 13211 : i32
        %add3A_2775 = vector.broadcast %add3A_2774 : i32 to vector<16xi32>
        %add3A_2776 = arith.addi %scan3A_2594, %add3A_2775 : vector<16xi32>
        %gather3A_2777 = tpu.vector_load_idx %arg10[%add3A_2776] : memref<38432xi32, #tpu.memory_space<vmem>>[vector<16xi32>], vector<16xi32>,
        %add3A_2778 = arith.constant 14412 : i32
        %add3A_2779 = vector.broadcast %add3A_2778 : i32 to vector<16xi32>
        %add3A_2780 = arith.addi %scan3A_2594, %add3A_2779 : vector<16xi32>
        %gather3A_2781 = tpu.vector_load_idx %arg10[%add3A_2780] : memref<38432xi32, #tpu.memory_space<vmem>>[vector<16xi32>], vector<16xi32>,
        %add3A_2782 = arith.constant 15613 : i32
        %add3A_2783 = vector.broadcast %add3A_2782 : i32 to vector<16xi32>
        %add3A_2784 = arith.addi %scan3A_2594, %add3A_2783 : vector<16xi32>
        %gather3A_2785 = tpu.vector_load_idx %arg10[%add3A_2784] : memref<38432xi32, #tpu.memory_space<vmem>>[vector<16xi32>], vector<16xi32>,
        %add3A_2786 = arith.constant 16814 : i32
        %add3A_2787 = vector.broadcast %add3A_2786 : i32 to vector<16xi32>
        %add3A_2788 = arith.addi %scan3A_2594, %add3A_2787 : vector<16xi32>
        %gather3A_2789 = tpu.vector_load_idx %arg10[%add3A_2788] : memref<38432xi32, #tpu.memory_space<vmem>>[vector<16xi32>], vector<16xi32>,
        %add3A_2790 = arith.constant 18015 : i32
        %add3A_2791 = vector.broadcast %add3A_2790 : i32 to vector<16xi32>
        %add3A_2792 = arith.addi %scan3A_2594, %add3A_2791 : vector<16xi32>
        %gather3A_2793 = tpu.vector_load_idx %arg10[%add3A_2792] : memref<38432xi32, #tpu.memory_space<vmem>>[vector<16xi32>], vector<16xi32>,
        %bitcast3A_2794 = vector.bitcast %gather3A_2733 : vector<16xi32> to vector<32xbf16>
        %mul3A_2795 = arith.mulf %scan3A_2595, %bitcast3A_2794 : vector<32xbf16>
        %add3A_2796 = arith.addf %add3A_2684, %mul3A_2795 : vector<32xbf16>
        %bitcast3A_2797 = vector.bitcast %gather3A_2737 : vector<16xi32> to vector<32xbf16>
        %mul3A_2798 = arith.mulf %scan3A_2595, %bitcast3A_2797 : vector<32xbf16>
        %add3A_2799 = arith.addf %add3A_2687, %mul3A_2798 : vector<32xbf16>
        %bitcast3A_2800 = vector.bitcast %gather3A_2741 : vector<16xi32> to vector<32xbf16>
        %mul3A_2801 = arith.mulf %scan3A_2595, %bitcast3A_2800 : vector<32xbf16>
        %add3A_2802 = arith.addf %add3A_2690, %mul3A_2801 : vector<32xbf16>
        %bitcast3A_2803 = vector.bitcast %gather3A_2745 : vector<16xi32> to vector<32xbf16>
        %mul3A_2804 = arith.mulf %scan3A_2595, %bitcast3A_2803 : vector<32xbf16>
        %add3A_2805 = arith.addf %add3A_2693, %mul3A_2804 : vector<32xbf16>
        %bitcast3A_2806 = vector.bitcast %gather3A_2749 : vector<16xi32> to vector<32xbf16>
        %mul3A_2807 = arith.mulf %scan3A_2595, %bitcast3A_2806 : vector<32xbf16>
        %add3A_2808 = arith.addf %add3A_2696, %mul3A_2807 : vector<32xbf16>
        %bitcast3A_2809 = vector.bitcast %gather3A_2753 : vector<16xi32> to vector<32xbf16>
        %mul3A_2810 = arith.mulf %scan3A_2595, %bitcast3A_2809 : vector<32xbf16>
        %add3A_2811 = arith.addf %add3A_2699, %mul3A_2810 : vector<32xbf16>
        %bitcast3A_2812 = vector.bitcast %gather3A_2757 : vector<16xi32> to vector<32xbf16>
        %mul3A_2813 = arith.mulf %scan3A_2595, %bitcast3A_2812 : vector<32xbf16>
        %add3A_2814 = arith.addf %add3A_2702, %mul3A_2813 : vector<32xbf16>
        %bitcast3A_2815 = vector.bitcast %gather3A_2761 : vector<16xi32> to vector<32xbf16>
        %mul3A_2816 = arith.mulf %scan3A_2595, %bitcast3A_2815 : vector<32xbf16>
        %add3A_2817 = arith.addf %add3A_2705, %mul3A_2816 : vector<32xbf16>
        %bitcast3A_2818 = vector.bitcast %gather3A_2765 : vector<16xi32> to vector<32xbf16>
        %mul3A_2819 = arith.mulf %scan3A_2595, %bitcast3A_2818 : vector<32xbf16>
        %add3A_2820 = arith.addf %add3A_2708, %mul3A_2819 : vector<32xbf16>
        %bitcast3A_2821 = vector.bitcast %gather3A_2769 : vector<16xi32> to vector<32xbf16>
        %mul3A_2822 = arith.mulf %scan3A_2595, %bitcast3A_2821 : vector<32xbf16>
        %add3A_2823 = arith.addf %add3A_2711, %mul3A_2822 : vector<32xbf16>
        %bitcast3A_2824 = vector.bitcast %gather3A_2773 : vector<16xi32> to vector<32xbf16>
        %mul3A_2825 = arith.mulf %scan3A_2595, %bitcast3A_2824 : vector<32xbf16>
        %add3A_2826 = arith.addf %add3A_2714, %mul3A_2825 : vector<32xbf16>
        %bitcast3A_2827 = vector.bitcast %gather3A_2777 : vector<16xi32> to vector<32xbf16>
        %mul3A_2828 = arith.mulf %scan3A_2595, %bitcast3A_2827 : vector<32xbf16>
        %add3A_2829 = arith.addf %add3A_2717, %mul3A_2828 : vector<32xbf16>
        %bitcast3A_2830 = vector.bitcast %gather3A_2781 : vector<16xi32> to vector<32xbf16>
        %mul3A_2831 = arith.mulf %scan3A_2595, %bitcast3A_2830 : vector<32xbf16>
        %add3A_2832 = arith.addf %add3A_2720, %mul3A_2831 : vector<32xbf16>
        %bitcast3A_2833 = vector.bitcast %gather3A_2785 : vector<16xi32> to vector<32xbf16>
        %mul3A_2834 = arith.mulf %scan3A_2595, %bitcast3A_2833 : vector<32xbf16>
        %add3A_2835 = arith.addf %add3A_2723, %mul3A_2834 : vector<32xbf16>
        %bitcast3A_2836 = vector.bitcast %gather3A_2789 : vector<16xi32> to vector<32xbf16>
        %mul3A_2837 = arith.mulf %scan3A_2595, %bitcast3A_2836 : vector<32xbf16>
        %add3A_2838 = arith.addf %add3A_2726, %mul3A_2837 : vector<32xbf16>
        %bitcast3A_2839 = vector.bitcast %gather3A_2793 : vector<16xi32> to vector<32xbf16>
        %mul3A_2840 = arith.mulf %scan3A_2595, %bitcast3A_2839 : vector<32xbf16>
        %add3A_2841 = arith.addf %add3A_2729, %mul3A_2840 : vector<32xbf16>
        scf.yield %add3A_2796, %add3A_2799, %add3A_2802, %add3A_2805, %add3A_2808, %add3A_2811, %add3A_2814, %add3A_2817, %add3A_2820, %add3A_2823, %add3A_2826, %add3A_2829, %add3A_2832, %add3A_2835, %add3A_2838, %add3A_2841, %gather3A_2603, %bitcast3A_2608, %gather3A_2612, %bitcast3A_2617 : vector<32xbf16>, vector<32xbf16>, vector<32xbf16>, vector<32xbf16>, vector<32xbf16>, vector<32xbf16>, vector<32xbf16>, vector<32xbf16>, vector<32xbf16>, vector<32xbf16>, vector<32xbf16>, vector<32xbf16>, vector<32xbf16>, vector<32xbf16>, vector<32xbf16>, vector<32xbf16>, vector<16xi32>, vector<32xbf16>, vector<16xi32>, vector<32xbf16>
      }
      %scan3A_1235 = arith.constant 20 : i32
      %add3A_1236 = arith.constant 0 : i32
      %add3A_1237 = vector.broadcast %add3A_1236 : i32 to vector<16xi32>
      %add3A_1238 = arith.addi %mul3A_26, %add3A_1237 : vector<16xi32>
      %bitcast3A_1239 = vector.bitcast %scan3A_1234#0 : vector<32xbf16> to vector<16xi32>
      tpu.vector_store_idx %arg11[%add3A_1238], %bitcast3A_1239 : memref<8448xi32, #tpu.memory_space<vmem>>[vector<16xi32>], vector<16xi32>,
      %add3A_1240 = arith.constant 1 : i32
      %add3A_1241 = vector.broadcast %add3A_1240 : i32 to vector<16xi32>
      %add3A_1242 = arith.addi %mul3A_26, %add3A_1241 : vector<16xi32>
      %bitcast3A_1243 = vector.bitcast %scan3A_1234#1 : vector<32xbf16> to vector<16xi32>
      tpu.vector_store_idx %arg11[%add3A_1242], %bitcast3A_1243 : memref<8448xi32, #tpu.memory_space<vmem>>[vector<16xi32>], vector<16xi32>,
      %add3A_1244 = arith.constant 2 : i32
      %add3A_1245 = vector.broadcast %add3A_1244 : i32 to vector<16xi32>
      %add3A_1246 = arith.addi %mul3A_26, %add3A_1245 : vector<16xi32>
      %bitcast3A_1247 = vector.bitcast %scan3A_1234#2 : vector<32xbf16> to vector<16xi32>
      tpu.vector_store_idx %arg11[%add3A_1246], %bitcast3A_1247 : memref<8448xi32, #tpu.memory_space<vmem>>[vector<16xi32>], vector<16xi32>,
      %add3A_1248 = arith.constant 3 : i32
      %add3A_1249 = vector.broadcast %add3A_1248 : i32 to vector<16xi32>
      %add3A_1250 = arith.addi %mul3A_26, %add3A_1249 : vector<16xi32>
      %bitcast3A_1251 = vector.bitcast %scan3A_1234#3 : vector<32xbf16> to vector<16xi32>
      tpu.vector_store_idx %arg11[%add3A_1250], %bitcast3A_1251 : memref<8448xi32, #tpu.memory_space<vmem>>[vector<16xi32>], vector<16xi32>,
      %add3A_1252 = arith.constant 4 : i32
      %add3A_1253 = vector.broadcast %add3A_1252 : i32 to vector<16xi32>
      %add3A_1254 = arith.addi %mul3A_26, %add3A_1253 : vector<16xi32>
      %bitcast3A_1255 = vector.bitcast %scan3A_1234#4 : vector<32xbf16> to vector<16xi32>
      tpu.vector_store_idx %arg11[%add3A_1254], %bitcast3A_1255 : memref<8448xi32, #tpu.memory_space<vmem>>[vector<16xi32>], vector<16xi32>,
      %add3A_1256 = arith.constant 5 : i32
      %add3A_1257 = vector.broadcast %add3A_1256 : i32 to vector<16xi32>
      %add3A_1258 = arith.addi %mul3A_26, %add3A_1257 : vector<16xi32>
      %bitcast3A_1259 = vector.bitcast %scan3A_1234#5 : vector<32xbf16> to vector<16xi32>
      tpu.vector_store_idx %arg11[%add3A_1258], %bitcast3A_1259 : memref<8448xi32, #tpu.memory_space<vmem>>[vector<16xi32>], vector<16xi32>,
      %add3A_1260 = arith.constant 6 : i32
      %add3A_1261 = vector.broadcast %add3A_1260 : i32 to vector<16xi32>
      %add3A_1262 = arith.addi %mul3A_26, %add3A_1261 : vector<16xi32>
      %bitcast3A_1263 = vector.bitcast %scan3A_1234#6 : vector<32xbf16> to vector<16xi32>
      tpu.vector_store_idx %arg11[%add3A_1262], %bitcast3A_1263 : memref<8448xi32, #tpu.memory_space<vmem>>[vector<16xi32>], vector<16xi32>,
      %add3A_1264 = arith.constant 7 : i32
      %add3A_1265 = vector.broadcast %add3A_1264 : i32 to vector<16xi32>
      %add3A_1266 = arith.addi %mul3A_26, %add3A_1265 : vector<16xi32>
      %bitcast3A_1267 = vector.bitcast %scan3A_1234#7 : vector<32xbf16> to vector<16xi32>
      tpu.vector_store_idx %arg11[%add3A_1266], %bitcast3A_1267 : memref<8448xi32, #tpu.memory_space<vmem>>[vector<16xi32>], vector<16xi32>,
      %add3A_1268 = arith.constant 8 : i32
      %add3A_1269 = vector.broadcast %add3A_1268 : i32 to vector<16xi32>
      %add3A_1270 = arith.addi %mul3A_26, %add3A_1269 : vector<16xi32>
      %bitcast3A_1271 = vector.bitcast %scan3A_1234#8 : vector<32xbf16> to vector<16xi32>
      tpu.vector_store_idx %arg11[%add3A_1270], %bitcast3A_1271 : memref<8448xi32, #tpu.memory_space<vmem>>[vector<16xi32>], vector<16xi32>,
      %add3A_1272 = arith.constant 9 : i32
      %add3A_1273 = vector.broadcast %add3A_1272 : i32 to vector<16xi32>
      %add3A_1274 = arith.addi %mul3A_26, %add3A_1273 : vector<16xi32>
      %bitcast3A_1275 = vector.bitcast %scan3A_1234#9 : vector<32xbf16> to vector<16xi32>
      tpu.vector_store_idx %arg11[%add3A_1274], %bitcast3A_1275 : memref<8448xi32, #tpu.memory_space<vmem>>[vector<16xi32>], vector<16xi32>,
      %add3A_1276 = arith.constant 10 : i32
      %add3A_1277 = vector.broadcast %add3A_1276 : i32 to vector<16xi32>
      %add3A_1278 = arith.addi %mul3A_26, %add3A_1277 : vector<16xi32>
      %bitcast3A_1279 = vector.bitcast %scan3A_1234#10 : vector<32xbf16> to vector<16xi32>
      tpu.vector_store_idx %arg11[%add3A_1278], %bitcast3A_1279 : memref<8448xi32, #tpu.memory_space<vmem>>[vector<16xi32>], vector<16xi32>,
      %add3A_1280 = arith.constant 11 : i32
      %add3A_1281 = vector.broadcast %add3A_1280 : i32 to vector<16xi32>
      %add3A_1282 = arith.addi %mul3A_26, %add3A_1281 : vector<16xi32>
      %bitcast3A_1283 = vector.bitcast %scan3A_1234#11 : vector<32xbf16> to vector<16xi32>
      tpu.vector_store_idx %arg11[%add3A_1282], %bitcast3A_1283 : memref<8448xi32, #tpu.memory_space<vmem>>[vector<16xi32>], vector<16xi32>,
      %add3A_1284 = arith.constant 12 : i32
      %add3A_1285 = vector.broadcast %add3A_1284 : i32 to vector<16xi32>
      %add3A_1286 = arith.addi %mul3A_26, %add3A_1285 : vector<16xi32>
      %bitcast3A_1287 = vector.bitcast %scan3A_1234#12 : vector<32xbf16> to vector<16xi32>
      tpu.vector_store_idx %arg11[%add3A_1286], %bitcast3A_1287 : memref<8448xi32, #tpu.memory_space<vmem>>[vector<16xi32>], vector<16xi32>,
      %add3A_1288 = arith.constant 13 : i32
      %add3A_1289 = vector.broadcast %add3A_1288 : i32 to vector<16xi32>
      %add3A_1290 = arith.addi %mul3A_26, %add3A_1289 : vector<16xi32>
      %bitcast3A_1291 = vector.bitcast %scan3A_1234#13 : vector<32xbf16> to vector<16xi32>
      tpu.vector_store_idx %arg11[%add3A_1290], %bitcast3A_1291 : memref<8448xi32, #tpu.memory_space<vmem>>[vector<16xi32>], vector<16xi32>,
      %add3A_1292 = arith.constant 14 : i32
      %add3A_1293 = vector.broadcast %add3A_1292 : i32 to vector<16xi32>
      %add3A_1294 = arith.addi %mul3A_26, %add3A_1293 : vector<16xi32>
      %bitcast3A_1295 = vector.bitcast %scan3A_1234#14 : vector<32xbf16> to vector<16xi32>
      tpu.vector_store_idx %arg11[%add3A_1294], %bitcast3A_1295 : memref<8448xi32, #tpu.memory_space<vmem>>[vector<16xi32>], vector<16xi32>,
      %add3A_1296 = arith.constant 15 : i32
      %add3A_1297 = vector.broadcast %add3A_1296 : i32 to vector<16xi32>
      %add3A_1298 = arith.addi %mul3A_26, %add3A_1297 : vector<16xi32>
      %bitcast3A_1299 = vector.bitcast %scan3A_1234#15 : vector<32xbf16> to vector<16xi32>
      tpu.vector_store_idx %arg11[%add3A_1298], %bitcast3A_1299 : memref<8448xi32, #tpu.memory_space<vmem>>[vector<16xi32>], vector<16xi32>,
      %broadcast_in_dim3A_1300 = arith.constant 0.000000e+00 : bf16
      %broadcast_in_dim3A_1301 = vector.broadcast %broadcast_in_dim3A_1300 : bf16 to vector<32xbf16>
      %broadcast_in_dim3A_1302 = arith.constant 0.000000e+00 : bf16
      %broadcast_in_dim3A_1303 = vector.broadcast %broadcast_in_dim3A_1302 : bf16 to vector<32xbf16>
      %broadcast_in_dim3A_1304 = arith.constant 0.000000e+00 : bf16
      %broadcast_in_dim3A_1305 = vector.broadcast %broadcast_in_dim3A_1304 : bf16 to vector<32xbf16>
      %broadcast_in_dim3A_1306 = arith.constant 0.000000e+00 : bf16
      %broadcast_in_dim3A_1307 = vector.broadcast %broadcast_in_dim3A_1306 : bf16 to vector<32xbf16>
      %broadcast_in_dim3A_1308 = arith.constant 0.000000e+00 : bf16
      %broadcast_in_dim3A_1309 = vector.broadcast %broadcast_in_dim3A_1308 : bf16 to vector<32xbf16>
      %broadcast_in_dim3A_1310 = arith.constant 0.000000e+00 : bf16
      %broadcast_in_dim3A_1311 = vector.broadcast %broadcast_in_dim3A_1310 : bf16 to vector<32xbf16>
      %broadcast_in_dim3A_1312 = arith.constant 0.000000e+00 : bf16
      %broadcast_in_dim3A_1313 = vector.broadcast %broadcast_in_dim3A_1312 : bf16 to vector<32xbf16>
      %broadcast_in_dim3A_1314 = arith.constant 0.000000e+00 : bf16
      %broadcast_in_dim3A_1315 = vector.broadcast %broadcast_in_dim3A_1314 : bf16 to vector<32xbf16>
      %broadcast_in_dim3A_1316 = arith.constant 0.000000e+00 : bf16
      %broadcast_in_dim3A_1317 = vector.broadcast %broadcast_in_dim3A_1316 : bf16 to vector<32xbf16>
      %broadcast_in_dim3A_1318 = arith.constant 0.000000e+00 : bf16
      %broadcast_in_dim3A_1319 = vector.broadcast %broadcast_in_dim3A_1318 : bf16 to vector<32xbf16>
      %broadcast_in_dim3A_1320 = arith.constant 0.000000e+00 : bf16
      %broadcast_in_dim3A_1321 = vector.broadcast %broadcast_in_dim3A_1320 : bf16 to vector<32xbf16>
      %broadcast_in_dim3A_1322 = arith.constant 0.000000e+00 : bf16
      %broadcast_in_dim3A_1323 = vector.broadcast %broadcast_in_dim3A_1322 : bf16 to vector<32xbf16>
      %broadcast_in_dim3A_1324 = arith.constant 0.000000e+00 : bf16
      %broadcast_in_dim3A_1325 = vector.broadcast %broadcast_in_dim3A_1324 : bf16 to vector<32xbf16>
      %broadcast_in_dim3A_1326 = arith.constant 0.000000e+00 : bf16
      %broadcast_in_dim3A_1327 = vector.broadcast %broadcast_in_dim3A_1326 : bf16 to vector<32xbf16>
      %broadcast_in_dim3A_1328 = arith.constant 0.000000e+00 : bf16
      %broadcast_in_dim3A_1329 = vector.broadcast %broadcast_in_dim3A_1328 : bf16 to vector<32xbf16>
      %broadcast_in_dim3A_1330 = arith.constant 0.000000e+00 : bf16
      %broadcast_in_dim3A_1331 = vector.broadcast %broadcast_in_dim3A_1330 : bf16 to vector<32xbf16>
      %gather3A_1332 = tpu.vector_load_idx %arg7[%mul3A_16] : memref<2832xi32, #tpu.memory_space<vmem>>[vector<16xi32>], vector<16xi32>,
      %add3A_1333 = arith.constant 1 : i32
      %add3A_1334 = vector.broadcast %add3A_1333 : i32 to vector<16xi32>
      %add3A_1335 = arith.addi %mul3A_16, %add3A_1334 : vector<16xi32>
      %gather3A_1336 = tpu.vector_load_idx %arg7[%add3A_1335] : memref<2832xi32, #tpu.memory_space<vmem>>[vector<16xi32>], vector<16xi32>,
      %add3A_1337 = arith.constant 19216 : i32
      %add3A_1338 = vector.broadcast %add3A_1337 : i32 to vector<16xi32>
      %add3A_1339 = arith.addi %gather3A_1332, %add3A_1338 : vector<16xi32>
      %gather3A_1340 = tpu.vector_load_idx %arg10[%add3A_1339] : memref<38432xi32, #tpu.memory_space<vmem>>[vector<16xi32>], vector<16xi32>,
      %add3A_1341 = arith.constant 20417 : i32
      %add3A_1342 = vector.broadcast %add3A_1341 : i32 to vector<16xi32>
      %add3A_1343 = arith.addi %gather3A_1332, %add3A_1342 : vector<16xi32>
      %gather3A_1344 = tpu.vector_load_idx %arg10[%add3A_1343] : memref<38432xi32, #tpu.memory_space<vmem>>[vector<16xi32>], vector<16xi32>,
      %add3A_1345 = arith.constant 21618 : i32
      %add3A_1346 = vector.broadcast %add3A_1345 : i32 to vector<16xi32>
      %add3A_1347 = arith.addi %gather3A_1332, %add3A_1346 : vector<16xi32>
      %gather3A_1348 = tpu.vector_load_idx %arg10[%add3A_1347] : memref<38432xi32, #tpu.memory_space<vmem>>[vector<16xi32>], vector<16xi32>,
      %add3A_1349 = arith.constant 22819 : i32
      %add3A_1350 = vector.broadcast %add3A_1349 : i32 to vector<16xi32>
      %add3A_1351 = arith.addi %gather3A_1332, %add3A_1350 : vector<16xi32>
      %gather3A_1352 = tpu.vector_load_idx %arg10[%add3A_1351] : memref<38432xi32, #tpu.memory_space<vmem>>[vector<16xi32>], vector<16xi32>,
      %add3A_1353 = arith.constant 24020 : i32
      %add3A_1354 = vector.broadcast %add3A_1353 : i32 to vector<16xi32>
      %add3A_1355 = arith.addi %gather3A_1332, %add3A_1354 : vector<16xi32>
      %gather3A_1356 = tpu.vector_load_idx %arg10[%add3A_1355] : memref<38432xi32, #tpu.memory_space<vmem>>[vector<16xi32>], vector<16xi32>,
      %add3A_1357 = arith.constant 25221 : i32
      %add3A_1358 = vector.broadcast %add3A_1357 : i32 to vector<16xi32>
      %add3A_1359 = arith.addi %gather3A_1332, %add3A_1358 : vector<16xi32>
      %gather3A_1360 = tpu.vector_load_idx %arg10[%add3A_1359] : memref<38432xi32, #tpu.memory_space<vmem>>[vector<16xi32>], vector<16xi32>,
      %add3A_1361 = arith.constant 26422 : i32
      %add3A_1362 = vector.broadcast %add3A_1361 : i32 to vector<16xi32>
      %add3A_1363 = arith.addi %gather3A_1332, %add3A_1362 : vector<16xi32>
      %gather3A_1364 = tpu.vector_load_idx %arg10[%add3A_1363] : memref<38432xi32, #tpu.memory_space<vmem>>[vector<16xi32>], vector<16xi32>,
      %add3A_1365 = arith.constant 27623 : i32
      %add3A_1366 = vector.broadcast %add3A_1365 : i32 to vector<16xi32>
      %add3A_1367 = arith.addi %gather3A_1332, %add3A_1366 : vector<16xi32>
      %gather3A_1368 = tpu.vector_load_idx %arg10[%add3A_1367] : memref<38432xi32, #tpu.memory_space<vmem>>[vector<16xi32>], vector<16xi32>,
      %add3A_1369 = arith.constant 28824 : i32
      %add3A_1370 = vector.broadcast %add3A_1369 : i32 to vector<16xi32>
      %add3A_1371 = arith.addi %gather3A_1332, %add3A_1370 : vector<16xi32>
      %gather3A_1372 = tpu.vector_load_idx %arg10[%add3A_1371] : memref<38432xi32, #tpu.memory_space<vmem>>[vector<16xi32>], vector<16xi32>,
      %add3A_1373 = arith.constant 30025 : i32
      %add3A_1374 = vector.broadcast %add3A_1373 : i32 to vector<16xi32>
      %add3A_1375 = arith.addi %gather3A_1332, %add3A_1374 : vector<16xi32>
      %gather3A_1376 = tpu.vector_load_idx %arg10[%add3A_1375] : memref<38432xi32, #tpu.memory_space<vmem>>[vector<16xi32>], vector<16xi32>,
      %add3A_1377 = arith.constant 31226 : i32
      %add3A_1378 = vector.broadcast %add3A_1377 : i32 to vector<16xi32>
      %add3A_1379 = arith.addi %gather3A_1332, %add3A_1378 : vector<16xi32>
      %gather3A_1380 = tpu.vector_load_idx %arg10[%add3A_1379] : memref<38432xi32, #tpu.memory_space<vmem>>[vector<16xi32>], vector<16xi32>,
      %add3A_1381 = arith.constant 32427 : i32
      %add3A_1382 = vector.broadcast %add3A_1381 : i32 to vector<16xi32>
      %add3A_1383 = arith.addi %gather3A_1332, %add3A_1382 : vector<16xi32>
      %gather3A_1384 = tpu.vector_load_idx %arg10[%add3A_1383] : memref<38432xi32, #tpu.memory_space<vmem>>[vector<16xi32>], vector<16xi32>,
      %add3A_1385 = arith.constant 33628 : i32
      %add3A_1386 = vector.broadcast %add3A_1385 : i32 to vector<16xi32>
      %add3A_1387 = arith.addi %gather3A_1332, %add3A_1386 : vector<16xi32>
      %gather3A_1388 = tpu.vector_load_idx %arg10[%add3A_1387] : memref<38432xi32, #tpu.memory_space<vmem>>[vector<16xi32>], vector<16xi32>,
      %add3A_1389 = arith.constant 34829 : i32
      %add3A_1390 = vector.broadcast %add3A_1389 : i32 to vector<16xi32>
      %add3A_1391 = arith.addi %gather3A_1332, %add3A_1390 : vector<16xi32>
      %gather3A_1392 = tpu.vector_load_idx %arg10[%add3A_1391] : memref<38432xi32, #tpu.memory_space<vmem>>[vector<16xi32>], vector<16xi32>,
      %add3A_1393 = arith.constant 36030 : i32
      %add3A_1394 = vector.broadcast %add3A_1393 : i32 to vector<16xi32>
      %add3A_1395 = arith.addi %gather3A_1332, %add3A_1394 : vector<16xi32>
      %gather3A_1396 = tpu.vector_load_idx %arg10[%add3A_1395] : memref<38432xi32, #tpu.memory_space<vmem>>[vector<16xi32>], vector<16xi32>,
      %add3A_1397 = arith.constant 37231 : i32
      %add3A_1398 = vector.broadcast %add3A_1397 : i32 to vector<16xi32>
      %add3A_1399 = arith.addi %gather3A_1332, %add3A_1398 : vector<16xi32>
      %gather3A_1400 = tpu.vector_load_idx %arg10[%add3A_1399] : memref<38432xi32, #tpu.memory_space<vmem>>[vector<16xi32>], vector<16xi32>,
      %bitcast3A_1401 = vector.bitcast %gather3A_1340 : vector<16xi32> to vector<32xbf16>
      %mul3A_1402 = arith.mulf %broadcast_in_dim3A_0, %bitcast3A_1401 : vector<32xbf16>
      %add3A_1403 = arith.addf %broadcast_in_dim3A_1301, %mul3A_1402 : vector<32xbf16>
      %bitcast3A_1404 = vector.bitcast %gather3A_1344 : vector<16xi32> to vector<32xbf16>
      %mul3A_1405 = arith.mulf %broadcast_in_dim3A_0, %bitcast3A_1404 : vector<32xbf16>
      %add3A_1406 = arith.addf %broadcast_in_dim3A_1303, %mul3A_1405 : vector<32xbf16>
      %bitcast3A_1407 = vector.bitcast %gather3A_1348 : vector<16xi32> to vector<32xbf16>
      %mul3A_1408 = arith.mulf %broadcast_in_dim3A_0, %bitcast3A_1407 : vector<32xbf16>
      %add3A_1409 = arith.addf %broadcast_in_dim3A_1305, %mul3A_1408 : vector<32xbf16>
      %bitcast3A_1410 = vector.bitcast %gather3A_1352 : vector<16xi32> to vector<32xbf16>
      %mul3A_1411 = arith.mulf %broadcast_in_dim3A_0, %bitcast3A_1410 : vector<32xbf16>
      %add3A_1412 = arith.addf %broadcast_in_dim3A_1307, %mul3A_1411 : vector<32xbf16>
      %bitcast3A_1413 = vector.bitcast %gather3A_1356 : vector<16xi32> to vector<32xbf16>
      %mul3A_1414 = arith.mulf %broadcast_in_dim3A_0, %bitcast3A_1413 : vector<32xbf16>
      %add3A_1415 = arith.addf %broadcast_in_dim3A_1309, %mul3A_1414 : vector<32xbf16>
      %bitcast3A_1416 = vector.bitcast %gather3A_1360 : vector<16xi32> to vector<32xbf16>
      %mul3A_1417 = arith.mulf %broadcast_in_dim3A_0, %bitcast3A_1416 : vector<32xbf16>
      %add3A_1418 = arith.addf %broadcast_in_dim3A_1311, %mul3A_1417 : vector<32xbf16>
      %bitcast3A_1419 = vector.bitcast %gather3A_1364 : vector<16xi32> to vector<32xbf16>
      %mul3A_1420 = arith.mulf %broadcast_in_dim3A_0, %bitcast3A_1419 : vector<32xbf16>
      %add3A_1421 = arith.addf %broadcast_in_dim3A_1313, %mul3A_1420 : vector<32xbf16>
      %bitcast3A_1422 = vector.bitcast %gather3A_1368 : vector<16xi32> to vector<32xbf16>
      %mul3A_1423 = arith.mulf %broadcast_in_dim3A_0, %bitcast3A_1422 : vector<32xbf16>
      %add3A_1424 = arith.addf %broadcast_in_dim3A_1315, %mul3A_1423 : vector<32xbf16>
      %bitcast3A_1425 = vector.bitcast %gather3A_1372 : vector<16xi32> to vector<32xbf16>
      %mul3A_1426 = arith.mulf %broadcast_in_dim3A_0, %bitcast3A_1425 : vector<32xbf16>
      %add3A_1427 = arith.addf %broadcast_in_dim3A_1317, %mul3A_1426 : vector<32xbf16>
      %bitcast3A_1428 = vector.bitcast %gather3A_1376 : vector<16xi32> to vector<32xbf16>
      %mul3A_1429 = arith.mulf %broadcast_in_dim3A_0, %bitcast3A_1428 : vector<32xbf16>
      %add3A_1430 = arith.addf %broadcast_in_dim3A_1319, %mul3A_1429 : vector<32xbf16>
      %bitcast3A_1431 = vector.bitcast %gather3A_1380 : vector<16xi32> to vector<32xbf16>
      %mul3A_1432 = arith.mulf %broadcast_in_dim3A_0, %bitcast3A_1431 : vector<32xbf16>
      %add3A_1433 = arith.addf %broadcast_in_dim3A_1321, %mul3A_1432 : vector<32xbf16>
      %bitcast3A_1434 = vector.bitcast %gather3A_1384 : vector<16xi32> to vector<32xbf16>
      %mul3A_1435 = arith.mulf %broadcast_in_dim3A_0, %bitcast3A_1434 : vector<32xbf16>
      %add3A_1436 = arith.addf %broadcast_in_dim3A_1323, %mul3A_1435 : vector<32xbf16>
      %bitcast3A_1437 = vector.bitcast %gather3A_1388 : vector<16xi32> to vector<32xbf16>
      %mul3A_1438 = arith.mulf %broadcast_in_dim3A_0, %bitcast3A_1437 : vector<32xbf16>
      %add3A_1439 = arith.addf %broadcast_in_dim3A_1325, %mul3A_1438 : vector<32xbf16>
      %bitcast3A_1440 = vector.bitcast %gather3A_1392 : vector<16xi32> to vector<32xbf16>
      %mul3A_1441 = arith.mulf %broadcast_in_dim3A_0, %bitcast3A_1440 : vector<32xbf16>
      %add3A_1442 = arith.addf %broadcast_in_dim3A_1327, %mul3A_1441 : vector<32xbf16>
      %bitcast3A_1443 = vector.bitcast %gather3A_1396 : vector<16xi32> to vector<32xbf16>
      %mul3A_1444 = arith.mulf %broadcast_in_dim3A_0, %bitcast3A_1443 : vector<32xbf16>
      %add3A_1445 = arith.addf %broadcast_in_dim3A_1329, %mul3A_1444 : vector<32xbf16>
      %bitcast3A_1446 = vector.bitcast %gather3A_1400 : vector<16xi32> to vector<32xbf16>
      %mul3A_1447 = arith.mulf %broadcast_in_dim3A_0, %bitcast3A_1446 : vector<32xbf16>
      %add3A_1448 = arith.addf %broadcast_in_dim3A_1331, %mul3A_1447 : vector<32xbf16>
      %add3A_1449 = arith.constant 2 : i32
      %add3A_1450 = vector.broadcast %add3A_1449 : i32 to vector<16xi32>
      %add3A_1451 = arith.addi %mul3A_16, %add3A_1450 : vector<16xi32>
      %gather3A_1452 = tpu.vector_load_idx %arg7[%add3A_1451] : memref<2832xi32, #tpu.memory_space<vmem>>[vector<16xi32>], vector<16xi32>,
      %add3A_1453 = arith.constant 19216 : i32
      %add3A_1454 = vector.broadcast %add3A_1453 : i32 to vector<16xi32>
      %add3A_1455 = arith.addi %gather3A_1336, %add3A_1454 : vector<16xi32>
      %gather3A_1456 = tpu.vector_load_idx %arg10[%add3A_1455] : memref<38432xi32, #tpu.memory_space<vmem>>[vector<16xi32>], vector<16xi32>,
      %add3A_1457 = arith.constant 20417 : i32
      %add3A_1458 = vector.broadcast %add3A_1457 : i32 to vector<16xi32>
      %add3A_1459 = arith.addi %gather3A_1336, %add3A_1458 : vector<16xi32>
      %gather3A_1460 = tpu.vector_load_idx %arg10[%add3A_1459] : memref<38432xi32, #tpu.memory_space<vmem>>[vector<16xi32>], vector<16xi32>,
      %add3A_1461 = arith.constant 21618 : i32
      %add3A_1462 = vector.broadcast %add3A_1461 : i32 to vector<16xi32>
      %add3A_1463 = arith.addi %gather3A_1336, %add3A_1462 : vector<16xi32>
      %gather3A_1464 = tpu.vector_load_idx %arg10[%add3A_1463] : memref<38432xi32, #tpu.memory_space<vmem>>[vector<16xi32>], vector<16xi32>,
      %add3A_1465 = arith.constant 22819 : i32
      %add3A_1466 = vector.broadcast %add3A_1465 : i32 to vector<16xi32>
      %add3A_1467 = arith.addi %gather3A_1336, %add3A_1466 : vector<16xi32>
      %gather3A_1468 = tpu.vector_load_idx %arg10[%add3A_1467] : memref<38432xi32, #tpu.memory_space<vmem>>[vector<16xi32>], vector<16xi32>,
      %add3A_1469 = arith.constant 24020 : i32
      %add3A_1470 = vector.broadcast %add3A_1469 : i32 to vector<16xi32>
      %add3A_1471 = arith.addi %gather3A_1336, %add3A_1470 : vector<16xi32>
      %gather3A_1472 = tpu.vector_load_idx %arg10[%add3A_1471] : memref<38432xi32, #tpu.memory_space<vmem>>[vector<16xi32>], vector<16xi32>,
      %add3A_1473 = arith.constant 25221 : i32
      %add3A_1474 = vector.broadcast %add3A_1473 : i32 to vector<16xi32>
      %add3A_1475 = arith.addi %gather3A_1336, %add3A_1474 : vector<16xi32>
      %gather3A_1476 = tpu.vector_load_idx %arg10[%add3A_1475] : memref<38432xi32, #tpu.memory_space<vmem>>[vector<16xi32>], vector<16xi32>,
      %add3A_1477 = arith.constant 26422 : i32
      %add3A_1478 = vector.broadcast %add3A_1477 : i32 to vector<16xi32>
      %add3A_1479 = arith.addi %gather3A_1336, %add3A_1478 : vector<16xi32>
      %gather3A_1480 = tpu.vector_load_idx %arg10[%add3A_1479] : memref<38432xi32, #tpu.memory_space<vmem>>[vector<16xi32>], vector<16xi32>,
      %add3A_1481 = arith.constant 27623 : i32
      %add3A_1482 = vector.broadcast %add3A_1481 : i32 to vector<16xi32>
      %add3A_1483 = arith.addi %gather3A_1336, %add3A_1482 : vector<16xi32>
      %gather3A_1484 = tpu.vector_load_idx %arg10[%add3A_1483] : memref<38432xi32, #tpu.memory_space<vmem>>[vector<16xi32>], vector<16xi32>,
      %add3A_1485 = arith.constant 28824 : i32
      %add3A_1486 = vector.broadcast %add3A_1485 : i32 to vector<16xi32>
      %add3A_1487 = arith.addi %gather3A_1336, %add3A_1486 : vector<16xi32>
      %gather3A_1488 = tpu.vector_load_idx %arg10[%add3A_1487] : memref<38432xi32, #tpu.memory_space<vmem>>[vector<16xi32>], vector<16xi32>,
      %add3A_1489 = arith.constant 30025 : i32
      %add3A_1490 = vector.broadcast %add3A_1489 : i32 to vector<16xi32>
      %add3A_1491 = arith.addi %gather3A_1336, %add3A_1490 : vector<16xi32>
      %gather3A_1492 = tpu.vector_load_idx %arg10[%add3A_1491] : memref<38432xi32, #tpu.memory_space<vmem>>[vector<16xi32>], vector<16xi32>,
      %add3A_1493 = arith.constant 31226 : i32
      %add3A_1494 = vector.broadcast %add3A_1493 : i32 to vector<16xi32>
      %add3A_1495 = arith.addi %gather3A_1336, %add3A_1494 : vector<16xi32>
      %gather3A_1496 = tpu.vector_load_idx %arg10[%add3A_1495] : memref<38432xi32, #tpu.memory_space<vmem>>[vector<16xi32>], vector<16xi32>,
      %add3A_1497 = arith.constant 32427 : i32
      %add3A_1498 = vector.broadcast %add3A_1497 : i32 to vector<16xi32>
      %add3A_1499 = arith.addi %gather3A_1336, %add3A_1498 : vector<16xi32>
      %gather3A_1500 = tpu.vector_load_idx %arg10[%add3A_1499] : memref<38432xi32, #tpu.memory_space<vmem>>[vector<16xi32>], vector<16xi32>,
      %add3A_1501 = arith.constant 33628 : i32
      %add3A_1502 = vector.broadcast %add3A_1501 : i32 to vector<16xi32>
      %add3A_1503 = arith.addi %gather3A_1336, %add3A_1502 : vector<16xi32>
      %gather3A_1504 = tpu.vector_load_idx %arg10[%add3A_1503] : memref<38432xi32, #tpu.memory_space<vmem>>[vector<16xi32>], vector<16xi32>,
      %add3A_1505 = arith.constant 34829 : i32
      %add3A_1506 = vector.broadcast %add3A_1505 : i32 to vector<16xi32>
      %add3A_1507 = arith.addi %gather3A_1336, %add3A_1506 : vector<16xi32>
      %gather3A_1508 = tpu.vector_load_idx %arg10[%add3A_1507] : memref<38432xi32, #tpu.memory_space<vmem>>[vector<16xi32>], vector<16xi32>,
      %add3A_1509 = arith.constant 36030 : i32
      %add3A_1510 = vector.broadcast %add3A_1509 : i32 to vector<16xi32>
      %add3A_1511 = arith.addi %gather3A_1336, %add3A_1510 : vector<16xi32>
      %gather3A_1512 = tpu.vector_load_idx %arg10[%add3A_1511] : memref<38432xi32, #tpu.memory_space<vmem>>[vector<16xi32>], vector<16xi32>,
      %add3A_1513 = arith.constant 37231 : i32
      %add3A_1514 = vector.broadcast %add3A_1513 : i32 to vector<16xi32>
      %add3A_1515 = arith.addi %gather3A_1336, %add3A_1514 : vector<16xi32>
      %gather3A_1516 = tpu.vector_load_idx %arg10[%add3A_1515] : memref<38432xi32, #tpu.memory_space<vmem>>[vector<16xi32>], vector<16xi32>,
      %bitcast3A_1517 = vector.bitcast %gather3A_1456 : vector<16xi32> to vector<32xbf16>
      %mul3A_1518 = arith.mulf %broadcast_in_dim3A_0, %bitcast3A_1517 : vector<32xbf16>
      %add3A_1519 = arith.addf %add3A_1403, %mul3A_1518 : vector<32xbf16>
      %bitcast3A_1520 = vector.bitcast %gather3A_1460 : vector<16xi32> to vector<32xbf16>
      %mul3A_1521 = arith.mulf %broadcast_in_dim3A_0, %bitcast3A_1520 : vector<32xbf16>
      %add3A_1522 = arith.addf %add3A_1406, %mul3A_1521 : vector<32xbf16>
      %bitcast3A_1523 = vector.bitcast %gather3A_1464 : vector<16xi32> to vector<32xbf16>
      %mul3A_1524 = arith.mulf %broadcast_in_dim3A_0, %bitcast3A_1523 : vector<32xbf16>
      %add3A_1525 = arith.addf %add3A_1409, %mul3A_1524 : vector<32xbf16>
      %bitcast3A_1526 = vector.bitcast %gather3A_1468 : vector<16xi32> to vector<32xbf16>
      %mul3A_1527 = arith.mulf %broadcast_in_dim3A_0, %bitcast3A_1526 : vector<32xbf16>
      %add3A_1528 = arith.addf %add3A_1412, %mul3A_1527 : vector<32xbf16>
      %bitcast3A_1529 = vector.bitcast %gather3A_1472 : vector<16xi32> to vector<32xbf16>
      %mul3A_1530 = arith.mulf %broadcast_in_dim3A_0, %bitcast3A_1529 : vector<32xbf16>
      %add3A_1531 = arith.addf %add3A_1415, %mul3A_1530 : vector<32xbf16>
      %bitcast3A_1532 = vector.bitcast %gather3A_1476 : vector<16xi32> to vector<32xbf16>
      %mul3A_1533 = arith.mulf %broadcast_in_dim3A_0, %bitcast3A_1532 : vector<32xbf16>
      %add3A_1534 = arith.addf %add3A_1418, %mul3A_1533 : vector<32xbf16>
      %bitcast3A_1535 = vector.bitcast %gather3A_1480 : vector<16xi32> to vector<32xbf16>
      %mul3A_1536 = arith.mulf %broadcast_in_dim3A_0, %bitcast3A_1535 : vector<32xbf16>
      %add3A_1537 = arith.addf %add3A_1421, %mul3A_1536 : vector<32xbf16>
      %bitcast3A_1538 = vector.bitcast %gather3A_1484 : vector<16xi32> to vector<32xbf16>
      %mul3A_1539 = arith.mulf %broadcast_in_dim3A_0, %bitcast3A_1538 : vector<32xbf16>
      %add3A_1540 = arith.addf %add3A_1424, %mul3A_1539 : vector<32xbf16>
      %bitcast3A_1541 = vector.bitcast %gather3A_1488 : vector<16xi32> to vector<32xbf16>
      %mul3A_1542 = arith.mulf %broadcast_in_dim3A_0, %bitcast3A_1541 : vector<32xbf16>
      %add3A_1543 = arith.addf %add3A_1427, %mul3A_1542 : vector<32xbf16>
      %bitcast3A_1544 = vector.bitcast %gather3A_1492 : vector<16xi32> to vector<32xbf16>
      %mul3A_1545 = arith.mulf %broadcast_in_dim3A_0, %bitcast3A_1544 : vector<32xbf16>
      %add3A_1546 = arith.addf %add3A_1430, %mul3A_1545 : vector<32xbf16>
      %bitcast3A_1547 = vector.bitcast %gather3A_1496 : vector<16xi32> to vector<32xbf16>
      %mul3A_1548 = arith.mulf %broadcast_in_dim3A_0, %bitcast3A_1547 : vector<32xbf16>
      %add3A_1549 = arith.addf %add3A_1433, %mul3A_1548 : vector<32xbf16>
      %bitcast3A_1550 = vector.bitcast %gather3A_1500 : vector<16xi32> to vector<32xbf16>
      %mul3A_1551 = arith.mulf %broadcast_in_dim3A_0, %bitcast3A_1550 : vector<32xbf16>
      %add3A_1552 = arith.addf %add3A_1436, %mul3A_1551 : vector<32xbf16>
      %bitcast3A_1553 = vector.bitcast %gather3A_1504 : vector<16xi32> to vector<32xbf16>
      %mul3A_1554 = arith.mulf %broadcast_in_dim3A_0, %bitcast3A_1553 : vector<32xbf16>
      %add3A_1555 = arith.addf %add3A_1439, %mul3A_1554 : vector<32xbf16>
      %bitcast3A_1556 = vector.bitcast %gather3A_1508 : vector<16xi32> to vector<32xbf16>
      %mul3A_1557 = arith.mulf %broadcast_in_dim3A_0, %bitcast3A_1556 : vector<32xbf16>
      %add3A_1558 = arith.addf %add3A_1442, %mul3A_1557 : vector<32xbf16>
      %bitcast3A_1559 = vector.bitcast %gather3A_1512 : vector<16xi32> to vector<32xbf16>
      %mul3A_1560 = arith.mulf %broadcast_in_dim3A_0, %bitcast3A_1559 : vector<32xbf16>
      %add3A_1561 = arith.addf %add3A_1445, %mul3A_1560 : vector<32xbf16>
      %bitcast3A_1562 = vector.bitcast %gather3A_1516 : vector<16xi32> to vector<32xbf16>
      %mul3A_1563 = arith.mulf %broadcast_in_dim3A_0, %bitcast3A_1562 : vector<32xbf16>
      %add3A_1564 = arith.addf %add3A_1448, %mul3A_1563 : vector<32xbf16>
      %add3A_1565 = arith.constant 3 : i32
      %add3A_1566 = vector.broadcast %add3A_1565 : i32 to vector<16xi32>
      %add3A_1567 = arith.addi %mul3A_16, %add3A_1566 : vector<16xi32>
      %gather3A_1568 = tpu.vector_load_idx %arg7[%add3A_1567] : memref<2832xi32, #tpu.memory_space<vmem>>[vector<16xi32>], vector<16xi32>,
      %add3A_1569 = arith.constant 19216 : i32
      %add3A_1570 = vector.broadcast %add3A_1569 : i32 to vector<16xi32>
      %add3A_1571 = arith.addi %gather3A_1452, %add3A_1570 : vector<16xi32>
      %gather3A_1572 = tpu.vector_load_idx %arg10[%add3A_1571] : memref<38432xi32, #tpu.memory_space<vmem>>[vector<16xi32>], vector<16xi32>,
      %add3A_1573 = arith.constant 20417 : i32
      %add3A_1574 = vector.broadcast %add3A_1573 : i32 to vector<16xi32>
      %add3A_1575 = arith.addi %gather3A_1452, %add3A_1574 : vector<16xi32>
      %gather3A_1576 = tpu.vector_load_idx %arg10[%add3A_1575] : memref<38432xi32, #tpu.memory_space<vmem>>[vector<16xi32>], vector<16xi32>,
      %add3A_1577 = arith.constant 21618 : i32
      %add3A_1578 = vector.broadcast %add3A_1577 : i32 to vector<16xi32>
      %add3A_1579 = arith.addi %gather3A_1452, %add3A_1578 : vector<16xi32>
      %gather3A_1580 = tpu.vector_load_idx %arg10[%add3A_1579] : memref<38432xi32, #tpu.memory_space<vmem>>[vector<16xi32>], vector<16xi32>,
      %add3A_1581 = arith.constant 22819 : i32
      %add3A_1582 = vector.broadcast %add3A_1581 : i32 to vector<16xi32>
      %add3A_1583 = arith.addi %gather3A_1452, %add3A_1582 : vector<16xi32>
      %gather3A_1584 = tpu.vector_load_idx %arg10[%add3A_1583] : memref<38432xi32, #tpu.memory_space<vmem>>[vector<16xi32>], vector<16xi32>,
      %add3A_1585 = arith.constant 24020 : i32
      %add3A_1586 = vector.broadcast %add3A_1585 : i32 to vector<16xi32>
      %add3A_1587 = arith.addi %gather3A_1452, %add3A_1586 : vector<16xi32>
      %gather3A_1588 = tpu.vector_load_idx %arg10[%add3A_1587] : memref<38432xi32, #tpu.memory_space<vmem>>[vector<16xi32>], vector<16xi32>,
      %add3A_1589 = arith.constant 25221 : i32
      %add3A_1590 = vector.broadcast %add3A_1589 : i32 to vector<16xi32>
      %add3A_1591 = arith.addi %gather3A_1452, %add3A_1590 : vector<16xi32>
      %gather3A_1592 = tpu.vector_load_idx %arg10[%add3A_1591] : memref<38432xi32, #tpu.memory_space<vmem>>[vector<16xi32>], vector<16xi32>,
      %add3A_1593 = arith.constant 26422 : i32
      %add3A_1594 = vector.broadcast %add3A_1593 : i32 to vector<16xi32>
      %add3A_1595 = arith.addi %gather3A_1452, %add3A_1594 : vector<16xi32>
      %gather3A_1596 = tpu.vector_load_idx %arg10[%add3A_1595] : memref<38432xi32, #tpu.memory_space<vmem>>[vector<16xi32>], vector<16xi32>,
      %add3A_1597 = arith.constant 27623 : i32
      %add3A_1598 = vector.broadcast %add3A_1597 : i32 to vector<16xi32>
      %add3A_1599 = arith.addi %gather3A_1452, %add3A_1598 : vector<16xi32>
      %gather3A_1600 = tpu.vector_load_idx %arg10[%add3A_1599] : memref<38432xi32, #tpu.memory_space<vmem>>[vector<16xi32>], vector<16xi32>,
      %add3A_1601 = arith.constant 28824 : i32
      %add3A_1602 = vector.broadcast %add3A_1601 : i32 to vector<16xi32>
      %add3A_1603 = arith.addi %gather3A_1452, %add3A_1602 : vector<16xi32>
      %gather3A_1604 = tpu.vector_load_idx %arg10[%add3A_1603] : memref<38432xi32, #tpu.memory_space<vmem>>[vector<16xi32>], vector<16xi32>,
      %add3A_1605 = arith.constant 30025 : i32
      %add3A_1606 = vector.broadcast %add3A_1605 : i32 to vector<16xi32>
      %add3A_1607 = arith.addi %gather3A_1452, %add3A_1606 : vector<16xi32>
      %gather3A_1608 = tpu.vector_load_idx %arg10[%add3A_1607] : memref<38432xi32, #tpu.memory_space<vmem>>[vector<16xi32>], vector<16xi32>,
      %add3A_1609 = arith.constant 31226 : i32
      %add3A_1610 = vector.broadcast %add3A_1609 : i32 to vector<16xi32>
      %add3A_1611 = arith.addi %gather3A_1452, %add3A_1610 : vector<16xi32>
      %gather3A_1612 = tpu.vector_load_idx %arg10[%add3A_1611] : memref<38432xi32, #tpu.memory_space<vmem>>[vector<16xi32>], vector<16xi32>,
      %add3A_1613 = arith.constant 32427 : i32
      %add3A_1614 = vector.broadcast %add3A_1613 : i32 to vector<16xi32>
      %add3A_1615 = arith.addi %gather3A_1452, %add3A_1614 : vector<16xi32>
      %gather3A_1616 = tpu.vector_load_idx %arg10[%add3A_1615] : memref<38432xi32, #tpu.memory_space<vmem>>[vector<16xi32>], vector<16xi32>,
      %add3A_1617 = arith.constant 33628 : i32
      %add3A_1618 = vector.broadcast %add3A_1617 : i32 to vector<16xi32>
      %add3A_1619 = arith.addi %gather3A_1452, %add3A_1618 : vector<16xi32>
      %gather3A_1620 = tpu.vector_load_idx %arg10[%add3A_1619] : memref<38432xi32, #tpu.memory_space<vmem>>[vector<16xi32>], vector<16xi32>,
      %add3A_1621 = arith.constant 34829 : i32
      %add3A_1622 = vector.broadcast %add3A_1621 : i32 to vector<16xi32>
      %add3A_1623 = arith.addi %gather3A_1452, %add3A_1622 : vector<16xi32>
      %gather3A_1624 = tpu.vector_load_idx %arg10[%add3A_1623] : memref<38432xi32, #tpu.memory_space<vmem>>[vector<16xi32>], vector<16xi32>,
      %add3A_1625 = arith.constant 36030 : i32
      %add3A_1626 = vector.broadcast %add3A_1625 : i32 to vector<16xi32>
      %add3A_1627 = arith.addi %gather3A_1452, %add3A_1626 : vector<16xi32>
      %gather3A_1628 = tpu.vector_load_idx %arg10[%add3A_1627] : memref<38432xi32, #tpu.memory_space<vmem>>[vector<16xi32>], vector<16xi32>,
      %add3A_1629 = arith.constant 37231 : i32
      %add3A_1630 = vector.broadcast %add3A_1629 : i32 to vector<16xi32>
      %add3A_1631 = arith.addi %gather3A_1452, %add3A_1630 : vector<16xi32>
      %gather3A_1632 = tpu.vector_load_idx %arg10[%add3A_1631] : memref<38432xi32, #tpu.memory_space<vmem>>[vector<16xi32>], vector<16xi32>,
      %bitcast3A_1633 = vector.bitcast %gather3A_1572 : vector<16xi32> to vector<32xbf16>
      %mul3A_1634 = arith.mulf %broadcast_in_dim3A_0, %bitcast3A_1633 : vector<32xbf16>
      %add3A_1635 = arith.addf %add3A_1519, %mul3A_1634 : vector<32xbf16>
      %bitcast3A_1636 = vector.bitcast %gather3A_1576 : vector<16xi32> to vector<32xbf16>
      %mul3A_1637 = arith.mulf %broadcast_in_dim3A_0, %bitcast3A_1636 : vector<32xbf16>
      %add3A_1638 = arith.addf %add3A_1522, %mul3A_1637 : vector<32xbf16>
      %bitcast3A_1639 = vector.bitcast %gather3A_1580 : vector<16xi32> to vector<32xbf16>
      %mul3A_1640 = arith.mulf %broadcast_in_dim3A_0, %bitcast3A_1639 : vector<32xbf16>
      %add3A_1641 = arith.addf %add3A_1525, %mul3A_1640 : vector<32xbf16>
      %bitcast3A_1642 = vector.bitcast %gather3A_1584 : vector<16xi32> to vector<32xbf16>
      %mul3A_1643 = arith.mulf %broadcast_in_dim3A_0, %bitcast3A_1642 : vector<32xbf16>
      %add3A_1644 = arith.addf %add3A_1528, %mul3A_1643 : vector<32xbf16>
      %bitcast3A_1645 = vector.bitcast %gather3A_1588 : vector<16xi32> to vector<32xbf16>
      %mul3A_1646 = arith.mulf %broadcast_in_dim3A_0, %bitcast3A_1645 : vector<32xbf16>
      %add3A_1647 = arith.addf %add3A_1531, %mul3A_1646 : vector<32xbf16>
      %bitcast3A_1648 = vector.bitcast %gather3A_1592 : vector<16xi32> to vector<32xbf16>
      %mul3A_1649 = arith.mulf %broadcast_in_dim3A_0, %bitcast3A_1648 : vector<32xbf16>
      %add3A_1650 = arith.addf %add3A_1534, %mul3A_1649 : vector<32xbf16>
      %bitcast3A_1651 = vector.bitcast %gather3A_1596 : vector<16xi32> to vector<32xbf16>
      %mul3A_1652 = arith.mulf %broadcast_in_dim3A_0, %bitcast3A_1651 : vector<32xbf16>
      %add3A_1653 = arith.addf %add3A_1537, %mul3A_1652 : vector<32xbf16>
      %bitcast3A_1654 = vector.bitcast %gather3A_1600 : vector<16xi32> to vector<32xbf16>
      %mul3A_1655 = arith.mulf %broadcast_in_dim3A_0, %bitcast3A_1654 : vector<32xbf16>
      %add3A_1656 = arith.addf %add3A_1540, %mul3A_1655 : vector<32xbf16>
      %bitcast3A_1657 = vector.bitcast %gather3A_1604 : vector<16xi32> to vector<32xbf16>
      %mul3A_1658 = arith.mulf %broadcast_in_dim3A_0, %bitcast3A_1657 : vector<32xbf16>
      %add3A_1659 = arith.addf %add3A_1543, %mul3A_1658 : vector<32xbf16>
      %bitcast3A_1660 = vector.bitcast %gather3A_1608 : vector<16xi32> to vector<32xbf16>
      %mul3A_1661 = arith.mulf %broadcast_in_dim3A_0, %bitcast3A_1660 : vector<32xbf16>
      %add3A_1662 = arith.addf %add3A_1546, %mul3A_1661 : vector<32xbf16>
      %bitcast3A_1663 = vector.bitcast %gather3A_1612 : vector<16xi32> to vector<32xbf16>
      %mul3A_1664 = arith.mulf %broadcast_in_dim3A_0, %bitcast3A_1663 : vector<32xbf16>
      %add3A_1665 = arith.addf %add3A_1549, %mul3A_1664 : vector<32xbf16>
      %bitcast3A_1666 = vector.bitcast %gather3A_1616 : vector<16xi32> to vector<32xbf16>
      %mul3A_1667 = arith.mulf %broadcast_in_dim3A_0, %bitcast3A_1666 : vector<32xbf16>
      %add3A_1668 = arith.addf %add3A_1552, %mul3A_1667 : vector<32xbf16>
      %bitcast3A_1669 = vector.bitcast %gather3A_1620 : vector<16xi32> to vector<32xbf16>
      %mul3A_1670 = arith.mulf %broadcast_in_dim3A_0, %bitcast3A_1669 : vector<32xbf16>
      %add3A_1671 = arith.addf %add3A_1555, %mul3A_1670 : vector<32xbf16>
      %bitcast3A_1672 = vector.bitcast %gather3A_1624 : vector<16xi32> to vector<32xbf16>
      %mul3A_1673 = arith.mulf %broadcast_in_dim3A_0, %bitcast3A_1672 : vector<32xbf16>
      %add3A_1674 = arith.addf %add3A_1558, %mul3A_1673 : vector<32xbf16>
      %bitcast3A_1675 = vector.bitcast %gather3A_1628 : vector<16xi32> to vector<32xbf16>
      %mul3A_1676 = arith.mulf %broadcast_in_dim3A_0, %bitcast3A_1675 : vector<32xbf16>
      %add3A_1677 = arith.addf %add3A_1561, %mul3A_1676 : vector<32xbf16>
      %bitcast3A_1678 = vector.bitcast %gather3A_1632 : vector<16xi32> to vector<32xbf16>
      %mul3A_1679 = arith.mulf %broadcast_in_dim3A_0, %bitcast3A_1678 : vector<32xbf16>
      %add3A_1680 = arith.addf %add3A_1564, %mul3A_1679 : vector<32xbf16>
      %add3A_1681 = arith.constant 4 : i32
      %add3A_1682 = vector.broadcast %add3A_1681 : i32 to vector<16xi32>
      %add3A_1683 = arith.addi %mul3A_16, %add3A_1682 : vector<16xi32>
      %gather3A_1684 = tpu.vector_load_idx %arg7[%add3A_1683] : memref<2832xi32, #tpu.memory_space<vmem>>[vector<16xi32>], vector<16xi32>,
      %add3A_1685 = arith.constant 19216 : i32
      %add3A_1686 = vector.broadcast %add3A_1685 : i32 to vector<16xi32>
      %add3A_1687 = arith.addi %gather3A_1568, %add3A_1686 : vector<16xi32>
      %gather3A_1688 = tpu.vector_load_idx %arg10[%add3A_1687] : memref<38432xi32, #tpu.memory_space<vmem>>[vector<16xi32>], vector<16xi32>,
      %add3A_1689 = arith.constant 20417 : i32
      %add3A_1690 = vector.broadcast %add3A_1689 : i32 to vector<16xi32>
      %add3A_1691 = arith.addi %gather3A_1568, %add3A_1690 : vector<16xi32>
      %gather3A_1692 = tpu.vector_load_idx %arg10[%add3A_1691] : memref<38432xi32, #tpu.memory_space<vmem>>[vector<16xi32>], vector<16xi32>,
      %add3A_1693 = arith.constant 21618 : i32
      %add3A_1694 = vector.broadcast %add3A_1693 : i32 to vector<16xi32>
      %add3A_1695 = arith.addi %gather3A_1568, %add3A_1694 : vector<16xi32>
      %gather3A_1696 = tpu.vector_load_idx %arg10[%add3A_1695] : memref<38432xi32, #tpu.memory_space<vmem>>[vector<16xi32>], vector<16xi32>,
      %add3A_1697 = arith.constant 22819 : i32
      %add3A_1698 = vector.broadcast %add3A_1697 : i32 to vector<16xi32>
      %add3A_1699 = arith.addi %gather3A_1568, %add3A_1698 : vector<16xi32>
      %gather3A_1700 = tpu.vector_load_idx %arg10[%add3A_1699] : memref<38432xi32, #tpu.memory_space<vmem>>[vector<16xi32>], vector<16xi32>,
      %add3A_1701 = arith.constant 24020 : i32
      %add3A_1702 = vector.broadcast %add3A_1701 : i32 to vector<16xi32>
      %add3A_1703 = arith.addi %gather3A_1568, %add3A_1702 : vector<16xi32>
      %gather3A_1704 = tpu.vector_load_idx %arg10[%add3A_1703] : memref<38432xi32, #tpu.memory_space<vmem>>[vector<16xi32>], vector<16xi32>,
      %add3A_1705 = arith.constant 25221 : i32
      %add3A_1706 = vector.broadcast %add3A_1705 : i32 to vector<16xi32>
      %add3A_1707 = arith.addi %gather3A_1568, %add3A_1706 : vector<16xi32>
      %gather3A_1708 = tpu.vector_load_idx %arg10[%add3A_1707] : memref<38432xi32, #tpu.memory_space<vmem>>[vector<16xi32>], vector<16xi32>,
      %add3A_1709 = arith.constant 26422 : i32
      %add3A_1710 = vector.broadcast %add3A_1709 : i32 to vector<16xi32>
      %add3A_1711 = arith.addi %gather3A_1568, %add3A_1710 : vector<16xi32>
      %gather3A_1712 = tpu.vector_load_idx %arg10[%add3A_1711] : memref<38432xi32, #tpu.memory_space<vmem>>[vector<16xi32>], vector<16xi32>,
      %add3A_1713 = arith.constant 27623 : i32
      %add3A_1714 = vector.broadcast %add3A_1713 : i32 to vector<16xi32>
      %add3A_1715 = arith.addi %gather3A_1568, %add3A_1714 : vector<16xi32>
      %gather3A_1716 = tpu.vector_load_idx %arg10[%add3A_1715] : memref<38432xi32, #tpu.memory_space<vmem>>[vector<16xi32>], vector<16xi32>,
      %add3A_1717 = arith.constant 28824 : i32
      %add3A_1718 = vector.broadcast %add3A_1717 : i32 to vector<16xi32>
      %add3A_1719 = arith.addi %gather3A_1568, %add3A_1718 : vector<16xi32>
      %gather3A_1720 = tpu.vector_load_idx %arg10[%add3A_1719] : memref<38432xi32, #tpu.memory_space<vmem>>[vector<16xi32>], vector<16xi32>,
      %add3A_1721 = arith.constant 30025 : i32
      %add3A_1722 = vector.broadcast %add3A_1721 : i32 to vector<16xi32>
      %add3A_1723 = arith.addi %gather3A_1568, %add3A_1722 : vector<16xi32>
      %gather3A_1724 = tpu.vector_load_idx %arg10[%add3A_1723] : memref<38432xi32, #tpu.memory_space<vmem>>[vector<16xi32>], vector<16xi32>,
      %add3A_1725 = arith.constant 31226 : i32
      %add3A_1726 = vector.broadcast %add3A_1725 : i32 to vector<16xi32>
      %add3A_1727 = arith.addi %gather3A_1568, %add3A_1726 : vector<16xi32>
      %gather3A_1728 = tpu.vector_load_idx %arg10[%add3A_1727] : memref<38432xi32, #tpu.memory_space<vmem>>[vector<16xi32>], vector<16xi32>,
      %add3A_1729 = arith.constant 32427 : i32
      %add3A_1730 = vector.broadcast %add3A_1729 : i32 to vector<16xi32>
      %add3A_1731 = arith.addi %gather3A_1568, %add3A_1730 : vector<16xi32>
      %gather3A_1732 = tpu.vector_load_idx %arg10[%add3A_1731] : memref<38432xi32, #tpu.memory_space<vmem>>[vector<16xi32>], vector<16xi32>,
      %add3A_1733 = arith.constant 33628 : i32
      %add3A_1734 = vector.broadcast %add3A_1733 : i32 to vector<16xi32>
      %add3A_1735 = arith.addi %gather3A_1568, %add3A_1734 : vector<16xi32>
      %gather3A_1736 = tpu.vector_load_idx %arg10[%add3A_1735] : memref<38432xi32, #tpu.memory_space<vmem>>[vector<16xi32>], vector<16xi32>,
      %add3A_1737 = arith.constant 34829 : i32
      %add3A_1738 = vector.broadcast %add3A_1737 : i32 to vector<16xi32>
      %add3A_1739 = arith.addi %gather3A_1568, %add3A_1738 : vector<16xi32>
      %gather3A_1740 = tpu.vector_load_idx %arg10[%add3A_1739] : memref<38432xi32, #tpu.memory_space<vmem>>[vector<16xi32>], vector<16xi32>,
      %add3A_1741 = arith.constant 36030 : i32
      %add3A_1742 = vector.broadcast %add3A_1741 : i32 to vector<16xi32>
      %add3A_1743 = arith.addi %gather3A_1568, %add3A_1742 : vector<16xi32>
      %gather3A_1744 = tpu.vector_load_idx %arg10[%add3A_1743] : memref<38432xi32, #tpu.memory_space<vmem>>[vector<16xi32>], vector<16xi32>,
      %add3A_1745 = arith.constant 37231 : i32
      %add3A_1746 = vector.broadcast %add3A_1745 : i32 to vector<16xi32>
      %add3A_1747 = arith.addi %gather3A_1568, %add3A_1746 : vector<16xi32>
      %gather3A_1748 = tpu.vector_load_idx %arg10[%add3A_1747] : memref<38432xi32, #tpu.memory_space<vmem>>[vector<16xi32>], vector<16xi32>,
      %bitcast3A_1749 = vector.bitcast %gather3A_1688 : vector<16xi32> to vector<32xbf16>
      %mul3A_1750 = arith.mulf %broadcast_in_dim3A_0, %bitcast3A_1749 : vector<32xbf16>
      %add3A_1751 = arith.addf %add3A_1635, %mul3A_1750 : vector<32xbf16>
      %bitcast3A_1752 = vector.bitcast %gather3A_1692 : vector<16xi32> to vector<32xbf16>
      %mul3A_1753 = arith.mulf %broadcast_in_dim3A_0, %bitcast3A_1752 : vector<32xbf16>
      %add3A_1754 = arith.addf %add3A_1638, %mul3A_1753 : vector<32xbf16>
      %bitcast3A_1755 = vector.bitcast %gather3A_1696 : vector<16xi32> to vector<32xbf16>
      %mul3A_1756 = arith.mulf %broadcast_in_dim3A_0, %bitcast3A_1755 : vector<32xbf16>
      %add3A_1757 = arith.addf %add3A_1641, %mul3A_1756 : vector<32xbf16>
      %bitcast3A_1758 = vector.bitcast %gather3A_1700 : vector<16xi32> to vector<32xbf16>
      %mul3A_1759 = arith.mulf %broadcast_in_dim3A_0, %bitcast3A_1758 : vector<32xbf16>
      %add3A_1760 = arith.addf %add3A_1644, %mul3A_1759 : vector<32xbf16>
      %bitcast3A_1761 = vector.bitcast %gather3A_1704 : vector<16xi32> to vector<32xbf16>
      %mul3A_1762 = arith.mulf %broadcast_in_dim3A_0, %bitcast3A_1761 : vector<32xbf16>
      %add3A_1763 = arith.addf %add3A_1647, %mul3A_1762 : vector<32xbf16>
      %bitcast3A_1764 = vector.bitcast %gather3A_1708 : vector<16xi32> to vector<32xbf16>
      %mul3A_1765 = arith.mulf %broadcast_in_dim3A_0, %bitcast3A_1764 : vector<32xbf16>
      %add3A_1766 = arith.addf %add3A_1650, %mul3A_1765 : vector<32xbf16>
      %bitcast3A_1767 = vector.bitcast %gather3A_1712 : vector<16xi32> to vector<32xbf16>
      %mul3A_1768 = arith.mulf %broadcast_in_dim3A_0, %bitcast3A_1767 : vector<32xbf16>
      %add3A_1769 = arith.addf %add3A_1653, %mul3A_1768 : vector<32xbf16>
      %bitcast3A_1770 = vector.bitcast %gather3A_1716 : vector<16xi32> to vector<32xbf16>
      %mul3A_1771 = arith.mulf %broadcast_in_dim3A_0, %bitcast3A_1770 : vector<32xbf16>
      %add3A_1772 = arith.addf %add3A_1656, %mul3A_1771 : vector<32xbf16>
      %bitcast3A_1773 = vector.bitcast %gather3A_1720 : vector<16xi32> to vector<32xbf16>
      %mul3A_1774 = arith.mulf %broadcast_in_dim3A_0, %bitcast3A_1773 : vector<32xbf16>
      %add3A_1775 = arith.addf %add3A_1659, %mul3A_1774 : vector<32xbf16>
      %bitcast3A_1776 = vector.bitcast %gather3A_1724 : vector<16xi32> to vector<32xbf16>
      %mul3A_1777 = arith.mulf %broadcast_in_dim3A_0, %bitcast3A_1776 : vector<32xbf16>
      %add3A_1778 = arith.addf %add3A_1662, %mul3A_1777 : vector<32xbf16>
      %bitcast3A_1779 = vector.bitcast %gather3A_1728 : vector<16xi32> to vector<32xbf16>
      %mul3A_1780 = arith.mulf %broadcast_in_dim3A_0, %bitcast3A_1779 : vector<32xbf16>
      %add3A_1781 = arith.addf %add3A_1665, %mul3A_1780 : vector<32xbf16>
      %bitcast3A_1782 = vector.bitcast %gather3A_1732 : vector<16xi32> to vector<32xbf16>
      %mul3A_1783 = arith.mulf %broadcast_in_dim3A_0, %bitcast3A_1782 : vector<32xbf16>
      %add3A_1784 = arith.addf %add3A_1668, %mul3A_1783 : vector<32xbf16>
      %bitcast3A_1785 = vector.bitcast %gather3A_1736 : vector<16xi32> to vector<32xbf16>
      %mul3A_1786 = arith.mulf %broadcast_in_dim3A_0, %bitcast3A_1785 : vector<32xbf16>
      %add3A_1787 = arith.addf %add3A_1671, %mul3A_1786 : vector<32xbf16>
      %bitcast3A_1788 = vector.bitcast %gather3A_1740 : vector<16xi32> to vector<32xbf16>
      %mul3A_1789 = arith.mulf %broadcast_in_dim3A_0, %bitcast3A_1788 : vector<32xbf16>
      %add3A_1790 = arith.addf %add3A_1674, %mul3A_1789 : vector<32xbf16>
      %bitcast3A_1791 = vector.bitcast %gather3A_1744 : vector<16xi32> to vector<32xbf16>
      %mul3A_1792 = arith.mulf %broadcast_in_dim3A_0, %bitcast3A_1791 : vector<32xbf16>
      %add3A_1793 = arith.addf %add3A_1677, %mul3A_1792 : vector<32xbf16>
      %bitcast3A_1794 = vector.bitcast %gather3A_1748 : vector<16xi32> to vector<32xbf16>
      %mul3A_1795 = arith.mulf %broadcast_in_dim3A_0, %bitcast3A_1794 : vector<32xbf16>
      %add3A_1796 = arith.addf %add3A_1680, %mul3A_1795 : vector<32xbf16>
      %add3A_1797 = arith.constant 5 : i32
      %add3A_1798 = vector.broadcast %add3A_1797 : i32 to vector<16xi32>
      %add3A_1799 = arith.addi %mul3A_16, %add3A_1798 : vector<16xi32>
      %gather3A_1800 = tpu.vector_load_idx %arg7[%add3A_1799] : memref<2832xi32, #tpu.memory_space<vmem>>[vector<16xi32>], vector<16xi32>,
      %add3A_1801 = arith.constant 19216 : i32
      %add3A_1802 = vector.broadcast %add3A_1801 : i32 to vector<16xi32>
      %add3A_1803 = arith.addi %gather3A_1684, %add3A_1802 : vector<16xi32>
      %gather3A_1804 = tpu.vector_load_idx %arg10[%add3A_1803] : memref<38432xi32, #tpu.memory_space<vmem>>[vector<16xi32>], vector<16xi32>,
      %add3A_1805 = arith.constant 20417 : i32
      %add3A_1806 = vector.broadcast %add3A_1805 : i32 to vector<16xi32>
      %add3A_1807 = arith.addi %gather3A_1684, %add3A_1806 : vector<16xi32>
      %gather3A_1808 = tpu.vector_load_idx %arg10[%add3A_1807] : memref<38432xi32, #tpu.memory_space<vmem>>[vector<16xi32>], vector<16xi32>,
      %add3A_1809 = arith.constant 21618 : i32
      %add3A_1810 = vector.broadcast %add3A_1809 : i32 to vector<16xi32>
      %add3A_1811 = arith.addi %gather3A_1684, %add3A_1810 : vector<16xi32>
      %gather3A_1812 = tpu.vector_load_idx %arg10[%add3A_1811] : memref<38432xi32, #tpu.memory_space<vmem>>[vector<16xi32>], vector<16xi32>,
      %add3A_1813 = arith.constant 22819 : i32
      %add3A_1814 = vector.broadcast %add3A_1813 : i32 to vector<16xi32>
      %add3A_1815 = arith.addi %gather3A_1684, %add3A_1814 : vector<16xi32>
      %gather3A_1816 = tpu.vector_load_idx %arg10[%add3A_1815] : memref<38432xi32, #tpu.memory_space<vmem>>[vector<16xi32>], vector<16xi32>,
      %add3A_1817 = arith.constant 24020 : i32
      %add3A_1818 = vector.broadcast %add3A_1817 : i32 to vector<16xi32>
      %add3A_1819 = arith.addi %gather3A_1684, %add3A_1818 : vector<16xi32>
      %gather3A_1820 = tpu.vector_load_idx %arg10[%add3A_1819] : memref<38432xi32, #tpu.memory_space<vmem>>[vector<16xi32>], vector<16xi32>,
      %add3A_1821 = arith.constant 25221 : i32
      %add3A_1822 = vector.broadcast %add3A_1821 : i32 to vector<16xi32>
      %add3A_1823 = arith.addi %gather3A_1684, %add3A_1822 : vector<16xi32>
      %gather3A_1824 = tpu.vector_load_idx %arg10[%add3A_1823] : memref<38432xi32, #tpu.memory_space<vmem>>[vector<16xi32>], vector<16xi32>,
      %add3A_1825 = arith.constant 26422 : i32
      %add3A_1826 = vector.broadcast %add3A_1825 : i32 to vector<16xi32>
      %add3A_1827 = arith.addi %gather3A_1684, %add3A_1826 : vector<16xi32>
      %gather3A_1828 = tpu.vector_load_idx %arg10[%add3A_1827] : memref<38432xi32, #tpu.memory_space<vmem>>[vector<16xi32>], vector<16xi32>,
      %add3A_1829 = arith.constant 27623 : i32
      %add3A_1830 = vector.broadcast %add3A_1829 : i32 to vector<16xi32>
      %add3A_1831 = arith.addi %gather3A_1684, %add3A_1830 : vector<16xi32>
      %gather3A_1832 = tpu.vector_load_idx %arg10[%add3A_1831] : memref<38432xi32, #tpu.memory_space<vmem>>[vector<16xi32>], vector<16xi32>,
      %add3A_1833 = arith.constant 28824 : i32
      %add3A_1834 = vector.broadcast %add3A_1833 : i32 to vector<16xi32>
      %add3A_1835 = arith.addi %gather3A_1684, %add3A_1834 : vector<16xi32>
      %gather3A_1836 = tpu.vector_load_idx %arg10[%add3A_1835] : memref<38432xi32, #tpu.memory_space<vmem>>[vector<16xi32>], vector<16xi32>,
      %add3A_1837 = arith.constant 30025 : i32
      %add3A_1838 = vector.broadcast %add3A_1837 : i32 to vector<16xi32>
      %add3A_1839 = arith.addi %gather3A_1684, %add3A_1838 : vector<16xi32>
      %gather3A_1840 = tpu.vector_load_idx %arg10[%add3A_1839] : memref<38432xi32, #tpu.memory_space<vmem>>[vector<16xi32>], vector<16xi32>,
      %add3A_1841 = arith.constant 31226 : i32
      %add3A_1842 = vector.broadcast %add3A_1841 : i32 to vector<16xi32>
      %add3A_1843 = arith.addi %gather3A_1684, %add3A_1842 : vector<16xi32>
      %gather3A_1844 = tpu.vector_load_idx %arg10[%add3A_1843] : memref<38432xi32, #tpu.memory_space<vmem>>[vector<16xi32>], vector<16xi32>,
      %add3A_1845 = arith.constant 32427 : i32
      %add3A_1846 = vector.broadcast %add3A_1845 : i32 to vector<16xi32>
      %add3A_1847 = arith.addi %gather3A_1684, %add3A_1846 : vector<16xi32>
      %gather3A_1848 = tpu.vector_load_idx %arg10[%add3A_1847] : memref<38432xi32, #tpu.memory_space<vmem>>[vector<16xi32>], vector<16xi32>,
      %add3A_1849 = arith.constant 33628 : i32
      %add3A_1850 = vector.broadcast %add3A_1849 : i32 to vector<16xi32>
      %add3A_1851 = arith.addi %gather3A_1684, %add3A_1850 : vector<16xi32>
      %gather3A_1852 = tpu.vector_load_idx %arg10[%add3A_1851] : memref<38432xi32, #tpu.memory_space<vmem>>[vector<16xi32>], vector<16xi32>,
      %add3A_1853 = arith.constant 34829 : i32
      %add3A_1854 = vector.broadcast %add3A_1853 : i32 to vector<16xi32>
      %add3A_1855 = arith.addi %gather3A_1684, %add3A_1854 : vector<16xi32>
      %gather3A_1856 = tpu.vector_load_idx %arg10[%add3A_1855] : memref<38432xi32, #tpu.memory_space<vmem>>[vector<16xi32>], vector<16xi32>,
      %add3A_1857 = arith.constant 36030 : i32
      %add3A_1858 = vector.broadcast %add3A_1857 : i32 to vector<16xi32>
      %add3A_1859 = arith.addi %gather3A_1684, %add3A_1858 : vector<16xi32>
      %gather3A_1860 = tpu.vector_load_idx %arg10[%add3A_1859] : memref<38432xi32, #tpu.memory_space<vmem>>[vector<16xi32>], vector<16xi32>,
      %add3A_1861 = arith.constant 37231 : i32
      %add3A_1862 = vector.broadcast %add3A_1861 : i32 to vector<16xi32>
      %add3A_1863 = arith.addi %gather3A_1684, %add3A_1862 : vector<16xi32>
      %gather3A_1864 = tpu.vector_load_idx %arg10[%add3A_1863] : memref<38432xi32, #tpu.memory_space<vmem>>[vector<16xi32>], vector<16xi32>,
      %bitcast3A_1865 = vector.bitcast %gather3A_1804 : vector<16xi32> to vector<32xbf16>
      %mul3A_1866 = arith.mulf %broadcast_in_dim3A_0, %bitcast3A_1865 : vector<32xbf16>
      %add3A_1867 = arith.addf %add3A_1751, %mul3A_1866 : vector<32xbf16>
      %bitcast3A_1868 = vector.bitcast %gather3A_1808 : vector<16xi32> to vector<32xbf16>
      %mul3A_1869 = arith.mulf %broadcast_in_dim3A_0, %bitcast3A_1868 : vector<32xbf16>
      %add3A_1870 = arith.addf %add3A_1754, %mul3A_1869 : vector<32xbf16>
      %bitcast3A_1871 = vector.bitcast %gather3A_1812 : vector<16xi32> to vector<32xbf16>
      %mul3A_1872 = arith.mulf %broadcast_in_dim3A_0, %bitcast3A_1871 : vector<32xbf16>
      %add3A_1873 = arith.addf %add3A_1757, %mul3A_1872 : vector<32xbf16>
      %bitcast3A_1874 = vector.bitcast %gather3A_1816 : vector<16xi32> to vector<32xbf16>
      %mul3A_1875 = arith.mulf %broadcast_in_dim3A_0, %bitcast3A_1874 : vector<32xbf16>
      %add3A_1876 = arith.addf %add3A_1760, %mul3A_1875 : vector<32xbf16>
      %bitcast3A_1877 = vector.bitcast %gather3A_1820 : vector<16xi32> to vector<32xbf16>
      %mul3A_1878 = arith.mulf %broadcast_in_dim3A_0, %bitcast3A_1877 : vector<32xbf16>
      %add3A_1879 = arith.addf %add3A_1763, %mul3A_1878 : vector<32xbf16>
      %bitcast3A_1880 = vector.bitcast %gather3A_1824 : vector<16xi32> to vector<32xbf16>
      %mul3A_1881 = arith.mulf %broadcast_in_dim3A_0, %bitcast3A_1880 : vector<32xbf16>
      %add3A_1882 = arith.addf %add3A_1766, %mul3A_1881 : vector<32xbf16>
      %bitcast3A_1883 = vector.bitcast %gather3A_1828 : vector<16xi32> to vector<32xbf16>
      %mul3A_1884 = arith.mulf %broadcast_in_dim3A_0, %bitcast3A_1883 : vector<32xbf16>
      %add3A_1885 = arith.addf %add3A_1769, %mul3A_1884 : vector<32xbf16>
      %bitcast3A_1886 = vector.bitcast %gather3A_1832 : vector<16xi32> to vector<32xbf16>
      %mul3A_1887 = arith.mulf %broadcast_in_dim3A_0, %bitcast3A_1886 : vector<32xbf16>
      %add3A_1888 = arith.addf %add3A_1772, %mul3A_1887 : vector<32xbf16>
      %bitcast3A_1889 = vector.bitcast %gather3A_1836 : vector<16xi32> to vector<32xbf16>
      %mul3A_1890 = arith.mulf %broadcast_in_dim3A_0, %bitcast3A_1889 : vector<32xbf16>
      %add3A_1891 = arith.addf %add3A_1775, %mul3A_1890 : vector<32xbf16>
      %bitcast3A_1892 = vector.bitcast %gather3A_1840 : vector<16xi32> to vector<32xbf16>
      %mul3A_1893 = arith.mulf %broadcast_in_dim3A_0, %bitcast3A_1892 : vector<32xbf16>
      %add3A_1894 = arith.addf %add3A_1778, %mul3A_1893 : vector<32xbf16>
      %bitcast3A_1895 = vector.bitcast %gather3A_1844 : vector<16xi32> to vector<32xbf16>
      %mul3A_1896 = arith.mulf %broadcast_in_dim3A_0, %bitcast3A_1895 : vector<32xbf16>
      %add3A_1897 = arith.addf %add3A_1781, %mul3A_1896 : vector<32xbf16>
      %bitcast3A_1898 = vector.bitcast %gather3A_1848 : vector<16xi32> to vector<32xbf16>
      %mul3A_1899 = arith.mulf %broadcast_in_dim3A_0, %bitcast3A_1898 : vector<32xbf16>
      %add3A_1900 = arith.addf %add3A_1784, %mul3A_1899 : vector<32xbf16>
      %bitcast3A_1901 = vector.bitcast %gather3A_1852 : vector<16xi32> to vector<32xbf16>
      %mul3A_1902 = arith.mulf %broadcast_in_dim3A_0, %bitcast3A_1901 : vector<32xbf16>
      %add3A_1903 = arith.addf %add3A_1787, %mul3A_1902 : vector<32xbf16>
      %bitcast3A_1904 = vector.bitcast %gather3A_1856 : vector<16xi32> to vector<32xbf16>
      %mul3A_1905 = arith.mulf %broadcast_in_dim3A_0, %bitcast3A_1904 : vector<32xbf16>
      %add3A_1906 = arith.addf %add3A_1790, %mul3A_1905 : vector<32xbf16>
      %bitcast3A_1907 = vector.bitcast %gather3A_1860 : vector<16xi32> to vector<32xbf16>
      %mul3A_1908 = arith.mulf %broadcast_in_dim3A_0, %bitcast3A_1907 : vector<32xbf16>
      %add3A_1909 = arith.addf %add3A_1793, %mul3A_1908 : vector<32xbf16>
      %bitcast3A_1910 = vector.bitcast %gather3A_1864 : vector<16xi32> to vector<32xbf16>
      %mul3A_1911 = arith.mulf %broadcast_in_dim3A_0, %bitcast3A_1910 : vector<32xbf16>
      %add3A_1912 = arith.addf %add3A_1796, %mul3A_1911 : vector<32xbf16>
      %add3A_1913 = arith.constant 6 : i32
      %add3A_1914 = vector.broadcast %add3A_1913 : i32 to vector<16xi32>
      %add3A_1915 = arith.addi %mul3A_16, %add3A_1914 : vector<16xi32>
      %gather3A_1916 = tpu.vector_load_idx %arg7[%add3A_1915] : memref<2832xi32, #tpu.memory_space<vmem>>[vector<16xi32>], vector<16xi32>,
      %add3A_1917 = arith.constant 19216 : i32
      %add3A_1918 = vector.broadcast %add3A_1917 : i32 to vector<16xi32>
      %add3A_1919 = arith.addi %gather3A_1800, %add3A_1918 : vector<16xi32>
      %gather3A_1920 = tpu.vector_load_idx %arg10[%add3A_1919] : memref<38432xi32, #tpu.memory_space<vmem>>[vector<16xi32>], vector<16xi32>,
      %add3A_1921 = arith.constant 20417 : i32
      %add3A_1922 = vector.broadcast %add3A_1921 : i32 to vector<16xi32>
      %add3A_1923 = arith.addi %gather3A_1800, %add3A_1922 : vector<16xi32>
      %gather3A_1924 = tpu.vector_load_idx %arg10[%add3A_1923] : memref<38432xi32, #tpu.memory_space<vmem>>[vector<16xi32>], vector<16xi32>,
      %add3A_1925 = arith.constant 21618 : i32
      %add3A_1926 = vector.broadcast %add3A_1925 : i32 to vector<16xi32>
      %add3A_1927 = arith.addi %gather3A_1800, %add3A_1926 : vector<16xi32>
      %gather3A_1928 = tpu.vector_load_idx %arg10[%add3A_1927] : memref<38432xi32, #tpu.memory_space<vmem>>[vector<16xi32>], vector<16xi32>,
      %add3A_1929 = arith.constant 22819 : i32
      %add3A_1930 = vector.broadcast %add3A_1929 : i32 to vector<16xi32>
      %add3A_1931 = arith.addi %gather3A_1800, %add3A_1930 : vector<16xi32>
      %gather3A_1932 = tpu.vector_load_idx %arg10[%add3A_1931] : memref<38432xi32, #tpu.memory_space<vmem>>[vector<16xi32>], vector<16xi32>,
      %add3A_1933 = arith.constant 24020 : i32
      %add3A_1934 = vector.broadcast %add3A_1933 : i32 to vector<16xi32>
      %add3A_1935 = arith.addi %gather3A_1800, %add3A_1934 : vector<16xi32>
      %gather3A_1936 = tpu.vector_load_idx %arg10[%add3A_1935] : memref<38432xi32, #tpu.memory_space<vmem>>[vector<16xi32>], vector<16xi32>,
      %add3A_1937 = arith.constant 25221 : i32
      %add3A_1938 = vector.broadcast %add3A_1937 : i32 to vector<16xi32>
      %add3A_1939 = arith.addi %gather3A_1800, %add3A_1938 : vector<16xi32>
      %gather3A_1940 = tpu.vector_load_idx %arg10[%add3A_1939] : memref<38432xi32, #tpu.memory_space<vmem>>[vector<16xi32>], vector<16xi32>,
      %add3A_1941 = arith.constant 26422 : i32
      %add3A_1942 = vector.broadcast %add3A_1941 : i32 to vector<16xi32>
      %add3A_1943 = arith.addi %gather3A_1800, %add3A_1942 : vector<16xi32>
      %gather3A_1944 = tpu.vector_load_idx %arg10[%add3A_1943] : memref<38432xi32, #tpu.memory_space<vmem>>[vector<16xi32>], vector<16xi32>,
      %add3A_1945 = arith.constant 27623 : i32
      %add3A_1946 = vector.broadcast %add3A_1945 : i32 to vector<16xi32>
      %add3A_1947 = arith.addi %gather3A_1800, %add3A_1946 : vector<16xi32>
      %gather3A_1948 = tpu.vector_load_idx %arg10[%add3A_1947] : memref<38432xi32, #tpu.memory_space<vmem>>[vector<16xi32>], vector<16xi32>,
      %add3A_1949 = arith.constant 28824 : i32
      %add3A_1950 = vector.broadcast %add3A_1949 : i32 to vector<16xi32>
      %add3A_1951 = arith.addi %gather3A_1800, %add3A_1950 : vector<16xi32>
      %gather3A_1952 = tpu.vector_load_idx %arg10[%add3A_1951] : memref<38432xi32, #tpu.memory_space<vmem>>[vector<16xi32>], vector<16xi32>,
      %add3A_1953 = arith.constant 30025 : i32
      %add3A_1954 = vector.broadcast %add3A_1953 : i32 to vector<16xi32>
      %add3A_1955 = arith.addi %gather3A_1800, %add3A_1954 : vector<16xi32>
      %gather3A_1956 = tpu.vector_load_idx %arg10[%add3A_1955] : memref<38432xi32, #tpu.memory_space<vmem>>[vector<16xi32>], vector<16xi32>,
      %add3A_1957 = arith.constant 31226 : i32
      %add3A_1958 = vector.broadcast %add3A_1957 : i32 to vector<16xi32>
      %add3A_1959 = arith.addi %gather3A_1800, %add3A_1958 : vector<16xi32>
      %gather3A_1960 = tpu.vector_load_idx %arg10[%add3A_1959] : memref<38432xi32, #tpu.memory_space<vmem>>[vector<16xi32>], vector<16xi32>,
      %add3A_1961 = arith.constant 32427 : i32
      %add3A_1962 = vector.broadcast %add3A_1961 : i32 to vector<16xi32>
      %add3A_1963 = arith.addi %gather3A_1800, %add3A_1962 : vector<16xi32>
      %gather3A_1964 = tpu.vector_load_idx %arg10[%add3A_1963] : memref<38432xi32, #tpu.memory_space<vmem>>[vector<16xi32>], vector<16xi32>,
      %add3A_1965 = arith.constant 33628 : i32
      %add3A_1966 = vector.broadcast %add3A_1965 : i32 to vector<16xi32>
      %add3A_1967 = arith.addi %gather3A_1800, %add3A_1966 : vector<16xi32>
      %gather3A_1968 = tpu.vector_load_idx %arg10[%add3A_1967] : memref<38432xi32, #tpu.memory_space<vmem>>[vector<16xi32>], vector<16xi32>,
      %add3A_1969 = arith.constant 34829 : i32
      %add3A_1970 = vector.broadcast %add3A_1969 : i32 to vector<16xi32>
      %add3A_1971 = arith.addi %gather3A_1800, %add3A_1970 : vector<16xi32>
      %gather3A_1972 = tpu.vector_load_idx %arg10[%add3A_1971] : memref<38432xi32, #tpu.memory_space<vmem>>[vector<16xi32>], vector<16xi32>,
      %add3A_1973 = arith.constant 36030 : i32
      %add3A_1974 = vector.broadcast %add3A_1973 : i32 to vector<16xi32>
      %add3A_1975 = arith.addi %gather3A_1800, %add3A_1974 : vector<16xi32>
      %gather3A_1976 = tpu.vector_load_idx %arg10[%add3A_1975] : memref<38432xi32, #tpu.memory_space<vmem>>[vector<16xi32>], vector<16xi32>,
      %add3A_1977 = arith.constant 37231 : i32
      %add3A_1978 = vector.broadcast %add3A_1977 : i32 to vector<16xi32>
      %add3A_1979 = arith.addi %gather3A_1800, %add3A_1978 : vector<16xi32>
      %gather3A_1980 = tpu.vector_load_idx %arg10[%add3A_1979] : memref<38432xi32, #tpu.memory_space<vmem>>[vector<16xi32>], vector<16xi32>,
      %bitcast3A_1981 = vector.bitcast %gather3A_1920 : vector<16xi32> to vector<32xbf16>
      %mul3A_1982 = arith.mulf %broadcast_in_dim3A_0, %bitcast3A_1981 : vector<32xbf16>
      %add3A_1983 = arith.addf %add3A_1867, %mul3A_1982 : vector<32xbf16>
      %bitcast3A_1984 = vector.bitcast %gather3A_1924 : vector<16xi32> to vector<32xbf16>
      %mul3A_1985 = arith.mulf %broadcast_in_dim3A_0, %bitcast3A_1984 : vector<32xbf16>
      %add3A_1986 = arith.addf %add3A_1870, %mul3A_1985 : vector<32xbf16>
      %bitcast3A_1987 = vector.bitcast %gather3A_1928 : vector<16xi32> to vector<32xbf16>
      %mul3A_1988 = arith.mulf %broadcast_in_dim3A_0, %bitcast3A_1987 : vector<32xbf16>
      %add3A_1989 = arith.addf %add3A_1873, %mul3A_1988 : vector<32xbf16>
      %bitcast3A_1990 = vector.bitcast %gather3A_1932 : vector<16xi32> to vector<32xbf16>
      %mul3A_1991 = arith.mulf %broadcast_in_dim3A_0, %bitcast3A_1990 : vector<32xbf16>
      %add3A_1992 = arith.addf %add3A_1876, %mul3A_1991 : vector<32xbf16>
      %bitcast3A_1993 = vector.bitcast %gather3A_1936 : vector<16xi32> to vector<32xbf16>
      %mul3A_1994 = arith.mulf %broadcast_in_dim3A_0, %bitcast3A_1993 : vector<32xbf16>
      %add3A_1995 = arith.addf %add3A_1879, %mul3A_1994 : vector<32xbf16>
      %bitcast3A_1996 = vector.bitcast %gather3A_1940 : vector<16xi32> to vector<32xbf16>
      %mul3A_1997 = arith.mulf %broadcast_in_dim3A_0, %bitcast3A_1996 : vector<32xbf16>
      %add3A_1998 = arith.addf %add3A_1882, %mul3A_1997 : vector<32xbf16>
      %bitcast3A_1999 = vector.bitcast %gather3A_1944 : vector<16xi32> to vector<32xbf16>
      %mul3A_2000 = arith.mulf %broadcast_in_dim3A_0, %bitcast3A_1999 : vector<32xbf16>
      %add3A_2001 = arith.addf %add3A_1885, %mul3A_2000 : vector<32xbf16>
      %bitcast3A_2002 = vector.bitcast %gather3A_1948 : vector<16xi32> to vector<32xbf16>
      %mul3A_2003 = arith.mulf %broadcast_in_dim3A_0, %bitcast3A_2002 : vector<32xbf16>
      %add3A_2004 = arith.addf %add3A_1888, %mul3A_2003 : vector<32xbf16>
      %bitcast3A_2005 = vector.bitcast %gather3A_1952 : vector<16xi32> to vector<32xbf16>
      %mul3A_2006 = arith.mulf %broadcast_in_dim3A_0, %bitcast3A_2005 : vector<32xbf16>
      %add3A_2007 = arith.addf %add3A_1891, %mul3A_2006 : vector<32xbf16>
      %bitcast3A_2008 = vector.bitcast %gather3A_1956 : vector<16xi32> to vector<32xbf16>
      %mul3A_2009 = arith.mulf %broadcast_in_dim3A_0, %bitcast3A_2008 : vector<32xbf16>
      %add3A_2010 = arith.addf %add3A_1894, %mul3A_2009 : vector<32xbf16>
      %bitcast3A_2011 = vector.bitcast %gather3A_1960 : vector<16xi32> to vector<32xbf16>
      %mul3A_2012 = arith.mulf %broadcast_in_dim3A_0, %bitcast3A_2011 : vector<32xbf16>
      %add3A_2013 = arith.addf %add3A_1897, %mul3A_2012 : vector<32xbf16>
      %bitcast3A_2014 = vector.bitcast %gather3A_1964 : vector<16xi32> to vector<32xbf16>
      %mul3A_2015 = arith.mulf %broadcast_in_dim3A_0, %bitcast3A_2014 : vector<32xbf16>
      %add3A_2016 = arith.addf %add3A_1900, %mul3A_2015 : vector<32xbf16>
      %bitcast3A_2017 = vector.bitcast %gather3A_1968 : vector<16xi32> to vector<32xbf16>
      %mul3A_2018 = arith.mulf %broadcast_in_dim3A_0, %bitcast3A_2017 : vector<32xbf16>
      %add3A_2019 = arith.addf %add3A_1903, %mul3A_2018 : vector<32xbf16>
      %bitcast3A_2020 = vector.bitcast %gather3A_1972 : vector<16xi32> to vector<32xbf16>
      %mul3A_2021 = arith.mulf %broadcast_in_dim3A_0, %bitcast3A_2020 : vector<32xbf16>
      %add3A_2022 = arith.addf %add3A_1906, %mul3A_2021 : vector<32xbf16>
      %bitcast3A_2023 = vector.bitcast %gather3A_1976 : vector<16xi32> to vector<32xbf16>
      %mul3A_2024 = arith.mulf %broadcast_in_dim3A_0, %bitcast3A_2023 : vector<32xbf16>
      %add3A_2025 = arith.addf %add3A_1909, %mul3A_2024 : vector<32xbf16>
      %bitcast3A_2026 = vector.bitcast %gather3A_1980 : vector<16xi32> to vector<32xbf16>
      %mul3A_2027 = arith.mulf %broadcast_in_dim3A_0, %bitcast3A_2026 : vector<32xbf16>
      %add3A_2028 = arith.addf %add3A_1912, %mul3A_2027 : vector<32xbf16>
      %add3A_2029 = arith.constant 7 : i32
      %add3A_2030 = vector.broadcast %add3A_2029 : i32 to vector<16xi32>
      %add3A_2031 = arith.addi %mul3A_16, %add3A_2030 : vector<16xi32>
      %gather3A_2032 = tpu.vector_load_idx %arg7[%add3A_2031] : memref<2832xi32, #tpu.memory_space<vmem>>[vector<16xi32>], vector<16xi32>,
      %add3A_2033 = arith.constant 19216 : i32
      %add3A_2034 = vector.broadcast %add3A_2033 : i32 to vector<16xi32>
      %add3A_2035 = arith.addi %gather3A_1916, %add3A_2034 : vector<16xi32>
      %gather3A_2036 = tpu.vector_load_idx %arg10[%add3A_2035] : memref<38432xi32, #tpu.memory_space<vmem>>[vector<16xi32>], vector<16xi32>,
      %add3A_2037 = arith.constant 20417 : i32
      %add3A_2038 = vector.broadcast %add3A_2037 : i32 to vector<16xi32>
      %add3A_2039 = arith.addi %gather3A_1916, %add3A_2038 : vector<16xi32>
      %gather3A_2040 = tpu.vector_load_idx %arg10[%add3A_2039] : memref<38432xi32, #tpu.memory_space<vmem>>[vector<16xi32>], vector<16xi32>,
      %add3A_2041 = arith.constant 21618 : i32
      %add3A_2042 = vector.broadcast %add3A_2041 : i32 to vector<16xi32>
      %add3A_2043 = arith.addi %gather3A_1916, %add3A_2042 : vector<16xi32>
      %gather3A_2044 = tpu.vector_load_idx %arg10[%add3A_2043] : memref<38432xi32, #tpu.memory_space<vmem>>[vector<16xi32>], vector<16xi32>,
      %add3A_2045 = arith.constant 22819 : i32
      %add3A_2046 = vector.broadcast %add3A_2045 : i32 to vector<16xi32>
      %add3A_2047 = arith.addi %gather3A_1916, %add3A_2046 : vector<16xi32>
      %gather3A_2048 = tpu.vector_load_idx %arg10[%add3A_2047] : memref<38432xi32, #tpu.memory_space<vmem>>[vector<16xi32>], vector<16xi32>,
      %add3A_2049 = arith.constant 24020 : i32
      %add3A_2050 = vector.broadcast %add3A_2049 : i32 to vector<16xi32>
      %add3A_2051 = arith.addi %gather3A_1916, %add3A_2050 : vector<16xi32>
      %gather3A_2052 = tpu.vector_load_idx %arg10[%add3A_2051] : memref<38432xi32, #tpu.memory_space<vmem>>[vector<16xi32>], vector<16xi32>,
      %add3A_2053 = arith.constant 25221 : i32
      %add3A_2054 = vector.broadcast %add3A_2053 : i32 to vector<16xi32>
      %add3A_2055 = arith.addi %gather3A_1916, %add3A_2054 : vector<16xi32>
      %gather3A_2056 = tpu.vector_load_idx %arg10[%add3A_2055] : memref<38432xi32, #tpu.memory_space<vmem>>[vector<16xi32>], vector<16xi32>,
      %add3A_2057 = arith.constant 26422 : i32
      %add3A_2058 = vector.broadcast %add3A_2057 : i32 to vector<16xi32>
      %add3A_2059 = arith.addi %gather3A_1916, %add3A_2058 : vector<16xi32>
      %gather3A_2060 = tpu.vector_load_idx %arg10[%add3A_2059] : memref<38432xi32, #tpu.memory_space<vmem>>[vector<16xi32>], vector<16xi32>,
      %add3A_2061 = arith.constant 27623 : i32
      %add3A_2062 = vector.broadcast %add3A_2061 : i32 to vector<16xi32>
      %add3A_2063 = arith.addi %gather3A_1916, %add3A_2062 : vector<16xi32>
      %gather3A_2064 = tpu.vector_load_idx %arg10[%add3A_2063] : memref<38432xi32, #tpu.memory_space<vmem>>[vector<16xi32>], vector<16xi32>,
      %add3A_2065 = arith.constant 28824 : i32
      %add3A_2066 = vector.broadcast %add3A_2065 : i32 to vector<16xi32>
      %add3A_2067 = arith.addi %gather3A_1916, %add3A_2066 : vector<16xi32>
      %gather3A_2068 = tpu.vector_load_idx %arg10[%add3A_2067] : memref<38432xi32, #tpu.memory_space<vmem>>[vector<16xi32>], vector<16xi32>,
      %add3A_2069 = arith.constant 30025 : i32
      %add3A_2070 = vector.broadcast %add3A_2069 : i32 to vector<16xi32>
      %add3A_2071 = arith.addi %gather3A_1916, %add3A_2070 : vector<16xi32>
      %gather3A_2072 = tpu.vector_load_idx %arg10[%add3A_2071] : memref<38432xi32, #tpu.memory_space<vmem>>[vector<16xi32>], vector<16xi32>,
      %add3A_2073 = arith.constant 31226 : i32
      %add3A_2074 = vector.broadcast %add3A_2073 : i32 to vector<16xi32>
      %add3A_2075 = arith.addi %gather3A_1916, %add3A_2074 : vector<16xi32>
      %gather3A_2076 = tpu.vector_load_idx %arg10[%add3A_2075] : memref<38432xi32, #tpu.memory_space<vmem>>[vector<16xi32>], vector<16xi32>,
      %add3A_2077 = arith.constant 32427 : i32
      %add3A_2078 = vector.broadcast %add3A_2077 : i32 to vector<16xi32>
      %add3A_2079 = arith.addi %gather3A_1916, %add3A_2078 : vector<16xi32>
      %gather3A_2080 = tpu.vector_load_idx %arg10[%add3A_2079] : memref<38432xi32, #tpu.memory_space<vmem>>[vector<16xi32>], vector<16xi32>,
      %add3A_2081 = arith.constant 33628 : i32
      %add3A_2082 = vector.broadcast %add3A_2081 : i32 to vector<16xi32>
      %add3A_2083 = arith.addi %gather3A_1916, %add3A_2082 : vector<16xi32>
      %gather3A_2084 = tpu.vector_load_idx %arg10[%add3A_2083] : memref<38432xi32, #tpu.memory_space<vmem>>[vector<16xi32>], vector<16xi32>,
      %add3A_2085 = arith.constant 34829 : i32
      %add3A_2086 = vector.broadcast %add3A_2085 : i32 to vector<16xi32>
      %add3A_2087 = arith.addi %gather3A_1916, %add3A_2086 : vector<16xi32>
      %gather3A_2088 = tpu.vector_load_idx %arg10[%add3A_2087] : memref<38432xi32, #tpu.memory_space<vmem>>[vector<16xi32>], vector<16xi32>,
      %add3A_2089 = arith.constant 36030 : i32
      %add3A_2090 = vector.broadcast %add3A_2089 : i32 to vector<16xi32>
      %add3A_2091 = arith.addi %gather3A_1916, %add3A_2090 : vector<16xi32>
      %gather3A_2092 = tpu.vector_load_idx %arg10[%add3A_2091] : memref<38432xi32, #tpu.memory_space<vmem>>[vector<16xi32>], vector<16xi32>,
      %add3A_2093 = arith.constant 37231 : i32
      %add3A_2094 = vector.broadcast %add3A_2093 : i32 to vector<16xi32>
      %add3A_2095 = arith.addi %gather3A_1916, %add3A_2094 : vector<16xi32>
      %gather3A_2096 = tpu.vector_load_idx %arg10[%add3A_2095] : memref<38432xi32, #tpu.memory_space<vmem>>[vector<16xi32>], vector<16xi32>,
      %bitcast3A_2097 = vector.bitcast %gather3A_2036 : vector<16xi32> to vector<32xbf16>
      %mul3A_2098 = arith.mulf %broadcast_in_dim3A_0, %bitcast3A_2097 : vector<32xbf16>
      %add3A_2099 = arith.addf %add3A_1983, %mul3A_2098 : vector<32xbf16>
      %bitcast3A_2100 = vector.bitcast %gather3A_2040 : vector<16xi32> to vector<32xbf16>
      %mul3A_2101 = arith.mulf %broadcast_in_dim3A_0, %bitcast3A_2100 : vector<32xbf16>
      %add3A_2102 = arith.addf %add3A_1986, %mul3A_2101 : vector<32xbf16>
      %bitcast3A_2103 = vector.bitcast %gather3A_2044 : vector<16xi32> to vector<32xbf16>
      %mul3A_2104 = arith.mulf %broadcast_in_dim3A_0, %bitcast3A_2103 : vector<32xbf16>
      %add3A_2105 = arith.addf %add3A_1989, %mul3A_2104 : vector<32xbf16>
      %bitcast3A_2106 = vector.bitcast %gather3A_2048 : vector<16xi32> to vector<32xbf16>
      %mul3A_2107 = arith.mulf %broadcast_in_dim3A_0, %bitcast3A_2106 : vector<32xbf16>
      %add3A_2108 = arith.addf %add3A_1992, %mul3A_2107 : vector<32xbf16>
      %bitcast3A_2109 = vector.bitcast %gather3A_2052 : vector<16xi32> to vector<32xbf16>
      %mul3A_2110 = arith.mulf %broadcast_in_dim3A_0, %bitcast3A_2109 : vector<32xbf16>
      %add3A_2111 = arith.addf %add3A_1995, %mul3A_2110 : vector<32xbf16>
      %bitcast3A_2112 = vector.bitcast %gather3A_2056 : vector<16xi32> to vector<32xbf16>
      %mul3A_2113 = arith.mulf %broadcast_in_dim3A_0, %bitcast3A_2112 : vector<32xbf16>
      %add3A_2114 = arith.addf %add3A_1998, %mul3A_2113 : vector<32xbf16>
      %bitcast3A_2115 = vector.bitcast %gather3A_2060 : vector<16xi32> to vector<32xbf16>
      %mul3A_2116 = arith.mulf %broadcast_in_dim3A_0, %bitcast3A_2115 : vector<32xbf16>
      %add3A_2117 = arith.addf %add3A_2001, %mul3A_2116 : vector<32xbf16>
      %bitcast3A_2118 = vector.bitcast %gather3A_2064 : vector<16xi32> to vector<32xbf16>
      %mul3A_2119 = arith.mulf %broadcast_in_dim3A_0, %bitcast3A_2118 : vector<32xbf16>
      %add3A_2120 = arith.addf %add3A_2004, %mul3A_2119 : vector<32xbf16>
      %bitcast3A_2121 = vector.bitcast %gather3A_2068 : vector<16xi32> to vector<32xbf16>
      %mul3A_2122 = arith.mulf %broadcast_in_dim3A_0, %bitcast3A_2121 : vector<32xbf16>
      %add3A_2123 = arith.addf %add3A_2007, %mul3A_2122 : vector<32xbf16>
      %bitcast3A_2124 = vector.bitcast %gather3A_2072 : vector<16xi32> to vector<32xbf16>
      %mul3A_2125 = arith.mulf %broadcast_in_dim3A_0, %bitcast3A_2124 : vector<32xbf16>
      %add3A_2126 = arith.addf %add3A_2010, %mul3A_2125 : vector<32xbf16>
      %bitcast3A_2127 = vector.bitcast %gather3A_2076 : vector<16xi32> to vector<32xbf16>
      %mul3A_2128 = arith.mulf %broadcast_in_dim3A_0, %bitcast3A_2127 : vector<32xbf16>
      %add3A_2129 = arith.addf %add3A_2013, %mul3A_2128 : vector<32xbf16>
      %bitcast3A_2130 = vector.bitcast %gather3A_2080 : vector<16xi32> to vector<32xbf16>
      %mul3A_2131 = arith.mulf %broadcast_in_dim3A_0, %bitcast3A_2130 : vector<32xbf16>
      %add3A_2132 = arith.addf %add3A_2016, %mul3A_2131 : vector<32xbf16>
      %bitcast3A_2133 = vector.bitcast %gather3A_2084 : vector<16xi32> to vector<32xbf16>
      %mul3A_2134 = arith.mulf %broadcast_in_dim3A_0, %bitcast3A_2133 : vector<32xbf16>
      %add3A_2135 = arith.addf %add3A_2019, %mul3A_2134 : vector<32xbf16>
      %bitcast3A_2136 = vector.bitcast %gather3A_2088 : vector<16xi32> to vector<32xbf16>
      %mul3A_2137 = arith.mulf %broadcast_in_dim3A_0, %bitcast3A_2136 : vector<32xbf16>
      %add3A_2138 = arith.addf %add3A_2022, %mul3A_2137 : vector<32xbf16>
      %bitcast3A_2139 = vector.bitcast %gather3A_2092 : vector<16xi32> to vector<32xbf16>
      %mul3A_2140 = arith.mulf %broadcast_in_dim3A_0, %bitcast3A_2139 : vector<32xbf16>
      %add3A_2141 = arith.addf %add3A_2025, %mul3A_2140 : vector<32xbf16>
      %bitcast3A_2142 = vector.bitcast %gather3A_2096 : vector<16xi32> to vector<32xbf16>
      %mul3A_2143 = arith.mulf %broadcast_in_dim3A_0, %bitcast3A_2142 : vector<32xbf16>
      %add3A_2144 = arith.addf %add3A_2028, %mul3A_2143 : vector<32xbf16>
      %add3A_2145 = arith.constant 8 : i32
      %add3A_2146 = vector.broadcast %add3A_2145 : i32 to vector<16xi32>
      %add3A_2147 = arith.addi %mul3A_16, %add3A_2146 : vector<16xi32>
      %gather3A_2148 = tpu.vector_load_idx %arg7[%add3A_2147] : memref<2832xi32, #tpu.memory_space<vmem>>[vector<16xi32>], vector<16xi32>,
      %add3A_2149 = arith.constant 19216 : i32
      %add3A_2150 = vector.broadcast %add3A_2149 : i32 to vector<16xi32>
      %add3A_2151 = arith.addi %gather3A_2032, %add3A_2150 : vector<16xi32>
      %gather3A_2152 = tpu.vector_load_idx %arg10[%add3A_2151] : memref<38432xi32, #tpu.memory_space<vmem>>[vector<16xi32>], vector<16xi32>,
      %add3A_2153 = arith.constant 20417 : i32
      %add3A_2154 = vector.broadcast %add3A_2153 : i32 to vector<16xi32>
      %add3A_2155 = arith.addi %gather3A_2032, %add3A_2154 : vector<16xi32>
      %gather3A_2156 = tpu.vector_load_idx %arg10[%add3A_2155] : memref<38432xi32, #tpu.memory_space<vmem>>[vector<16xi32>], vector<16xi32>,
      %add3A_2157 = arith.constant 21618 : i32
      %add3A_2158 = vector.broadcast %add3A_2157 : i32 to vector<16xi32>
      %add3A_2159 = arith.addi %gather3A_2032, %add3A_2158 : vector<16xi32>
      %gather3A_2160 = tpu.vector_load_idx %arg10[%add3A_2159] : memref<38432xi32, #tpu.memory_space<vmem>>[vector<16xi32>], vector<16xi32>,
      %add3A_2161 = arith.constant 22819 : i32
      %add3A_2162 = vector.broadcast %add3A_2161 : i32 to vector<16xi32>
      %add3A_2163 = arith.addi %gather3A_2032, %add3A_2162 : vector<16xi32>
      %gather3A_2164 = tpu.vector_load_idx %arg10[%add3A_2163] : memref<38432xi32, #tpu.memory_space<vmem>>[vector<16xi32>], vector<16xi32>,
      %add3A_2165 = arith.constant 24020 : i32
      %add3A_2166 = vector.broadcast %add3A_2165 : i32 to vector<16xi32>
      %add3A_2167 = arith.addi %gather3A_2032, %add3A_2166 : vector<16xi32>
      %gather3A_2168 = tpu.vector_load_idx %arg10[%add3A_2167] : memref<38432xi32, #tpu.memory_space<vmem>>[vector<16xi32>], vector<16xi32>,
      %add3A_2169 = arith.constant 25221 : i32
      %add3A_2170 = vector.broadcast %add3A_2169 : i32 to vector<16xi32>
      %add3A_2171 = arith.addi %gather3A_2032, %add3A_2170 : vector<16xi32>
      %gather3A_2172 = tpu.vector_load_idx %arg10[%add3A_2171] : memref<38432xi32, #tpu.memory_space<vmem>>[vector<16xi32>], vector<16xi32>,
      %add3A_2173 = arith.constant 26422 : i32
      %add3A_2174 = vector.broadcast %add3A_2173 : i32 to vector<16xi32>
      %add3A_2175 = arith.addi %gather3A_2032, %add3A_2174 : vector<16xi32>
      %gather3A_2176 = tpu.vector_load_idx %arg10[%add3A_2175] : memref<38432xi32, #tpu.memory_space<vmem>>[vector<16xi32>], vector<16xi32>,
      %add3A_2177 = arith.constant 27623 : i32
      %add3A_2178 = vector.broadcast %add3A_2177 : i32 to vector<16xi32>
      %add3A_2179 = arith.addi %gather3A_2032, %add3A_2178 : vector<16xi32>
      %gather3A_2180 = tpu.vector_load_idx %arg10[%add3A_2179] : memref<38432xi32, #tpu.memory_space<vmem>>[vector<16xi32>], vector<16xi32>,
      %add3A_2181 = arith.constant 28824 : i32
      %add3A_2182 = vector.broadcast %add3A_2181 : i32 to vector<16xi32>
      %add3A_2183 = arith.addi %gather3A_2032, %add3A_2182 : vector<16xi32>
      %gather3A_2184 = tpu.vector_load_idx %arg10[%add3A_2183] : memref<38432xi32, #tpu.memory_space<vmem>>[vector<16xi32>], vector<16xi32>,
      %add3A_2185 = arith.constant 30025 : i32
      %add3A_2186 = vector.broadcast %add3A_2185 : i32 to vector<16xi32>
      %add3A_2187 = arith.addi %gather3A_2032, %add3A_2186 : vector<16xi32>
      %gather3A_2188 = tpu.vector_load_idx %arg10[%add3A_2187] : memref<38432xi32, #tpu.memory_space<vmem>>[vector<16xi32>], vector<16xi32>,
      %add3A_2189 = arith.constant 31226 : i32
      %add3A_2190 = vector.broadcast %add3A_2189 : i32 to vector<16xi32>
      %add3A_2191 = arith.addi %gather3A_2032, %add3A_2190 : vector<16xi32>
      %gather3A_2192 = tpu.vector_load_idx %arg10[%add3A_2191] : memref<38432xi32, #tpu.memory_space<vmem>>[vector<16xi32>], vector<16xi32>,
      %add3A_2193 = arith.constant 32427 : i32
      %add3A_2194 = vector.broadcast %add3A_2193 : i32 to vector<16xi32>
      %add3A_2195 = arith.addi %gather3A_2032, %add3A_2194 : vector<16xi32>
      %gather3A_2196 = tpu.vector_load_idx %arg10[%add3A_2195] : memref<38432xi32, #tpu.memory_space<vmem>>[vector<16xi32>], vector<16xi32>,
      %add3A_2197 = arith.constant 33628 : i32
      %add3A_2198 = vector.broadcast %add3A_2197 : i32 to vector<16xi32>
      %add3A_2199 = arith.addi %gather3A_2032, %add3A_2198 : vector<16xi32>
      %gather3A_2200 = tpu.vector_load_idx %arg10[%add3A_2199] : memref<38432xi32, #tpu.memory_space<vmem>>[vector<16xi32>], vector<16xi32>,
      %add3A_2201 = arith.constant 34829 : i32
      %add3A_2202 = vector.broadcast %add3A_2201 : i32 to vector<16xi32>
      %add3A_2203 = arith.addi %gather3A_2032, %add3A_2202 : vector<16xi32>
      %gather3A_2204 = tpu.vector_load_idx %arg10[%add3A_2203] : memref<38432xi32, #tpu.memory_space<vmem>>[vector<16xi32>], vector<16xi32>,
      %add3A_2205 = arith.constant 36030 : i32
      %add3A_2206 = vector.broadcast %add3A_2205 : i32 to vector<16xi32>
      %add3A_2207 = arith.addi %gather3A_2032, %add3A_2206 : vector<16xi32>
      %gather3A_2208 = tpu.vector_load_idx %arg10[%add3A_2207] : memref<38432xi32, #tpu.memory_space<vmem>>[vector<16xi32>], vector<16xi32>,
      %add3A_2209 = arith.constant 37231 : i32
      %add3A_2210 = vector.broadcast %add3A_2209 : i32 to vector<16xi32>
      %add3A_2211 = arith.addi %gather3A_2032, %add3A_2210 : vector<16xi32>
      %gather3A_2212 = tpu.vector_load_idx %arg10[%add3A_2211] : memref<38432xi32, #tpu.memory_space<vmem>>[vector<16xi32>], vector<16xi32>,
      %bitcast3A_2213 = vector.bitcast %gather3A_2152 : vector<16xi32> to vector<32xbf16>
      %mul3A_2214 = arith.mulf %broadcast_in_dim3A_0, %bitcast3A_2213 : vector<32xbf16>
      %add3A_2215 = arith.addf %add3A_2099, %mul3A_2214 : vector<32xbf16>
      %bitcast3A_2216 = vector.bitcast %gather3A_2156 : vector<16xi32> to vector<32xbf16>
      %mul3A_2217 = arith.mulf %broadcast_in_dim3A_0, %bitcast3A_2216 : vector<32xbf16>
      %add3A_2218 = arith.addf %add3A_2102, %mul3A_2217 : vector<32xbf16>
      %bitcast3A_2219 = vector.bitcast %gather3A_2160 : vector<16xi32> to vector<32xbf16>
      %mul3A_2220 = arith.mulf %broadcast_in_dim3A_0, %bitcast3A_2219 : vector<32xbf16>
      %add3A_2221 = arith.addf %add3A_2105, %mul3A_2220 : vector<32xbf16>
      %bitcast3A_2222 = vector.bitcast %gather3A_2164 : vector<16xi32> to vector<32xbf16>
      %mul3A_2223 = arith.mulf %broadcast_in_dim3A_0, %bitcast3A_2222 : vector<32xbf16>
      %add3A_2224 = arith.addf %add3A_2108, %mul3A_2223 : vector<32xbf16>
      %bitcast3A_2225 = vector.bitcast %gather3A_2168 : vector<16xi32> to vector<32xbf16>
      %mul3A_2226 = arith.mulf %broadcast_in_dim3A_0, %bitcast3A_2225 : vector<32xbf16>
      %add3A_2227 = arith.addf %add3A_2111, %mul3A_2226 : vector<32xbf16>
      %bitcast3A_2228 = vector.bitcast %gather3A_2172 : vector<16xi32> to vector<32xbf16>
      %mul3A_2229 = arith.mulf %broadcast_in_dim3A_0, %bitcast3A_2228 : vector<32xbf16>
      %add3A_2230 = arith.addf %add3A_2114, %mul3A_2229 : vector<32xbf16>
      %bitcast3A_2231 = vector.bitcast %gather3A_2176 : vector<16xi32> to vector<32xbf16>
      %mul3A_2232 = arith.mulf %broadcast_in_dim3A_0, %bitcast3A_2231 : vector<32xbf16>
      %add3A_2233 = arith.addf %add3A_2117, %mul3A_2232 : vector<32xbf16>
      %bitcast3A_2234 = vector.bitcast %gather3A_2180 : vector<16xi32> to vector<32xbf16>
      %mul3A_2235 = arith.mulf %broadcast_in_dim3A_0, %bitcast3A_2234 : vector<32xbf16>
      %add3A_2236 = arith.addf %add3A_2120, %mul3A_2235 : vector<32xbf16>
      %bitcast3A_2237 = vector.bitcast %gather3A_2184 : vector<16xi32> to vector<32xbf16>
      %mul3A_2238 = arith.mulf %broadcast_in_dim3A_0, %bitcast3A_2237 : vector<32xbf16>
      %add3A_2239 = arith.addf %add3A_2123, %mul3A_2238 : vector<32xbf16>
      %bitcast3A_2240 = vector.bitcast %gather3A_2188 : vector<16xi32> to vector<32xbf16>
      %mul3A_2241 = arith.mulf %broadcast_in_dim3A_0, %bitcast3A_2240 : vector<32xbf16>
      %add3A_2242 = arith.addf %add3A_2126, %mul3A_2241 : vector<32xbf16>
      %bitcast3A_2243 = vector.bitcast %gather3A_2192 : vector<16xi32> to vector<32xbf16>
      %mul3A_2244 = arith.mulf %broadcast_in_dim3A_0, %bitcast3A_2243 : vector<32xbf16>
      %add3A_2245 = arith.addf %add3A_2129, %mul3A_2244 : vector<32xbf16>
      %bitcast3A_2246 = vector.bitcast %gather3A_2196 : vector<16xi32> to vector<32xbf16>
      %mul3A_2247 = arith.mulf %broadcast_in_dim3A_0, %bitcast3A_2246 : vector<32xbf16>
      %add3A_2248 = arith.addf %add3A_2132, %mul3A_2247 : vector<32xbf16>
      %bitcast3A_2249 = vector.bitcast %gather3A_2200 : vector<16xi32> to vector<32xbf16>
      %mul3A_2250 = arith.mulf %broadcast_in_dim3A_0, %bitcast3A_2249 : vector<32xbf16>
      %add3A_2251 = arith.addf %add3A_2135, %mul3A_2250 : vector<32xbf16>
      %bitcast3A_2252 = vector.bitcast %gather3A_2204 : vector<16xi32> to vector<32xbf16>
      %mul3A_2253 = arith.mulf %broadcast_in_dim3A_0, %bitcast3A_2252 : vector<32xbf16>
      %add3A_2254 = arith.addf %add3A_2138, %mul3A_2253 : vector<32xbf16>
      %bitcast3A_2255 = vector.bitcast %gather3A_2208 : vector<16xi32> to vector<32xbf16>
      %mul3A_2256 = arith.mulf %broadcast_in_dim3A_0, %bitcast3A_2255 : vector<32xbf16>
      %add3A_2257 = arith.addf %add3A_2141, %mul3A_2256 : vector<32xbf16>
      %bitcast3A_2258 = vector.bitcast %gather3A_2212 : vector<16xi32> to vector<32xbf16>
      %mul3A_2259 = arith.mulf %broadcast_in_dim3A_0, %bitcast3A_2258 : vector<32xbf16>
      %add3A_2260 = arith.addf %add3A_2144, %mul3A_2259 : vector<32xbf16>
      %add3A_2261 = arith.constant 9 : i32
      %add3A_2262 = vector.broadcast %add3A_2261 : i32 to vector<16xi32>
      %add3A_2263 = arith.addi %mul3A_16, %add3A_2262 : vector<16xi32>
      %gather3A_2264 = tpu.vector_load_idx %arg7[%add3A_2263] : memref<2832xi32, #tpu.memory_space<vmem>>[vector<16xi32>], vector<16xi32>,
      %add3A_2265 = arith.constant 19216 : i32
      %add3A_2266 = vector.broadcast %add3A_2265 : i32 to vector<16xi32>
      %add3A_2267 = arith.addi %gather3A_2148, %add3A_2266 : vector<16xi32>
      %gather3A_2268 = tpu.vector_load_idx %arg10[%add3A_2267] : memref<38432xi32, #tpu.memory_space<vmem>>[vector<16xi32>], vector<16xi32>,
      %add3A_2269 = arith.constant 20417 : i32
      %add3A_2270 = vector.broadcast %add3A_2269 : i32 to vector<16xi32>
      %add3A_2271 = arith.addi %gather3A_2148, %add3A_2270 : vector<16xi32>
      %gather3A_2272 = tpu.vector_load_idx %arg10[%add3A_2271] : memref<38432xi32, #tpu.memory_space<vmem>>[vector<16xi32>], vector<16xi32>,
      %add3A_2273 = arith.constant 21618 : i32
      %add3A_2274 = vector.broadcast %add3A_2273 : i32 to vector<16xi32>
      %add3A_2275 = arith.addi %gather3A_2148, %add3A_2274 : vector<16xi32>
      %gather3A_2276 = tpu.vector_load_idx %arg10[%add3A_2275] : memref<38432xi32, #tpu.memory_space<vmem>>[vector<16xi32>], vector<16xi32>,
      %add3A_2277 = arith.constant 22819 : i32
      %add3A_2278 = vector.broadcast %add3A_2277 : i32 to vector<16xi32>
      %add3A_2279 = arith.addi %gather3A_2148, %add3A_2278 : vector<16xi32>
      %gather3A_2280 = tpu.vector_load_idx %arg10[%add3A_2279] : memref<38432xi32, #tpu.memory_space<vmem>>[vector<16xi32>], vector<16xi32>,
      %add3A_2281 = arith.constant 24020 : i32
      %add3A_2282 = vector.broadcast %add3A_2281 : i32 to vector<16xi32>
      %add3A_2283 = arith.addi %gather3A_2148, %add3A_2282 : vector<16xi32>
      %gather3A_2284 = tpu.vector_load_idx %arg10[%add3A_2283] : memref<38432xi32, #tpu.memory_space<vmem>>[vector<16xi32>], vector<16xi32>,
      %add3A_2285 = arith.constant 25221 : i32
      %add3A_2286 = vector.broadcast %add3A_2285 : i32 to vector<16xi32>
      %add3A_2287 = arith.addi %gather3A_2148, %add3A_2286 : vector<16xi32>
      %gather3A_2288 = tpu.vector_load_idx %arg10[%add3A_2287] : memref<38432xi32, #tpu.memory_space<vmem>>[vector<16xi32>], vector<16xi32>,
      %add3A_2289 = arith.constant 26422 : i32
      %add3A_2290 = vector.broadcast %add3A_2289 : i32 to vector<16xi32>
      %add3A_2291 = arith.addi %gather3A_2148, %add3A_2290 : vector<16xi32>
      %gather3A_2292 = tpu.vector_load_idx %arg10[%add3A_2291] : memref<38432xi32, #tpu.memory_space<vmem>>[vector<16xi32>], vector<16xi32>,
      %add3A_2293 = arith.constant 27623 : i32
      %add3A_2294 = vector.broadcast %add3A_2293 : i32 to vector<16xi32>
      %add3A_2295 = arith.addi %gather3A_2148, %add3A_2294 : vector<16xi32>
      %gather3A_2296 = tpu.vector_load_idx %arg10[%add3A_2295] : memref<38432xi32, #tpu.memory_space<vmem>>[vector<16xi32>], vector<16xi32>,
      %add3A_2297 = arith.constant 28824 : i32
      %add3A_2298 = vector.broadcast %add3A_2297 : i32 to vector<16xi32>
      %add3A_2299 = arith.addi %gather3A_2148, %add3A_2298 : vector<16xi32>
      %gather3A_2300 = tpu.vector_load_idx %arg10[%add3A_2299] : memref<38432xi32, #tpu.memory_space<vmem>>[vector<16xi32>], vector<16xi32>,
      %add3A_2301 = arith.constant 30025 : i32
      %add3A_2302 = vector.broadcast %add3A_2301 : i32 to vector<16xi32>
      %add3A_2303 = arith.addi %gather3A_2148, %add3A_2302 : vector<16xi32>
      %gather3A_2304 = tpu.vector_load_idx %arg10[%add3A_2303] : memref<38432xi32, #tpu.memory_space<vmem>>[vector<16xi32>], vector<16xi32>,
      %add3A_2305 = arith.constant 31226 : i32
      %add3A_2306 = vector.broadcast %add3A_2305 : i32 to vector<16xi32>
      %add3A_2307 = arith.addi %gather3A_2148, %add3A_2306 : vector<16xi32>
      %gather3A_2308 = tpu.vector_load_idx %arg10[%add3A_2307] : memref<38432xi32, #tpu.memory_space<vmem>>[vector<16xi32>], vector<16xi32>,
      %add3A_2309 = arith.constant 32427 : i32
      %add3A_2310 = vector.broadcast %add3A_2309 : i32 to vector<16xi32>
      %add3A_2311 = arith.addi %gather3A_2148, %add3A_2310 : vector<16xi32>
      %gather3A_2312 = tpu.vector_load_idx %arg10[%add3A_2311] : memref<38432xi32, #tpu.memory_space<vmem>>[vector<16xi32>], vector<16xi32>,
      %add3A_2313 = arith.constant 33628 : i32
      %add3A_2314 = vector.broadcast %add3A_2313 : i32 to vector<16xi32>
      %add3A_2315 = arith.addi %gather3A_2148, %add3A_2314 : vector<16xi32>
      %gather3A_2316 = tpu.vector_load_idx %arg10[%add3A_2315] : memref<38432xi32, #tpu.memory_space<vmem>>[vector<16xi32>], vector<16xi32>,
      %add3A_2317 = arith.constant 34829 : i32
      %add3A_2318 = vector.broadcast %add3A_2317 : i32 to vector<16xi32>
      %add3A_2319 = arith.addi %gather3A_2148, %add3A_2318 : vector<16xi32>
      %gather3A_2320 = tpu.vector_load_idx %arg10[%add3A_2319] : memref<38432xi32, #tpu.memory_space<vmem>>[vector<16xi32>], vector<16xi32>,
      %add3A_2321 = arith.constant 36030 : i32
      %add3A_2322 = vector.broadcast %add3A_2321 : i32 to vector<16xi32>
      %add3A_2323 = arith.addi %gather3A_2148, %add3A_2322 : vector<16xi32>
      %gather3A_2324 = tpu.vector_load_idx %arg10[%add3A_2323] : memref<38432xi32, #tpu.memory_space<vmem>>[vector<16xi32>], vector<16xi32>,
      %add3A_2325 = arith.constant 37231 : i32
      %add3A_2326 = vector.broadcast %add3A_2325 : i32 to vector<16xi32>
      %add3A_2327 = arith.addi %gather3A_2148, %add3A_2326 : vector<16xi32>
      %gather3A_2328 = tpu.vector_load_idx %arg10[%add3A_2327] : memref<38432xi32, #tpu.memory_space<vmem>>[vector<16xi32>], vector<16xi32>,
      %bitcast3A_2329 = vector.bitcast %gather3A_2268 : vector<16xi32> to vector<32xbf16>
      %mul3A_2330 = arith.mulf %broadcast_in_dim3A_0, %bitcast3A_2329 : vector<32xbf16>
      %add3A_2331 = arith.addf %add3A_2215, %mul3A_2330 : vector<32xbf16>
      %bitcast3A_2332 = vector.bitcast %gather3A_2272 : vector<16xi32> to vector<32xbf16>
      %mul3A_2333 = arith.mulf %broadcast_in_dim3A_0, %bitcast3A_2332 : vector<32xbf16>
      %add3A_2334 = arith.addf %add3A_2218, %mul3A_2333 : vector<32xbf16>
      %bitcast3A_2335 = vector.bitcast %gather3A_2276 : vector<16xi32> to vector<32xbf16>
      %mul3A_2336 = arith.mulf %broadcast_in_dim3A_0, %bitcast3A_2335 : vector<32xbf16>
      %add3A_2337 = arith.addf %add3A_2221, %mul3A_2336 : vector<32xbf16>
      %bitcast3A_2338 = vector.bitcast %gather3A_2280 : vector<16xi32> to vector<32xbf16>
      %mul3A_2339 = arith.mulf %broadcast_in_dim3A_0, %bitcast3A_2338 : vector<32xbf16>
      %add3A_2340 = arith.addf %add3A_2224, %mul3A_2339 : vector<32xbf16>
      %bitcast3A_2341 = vector.bitcast %gather3A_2284 : vector<16xi32> to vector<32xbf16>
      %mul3A_2342 = arith.mulf %broadcast_in_dim3A_0, %bitcast3A_2341 : vector<32xbf16>
      %add3A_2343 = arith.addf %add3A_2227, %mul3A_2342 : vector<32xbf16>
      %bitcast3A_2344 = vector.bitcast %gather3A_2288 : vector<16xi32> to vector<32xbf16>
      %mul3A_2345 = arith.mulf %broadcast_in_dim3A_0, %bitcast3A_2344 : vector<32xbf16>
      %add3A_2346 = arith.addf %add3A_2230, %mul3A_2345 : vector<32xbf16>
      %bitcast3A_2347 = vector.bitcast %gather3A_2292 : vector<16xi32> to vector<32xbf16>
      %mul3A_2348 = arith.mulf %broadcast_in_dim3A_0, %bitcast3A_2347 : vector<32xbf16>
      %add3A_2349 = arith.addf %add3A_2233, %mul3A_2348 : vector<32xbf16>
      %bitcast3A_2350 = vector.bitcast %gather3A_2296 : vector<16xi32> to vector<32xbf16>
      %mul3A_2351 = arith.mulf %broadcast_in_dim3A_0, %bitcast3A_2350 : vector<32xbf16>
      %add3A_2352 = arith.addf %add3A_2236, %mul3A_2351 : vector<32xbf16>
      %bitcast3A_2353 = vector.bitcast %gather3A_2300 : vector<16xi32> to vector<32xbf16>
      %mul3A_2354 = arith.mulf %broadcast_in_dim3A_0, %bitcast3A_2353 : vector<32xbf16>
      %add3A_2355 = arith.addf %add3A_2239, %mul3A_2354 : vector<32xbf16>
      %bitcast3A_2356 = vector.bitcast %gather3A_2304 : vector<16xi32> to vector<32xbf16>
      %mul3A_2357 = arith.mulf %broadcast_in_dim3A_0, %bitcast3A_2356 : vector<32xbf16>
      %add3A_2358 = arith.addf %add3A_2242, %mul3A_2357 : vector<32xbf16>
      %bitcast3A_2359 = vector.bitcast %gather3A_2308 : vector<16xi32> to vector<32xbf16>
      %mul3A_2360 = arith.mulf %broadcast_in_dim3A_0, %bitcast3A_2359 : vector<32xbf16>
      %add3A_2361 = arith.addf %add3A_2245, %mul3A_2360 : vector<32xbf16>
      %bitcast3A_2362 = vector.bitcast %gather3A_2312 : vector<16xi32> to vector<32xbf16>
      %mul3A_2363 = arith.mulf %broadcast_in_dim3A_0, %bitcast3A_2362 : vector<32xbf16>
      %add3A_2364 = arith.addf %add3A_2248, %mul3A_2363 : vector<32xbf16>
      %bitcast3A_2365 = vector.bitcast %gather3A_2316 : vector<16xi32> to vector<32xbf16>
      %mul3A_2366 = arith.mulf %broadcast_in_dim3A_0, %bitcast3A_2365 : vector<32xbf16>
      %add3A_2367 = arith.addf %add3A_2251, %mul3A_2366 : vector<32xbf16>
      %bitcast3A_2368 = vector.bitcast %gather3A_2320 : vector<16xi32> to vector<32xbf16>
      %mul3A_2369 = arith.mulf %broadcast_in_dim3A_0, %bitcast3A_2368 : vector<32xbf16>
      %add3A_2370 = arith.addf %add3A_2254, %mul3A_2369 : vector<32xbf16>
      %bitcast3A_2371 = vector.bitcast %gather3A_2324 : vector<16xi32> to vector<32xbf16>
      %mul3A_2372 = arith.mulf %broadcast_in_dim3A_0, %bitcast3A_2371 : vector<32xbf16>
      %add3A_2373 = arith.addf %add3A_2257, %mul3A_2372 : vector<32xbf16>
      %bitcast3A_2374 = vector.bitcast %gather3A_2328 : vector<16xi32> to vector<32xbf16>
      %mul3A_2375 = arith.mulf %broadcast_in_dim3A_0, %bitcast3A_2374 : vector<32xbf16>
      %add3A_2376 = arith.addf %add3A_2260, %mul3A_2375 : vector<32xbf16>
      %add3A_2377 = arith.constant 10 : i32
      %add3A_2378 = vector.broadcast %add3A_2377 : i32 to vector<16xi32>
      %add3A_2379 = arith.addi %mul3A_16, %add3A_2378 : vector<16xi32>
      %gather3A_2380 = tpu.vector_load_idx %arg7[%add3A_2379] : memref<2832xi32, #tpu.memory_space<vmem>>[vector<16xi32>], vector<16xi32>,
      %add3A_2381 = arith.constant 19216 : i32
      %add3A_2382 = vector.broadcast %add3A_2381 : i32 to vector<16xi32>
      %add3A_2383 = arith.addi %gather3A_2264, %add3A_2382 : vector<16xi32>
      %gather3A_2384 = tpu.vector_load_idx %arg10[%add3A_2383] : memref<38432xi32, #tpu.memory_space<vmem>>[vector<16xi32>], vector<16xi32>,
      %add3A_2385 = arith.constant 20417 : i32
      %add3A_2386 = vector.broadcast %add3A_2385 : i32 to vector<16xi32>
      %add3A_2387 = arith.addi %gather3A_2264, %add3A_2386 : vector<16xi32>
      %gather3A_2388 = tpu.vector_load_idx %arg10[%add3A_2387] : memref<38432xi32, #tpu.memory_space<vmem>>[vector<16xi32>], vector<16xi32>,
      %add3A_2389 = arith.constant 21618 : i32
      %add3A_2390 = vector.broadcast %add3A_2389 : i32 to vector<16xi32>
      %add3A_2391 = arith.addi %gather3A_2264, %add3A_2390 : vector<16xi32>
      %gather3A_2392 = tpu.vector_load_idx %arg10[%add3A_2391] : memref<38432xi32, #tpu.memory_space<vmem>>[vector<16xi32>], vector<16xi32>,
      %add3A_2393 = arith.constant 22819 : i32
      %add3A_2394 = vector.broadcast %add3A_2393 : i32 to vector<16xi32>
      %add3A_2395 = arith.addi %gather3A_2264, %add3A_2394 : vector<16xi32>
      %gather3A_2396 = tpu.vector_load_idx %arg10[%add3A_2395] : memref<38432xi32, #tpu.memory_space<vmem>>[vector<16xi32>], vector<16xi32>,
      %add3A_2397 = arith.constant 24020 : i32
      %add3A_2398 = vector.broadcast %add3A_2397 : i32 to vector<16xi32>
      %add3A_2399 = arith.addi %gather3A_2264, %add3A_2398 : vector<16xi32>
      %gather3A_2400 = tpu.vector_load_idx %arg10[%add3A_2399] : memref<38432xi32, #tpu.memory_space<vmem>>[vector<16xi32>], vector<16xi32>,
      %add3A_2401 = arith.constant 25221 : i32
      %add3A_2402 = vector.broadcast %add3A_2401 : i32 to vector<16xi32>
      %add3A_2403 = arith.addi %gather3A_2264, %add3A_2402 : vector<16xi32>
      %gather3A_2404 = tpu.vector_load_idx %arg10[%add3A_2403] : memref<38432xi32, #tpu.memory_space<vmem>>[vector<16xi32>], vector<16xi32>,
      %add3A_2405 = arith.constant 26422 : i32
      %add3A_2406 = vector.broadcast %add3A_2405 : i32 to vector<16xi32>
      %add3A_2407 = arith.addi %gather3A_2264, %add3A_2406 : vector<16xi32>
      %gather3A_2408 = tpu.vector_load_idx %arg10[%add3A_2407] : memref<38432xi32, #tpu.memory_space<vmem>>[vector<16xi32>], vector<16xi32>,
      %add3A_2409 = arith.constant 27623 : i32
      %add3A_2410 = vector.broadcast %add3A_2409 : i32 to vector<16xi32>
      %add3A_2411 = arith.addi %gather3A_2264, %add3A_2410 : vector<16xi32>
      %gather3A_2412 = tpu.vector_load_idx %arg10[%add3A_2411] : memref<38432xi32, #tpu.memory_space<vmem>>[vector<16xi32>], vector<16xi32>,
      %add3A_2413 = arith.constant 28824 : i32
      %add3A_2414 = vector.broadcast %add3A_2413 : i32 to vector<16xi32>
      %add3A_2415 = arith.addi %gather3A_2264, %add3A_2414 : vector<16xi32>
      %gather3A_2416 = tpu.vector_load_idx %arg10[%add3A_2415] : memref<38432xi32, #tpu.memory_space<vmem>>[vector<16xi32>], vector<16xi32>,
      %add3A_2417 = arith.constant 30025 : i32
      %add3A_2418 = vector.broadcast %add3A_2417 : i32 to vector<16xi32>
      %add3A_2419 = arith.addi %gather3A_2264, %add3A_2418 : vector<16xi32>
      %gather3A_2420 = tpu.vector_load_idx %arg10[%add3A_2419] : memref<38432xi32, #tpu.memory_space<vmem>>[vector<16xi32>], vector<16xi32>,
      %add3A_2421 = arith.constant 31226 : i32
      %add3A_2422 = vector.broadcast %add3A_2421 : i32 to vector<16xi32>
      %add3A_2423 = arith.addi %gather3A_2264, %add3A_2422 : vector<16xi32>
      %gather3A_2424 = tpu.vector_load_idx %arg10[%add3A_2423] : memref<38432xi32, #tpu.memory_space<vmem>>[vector<16xi32>], vector<16xi32>,
      %add3A_2425 = arith.constant 32427 : i32
      %add3A_2426 = vector.broadcast %add3A_2425 : i32 to vector<16xi32>
      %add3A_2427 = arith.addi %gather3A_2264, %add3A_2426 : vector<16xi32>
      %gather3A_2428 = tpu.vector_load_idx %arg10[%add3A_2427] : memref<38432xi32, #tpu.memory_space<vmem>>[vector<16xi32>], vector<16xi32>,
      %add3A_2429 = arith.constant 33628 : i32
      %add3A_2430 = vector.broadcast %add3A_2429 : i32 to vector<16xi32>
      %add3A_2431 = arith.addi %gather3A_2264, %add3A_2430 : vector<16xi32>
      %gather3A_2432 = tpu.vector_load_idx %arg10[%add3A_2431] : memref<38432xi32, #tpu.memory_space<vmem>>[vector<16xi32>], vector<16xi32>,
      %add3A_2433 = arith.constant 34829 : i32
      %add3A_2434 = vector.broadcast %add3A_2433 : i32 to vector<16xi32>
      %add3A_2435 = arith.addi %gather3A_2264, %add3A_2434 : vector<16xi32>
      %gather3A_2436 = tpu.vector_load_idx %arg10[%add3A_2435] : memref<38432xi32, #tpu.memory_space<vmem>>[vector<16xi32>], vector<16xi32>,
      %add3A_2437 = arith.constant 36030 : i32
      %add3A_2438 = vector.broadcast %add3A_2437 : i32 to vector<16xi32>
      %add3A_2439 = arith.addi %gather3A_2264, %add3A_2438 : vector<16xi32>
      %gather3A_2440 = tpu.vector_load_idx %arg10[%add3A_2439] : memref<38432xi32, #tpu.memory_space<vmem>>[vector<16xi32>], vector<16xi32>,
      %add3A_2441 = arith.constant 37231 : i32
      %add3A_2442 = vector.broadcast %add3A_2441 : i32 to vector<16xi32>
      %add3A_2443 = arith.addi %gather3A_2264, %add3A_2442 : vector<16xi32>
      %gather3A_2444 = tpu.vector_load_idx %arg10[%add3A_2443] : memref<38432xi32, #tpu.memory_space<vmem>>[vector<16xi32>], vector<16xi32>,
      %bitcast3A_2445 = vector.bitcast %gather3A_2384 : vector<16xi32> to vector<32xbf16>
      %mul3A_2446 = arith.mulf %broadcast_in_dim3A_0, %bitcast3A_2445 : vector<32xbf16>
      %add3A_2447 = arith.addf %add3A_2331, %mul3A_2446 : vector<32xbf16>
      %bitcast3A_2448 = vector.bitcast %gather3A_2388 : vector<16xi32> to vector<32xbf16>
      %mul3A_2449 = arith.mulf %broadcast_in_dim3A_0, %bitcast3A_2448 : vector<32xbf16>
      %add3A_2450 = arith.addf %add3A_2334, %mul3A_2449 : vector<32xbf16>
      %bitcast3A_2451 = vector.bitcast %gather3A_2392 : vector<16xi32> to vector<32xbf16>
      %mul3A_2452 = arith.mulf %broadcast_in_dim3A_0, %bitcast3A_2451 : vector<32xbf16>
      %add3A_2453 = arith.addf %add3A_2337, %mul3A_2452 : vector<32xbf16>
      %bitcast3A_2454 = vector.bitcast %gather3A_2396 : vector<16xi32> to vector<32xbf16>
      %mul3A_2455 = arith.mulf %broadcast_in_dim3A_0, %bitcast3A_2454 : vector<32xbf16>
      %add3A_2456 = arith.addf %add3A_2340, %mul3A_2455 : vector<32xbf16>
      %bitcast3A_2457 = vector.bitcast %gather3A_2400 : vector<16xi32> to vector<32xbf16>
      %mul3A_2458 = arith.mulf %broadcast_in_dim3A_0, %bitcast3A_2457 : vector<32xbf16>
      %add3A_2459 = arith.addf %add3A_2343, %mul3A_2458 : vector<32xbf16>
      %bitcast3A_2460 = vector.bitcast %gather3A_2404 : vector<16xi32> to vector<32xbf16>
      %mul3A_2461 = arith.mulf %broadcast_in_dim3A_0, %bitcast3A_2460 : vector<32xbf16>
      %add3A_2462 = arith.addf %add3A_2346, %mul3A_2461 : vector<32xbf16>
      %bitcast3A_2463 = vector.bitcast %gather3A_2408 : vector<16xi32> to vector<32xbf16>
      %mul3A_2464 = arith.mulf %broadcast_in_dim3A_0, %bitcast3A_2463 : vector<32xbf16>
      %add3A_2465 = arith.addf %add3A_2349, %mul3A_2464 : vector<32xbf16>
      %bitcast3A_2466 = vector.bitcast %gather3A_2412 : vector<16xi32> to vector<32xbf16>
      %mul3A_2467 = arith.mulf %broadcast_in_dim3A_0, %bitcast3A_2466 : vector<32xbf16>
      %add3A_2468 = arith.addf %add3A_2352, %mul3A_2467 : vector<32xbf16>
      %bitcast3A_2469 = vector.bitcast %gather3A_2416 : vector<16xi32> to vector<32xbf16>
      %mul3A_2470 = arith.mulf %broadcast_in_dim3A_0, %bitcast3A_2469 : vector<32xbf16>
      %add3A_2471 = arith.addf %add3A_2355, %mul3A_2470 : vector<32xbf16>
      %bitcast3A_2472 = vector.bitcast %gather3A_2420 : vector<16xi32> to vector<32xbf16>
      %mul3A_2473 = arith.mulf %broadcast_in_dim3A_0, %bitcast3A_2472 : vector<32xbf16>
      %add3A_2474 = arith.addf %add3A_2358, %mul3A_2473 : vector<32xbf16>
      %bitcast3A_2475 = vector.bitcast %gather3A_2424 : vector<16xi32> to vector<32xbf16>
      %mul3A_2476 = arith.mulf %broadcast_in_dim3A_0, %bitcast3A_2475 : vector<32xbf16>
      %add3A_2477 = arith.addf %add3A_2361, %mul3A_2476 : vector<32xbf16>
      %bitcast3A_2478 = vector.bitcast %gather3A_2428 : vector<16xi32> to vector<32xbf16>
      %mul3A_2479 = arith.mulf %broadcast_in_dim3A_0, %bitcast3A_2478 : vector<32xbf16>
      %add3A_2480 = arith.addf %add3A_2364, %mul3A_2479 : vector<32xbf16>
      %bitcast3A_2481 = vector.bitcast %gather3A_2432 : vector<16xi32> to vector<32xbf16>
      %mul3A_2482 = arith.mulf %broadcast_in_dim3A_0, %bitcast3A_2481 : vector<32xbf16>
      %add3A_2483 = arith.addf %add3A_2367, %mul3A_2482 : vector<32xbf16>
      %bitcast3A_2484 = vector.bitcast %gather3A_2436 : vector<16xi32> to vector<32xbf16>
      %mul3A_2485 = arith.mulf %broadcast_in_dim3A_0, %bitcast3A_2484 : vector<32xbf16>
      %add3A_2486 = arith.addf %add3A_2370, %mul3A_2485 : vector<32xbf16>
      %bitcast3A_2487 = vector.bitcast %gather3A_2440 : vector<16xi32> to vector<32xbf16>
      %mul3A_2488 = arith.mulf %broadcast_in_dim3A_0, %bitcast3A_2487 : vector<32xbf16>
      %add3A_2489 = arith.addf %add3A_2373, %mul3A_2488 : vector<32xbf16>
      %bitcast3A_2490 = vector.bitcast %gather3A_2444 : vector<16xi32> to vector<32xbf16>
      %mul3A_2491 = arith.mulf %broadcast_in_dim3A_0, %bitcast3A_2490 : vector<32xbf16>
      %add3A_2492 = arith.addf %add3A_2376, %mul3A_2491 : vector<32xbf16>
      %gather3A_2493 = tpu.vector_load_idx %arg8[%mul3A_21] : memref<10512xi32, #tpu.memory_space<vmem>>[vector<16xi32>], vector<16xi32>,
      %gather3A_2494 = tpu.vector_load_idx %arg9[%mul3A_21] : memref<10512xi32, #tpu.memory_space<vmem>>[vector<16xi32>], vector<16xi32>,
      %bitcast3A_2495 = vector.bitcast %gather3A_2494 : vector<16xi32> to vector<32xbf16>
      %add3A_2496 = arith.constant 1 : i32
      %add3A_2497 = vector.broadcast %add3A_2496 : i32 to vector<16xi32>
      %add3A_2498 = arith.addi %mul3A_21, %add3A_2497 : vector<16xi32>
      %gather3A_2499 = tpu.vector_load_idx %arg8[%add3A_2498] : memref<10512xi32, #tpu.memory_space<vmem>>[vector<16xi32>], vector<16xi32>,
      %add3A_2500 = arith.constant 1 : i32
      %add3A_2501 = vector.broadcast %add3A_2500 : i32 to vector<16xi32>
      %add3A_2502 = arith.addi %mul3A_21, %add3A_2501 : vector<16xi32>
      %gather3A_2503 = tpu.vector_load_idx %arg9[%add3A_2502] : memref<10512xi32, #tpu.memory_space<vmem>>[vector<16xi32>], vector<16xi32>,
      %bitcast3A_2504 = vector.bitcast %gather3A_2503 : vector<16xi32> to vector<32xbf16>
      %scan3A_2505 = arith.constant 0 : i32
      %scan3A_2506 = arith.constant 20 : i32
      %scan3A_2507 = arith.addi %scan3A_2505, %scan3A_2506 : i32
      %scan3A_2508 = arith.constant 1 : i32
      %scan3A_2509:20 = scf.for %scan3A_2575 = %scan3A_2505 to %scan3A_2507 step %scan3A_2508 iter_args(%scan3A_2576 = %add3A_2447, %scan3A_2577 = %add3A_2450, %scan3A_2578 = %add3A_2453, %scan3A_2579 = %add3A_2456, %scan3A_2580 = %add3A_2459, %scan3A_2581 = %add3A_2462, %scan3A_2582 = %add3A_2465, %scan3A_2583 = %add3A_2468, %scan3A_2584 = %add3A_2471, %scan3A_2585 = %add3A_2474, %scan3A_2586 = %add3A_2477, %scan3A_2587 = %add3A_2480, %scan3A_2588 = %add3A_2483, %scan3A_2589 = %add3A_2486, %scan3A_2590 = %add3A_2489, %scan3A_2591 = %add3A_2492, %scan3A_2592 = %gather3A_2493, %scan3A_2593 = %bitcast3A_2495, %scan3A_2594 = %gather3A_2499, %scan3A_2595 = %bitcast3A_2504) -> (vector<32xbf16>, vector<32xbf16>, vector<32xbf16>, vector<32xbf16>, vector<32xbf16>, vector<32xbf16>, vector<32xbf16>, vector<32xbf16>, vector<32xbf16>, vector<32xbf16>, vector<32xbf16>, vector<32xbf16>, vector<32xbf16>, vector<32xbf16>, vector<32xbf16>, vector<32xbf16>, vector<16xi32>, vector<32xbf16>, vector<16xi32>, vector<32xbf16>)  : i32 {
        %mul3A_2596 = arith.constant 2 : i32
        %mul3A_2597 = arith.muli %mul3A_2596, %scan3A_2575 : i32
        %add3A_2598 = vector.broadcast %mul3A_2597 : i32 to vector<16xi32>
        %add3A_2599 = arith.addi %mul3A_21, %add3A_2598 : vector<16xi32>
        %add3A_2600 = arith.constant 2 : i32
        %add3A_2601 = vector.broadcast %add3A_2600 : i32 to vector<16xi32>
        %add3A_2602 = arith.addi %add3A_2599, %add3A_2601 : vector<16xi32>
        %gather3A_2603 = tpu.vector_load_idx %arg8[%add3A_2602] : memref<10512xi32, #tpu.memory_space<vmem>>[vector<16xi32>], vector<16xi32>,
        %add3A_2604 = arith.constant 2 : i32
        %add3A_2605 = vector.broadcast %add3A_2604 : i32 to vector<16xi32>
        %add3A_2606 = arith.addi %add3A_2599, %add3A_2605 : vector<16xi32>
        %gather3A_2607 = tpu.vector_load_idx %arg9[%add3A_2606] : memref<10512xi32, #tpu.memory_space<vmem>>[vector<16xi32>], vector<16xi32>,
        %bitcast3A_2608 = vector.bitcast %gather3A_2607 : vector<16xi32> to vector<32xbf16>
        %add3A_2609 = arith.constant 3 : i32
        %add3A_2610 = vector.broadcast %add3A_2609 : i32 to vector<16xi32>
        %add3A_2611 = arith.addi %add3A_2599, %add3A_2610 : vector<16xi32>
        %gather3A_2612 = tpu.vector_load_idx %arg8[%add3A_2611] : memref<10512xi32, #tpu.memory_space<vmem>>[vector<16xi32>], vector<16xi32>,
        %add3A_2613 = arith.constant 3 : i32
        %add3A_2614 = vector.broadcast %add3A_2613 : i32 to vector<16xi32>
        %add3A_2615 = arith.addi %add3A_2599, %add3A_2614 : vector<16xi32>
        %gather3A_2616 = tpu.vector_load_idx %arg9[%add3A_2615] : memref<10512xi32, #tpu.memory_space<vmem>>[vector<16xi32>], vector<16xi32>,
        %bitcast3A_2617 = vector.bitcast %gather3A_2616 : vector<16xi32> to vector<32xbf16>
        %add3A_2618 = arith.constant 19216 : i32
        %add3A_2619 = vector.broadcast %add3A_2618 : i32 to vector<16xi32>
        %add3A_2620 = arith.addi %scan3A_2592, %add3A_2619 : vector<16xi32>
        %gather3A_2621 = tpu.vector_load_idx %arg10[%add3A_2620] : memref<38432xi32, #tpu.memory_space<vmem>>[vector<16xi32>], vector<16xi32>,
        %add3A_2622 = arith.constant 20417 : i32
        %add3A_2623 = vector.broadcast %add3A_2622 : i32 to vector<16xi32>
        %add3A_2624 = arith.addi %scan3A_2592, %add3A_2623 : vector<16xi32>
        %gather3A_2625 = tpu.vector_load_idx %arg10[%add3A_2624] : memref<38432xi32, #tpu.memory_space<vmem>>[vector<16xi32>], vector<16xi32>,
        %add3A_2626 = arith.constant 21618 : i32
        %add3A_2627 = vector.broadcast %add3A_2626 : i32 to vector<16xi32>
        %add3A_2628 = arith.addi %scan3A_2592, %add3A_2627 : vector<16xi32>
        %gather3A_2629 = tpu.vector_load_idx %arg10[%add3A_2628] : memref<38432xi32, #tpu.memory_space<vmem>>[vector<16xi32>], vector<16xi32>,
        %add3A_2630 = arith.constant 22819 : i32
        %add3A_2631 = vector.broadcast %add3A_2630 : i32 to vector<16xi32>
        %add3A_2632 = arith.addi %scan3A_2592, %add3A_2631 : vector<16xi32>
        %gather3A_2633 = tpu.vector_load_idx %arg10[%add3A_2632] : memref<38432xi32, #tpu.memory_space<vmem>>[vector<16xi32>], vector<16xi32>,
        %add3A_2634 = arith.constant 24020 : i32
        %add3A_2635 = vector.broadcast %add3A_2634 : i32 to vector<16xi32>
        %add3A_2636 = arith.addi %scan3A_2592, %add3A_2635 : vector<16xi32>
        %gather3A_2637 = tpu.vector_load_idx %arg10[%add3A_2636] : memref<38432xi32, #tpu.memory_space<vmem>>[vector<16xi32>], vector<16xi32>,
        %add3A_2638 = arith.constant 25221 : i32
        %add3A_2639 = vector.broadcast %add3A_2638 : i32 to vector<16xi32>
        %add3A_2640 = arith.addi %scan3A_2592, %add3A_2639 : vector<16xi32>
        %gather3A_2641 = tpu.vector_load_idx %arg10[%add3A_2640] : memref<38432xi32, #tpu.memory_space<vmem>>[vector<16xi32>], vector<16xi32>,
        %add3A_2642 = arith.constant 26422 : i32
        %add3A_2643 = vector.broadcast %add3A_2642 : i32 to vector<16xi32>
        %add3A_2644 = arith.addi %scan3A_2592, %add3A_2643 : vector<16xi32>
        %gather3A_2645 = tpu.vector_load_idx %arg10[%add3A_2644] : memref<38432xi32, #tpu.memory_space<vmem>>[vector<16xi32>], vector<16xi32>,
        %add3A_2646 = arith.constant 27623 : i32
        %add3A_2647 = vector.broadcast %add3A_2646 : i32 to vector<16xi32>
        %add3A_2648 = arith.addi %scan3A_2592, %add3A_2647 : vector<16xi32>
        %gather3A_2649 = tpu.vector_load_idx %arg10[%add3A_2648] : memref<38432xi32, #tpu.memory_space<vmem>>[vector<16xi32>], vector<16xi32>,
        %add3A_2650 = arith.constant 28824 : i32
        %add3A_2651 = vector.broadcast %add3A_2650 : i32 to vector<16xi32>
        %add3A_2652 = arith.addi %scan3A_2592, %add3A_2651 : vector<16xi32>
        %gather3A_2653 = tpu.vector_load_idx %arg10[%add3A_2652] : memref<38432xi32, #tpu.memory_space<vmem>>[vector<16xi32>], vector<16xi32>,
        %add3A_2654 = arith.constant 30025 : i32
        %add3A_2655 = vector.broadcast %add3A_2654 : i32 to vector<16xi32>
        %add3A_2656 = arith.addi %scan3A_2592, %add3A_2655 : vector<16xi32>
        %gather3A_2657 = tpu.vector_load_idx %arg10[%add3A_2656] : memref<38432xi32, #tpu.memory_space<vmem>>[vector<16xi32>], vector<16xi32>,
        %add3A_2658 = arith.constant 31226 : i32
        %add3A_2659 = vector.broadcast %add3A_2658 : i32 to vector<16xi32>
        %add3A_2660 = arith.addi %scan3A_2592, %add3A_2659 : vector<16xi32>
        %gather3A_2661 = tpu.vector_load_idx %arg10[%add3A_2660] : memref<38432xi32, #tpu.memory_space<vmem>>[vector<16xi32>], vector<16xi32>,
        %add3A_2662 = arith.constant 32427 : i32
        %add3A_2663 = vector.broadcast %add3A_2662 : i32 to vector<16xi32>
        %add3A_2664 = arith.addi %scan3A_2592, %add3A_2663 : vector<16xi32>
        %gather3A_2665 = tpu.vector_load_idx %arg10[%add3A_2664] : memref<38432xi32, #tpu.memory_space<vmem>>[vector<16xi32>], vector<16xi32>,
        %add3A_2666 = arith.constant 33628 : i32
        %add3A_2667 = vector.broadcast %add3A_2666 : i32 to vector<16xi32>
        %add3A_2668 = arith.addi %scan3A_2592, %add3A_2667 : vector<16xi32>
        %gather3A_2669 = tpu.vector_load_idx %arg10[%add3A_2668] : memref<38432xi32, #tpu.memory_space<vmem>>[vector<16xi32>], vector<16xi32>,
        %add3A_2670 = arith.constant 34829 : i32
        %add3A_2671 = vector.broadcast %add3A_2670 : i32 to vector<16xi32>
        %add3A_2672 = arith.addi %scan3A_2592, %add3A_2671 : vector<16xi32>
        %gather3A_2673 = tpu.vector_load_idx %arg10[%add3A_2672] : memref<38432xi32, #tpu.memory_space<vmem>>[vector<16xi32>], vector<16xi32>,
        %add3A_2674 = arith.constant 36030 : i32
        %add3A_2675 = vector.broadcast %add3A_2674 : i32 to vector<16xi32>
        %add3A_2676 = arith.addi %scan3A_2592, %add3A_2675 : vector<16xi32>
        %gather3A_2677 = tpu.vector_load_idx %arg10[%add3A_2676] : memref<38432xi32, #tpu.memory_space<vmem>>[vector<16xi32>], vector<16xi32>,
        %add3A_2678 = arith.constant 37231 : i32
        %add3A_2679 = vector.broadcast %add3A_2678 : i32 to vector<16xi32>
        %add3A_2680 = arith.addi %scan3A_2592, %add3A_2679 : vector<16xi32>
        %gather3A_2681 = tpu.vector_load_idx %arg10[%add3A_2680] : memref<38432xi32, #tpu.memory_space<vmem>>[vector<16xi32>], vector<16xi32>,
        %bitcast3A_2682 = vector.bitcast %gather3A_2621 : vector<16xi32> to vector<32xbf16>
        %mul3A_2683 = arith.mulf %scan3A_2593, %bitcast3A_2682 : vector<32xbf16>
        %add3A_2684 = arith.addf %scan3A_2576, %mul3A_2683 : vector<32xbf16>
        %bitcast3A_2685 = vector.bitcast %gather3A_2625 : vector<16xi32> to vector<32xbf16>
        %mul3A_2686 = arith.mulf %scan3A_2593, %bitcast3A_2685 : vector<32xbf16>
        %add3A_2687 = arith.addf %scan3A_2577, %mul3A_2686 : vector<32xbf16>
        %bitcast3A_2688 = vector.bitcast %gather3A_2629 : vector<16xi32> to vector<32xbf16>
        %mul3A_2689 = arith.mulf %scan3A_2593, %bitcast3A_2688 : vector<32xbf16>
        %add3A_2690 = arith.addf %scan3A_2578, %mul3A_2689 : vector<32xbf16>
        %bitcast3A_2691 = vector.bitcast %gather3A_2633 : vector<16xi32> to vector<32xbf16>
        %mul3A_2692 = arith.mulf %scan3A_2593, %bitcast3A_2691 : vector<32xbf16>
        %add3A_2693 = arith.addf %scan3A_2579, %mul3A_2692 : vector<32xbf16>
        %bitcast3A_2694 = vector.bitcast %gather3A_2637 : vector<16xi32> to vector<32xbf16>
        %mul3A_2695 = arith.mulf %scan3A_2593, %bitcast3A_2694 : vector<32xbf16>
        %add3A_2696 = arith.addf %scan3A_2580, %mul3A_2695 : vector<32xbf16>
        %bitcast3A_2697 = vector.bitcast %gather3A_2641 : vector<16xi32> to vector<32xbf16>
        %mul3A_2698 = arith.mulf %scan3A_2593, %bitcast3A_2697 : vector<32xbf16>
        %add3A_2699 = arith.addf %scan3A_2581, %mul3A_2698 : vector<32xbf16>
        %bitcast3A_2700 = vector.bitcast %gather3A_2645 : vector<16xi32> to vector<32xbf16>
        %mul3A_2701 = arith.mulf %scan3A_2593, %bitcast3A_2700 : vector<32xbf16>
        %add3A_2702 = arith.addf %scan3A_2582, %mul3A_2701 : vector<32xbf16>
        %bitcast3A_2703 = vector.bitcast %gather3A_2649 : vector<16xi32> to vector<32xbf16>
        %mul3A_2704 = arith.mulf %scan3A_2593, %bitcast3A_2703 : vector<32xbf16>
        %add3A_2705 = arith.addf %scan3A_2583, %mul3A_2704 : vector<32xbf16>
        %bitcast3A_2706 = vector.bitcast %gather3A_2653 : vector<16xi32> to vector<32xbf16>
        %mul3A_2707 = arith.mulf %scan3A_2593, %bitcast3A_2706 : vector<32xbf16>
        %add3A_2708 = arith.addf %scan3A_2584, %mul3A_2707 : vector<32xbf16>
        %bitcast3A_2709 = vector.bitcast %gather3A_2657 : vector<16xi32> to vector<32xbf16>
        %mul3A_2710 = arith.mulf %scan3A_2593, %bitcast3A_2709 : vector<32xbf16>
        %add3A_2711 = arith.addf %scan3A_2585, %mul3A_2710 : vector<32xbf16>
        %bitcast3A_2712 = vector.bitcast %gather3A_2661 : vector<16xi32> to vector<32xbf16>
        %mul3A_2713 = arith.mulf %scan3A_2593, %bitcast3A_2712 : vector<32xbf16>
        %add3A_2714 = arith.addf %scan3A_2586, %mul3A_2713 : vector<32xbf16>
        %bitcast3A_2715 = vector.bitcast %gather3A_2665 : vector<16xi32> to vector<32xbf16>
        %mul3A_2716 = arith.mulf %scan3A_2593, %bitcast3A_2715 : vector<32xbf16>
        %add3A_2717 = arith.addf %scan3A_2587, %mul3A_2716 : vector<32xbf16>
        %bitcast3A_2718 = vector.bitcast %gather3A_2669 : vector<16xi32> to vector<32xbf16>
        %mul3A_2719 = arith.mulf %scan3A_2593, %bitcast3A_2718 : vector<32xbf16>
        %add3A_2720 = arith.addf %scan3A_2588, %mul3A_2719 : vector<32xbf16>
        %bitcast3A_2721 = vector.bitcast %gather3A_2673 : vector<16xi32> to vector<32xbf16>
        %mul3A_2722 = arith.mulf %scan3A_2593, %bitcast3A_2721 : vector<32xbf16>
        %add3A_2723 = arith.addf %scan3A_2589, %mul3A_2722 : vector<32xbf16>
        %bitcast3A_2724 = vector.bitcast %gather3A_2677 : vector<16xi32> to vector<32xbf16>
        %mul3A_2725 = arith.mulf %scan3A_2593, %bitcast3A_2724 : vector<32xbf16>
        %add3A_2726 = arith.addf %scan3A_2590, %mul3A_2725 : vector<32xbf16>
        %bitcast3A_2727 = vector.bitcast %gather3A_2681 : vector<16xi32> to vector<32xbf16>
        %mul3A_2728 = arith.mulf %scan3A_2593, %bitcast3A_2727 : vector<32xbf16>
        %add3A_2729 = arith.addf %scan3A_2591, %mul3A_2728 : vector<32xbf16>
        %add3A_2730 = arith.constant 19216 : i32
        %add3A_2731 = vector.broadcast %add3A_2730 : i32 to vector<16xi32>
        %add3A_2732 = arith.addi %scan3A_2594, %add3A_2731 : vector<16xi32>
        %gather3A_2733 = tpu.vector_load_idx %arg10[%add3A_2732] : memref<38432xi32, #tpu.memory_space<vmem>>[vector<16xi32>], vector<16xi32>,
        %add3A_2734 = arith.constant 20417 : i32
        %add3A_2735 = vector.broadcast %add3A_2734 : i32 to vector<16xi32>
        %add3A_2736 = arith.addi %scan3A_2594, %add3A_2735 : vector<16xi32>
        %gather3A_2737 = tpu.vector_load_idx %arg10[%add3A_2736] : memref<38432xi32, #tpu.memory_space<vmem>>[vector<16xi32>], vector<16xi32>,
        %add3A_2738 = arith.constant 21618 : i32
        %add3A_2739 = vector.broadcast %add3A_2738 : i32 to vector<16xi32>
        %add3A_2740 = arith.addi %scan3A_2594, %add3A_2739 : vector<16xi32>
        %gather3A_2741 = tpu.vector_load_idx %arg10[%add3A_2740] : memref<38432xi32, #tpu.memory_space<vmem>>[vector<16xi32>], vector<16xi32>,
        %add3A_2742 = arith.constant 22819 : i32
        %add3A_2743 = vector.broadcast %add3A_2742 : i32 to vector<16xi32>
        %add3A_2744 = arith.addi %scan3A_2594, %add3A_2743 : vector<16xi32>
        %gather3A_2745 = tpu.vector_load_idx %arg10[%add3A_2744] : memref<38432xi32, #tpu.memory_space<vmem>>[vector<16xi32>], vector<16xi32>,
        %add3A_2746 = arith.constant 24020 : i32
        %add3A_2747 = vector.broadcast %add3A_2746 : i32 to vector<16xi32>
        %add3A_2748 = arith.addi %scan3A_2594, %add3A_2747 : vector<16xi32>
        %gather3A_2749 = tpu.vector_load_idx %arg10[%add3A_2748] : memref<38432xi32, #tpu.memory_space<vmem>>[vector<16xi32>], vector<16xi32>,
        %add3A_2750 = arith.constant 25221 : i32
        %add3A_2751 = vector.broadcast %add3A_2750 : i32 to vector<16xi32>
        %add3A_2752 = arith.addi %scan3A_2594, %add3A_2751 : vector<16xi32>
        %gather3A_2753 = tpu.vector_load_idx %arg10[%add3A_2752] : memref<38432xi32, #tpu.memory_space<vmem>>[vector<16xi32>], vector<16xi32>,
        %add3A_2754 = arith.constant 26422 : i32
        %add3A_2755 = vector.broadcast %add3A_2754 : i32 to vector<16xi32>
        %add3A_2756 = arith.addi %scan3A_2594, %add3A_2755 : vector<16xi32>
        %gather3A_2757 = tpu.vector_load_idx %arg10[%add3A_2756] : memref<38432xi32, #tpu.memory_space<vmem>>[vector<16xi32>], vector<16xi32>,
        %add3A_2758 = arith.constant 27623 : i32
        %add3A_2759 = vector.broadcast %add3A_2758 : i32 to vector<16xi32>
        %add3A_2760 = arith.addi %scan3A_2594, %add3A_2759 : vector<16xi32>
        %gather3A_2761 = tpu.vector_load_idx %arg10[%add3A_2760] : memref<38432xi32, #tpu.memory_space<vmem>>[vector<16xi32>], vector<16xi32>,
        %add3A_2762 = arith.constant 28824 : i32
        %add3A_2763 = vector.broadcast %add3A_2762 : i32 to vector<16xi32>
        %add3A_2764 = arith.addi %scan3A_2594, %add3A_2763 : vector<16xi32>
        %gather3A_2765 = tpu.vector_load_idx %arg10[%add3A_2764] : memref<38432xi32, #tpu.memory_space<vmem>>[vector<16xi32>], vector<16xi32>,
        %add3A_2766 = arith.constant 30025 : i32
        %add3A_2767 = vector.broadcast %add3A_2766 : i32 to vector<16xi32>
        %add3A_2768 = arith.addi %scan3A_2594, %add3A_2767 : vector<16xi32>
        %gather3A_2769 = tpu.vector_load_idx %arg10[%add3A_2768] : memref<38432xi32, #tpu.memory_space<vmem>>[vector<16xi32>], vector<16xi32>,
        %add3A_2770 = arith.constant 31226 : i32
        %add3A_2771 = vector.broadcast %add3A_2770 : i32 to vector<16xi32>
        %add3A_2772 = arith.addi %scan3A_2594, %add3A_2771 : vector<16xi32>
        %gather3A_2773 = tpu.vector_load_idx %arg10[%add3A_2772] : memref<38432xi32, #tpu.memory_space<vmem>>[vector<16xi32>], vector<16xi32>,
        %add3A_2774 = arith.constant 32427 : i32
        %add3A_2775 = vector.broadcast %add3A_2774 : i32 to vector<16xi32>
        %add3A_2776 = arith.addi %scan3A_2594, %add3A_2775 : vector<16xi32>
        %gather3A_2777 = tpu.vector_load_idx %arg10[%add3A_2776] : memref<38432xi32, #tpu.memory_space<vmem>>[vector<16xi32>], vector<16xi32>,
        %add3A_2778 = arith.constant 33628 : i32
        %add3A_2779 = vector.broadcast %add3A_2778 : i32 to vector<16xi32>
        %add3A_2780 = arith.addi %scan3A_2594, %add3A_2779 : vector<16xi32>
        %gather3A_2781 = tpu.vector_load_idx %arg10[%add3A_2780] : memref<38432xi32, #tpu.memory_space<vmem>>[vector<16xi32>], vector<16xi32>,
        %add3A_2782 = arith.constant 34829 : i32
        %add3A_2783 = vector.broadcast %add3A_2782 : i32 to vector<16xi32>
        %add3A_2784 = arith.addi %scan3A_2594, %add3A_2783 : vector<16xi32>
        %gather3A_2785 = tpu.vector_load_idx %arg10[%add3A_2784] : memref<38432xi32, #tpu.memory_space<vmem>>[vector<16xi32>], vector<16xi32>,
        %add3A_2786 = arith.constant 36030 : i32
        %add3A_2787 = vector.broadcast %add3A_2786 : i32 to vector<16xi32>
        %add3A_2788 = arith.addi %scan3A_2594, %add3A_2787 : vector<16xi32>
        %gather3A_2789 = tpu.vector_load_idx %arg10[%add3A_2788] : memref<38432xi32, #tpu.memory_space<vmem>>[vector<16xi32>], vector<16xi32>,
        %add3A_2790 = arith.constant 37231 : i32
        %add3A_2791 = vector.broadcast %add3A_2790 : i32 to vector<16xi32>
        %add3A_2792 = arith.addi %scan3A_2594, %add3A_2791 : vector<16xi32>
        %gather3A_2793 = tpu.vector_load_idx %arg10[%add3A_2792] : memref<38432xi32, #tpu.memory_space<vmem>>[vector<16xi32>], vector<16xi32>,
        %bitcast3A_2794 = vector.bitcast %gather3A_2733 : vector<16xi32> to vector<32xbf16>
        %mul3A_2795 = arith.mulf %scan3A_2595, %bitcast3A_2794 : vector<32xbf16>
        %add3A_2796 = arith.addf %add3A_2684, %mul3A_2795 : vector<32xbf16>
        %bitcast3A_2797 = vector.bitcast %gather3A_2737 : vector<16xi32> to vector<32xbf16>
        %mul3A_2798 = arith.mulf %scan3A_2595, %bitcast3A_2797 : vector<32xbf16>
        %add3A_2799 = arith.addf %add3A_2687, %mul3A_2798 : vector<32xbf16>
        %bitcast3A_2800 = vector.bitcast %gather3A_2741 : vector<16xi32> to vector<32xbf16>
        %mul3A_2801 = arith.mulf %scan3A_2595, %bitcast3A_2800 : vector<32xbf16>
        %add3A_2802 = arith.addf %add3A_2690, %mul3A_2801 : vector<32xbf16>
        %bitcast3A_2803 = vector.bitcast %gather3A_2745 : vector<16xi32> to vector<32xbf16>
        %mul3A_2804 = arith.mulf %scan3A_2595, %bitcast3A_2803 : vector<32xbf16>
        %add3A_2805 = arith.addf %add3A_2693, %mul3A_2804 : vector<32xbf16>
        %bitcast3A_2806 = vector.bitcast %gather3A_2749 : vector<16xi32> to vector<32xbf16>
        %mul3A_2807 = arith.mulf %scan3A_2595, %bitcast3A_2806 : vector<32xbf16>
        %add3A_2808 = arith.addf %add3A_2696, %mul3A_2807 : vector<32xbf16>
        %bitcast3A_2809 = vector.bitcast %gather3A_2753 : vector<16xi32> to vector<32xbf16>
        %mul3A_2810 = arith.mulf %scan3A_2595, %bitcast3A_2809 : vector<32xbf16>
        %add3A_2811 = arith.addf %add3A_2699, %mul3A_2810 : vector<32xbf16>
        %bitcast3A_2812 = vector.bitcast %gather3A_2757 : vector<16xi32> to vector<32xbf16>
        %mul3A_2813 = arith.mulf %scan3A_2595, %bitcast3A_2812 : vector<32xbf16>
        %add3A_2814 = arith.addf %add3A_2702, %mul3A_2813 : vector<32xbf16>
        %bitcast3A_2815 = vector.bitcast %gather3A_2761 : vector<16xi32> to vector<32xbf16>
        %mul3A_2816 = arith.mulf %scan3A_2595, %bitcast3A_2815 : vector<32xbf16>
        %add3A_2817 = arith.addf %add3A_2705, %mul3A_2816 : vector<32xbf16>
        %bitcast3A_2818 = vector.bitcast %gather3A_2765 : vector<16xi32> to vector<32xbf16>
        %mul3A_2819 = arith.mulf %scan3A_2595, %bitcast3A_2818 : vector<32xbf16>
        %add3A_2820 = arith.addf %add3A_2708, %mul3A_2819 : vector<32xbf16>
        %bitcast3A_2821 = vector.bitcast %gather3A_2769 : vector<16xi32> to vector<32xbf16>
        %mul3A_2822 = arith.mulf %scan3A_2595, %bitcast3A_2821 : vector<32xbf16>
        %add3A_2823 = arith.addf %add3A_2711, %mul3A_2822 : vector<32xbf16>
        %bitcast3A_2824 = vector.bitcast %gather3A_2773 : vector<16xi32> to vector<32xbf16>
        %mul3A_2825 = arith.mulf %scan3A_2595, %bitcast3A_2824 : vector<32xbf16>
        %add3A_2826 = arith.addf %add3A_2714, %mul3A_2825 : vector<32xbf16>
        %bitcast3A_2827 = vector.bitcast %gather3A_2777 : vector<16xi32> to vector<32xbf16>
        %mul3A_2828 = arith.mulf %scan3A_2595, %bitcast3A_2827 : vector<32xbf16>
        %add3A_2829 = arith.addf %add3A_2717, %mul3A_2828 : vector<32xbf16>
        %bitcast3A_2830 = vector.bitcast %gather3A_2781 : vector<16xi32> to vector<32xbf16>
        %mul3A_2831 = arith.mulf %scan3A_2595, %bitcast3A_2830 : vector<32xbf16>
        %add3A_2832 = arith.addf %add3A_2720, %mul3A_2831 : vector<32xbf16>
        %bitcast3A_2833 = vector.bitcast %gather3A_2785 : vector<16xi32> to vector<32xbf16>
        %mul3A_2834 = arith.mulf %scan3A_2595, %bitcast3A_2833 : vector<32xbf16>
        %add3A_2835 = arith.addf %add3A_2723, %mul3A_2834 : vector<32xbf16>
        %bitcast3A_2836 = vector.bitcast %gather3A_2789 : vector<16xi32> to vector<32xbf16>
        %mul3A_2837 = arith.mulf %scan3A_2595, %bitcast3A_2836 : vector<32xbf16>
        %add3A_2838 = arith.addf %add3A_2726, %mul3A_2837 : vector<32xbf16>
        %bitcast3A_2839 = vector.bitcast %gather3A_2793 : vector<16xi32> to vector<32xbf16>
        %mul3A_2840 = arith.mulf %scan3A_2595, %bitcast3A_2839 : vector<32xbf16>
        %add3A_2841 = arith.addf %add3A_2729, %mul3A_2840 : vector<32xbf16>
        scf.yield %add3A_2796, %add3A_2799, %add3A_2802, %add3A_2805, %add3A_2808, %add3A_2811, %add3A_2814, %add3A_2817, %add3A_2820, %add3A_2823, %add3A_2826, %add3A_2829, %add3A_2832, %add3A_2835, %add3A_2838, %add3A_2841, %gather3A_2603, %bitcast3A_2608, %gather3A_2612, %bitcast3A_2617 : vector<32xbf16>, vector<32xbf16>, vector<32xbf16>, vector<32xbf16>, vector<32xbf16>, vector<32xbf16>, vector<32xbf16>, vector<32xbf16>, vector<32xbf16>, vector<32xbf16>, vector<32xbf16>, vector<32xbf16>, vector<32xbf16>, vector<32xbf16>, vector<32xbf16>, vector<32xbf16>, vector<16xi32>, vector<32xbf16>, vector<16xi32>, vector<32xbf16>
      }
      %scan3A_2510 = arith.constant 20 : i32
      %add3A_2511 = arith.constant 16 : i32
      %add3A_2512 = vector.broadcast %add3A_2511 : i32 to vector<16xi32>
      %add3A_2513 = arith.addi %mul3A_26, %add3A_2512 : vector<16xi32>
      %bitcast3A_2514 = vector.bitcast %scan3A_2509#0 : vector<32xbf16> to vector<16xi32>
      tpu.vector_store_idx %arg11[%add3A_2513], %bitcast3A_2514 : memref<8448xi32, #tpu.memory_space<vmem>>[vector<16xi32>], vector<16xi32>,
      %add3A_2515 = arith.constant 17 : i32
      %add3A_2516 = vector.broadcast %add3A_2515 : i32 to vector<16xi32>
      %add3A_2517 = arith.addi %mul3A_26, %add3A_2516 : vector<16xi32>
      %bitcast3A_2518 = vector.bitcast %scan3A_2509#1 : vector<32xbf16> to vector<16xi32>
      tpu.vector_store_idx %arg11[%add3A_2517], %bitcast3A_2518 : memref<8448xi32, #tpu.memory_space<vmem>>[vector<16xi32>], vector<16xi32>,
      %add3A_2519 = arith.constant 18 : i32
      %add3A_2520 = vector.broadcast %add3A_2519 : i32 to vector<16xi32>
      %add3A_2521 = arith.addi %mul3A_26, %add3A_2520 : vector<16xi32>
      %bitcast3A_2522 = vector.bitcast %scan3A_2509#2 : vector<32xbf16> to vector<16xi32>
      tpu.vector_store_idx %arg11[%add3A_2521], %bitcast3A_2522 : memref<8448xi32, #tpu.memory_space<vmem>>[vector<16xi32>], vector<16xi32>,
      %add3A_2523 = arith.constant 19 : i32
      %add3A_2524 = vector.broadcast %add3A_2523 : i32 to vector<16xi32>
      %add3A_2525 = arith.addi %mul3A_26, %add3A_2524 : vector<16xi32>
      %bitcast3A_2526 = vector.bitcast %scan3A_2509#3 : vector<32xbf16> to vector<16xi32>
      tpu.vector_store_idx %arg11[%add3A_2525], %bitcast3A_2526 : memref<8448xi32, #tpu.memory_space<vmem>>[vector<16xi32>], vector<16xi32>,
      %add3A_2527 = arith.constant 20 : i32
      %add3A_2528 = vector.broadcast %add3A_2527 : i32 to vector<16xi32>
      %add3A_2529 = arith.addi %mul3A_26, %add3A_2528 : vector<16xi32>
      %bitcast3A_2530 = vector.bitcast %scan3A_2509#4 : vector<32xbf16> to vector<16xi32>
      tpu.vector_store_idx %arg11[%add3A_2529], %bitcast3A_2530 : memref<8448xi32, #tpu.memory_space<vmem>>[vector<16xi32>], vector<16xi32>,
      %add3A_2531 = arith.constant 21 : i32
      %add3A_2532 = vector.broadcast %add3A_2531 : i32 to vector<16xi32>
      %add3A_2533 = arith.addi %mul3A_26, %add3A_2532 : vector<16xi32>
      %bitcast3A_2534 = vector.bitcast %scan3A_2509#5 : vector<32xbf16> to vector<16xi32>
      tpu.vector_store_idx %arg11[%add3A_2533], %bitcast3A_2534 : memref<8448xi32, #tpu.memory_space<vmem>>[vector<16xi32>], vector<16xi32>,
      %add3A_2535 = arith.constant 22 : i32
      %add3A_2536 = vector.broadcast %add3A_2535 : i32 to vector<16xi32>
      %add3A_2537 = arith.addi %mul3A_26, %add3A_2536 : vector<16xi32>
      %bitcast3A_2538 = vector.bitcast %scan3A_2509#6 : vector<32xbf16> to vector<16xi32>
      tpu.vector_store_idx %arg11[%add3A_2537], %bitcast3A_2538 : memref<8448xi32, #tpu.memory_space<vmem>>[vector<16xi32>], vector<16xi32>,
      %add3A_2539 = arith.constant 23 : i32
      %add3A_2540 = vector.broadcast %add3A_2539 : i32 to vector<16xi32>
      %add3A_2541 = arith.addi %mul3A_26, %add3A_2540 : vector<16xi32>
      %bitcast3A_2542 = vector.bitcast %scan3A_2509#7 : vector<32xbf16> to vector<16xi32>
      tpu.vector_store_idx %arg11[%add3A_2541], %bitcast3A_2542 : memref<8448xi32, #tpu.memory_space<vmem>>[vector<16xi32>], vector<16xi32>,
      %add3A_2543 = arith.constant 24 : i32
      %add3A_2544 = vector.broadcast %add3A_2543 : i32 to vector<16xi32>
      %add3A_2545 = arith.addi %mul3A_26, %add3A_2544 : vector<16xi32>
      %bitcast3A_2546 = vector.bitcast %scan3A_2509#8 : vector<32xbf16> to vector<16xi32>
      tpu.vector_store_idx %arg11[%add3A_2545], %bitcast3A_2546 : memref<8448xi32, #tpu.memory_space<vmem>>[vector<16xi32>], vector<16xi32>,
      %add3A_2547 = arith.constant 25 : i32
      %add3A_2548 = vector.broadcast %add3A_2547 : i32 to vector<16xi32>
      %add3A_2549 = arith.addi %mul3A_26, %add3A_2548 : vector<16xi32>
      %bitcast3A_2550 = vector.bitcast %scan3A_2509#9 : vector<32xbf16> to vector<16xi32>
      tpu.vector_store_idx %arg11[%add3A_2549], %bitcast3A_2550 : memref<8448xi32, #tpu.memory_space<vmem>>[vector<16xi32>], vector<16xi32>,
      %add3A_2551 = arith.constant 26 : i32
      %add3A_2552 = vector.broadcast %add3A_2551 : i32 to vector<16xi32>
      %add3A_2553 = arith.addi %mul3A_26, %add3A_2552 : vector<16xi32>
      %bitcast3A_2554 = vector.bitcast %scan3A_2509#10 : vector<32xbf16> to vector<16xi32>
      tpu.vector_store_idx %arg11[%add3A_2553], %bitcast3A_2554 : memref<8448xi32, #tpu.memory_space<vmem>>[vector<16xi32>], vector<16xi32>,
      %add3A_2555 = arith.constant 27 : i32
      %add3A_2556 = vector.broadcast %add3A_2555 : i32 to vector<16xi32>
      %add3A_2557 = arith.addi %mul3A_26, %add3A_2556 : vector<16xi32>
      %bitcast3A_2558 = vector.bitcast %scan3A_2509#11 : vector<32xbf16> to vector<16xi32>
      tpu.vector_store_idx %arg11[%add3A_2557], %bitcast3A_2558 : memref<8448xi32, #tpu.memory_space<vmem>>[vector<16xi32>], vector<16xi32>,
      %add3A_2559 = arith.constant 28 : i32
      %add3A_2560 = vector.broadcast %add3A_2559 : i32 to vector<16xi32>
      %add3A_2561 = arith.addi %mul3A_26, %add3A_2560 : vector<16xi32>
      %bitcast3A_2562 = vector.bitcast %scan3A_2509#12 : vector<32xbf16> to vector<16xi32>
      tpu.vector_store_idx %arg11[%add3A_2561], %bitcast3A_2562 : memref<8448xi32, #tpu.memory_space<vmem>>[vector<16xi32>], vector<16xi32>,
      %add3A_2563 = arith.constant 29 : i32
      %add3A_2564 = vector.broadcast %add3A_2563 : i32 to vector<16xi32>
      %add3A_2565 = arith.addi %mul3A_26, %add3A_2564 : vector<16xi32>
      %bitcast3A_2566 = vector.bitcast %scan3A_2509#13 : vector<32xbf16> to vector<16xi32>
      tpu.vector_store_idx %arg11[%add3A_2565], %bitcast3A_2566 : memref<8448xi32, #tpu.memory_space<vmem>>[vector<16xi32>], vector<16xi32>,
      %add3A_2567 = arith.constant 30 : i32
      %add3A_2568 = vector.broadcast %add3A_2567 : i32 to vector<16xi32>
      %add3A_2569 = arith.addi %mul3A_26, %add3A_2568 : vector<16xi32>
      %bitcast3A_2570 = vector.bitcast %scan3A_2509#14 : vector<32xbf16> to vector<16xi32>
      tpu.vector_store_idx %arg11[%add3A_2569], %bitcast3A_2570 : memref<8448xi32, #tpu.memory_space<vmem>>[vector<16xi32>], vector<16xi32>,
      %add3A_2571 = arith.constant 31 : i32
      %add3A_2572 = vector.broadcast %add3A_2571 : i32 to vector<16xi32>
      %add3A_2573 = arith.addi %mul3A_26, %add3A_2572 : vector<16xi32>
      %bitcast3A_2574 = vector.bitcast %scan3A_2509#15 : vector<32xbf16> to vector<16xi32>
      tpu.vector_store_idx %arg11[%add3A_2573], %bitcast3A_2574 : memref<8448xi32, #tpu.memory_space<vmem>>[vector<16xi32>], vector<16xi32>,
    }
    %scan3A_4 = arith.constant 16 : i32
    %mul3A = arith.constant 256 : i32
    %mul3A_5 = arith.muli %arg1, %mul3A : i32
    %mul3A_6 = arith.constant 33 : i32
    %mul3A_7 = arith.muli %mul3A_5, %mul3A_6 : i32
    "tpu.region"() ({
      %run_scoped3A = tpu.sem_alloc : memref<!tpu.dma_semaphore, #tpu.memory_space<semaphore_mem>>
      %dma_start3A = arith.constant 0 : i32
      %dma_start3A_8 = tpu.memref_slice %arg6[%arg0, %dma_start3A] : memref<2x135168xi32, #tpu.memory_space<hbm>> -> memref<1x135168xi32, #tpu.memory_space<hbm>>
      %dma_start3A_9 = tpu.memref_squeeze %dma_start3A_8 : memref<1x135168xi32, #tpu.memory_space<hbm>> -> memref<135168xi32, #tpu.memory_space<hbm>>
      %dma_start3A_10 = tpu.memref_slice %dma_start3A_9[%mul3A_7] : memref<135168xi32, #tpu.memory_space<hbm>> -> memref<8448xi32, #tpu.memory_space<hbm>>
      %dma_start3A_11 = arith.constant 0 : i32
      %dma_start3A_12 = tpu.memref_slice %arg6[%arg0, %dma_start3A_11] : memref<2x135168xi32, #tpu.memory_space<hbm>> -> memref<1x135168xi32, #tpu.memory_space<hbm>>
      %dma_start3A_13 = tpu.memref_squeeze %dma_start3A_12 : memref<1x135168xi32, #tpu.memory_space<hbm>> -> memref<135168xi32, #tpu.memory_space<hbm>>
      %dma_start3A_14 = tpu.memref_slice %dma_start3A_13[%mul3A_7] : memref<135168xi32, #tpu.memory_space<hbm>> -> memref<8448xi32, #tpu.memory_space<hbm>>
      tpu.enqueue_dma source(%arg11 : memref<8448xi32, #tpu.memory_space<vmem>>) target(%dma_start3A_14 : memref<8448xi32, #tpu.memory_space<hbm>>) target_semaphore(%run_scoped3A : memref<!tpu.dma_semaphore, #tpu.memory_space<semaphore_mem>>)
      %dma_wait3A = arith.constant 0 : i32
      %dma_wait3A_15 = tpu.memref_slice %arg6[%arg0, %dma_wait3A] : memref<2x135168xi32, #tpu.memory_space<hbm>> -> memref<1x135168xi32, #tpu.memory_space<hbm>>
      %dma_wait3A_16 = tpu.memref_squeeze %dma_wait3A_15 : memref<1x135168xi32, #tpu.memory_space<hbm>> -> memref<135168xi32, #tpu.memory_space<hbm>>
      %dma_wait3A_17 = tpu.memref_slice %dma_wait3A_16[%mul3A_7] : memref<135168xi32, #tpu.memory_space<hbm>> -> memref<8448xi32, #tpu.memory_space<hbm>>
      %dma_wait3A_18 = arith.constant 0 : i32
      %dma_wait3A_19 = tpu.memref_slice %arg6[%arg0, %dma_wait3A_18] : memref<2x135168xi32, #tpu.memory_space<hbm>> -> memref<1x135168xi32, #tpu.memory_space<hbm>>
      %dma_wait3A_20 = tpu.memref_squeeze %dma_wait3A_19 : memref<1x135168xi32, #tpu.memory_space<hbm>> -> memref<135168xi32, #tpu.memory_space<hbm>>
      %dma_wait3A_21 = tpu.memref_slice %dma_wait3A_20[%mul3A_7] : memref<135168xi32, #tpu.memory_space<hbm>> -> memref<8448xi32, #tpu.memory_space<hbm>>
      tpu.wait_dma2 semaphore(%run_scoped3A : memref<!tpu.dma_semaphore, #tpu.memory_space<semaphore_mem>>) src(%arg11 : memref<8448xi32, #tpu.memory_space<vmem>>) dst(%dma_wait3A_21 : memref<8448xi32, #tpu.memory_space<hbm>>)
      tpu.yield
    }) : () -> ()
    return
  }
}

module attributes {stable_mosaic.version = 14 : i64} {
  func.func @_tc_body(%arg0: i32, %arg1: memref<2x1024x66xbf16, #tpu.memory_space<vmem>>, %arg2: memref<1024x65xi32, #tpu.memory_space<vmem>>, %arg3: memref<128x1024xbf16, #tpu.memory_space<vmem>>, %arg4: memref<1024x65xf32, #tpu.memory_space<vmem>>) attributes {dimension_semantics = [#tpu.dimension_semantics<arbitrary>], iteration_bounds = array<i64: 4>, scalar_prefetch = 0 : i64, scratch_operands = 0 : i64, tpu.core_type = #tpu.core_type<tc>, window_params = [{transform_indices = @transform_0, window_bounds = array<i64: 2, 1024, 66>}, {transform_indices = @transform_1, window_bounds = array<i64: 1024, 65>}, {pipeline_mode = #tpu.pipeline_mode<synchronous>, transform_indices = @transform_2, window_bounds = array<i64: 128, 1024>}, {transform_indices = @transform_3, window_bounds = array<i64: 1024, 65>}]} {
    %get3A = arith.constant 0 : index
    %get3A_0 = arith.constant 0 : index
    %get3A_1 = arith.constant 0 : index
    %get3A_2 = vector.load %arg1[%get3A, %get3A_0, %get3A_1] : memref<2x1024x66xbf16, #tpu.memory_space<vmem>>, vector<2x1024x66xbf16>
    %slice3A = vector.extract_strided_slice %get3A_2 {offsets = [0, 0, 0], sizes = [1, 1024, 64], strides = [1, 1, 1]} : vector<2x1024x66xbf16> to vector<1x1024x64xbf16>
    %squeeze3A = vector.shape_cast %slice3A : vector<1x1024x64xbf16> to vector<1024x64xbf16>
    %slice3A_3 = vector.extract_strided_slice %get3A_2 {offsets = [1, 0, 0], sizes = [1, 1024, 64], strides = [1, 1, 1]} : vector<2x1024x66xbf16> to vector<1x1024x64xbf16>
    %squeeze3A_4 = vector.shape_cast %slice3A_3 : vector<1x1024x64xbf16> to vector<1024x64xbf16>
    %concatenate3A = tpu.concatenate %squeeze3A, %squeeze3A_4 in 1 : vector<1024x64xbf16>, vector<1024x64xbf16> -> vector<1024x128xbf16>
    %get3A_5 = arith.constant 0 : index
    %get3A_6 = arith.constant 0 : index
    %get3A_7 = vector.load %arg2[%get3A_5, %get3A_6] : memref<1024x65xi32, #tpu.memory_space<vmem>>, vector<1024x65xi32>
    %broadcast_in_dim3A = arith.constant 0 : i32
    %broadcast_in_dim3A_8 = vector.broadcast %broadcast_in_dim3A : i32 to vector<1024x63xi32>
    %concatenate3A_9 = tpu.concatenate %get3A_7, %broadcast_in_dim3A_8 in 1 : vector<1024x65xi32>, vector<1024x63xi32> -> vector<1024x128xi32>
    %and3A = arith.constant 127 : i32
    %and3A_10 = vector.broadcast %and3A : i32 to vector<1024x128xi32>
    %and3A_11 = arith.andi %concatenate3A_9, %and3A_10 : vector<1024x128xi32>
    %shift_right_arithmetic3A = arith.constant 7 : i32
    %shift_right_arithmetic3A_12 = vector.broadcast %shift_right_arithmetic3A : i32 to vector<1024x128xi32>
    %shift_right_arithmetic3A_13 = arith.shrsi %concatenate3A_9, %shift_right_arithmetic3A_12 : vector<1024x128xi32>
    %broadcast_in_dim3A_14 = arith.constant 0.000000e+00 : f32
    %broadcast_in_dim3A_15 = vector.broadcast %broadcast_in_dim3A_14 : f32 to vector<1024x128xf32>
    %get3A_16 = arith.constant 0 : index
    %get3A_17 = arith.constant 0 : index
    %get3A_18 = vector.load %arg3[%get3A_16, %get3A_17] : memref<128x1024xbf16, #tpu.memory_space<vmem>>, vector<128x128xbf16>
    %dot_general3A = arith.constant dense<0.000000e+00> : vector<1024x128xf32>
    %dot_general3A_19 = tpu.matmul %concatenate3A, %get3A_18, %dot_general3A {dimension_numbers = #tpu.dot_dimension_numbers<[1], [0], [0], [1], [0, 0, 1, 1], [], []>, transpose_lhs_hint = false} : vector<1024x128xbf16>, vector<128x128xbf16>, vector<1024x128xf32> -> vector<1024x128xf32>
    %lt3A = arith.constant 0 : i32
    %lt3A_20 = vector.broadcast %lt3A : i32 to vector<1024x128xi32>
    %lt3A_21 = arith.cmpi slt, %and3A_11, %lt3A_20 : vector<1024x128xi32>
    %add3A = arith.constant 128 : i32
    %add3A_22 = vector.broadcast %add3A : i32 to vector<1024x128xi32>
    %add3A_23 = arith.addi %and3A_11, %add3A_22 : vector<1024x128xi32>
    %select_n3A = arith.select %lt3A_21, %add3A_23, %and3A_11 : vector<1024x128xi1>, vector<1024x128xi32>
    %reshape3A = vector.shape_cast %select_n3A : vector<1024x128xi32> to vector<1024x128x1xi32>
    %gather3A = vector.shape_cast %reshape3A : vector<1024x128x1xi32> to vector<1024x128xi32>
    %gather3A_24 = tpu.dynamic_gather %dot_general3A_19[%gather3A] in [1] : vector<1024x128xf32>, vector<1024x128xi32> -> vector<1024x128xf32>
    %eq3A = arith.constant 0 : i32
    %eq3A_25 = vector.broadcast %eq3A : i32 to vector<1024x128xi32>
    %eq3A_26 = arith.cmpi eq, %shift_right_arithmetic3A_13, %eq3A_25 : vector<1024x128xi32>
    %jit3A = arith.constant 0.000000e+00 : f32
    %broadcast_in_dim3A_27 = vector.broadcast %jit3A : f32 to vector<1024x128xf32>
    %select_n3A_28 = arith.select %eq3A_26, %gather3A_24, %broadcast_in_dim3A_27 : vector<1024x128xi1>, vector<1024x128xf32>
    %add3A_29 = arith.addf %broadcast_in_dim3A_15, %select_n3A_28 : vector<1024x128xf32>
    %get3A_30 = arith.constant 0 : index
    %get3A_31 = arith.constant 128 : index
    %get3A_32 = vector.load %arg3[%get3A_30, %get3A_31] : memref<128x1024xbf16, #tpu.memory_space<vmem>>, vector<128x128xbf16>
    %dot_general3A_33 = arith.constant dense<0.000000e+00> : vector<1024x128xf32>
    %dot_general3A_34 = tpu.matmul %concatenate3A, %get3A_32, %dot_general3A_33 {dimension_numbers = #tpu.dot_dimension_numbers<[1], [0], [0], [1], [0, 0, 1, 1], [], []>, transpose_lhs_hint = false} : vector<1024x128xbf16>, vector<128x128xbf16>, vector<1024x128xf32> -> vector<1024x128xf32>
    %lt3A_35 = arith.constant 0 : i32
    %lt3A_36 = vector.broadcast %lt3A_35 : i32 to vector<1024x128xi32>
    %lt3A_37 = arith.cmpi slt, %and3A_11, %lt3A_36 : vector<1024x128xi32>
    %add3A_38 = arith.constant 128 : i32
    %add3A_39 = vector.broadcast %add3A_38 : i32 to vector<1024x128xi32>
    %add3A_40 = arith.addi %and3A_11, %add3A_39 : vector<1024x128xi32>
    %select_n3A_41 = arith.select %lt3A_37, %add3A_40, %and3A_11 : vector<1024x128xi1>, vector<1024x128xi32>
    %reshape3A_42 = vector.shape_cast %select_n3A_41 : vector<1024x128xi32> to vector<1024x128x1xi32>
    %gather3A_43 = vector.shape_cast %reshape3A_42 : vector<1024x128x1xi32> to vector<1024x128xi32>
    %gather3A_44 = tpu.dynamic_gather %dot_general3A_34[%gather3A_43] in [1] : vector<1024x128xf32>, vector<1024x128xi32> -> vector<1024x128xf32>
    %eq3A_45 = arith.constant 1 : i32
    %eq3A_46 = vector.broadcast %eq3A_45 : i32 to vector<1024x128xi32>
    %eq3A_47 = arith.cmpi eq, %shift_right_arithmetic3A_13, %eq3A_46 : vector<1024x128xi32>
    %jit3A_48 = arith.constant 0.000000e+00 : f32
    %broadcast_in_dim3A_49 = vector.broadcast %jit3A_48 : f32 to vector<1024x128xf32>
    %select_n3A_50 = arith.select %eq3A_47, %gather3A_44, %broadcast_in_dim3A_49 : vector<1024x128xi1>, vector<1024x128xf32>
    %add3A_51 = arith.addf %add3A_29, %select_n3A_50 : vector<1024x128xf32>
    %get3A_52 = arith.constant 0 : index
    %get3A_53 = arith.constant 256 : index
    %get3A_54 = vector.load %arg3[%get3A_52, %get3A_53] : memref<128x1024xbf16, #tpu.memory_space<vmem>>, vector<128x128xbf16>
    %dot_general3A_55 = arith.constant dense<0.000000e+00> : vector<1024x128xf32>
    %dot_general3A_56 = tpu.matmul %concatenate3A, %get3A_54, %dot_general3A_55 {dimension_numbers = #tpu.dot_dimension_numbers<[1], [0], [0], [1], [0, 0, 1, 1], [], []>, transpose_lhs_hint = false} : vector<1024x128xbf16>, vector<128x128xbf16>, vector<1024x128xf32> -> vector<1024x128xf32>
    %lt3A_57 = arith.constant 0 : i32
    %lt3A_58 = vector.broadcast %lt3A_57 : i32 to vector<1024x128xi32>
    %lt3A_59 = arith.cmpi slt, %and3A_11, %lt3A_58 : vector<1024x128xi32>
    %add3A_60 = arith.constant 128 : i32
    %add3A_61 = vector.broadcast %add3A_60 : i32 to vector<1024x128xi32>
    %add3A_62 = arith.addi %and3A_11, %add3A_61 : vector<1024x128xi32>
    %select_n3A_63 = arith.select %lt3A_59, %add3A_62, %and3A_11 : vector<1024x128xi1>, vector<1024x128xi32>
    %reshape3A_64 = vector.shape_cast %select_n3A_63 : vector<1024x128xi32> to vector<1024x128x1xi32>
    %gather3A_65 = vector.shape_cast %reshape3A_64 : vector<1024x128x1xi32> to vector<1024x128xi32>
    %gather3A_66 = tpu.dynamic_gather %dot_general3A_56[%gather3A_65] in [1] : vector<1024x128xf32>, vector<1024x128xi32> -> vector<1024x128xf32>
    %eq3A_67 = arith.constant 2 : i32
    %eq3A_68 = vector.broadcast %eq3A_67 : i32 to vector<1024x128xi32>
    %eq3A_69 = arith.cmpi eq, %shift_right_arithmetic3A_13, %eq3A_68 : vector<1024x128xi32>
    %jit3A_70 = arith.constant 0.000000e+00 : f32
    %broadcast_in_dim3A_71 = vector.broadcast %jit3A_70 : f32 to vector<1024x128xf32>
    %select_n3A_72 = arith.select %eq3A_69, %gather3A_66, %broadcast_in_dim3A_71 : vector<1024x128xi1>, vector<1024x128xf32>
    %add3A_73 = arith.addf %add3A_51, %select_n3A_72 : vector<1024x128xf32>
    %get3A_74 = arith.constant 0 : index
    %get3A_75 = arith.constant 384 : index
    %get3A_76 = vector.load %arg3[%get3A_74, %get3A_75] : memref<128x1024xbf16, #tpu.memory_space<vmem>>, vector<128x128xbf16>
    %dot_general3A_77 = arith.constant dense<0.000000e+00> : vector<1024x128xf32>
    %dot_general3A_78 = tpu.matmul %concatenate3A, %get3A_76, %dot_general3A_77 {dimension_numbers = #tpu.dot_dimension_numbers<[1], [0], [0], [1], [0, 0, 1, 1], [], []>, transpose_lhs_hint = false} : vector<1024x128xbf16>, vector<128x128xbf16>, vector<1024x128xf32> -> vector<1024x128xf32>
    %lt3A_79 = arith.constant 0 : i32
    %lt3A_80 = vector.broadcast %lt3A_79 : i32 to vector<1024x128xi32>
    %lt3A_81 = arith.cmpi slt, %and3A_11, %lt3A_80 : vector<1024x128xi32>
    %add3A_82 = arith.constant 128 : i32
    %add3A_83 = vector.broadcast %add3A_82 : i32 to vector<1024x128xi32>
    %add3A_84 = arith.addi %and3A_11, %add3A_83 : vector<1024x128xi32>
    %select_n3A_85 = arith.select %lt3A_81, %add3A_84, %and3A_11 : vector<1024x128xi1>, vector<1024x128xi32>
    %reshape3A_86 = vector.shape_cast %select_n3A_85 : vector<1024x128xi32> to vector<1024x128x1xi32>
    %gather3A_87 = vector.shape_cast %reshape3A_86 : vector<1024x128x1xi32> to vector<1024x128xi32>
    %gather3A_88 = tpu.dynamic_gather %dot_general3A_78[%gather3A_87] in [1] : vector<1024x128xf32>, vector<1024x128xi32> -> vector<1024x128xf32>
    %eq3A_89 = arith.constant 3 : i32
    %eq3A_90 = vector.broadcast %eq3A_89 : i32 to vector<1024x128xi32>
    %eq3A_91 = arith.cmpi eq, %shift_right_arithmetic3A_13, %eq3A_90 : vector<1024x128xi32>
    %jit3A_92 = arith.constant 0.000000e+00 : f32
    %broadcast_in_dim3A_93 = vector.broadcast %jit3A_92 : f32 to vector<1024x128xf32>
    %select_n3A_94 = arith.select %eq3A_91, %gather3A_88, %broadcast_in_dim3A_93 : vector<1024x128xi1>, vector<1024x128xf32>
    %add3A_95 = arith.addf %add3A_73, %select_n3A_94 : vector<1024x128xf32>
    %get3A_96 = arith.constant 0 : index
    %get3A_97 = arith.constant 512 : index
    %get3A_98 = vector.load %arg3[%get3A_96, %get3A_97] : memref<128x1024xbf16, #tpu.memory_space<vmem>>, vector<128x128xbf16>
    %dot_general3A_99 = arith.constant dense<0.000000e+00> : vector<1024x128xf32>
    %dot_general3A_100 = tpu.matmul %concatenate3A, %get3A_98, %dot_general3A_99 {dimension_numbers = #tpu.dot_dimension_numbers<[1], [0], [0], [1], [0, 0, 1, 1], [], []>, transpose_lhs_hint = false} : vector<1024x128xbf16>, vector<128x128xbf16>, vector<1024x128xf32> -> vector<1024x128xf32>
    %lt3A_101 = arith.constant 0 : i32
    %lt3A_102 = vector.broadcast %lt3A_101 : i32 to vector<1024x128xi32>
    %lt3A_103 = arith.cmpi slt, %and3A_11, %lt3A_102 : vector<1024x128xi32>
    %add3A_104 = arith.constant 128 : i32
    %add3A_105 = vector.broadcast %add3A_104 : i32 to vector<1024x128xi32>
    %add3A_106 = arith.addi %and3A_11, %add3A_105 : vector<1024x128xi32>
    %select_n3A_107 = arith.select %lt3A_103, %add3A_106, %and3A_11 : vector<1024x128xi1>, vector<1024x128xi32>
    %reshape3A_108 = vector.shape_cast %select_n3A_107 : vector<1024x128xi32> to vector<1024x128x1xi32>
    %gather3A_109 = vector.shape_cast %reshape3A_108 : vector<1024x128x1xi32> to vector<1024x128xi32>
    %gather3A_110 = tpu.dynamic_gather %dot_general3A_100[%gather3A_109] in [1] : vector<1024x128xf32>, vector<1024x128xi32> -> vector<1024x128xf32>
    %eq3A_111 = arith.constant 4 : i32
    %eq3A_112 = vector.broadcast %eq3A_111 : i32 to vector<1024x128xi32>
    %eq3A_113 = arith.cmpi eq, %shift_right_arithmetic3A_13, %eq3A_112 : vector<1024x128xi32>
    %jit3A_114 = arith.constant 0.000000e+00 : f32
    %broadcast_in_dim3A_115 = vector.broadcast %jit3A_114 : f32 to vector<1024x128xf32>
    %select_n3A_116 = arith.select %eq3A_113, %gather3A_110, %broadcast_in_dim3A_115 : vector<1024x128xi1>, vector<1024x128xf32>
    %add3A_117 = arith.addf %add3A_95, %select_n3A_116 : vector<1024x128xf32>
    %get3A_118 = arith.constant 0 : index
    %get3A_119 = arith.constant 640 : index
    %get3A_120 = vector.load %arg3[%get3A_118, %get3A_119] : memref<128x1024xbf16, #tpu.memory_space<vmem>>, vector<128x128xbf16>
    %dot_general3A_121 = arith.constant dense<0.000000e+00> : vector<1024x128xf32>
    %dot_general3A_122 = tpu.matmul %concatenate3A, %get3A_120, %dot_general3A_121 {dimension_numbers = #tpu.dot_dimension_numbers<[1], [0], [0], [1], [0, 0, 1, 1], [], []>, transpose_lhs_hint = false} : vector<1024x128xbf16>, vector<128x128xbf16>, vector<1024x128xf32> -> vector<1024x128xf32>
    %lt3A_123 = arith.constant 0 : i32
    %lt3A_124 = vector.broadcast %lt3A_123 : i32 to vector<1024x128xi32>
    %lt3A_125 = arith.cmpi slt, %and3A_11, %lt3A_124 : vector<1024x128xi32>
    %add3A_126 = arith.constant 128 : i32
    %add3A_127 = vector.broadcast %add3A_126 : i32 to vector<1024x128xi32>
    %add3A_128 = arith.addi %and3A_11, %add3A_127 : vector<1024x128xi32>
    %select_n3A_129 = arith.select %lt3A_125, %add3A_128, %and3A_11 : vector<1024x128xi1>, vector<1024x128xi32>
    %reshape3A_130 = vector.shape_cast %select_n3A_129 : vector<1024x128xi32> to vector<1024x128x1xi32>
    %gather3A_131 = vector.shape_cast %reshape3A_130 : vector<1024x128x1xi32> to vector<1024x128xi32>
    %gather3A_132 = tpu.dynamic_gather %dot_general3A_122[%gather3A_131] in [1] : vector<1024x128xf32>, vector<1024x128xi32> -> vector<1024x128xf32>
    %eq3A_133 = arith.constant 5 : i32
    %eq3A_134 = vector.broadcast %eq3A_133 : i32 to vector<1024x128xi32>
    %eq3A_135 = arith.cmpi eq, %shift_right_arithmetic3A_13, %eq3A_134 : vector<1024x128xi32>
    %jit3A_136 = arith.constant 0.000000e+00 : f32
    %broadcast_in_dim3A_137 = vector.broadcast %jit3A_136 : f32 to vector<1024x128xf32>
    %select_n3A_138 = arith.select %eq3A_135, %gather3A_132, %broadcast_in_dim3A_137 : vector<1024x128xi1>, vector<1024x128xf32>
    %add3A_139 = arith.addf %add3A_117, %select_n3A_138 : vector<1024x128xf32>
    %get3A_140 = arith.constant 0 : index
    %get3A_141 = arith.constant 768 : index
    %get3A_142 = vector.load %arg3[%get3A_140, %get3A_141] : memref<128x1024xbf16, #tpu.memory_space<vmem>>, vector<128x128xbf16>
    %dot_general3A_143 = arith.constant dense<0.000000e+00> : vector<1024x128xf32>
    %dot_general3A_144 = tpu.matmul %concatenate3A, %get3A_142, %dot_general3A_143 {dimension_numbers = #tpu.dot_dimension_numbers<[1], [0], [0], [1], [0, 0, 1, 1], [], []>, transpose_lhs_hint = false} : vector<1024x128xbf16>, vector<128x128xbf16>, vector<1024x128xf32> -> vector<1024x128xf32>
    %lt3A_145 = arith.constant 0 : i32
    %lt3A_146 = vector.broadcast %lt3A_145 : i32 to vector<1024x128xi32>
    %lt3A_147 = arith.cmpi slt, %and3A_11, %lt3A_146 : vector<1024x128xi32>
    %add3A_148 = arith.constant 128 : i32
    %add3A_149 = vector.broadcast %add3A_148 : i32 to vector<1024x128xi32>
    %add3A_150 = arith.addi %and3A_11, %add3A_149 : vector<1024x128xi32>
    %select_n3A_151 = arith.select %lt3A_147, %add3A_150, %and3A_11 : vector<1024x128xi1>, vector<1024x128xi32>
    %reshape3A_152 = vector.shape_cast %select_n3A_151 : vector<1024x128xi32> to vector<1024x128x1xi32>
    %gather3A_153 = vector.shape_cast %reshape3A_152 : vector<1024x128x1xi32> to vector<1024x128xi32>
    %gather3A_154 = tpu.dynamic_gather %dot_general3A_144[%gather3A_153] in [1] : vector<1024x128xf32>, vector<1024x128xi32> -> vector<1024x128xf32>
    %eq3A_155 = arith.constant 6 : i32
    %eq3A_156 = vector.broadcast %eq3A_155 : i32 to vector<1024x128xi32>
    %eq3A_157 = arith.cmpi eq, %shift_right_arithmetic3A_13, %eq3A_156 : vector<1024x128xi32>
    %jit3A_158 = arith.constant 0.000000e+00 : f32
    %broadcast_in_dim3A_159 = vector.broadcast %jit3A_158 : f32 to vector<1024x128xf32>
    %select_n3A_160 = arith.select %eq3A_157, %gather3A_154, %broadcast_in_dim3A_159 : vector<1024x128xi1>, vector<1024x128xf32>
    %add3A_161 = arith.addf %add3A_139, %select_n3A_160 : vector<1024x128xf32>
    %get3A_162 = arith.constant 0 : index
    %get3A_163 = arith.constant 896 : index
    %get3A_164 = vector.load %arg3[%get3A_162, %get3A_163] : memref<128x1024xbf16, #tpu.memory_space<vmem>>, vector<128x128xbf16>
    %dot_general3A_165 = arith.constant dense<0.000000e+00> : vector<1024x128xf32>
    %dot_general3A_166 = tpu.matmul %concatenate3A, %get3A_164, %dot_general3A_165 {dimension_numbers = #tpu.dot_dimension_numbers<[1], [0], [0], [1], [0, 0, 1, 1], [], []>, transpose_lhs_hint = false} : vector<1024x128xbf16>, vector<128x128xbf16>, vector<1024x128xf32> -> vector<1024x128xf32>
    %lt3A_167 = arith.constant 0 : i32
    %lt3A_168 = vector.broadcast %lt3A_167 : i32 to vector<1024x128xi32>
    %lt3A_169 = arith.cmpi slt, %and3A_11, %lt3A_168 : vector<1024x128xi32>
    %add3A_170 = arith.constant 128 : i32
    %add3A_171 = vector.broadcast %add3A_170 : i32 to vector<1024x128xi32>
    %add3A_172 = arith.addi %and3A_11, %add3A_171 : vector<1024x128xi32>
    %select_n3A_173 = arith.select %lt3A_169, %add3A_172, %and3A_11 : vector<1024x128xi1>, vector<1024x128xi32>
    %reshape3A_174 = vector.shape_cast %select_n3A_173 : vector<1024x128xi32> to vector<1024x128x1xi32>
    %gather3A_175 = vector.shape_cast %reshape3A_174 : vector<1024x128x1xi32> to vector<1024x128xi32>
    %gather3A_176 = tpu.dynamic_gather %dot_general3A_166[%gather3A_175] in [1] : vector<1024x128xf32>, vector<1024x128xi32> -> vector<1024x128xf32>
    %eq3A_177 = arith.constant 7 : i32
    %eq3A_178 = vector.broadcast %eq3A_177 : i32 to vector<1024x128xi32>
    %eq3A_179 = arith.cmpi eq, %shift_right_arithmetic3A_13, %eq3A_178 : vector<1024x128xi32>
    %jit3A_180 = arith.constant 0.000000e+00 : f32
    %broadcast_in_dim3A_181 = vector.broadcast %jit3A_180 : f32 to vector<1024x128xf32>
    %select_n3A_182 = arith.select %eq3A_179, %gather3A_176, %broadcast_in_dim3A_181 : vector<1024x128xi1>, vector<1024x128xf32>
    %add3A_183 = arith.addf %add3A_161, %select_n3A_182 : vector<1024x128xf32>
    %slice3A_184 = vector.extract_strided_slice %add3A_183 {offsets = [0, 0], sizes = [1024, 65], strides = [1, 1]} : vector<1024x128xf32> to vector<1024x65xf32>
    %reduce_max3A = arith.constant dense<0xFF800000> : vector<1024xf32>
    %reduce_max3A_185 = vector.multi_reduction <maximumf>, %slice3A_184, %reduce_max3A [1] : vector<1024x65xf32> to vector<1024xf32>
    %broadcast_in_dim3A_186 = vector.shape_cast %reduce_max3A_185 : vector<1024xf32> to vector<1024x1xf32>
    %sub3A = vector.broadcast %broadcast_in_dim3A_186 : vector<1024x1xf32> to vector<1024x65xf32>
    %sub3A_187 = arith.subf %slice3A_184, %sub3A : vector<1024x65xf32>
    %exp3A = math.exp %sub3A_187 : vector<1024x65xf32>
    %reduce_sum3A = arith.constant dense<0.000000e+00> : vector<1024xf32>
    %reduce_sum3A_188 = vector.multi_reduction <add>, %exp3A, %reduce_sum3A [1] : vector<1024x65xf32> to vector<1024xf32>
    %broadcast_in_dim3A_189 = vector.shape_cast %reduce_sum3A_188 : vector<1024xf32> to vector<1024x1xf32>
    %div3A = vector.broadcast %broadcast_in_dim3A_189 : vector<1024x1xf32> to vector<1024x65xf32>
    %div3A_190 = arith.divf %exp3A, %div3A : vector<1024x65xf32>
    %swap3A = arith.constant 0 : index
    %swap3A_191 = arith.constant 0 : index
    %swap3A_192 = vector.load %arg4[%swap3A, %swap3A_191] : memref<1024x65xf32, #tpu.memory_space<vmem>>, vector<1024x65xf32>
    tpu.vector_store %arg4[%swap3A, %swap3A_191], %div3A_190 {strides = array<i32>} : memref<1024x65xf32, #tpu.memory_space<vmem>>, vector<1024x65xf32>,
    return
  }
  func.func @transform_0(%arg0: i32) -> (i32, i32, i32) {
    %c0_i32 = arith.constant 0 : i32
    %c0_i32_0 = arith.constant 0 : i32
    %c0_i32_1 = arith.constant 0 : i32
    return %c0_i32, %arg0, %c0_i32_0 : i32, i32, i32
  }
  func.func @transform_1(%arg0: i32) -> (i32, i32) {
    %c0_i32 = arith.constant 0 : i32
    %c0_i32_0 = arith.constant 0 : i32
    return %arg0, %c0_i32 : i32, i32
  }
  func.func @transform_2(%arg0: i32) -> (i32, i32) {
    %c0_i32 = arith.constant 0 : i32
    %c0_i32_0 = arith.constant 0 : i32
    %c0_i32_1 = arith.constant 0 : i32
    return %c0_i32, %c0_i32_0 : i32, i32
  }
  func.func @transform_3(%arg0: i32) -> (i32, i32) {
    %c0_i32 = arith.constant 0 : i32
    %c0_i32_0 = arith.constant 0 : i32
    return %arg0, %c0_i32 : i32, i32
  }
}

</mosaic_0001>

<sc_bundles>
// kernel: kernel.4.cloned.1.call-start
scs
__scs_entry_jumppad:
0x0: {  	(pc) =	sbr.rel $0x88, $3  }
0x1: {  	(tag) =	ssettag $0x0;
	lr =	simm.s32 $0x1  }
0x2: {  	[smem:$0x3F9C] =	sst lr;
	_ =	strace $0xD0000000  }
0x3: {  	_ = 	snop  }
0x4: {  	_ = 	snop  }
0x5: {  	_ = 	snop  }
0x6: {  	_ = 	snop  }
0x7: {  	_ = 	snop  }
__scs_overlays_trampoline_lowered:
0x8: {  	[smem:$0x3FAB] =	sst s0  }
0x9: {  	[smem:$0x3FAC] =	sst s1  }
0xa: {  	[smem:$0x3FAD] =	sst s2  }
0xb: {  	[smem:$0x3FAE] =	sst s3  }
0xc: {  	[smem:$0x3FAF] =	sst s4  }
0xd: {  	[smem:$0x3FB0] =	sst s5  }
0xe: {  	[smem:$0x3FB1] =	sst s6  }
0xf: {  	[smem:$0x3FB2] =	sst s7  }
0x10: {  	[smem:$0x3FB3] =	sst s8  }
0x11: {  	[smem:$0x3FB4] =	sst s9;
	s0 =	simm.s32 @!p0 $0x0  }
0x12: {  	s1 =	sld [smem:$0x3F9A];
	s0 =	simm.s32 @p0 $0x1  }
0x13: {  	[smem:$0x3FB5] =	sst s0;
	s0 =	simm.s32 @!p1 $0x0  }
0x14: {  	s2 =	sld [smem:$0x3F99];
	s0 =	simm.s32 @p1 $0x1  }
0x15: {  	[smem:$0x3FB6] =	sst s0;
	s0 =	simm.s32 @!p2 $0x0  }
0x16: {  	s3 =	sld [smem:$0x3FDB];
	s0 =	simm.s32 @p2 $0x1  }
0x17: {  	s4 =	simm.s32 $0x1BF5;
	[smem:$0x3FB8] =	sst s0  }
0x18: {  	s0 =	sld [smem:$0x3F9B];
	_ =	swait.ge [sflag:s4], $0x0  }
0x19: {  	s7 =	sld [smem:$0x3F9C]  }
0x1a: {  	s8 =	sadd.s32 $0xFFFFE003, lr  }
0x1b: {  	s9 =	sadd.s32 $0xFFFFFEF7, lr;
	s5 =	simm.s32 $0xFFFFFFFF;
	p2 =	slt.u32 s8, $0xFFFFF086  }
0x1c: {  	p1 =	slt.u32 s9, $0xF7A;
	s5 =	simm.s32 @!p2 $0x0  }
0x1d: {  	s5 =	simm.s32 @p1 $0x1;
	p0 =	seq.s32 s7, s2  }
0x1e: {  	s7 =	smul.u32 @!p0 $0xF7A, s2;
	p2 =	seq.s32 @!p0 s5, $0x0  }
0x1f: {  	s9 =	smul.u32 $0xF7A, s1;
	s8 =	simm.s32 @!p0 $0x1BF5;
	p2 =	por !p2, p0  }
0x20: {  	[sflag:s8] =	ssyncset.s32 @!p0 $0xFFFFF086;
	s6 =	sadd.s32 @!p0 s3, s7;
	s7 =	simm.s32 @!p0 $0x108  }
0x21: {  	s3 =	sadd.s32 s3, s9;
	s6 =	sadd.s32 @!p0 $0x88, s6;
	s7 =	simm.s32 @p2 $0x1082  }
0x22: {  	[simem:s7], [sflag:s8] =	dma.local @!p0 [hbm:s6], $0xF7A  }
0x23: {  	s9 =	sor.u32 $0xD0000000, s2;
	s6 =	simm.s32 $0x108;
	_ =	swait.ge @!p0 [sflag:s8], $0x0  }
0x24: {  	s3 =	sadd.s32 $0x88, s3;
	s6 =	simm.s32 @!p1 $0x1082;
	[sflag:s4] =	ssyncset.s32 $0xFFFFF086  }
0x25: {  	[simem:s6], [sflag:s4] =	dma.local [hbm:s3], $0xF7A  }
0x26: {  	[smem:$0x3F9C] =	sst s1;
	(tag) =	ssettag s2;
	_ =	strace s9  }
0x27: {  	s1 =	sld [smem:$0x3FAC]  }
0x28: {  	s2 =	sld [smem:$0x3FAD]  }
0x29: {  	s4 =	sld [smem:$0x3FAF]  }
0x2a: {  	p0 =	seq.s32 s5, $0x0;
	s5 =	sld [smem:$0x3FB0]  }
0x2b: {  	s6 =	sld [smem:$0x3FB1]  }
0x2c: {  	s7 =	sld [smem:$0x3FB2]  }
0x2d: {  	s3 =	simm.s32 $0x108;
	s8 =	sld [smem:$0x3FB3]  }
0x2e: {  	s3 =	simm.s32 @!p0 $0x1082;
	s9 =	sld [smem:$0x3FB4]  }
0x2f: {  	lr =	sadd.s32 s0, s3;
	s0 =	sld [smem:$0x3FAB]  }
0x30: {  	s3 =	sld [smem:$0x3FAE]  }
0x31: {  	[smem:$0x3FB7] =	sst s10  }
0x32: {  	s10 =	sld [smem:$0x3FB5];
	_ =	sdelay $0x3  }
0x33: {  	p0 =	seq.s32 s10, $0x1;
	s10 =	sld [smem:$0x3FB7];
	_ =	sdelay $0x3  }
0x34: {  	[smem:$0x3FB7] =	sst s10  }
0x35: {  	s10 =	sld [smem:$0x3FB6];
	_ =	sdelay $0x3  }
0x36: {  	p1 =	seq.s32 s10, $0x1;
	s10 =	sld [smem:$0x3FB7];
	_ =	sdelay $0x3  }
0x37: {  	[smem:$0x3FB7] =	sst s10  }
0x38: {  	s10 =	sld [smem:$0x3FB8]  }
0x39: {  	_ = 	snop;
	(pc) =	sbr.ind lr, $3  }
0x3a: {  	_ = 	snop  }
0x3b: {  	_ = 	snop  }
0x3c: {  	p2 =	seq.s32 s10, $0x1;
	s10 =	sld [smem:$0x3FB7]  }
0x3d: {  	_ =	shalt  }
0x3e: {  	_ =	shalt  }
0x3f: {  	_ =	shalt  }
0x40: {  	_ =	shalt  }
0x41: {  	_ =	shalt  }
0x42: {  	_ =	shalt  }
0x43: {  	_ =	shalt  }
0x44: {  	_ =	shalt  }
0x45: {  	_ =	shalt  }
0x46: {  	_ =	shalt  }
0x47: {  	_ =	shalt  }
0x48: {  	_ =	shalt  }
0x49: {  	_ =	shalt  }
0x4a: {  	_ =	shalt  }
0x4b: {  	_ =	shalt  }
0x4c: {  	_ =	shalt  }
0x4d: {  	_ =	shalt  }
0x4e: {  	_ =	shalt  }
0x4f: {  	_ =	shalt  }
0x50: {  	_ =	shalt  }
0x51: {  	_ =	shalt  }
0x52: {  	_ =	shalt  }
0x53: {  	_ =	shalt  }
0x54: {  	_ =	shalt  }
0x55: {  	_ =	shalt  }
0x56: {  	_ =	shalt  }
0x57: {  	_ =	shalt  }
0x58: {  	_ =	shalt  }
0x59: {  	_ =	shalt  }
0x5a: {  	_ =	shalt  }
0x5b: {  	_ =	shalt  }
0x5c: {  	_ =	shalt  }
0x5d: {  	_ =	shalt  }
0x5e: {  	_ =	shalt  }
0x5f: {  	_ =	shalt  }
0x60: {  	_ =	shalt  }
0x61: {  	_ =	shalt  }
0x62: {  	_ =	shalt  }
0x63: {  	_ =	shalt  }
0x64: {  	_ =	shalt  }
0x65: {  	_ =	shalt  }
0x66: {  	_ =	shalt  }
0x67: {  	_ =	shalt  }
0x68: {  	_ =	shalt  }
0x69: {  	_ =	shalt  }
0x6a: {  	_ =	shalt  }
0x6b: {  	_ =	shalt  }
0x6c: {  	_ =	shalt  }
0x6d: {  	_ =	shalt  }
0x6e: {  	_ =	shalt  }
0x6f: {  	_ =	shalt  }
0x70: {  	_ =	shalt  }
0x71: {  	_ =	shalt  }
0x72: {  	_ =	shalt  }
0x73: {  	_ =	shalt  }
0x74: {  	_ =	shalt  }
0x75: {  	_ =	shalt  }
0x76: {  	_ =	shalt  }
0x77: {  	_ =	shalt  }
0x78: {  	_ =	shalt  }
0x79: {  	_ =	shalt  }
0x7a: {  	_ =	shalt  }
0x7b: {  	_ =	shalt  }
0x7c: {  	_ =	shalt  }
0x7d: {  	_ =	shalt  }
0x7e: {  	_ =	shalt  }
0x7f: {  	_ =	shalt  }
0x80: {  	_ =	shalt  }
0x81: {  	_ =	shalt  }
0x82: {  	_ =	shalt  }
0x83: {  	_ =	shalt  }
0x84: {  	_ =	shalt  }
0x85: {  	_ =	shalt  }
0x86: {  	_ =	shalt  }
0x87: {  	_ =	shalt  }
.Lfunc_end0:
.L_simem_size_0:
called_computation_lowered:
.L_overlay_start_0:
0x88: {  	s2 =	sld [smem:$0x3FD9]  }
0x89: {  	s3 =	sld [smem:$0x3FFE];
	_ =	sdelay $0x1  }
0x8a: {  	s1 =	srdreg.scid  }
0x8b: {  	s0 =	sand.u32 $0x1, s1  }
0x8c: {  	s17 =	sshll.u32 s0, $0xA;
	s2 =	sadd.s32 s3, s2  }
0x8d: {  	s2 =	sadd.s32 s2, s17  }
0x8e: {  	[smem:$0x3FC3] =	sst s2  }
0x8f: {  	_ = 	snop  }
0x90: {  	s2 =	sld [smem:$0x3FD0];
	(tm) =	ssettm $0x1  }
0x91: {  	s18 =	sld [smem:$0x3FFB];
	_ =	sdelay $0x3  }
0x92: {  	_ =	strace s18  }
0x93: {  	s3 =	sld [smem:$0x3FFC];
	_ =	sdelay $0x3  }
0x94: {  	_ =	strace s3  }
0x95: {  	s3 =	sld [smem:$0x3FFD];
	_ =	sdelay $0x3  }
0x96: {  	_ =	strace s3  }
0x97: {  	_ =	strace $0x8FFFFFFF  }
0x98: {  	s19 =	sld [smem:$0x3FDB];
	_ =	sdelay $0x1  }
0x99: {  	s4 =	simm.s32 $_scs_section_size  }
0x9a: {  	s5 =	simm.s32 $_size__tile_overlayer_lowered;
	s6 =	simm.s32 $_tile_overlayer_lowered  }
0x9b: {  	s22 =	simm.s32 $0x1BFF;
	s21 =	sshll.u32 s6, $0x1;
	s3 =	sadd.s32 s4, s19  }
0x9c: {  	s7 =	simm.s32 $0x0;
	s20 =	sshll.u32 s5, $0x1;
	s5 =	sadd.s32 s21, s3  }
0x9d: {  	[timem:s7], [sflag:s22] =	dma.local [hbm:s5], s20  }
0x9e: {  	_ =	swait.ge [sflag:s22], s20  }
0x9f: {  	s4 =	ssub.s32 $0x0, s20;
	[sflag:s22] =	ssyncset.done $0x0  }
0xa0: {  	[sflag:s22] =	ssyncadd.s32 s4;
	_ =	sdelay $0x1  }
0xa1: {  	s23 =	simm.s32 $0x1B8B  }
0xa2: {  	_ =	swait.ge [sflag:s23], $0x1  }
0xa3: {  	[sflag:s23] =	ssyncset.done $0x0  }
0xa4: {  	s25 =	simm.s32 $0x1B8E;
	s24 =	sld [smem:$0x3FFE];
	[sflag:s23] =	ssyncadd.s32 $0xFFFFFFFF  }
0xa5: {  	s26 =	simm.s32 $execute0_lowered;
	[smem:$0x3FD2] =	sst s25  }
0xa6: {  	s5 =	sshll.u32 s26, $0x1;
	_ =	strace $0x80000046;
	[dreg:$0x1] =	wrdreg $0xFFFFFFFF  }
0xa7: {  	s28 =	simm.s32 $_size_execute0_lowered;
	s3 =	sadd.s32 s3, s5;
	[dreg:$0x0] =	wrdreg $0x0  }
0xa8: {  	s5 =	sshll.u32 s28, $0x1;
	[dreg:$0x2] =	wrdreg s3  }
0xa9: {  	[dreg:$0x3] =	wrdreg s5  }
0xaa: {  	[dreg:$0x4] =	wrdreg $0xC0  }
0xab: {  	_ =	task [dreg:s7], $0x5FFFF  }
0xac: {  	[dreg:$0x1] =	wrdreg $0xFFFFFFFF  }
0xad: {  	[dreg:$0x0] =	wrdreg $0x60  }
0xae: {  	[dreg:$0x2] =	wrdreg s24  }
0xaf: {  	[dreg:$0x3] =	wrdreg s2  }
0xb0: {  	[dreg:$0x4] =	wrdreg $0x9  }
0xb1: {  	_ =	task.clear_ibuf [dreg:s7], $0x5FFFF;
	_ =	strace $0x90000046  }
0xb2: {  	s29 =	simm.s32 $0x9;
	_ =	strace $0x80000048  }
0xb3: {  	_ =	swait.ge [sflag:s29], $0x1  }
0xb4: {  	[sflag:s29] =	ssyncadd.s32 $0xFFFFFFFF  }
0xb5: {  	_ =	strace $0x90000048  }
0xb6: {  	_ =	sfence  }
0xb7: {  	s30 =	sld [smem:$0x0];
	_ =	sdelay $0x2  }
0xb8: {  	s31 =	sshll.u32 s1, $0xD;
	s1 =	sshrl.u32 s1, $0x2  }
0xb9: {  	s3 =	sand.u32 $0x4000, s31;
	s1 =	sadd.s32 s1, s30  }
0xba: {  	s0 =	sor.u32 s3, s0;
	s1 =	sshll.u32 s1, $0x11  }
0xbb: {  	s0 =	sor.u32 s1, s0  }
0xbc: {  	s0 =	sadd.s32 $0x8F2B, s0  }
0xbd: {  	[sflag:s0] =	ssyncadd.remote.s32 $0x1  }
0xbe: {  	_ =	sfence.sel $0xFFFF  }
0xbf: {  	[dreg:$0x0] =	wrdreg $0xFFFFFFFF;
	(pc) =	sbr.abs _section_cstart, $3  }
0xc0: {  	[dreg:$0x1] =	wrdreg $0xFFFFFFFF  }
0xc1: {  	_ =	task.clear_ibuf [dreg:s7], $0x2FFFF;
	_ =	strace $0x9FFFFFFF  }
0xc2: {  	(tm) =	ssettm $0x7FFFFFFF  }
0xc3: {  	_ =	shalt  }
tec
execute0_lowered:
.L_overlay_start_1:
0x0: {  	(tag) =	ssettag $0x1  }
0x1: {  	s3 =	rddreg [dreg:$0x0]  }
0x2: {  	s0 =	stileid.u32;
	s7 =	rddreg [dreg:$0x1]  }
0x3: {  	s1 =	rddreg [dreg:$0x2];
	s2 =	simm.s32 $0x0;
	s8 =	srdreg.scid  }
0x4: {  	s11 =	simm.s32 $0x1;
	s12 =	simm.s32 $0x400;
	s13 =	simm.s32 $0xB80  }
0x5: {  	s14 =	simm.s32 $0x3500;
	s4 =	sshrl.u32 s0, $0x3;
	s17 =	smul.u32 $0x840, s0  }
0x6: {  	s15 =	simm.s32 $0xF500;
	s6 =	sshll.u32 s0, $0x7;
	s5 =	smul.u32 $0x5C00, s4  }
0x7: {  	[smem:$0x7FF] =	sst s2;
	s30 =	sand.u32 $0x1, s8;
	s4 =	smul.u32 $0x14C00, s4  }
0x8: {  	s6 =	sand.u32 $0x380, s6;
	_ =	strace $0x80000047;
	s8 =	sshll.u32 s30, $0x4  }
0x9: {  	s16 =	sadd.s32 s7, s8;
	s5 =	sor.u32 s6, s5;
	s4 =	sor.u32 s6, s4  }
0xa: {  	s6 =	ssub.s32 $0x2, s30;
	s16 =	sadd.s32 s17, s16;
	s17 =	simm.s32 $0x0  }
0xb: {  	s5 =	sshrl.u32 s5, $0x3;
	s4 =	sshrl.u32 s4, $0x3;
	s31 =	sshrl.u32 s6, $0x1  }
0xc: {  	s5 =	sadd.s32 s5, s3;
	s9 =	sadd.s32 s4, s3;
	s3 =	sadd.s32 s8, s3  }
0xd: {  	s10 =	ssub.s32 s6, s31;
	s8 =	simm.s32 $0x80;
	s3 =	sadd.s32 $0x200, s3  }
0xe: {  	s4 =	sadd.s32 $0xD000, s5;
	s5 =	sadd.s32 $0x7C00, s9;
	s6 =	sadd.s32 $0x2800, s9  }
0xf: {  	v1 =	vimm.bf16 $5.0000e-01;
	v2 =	vimm.bf16 $0.0e+00;
	s7 =	smax.u32 s10, $0x1;
	s9 =	simm.s32 $0x100;
	s10 =	simm.s32 $0x5E80  }
.LBB2_1:
0x10: {  	[tilespmem:s10], [sflag:$0x1] =	stream.strided.gather [hbm4b:s3+s8], $0x9680, s9, s8, $0x38;
	[tilespmem:$0x11600] =	vst v63  }
0x11: {  	_ =	swait.ge [sflag:s11], $0x9680  }
0x12: {  	[sflag:s11] =	ssyncset.done $0x0  }
0x13: {  	[sflag:s11] =	ssyncadd.s32 $0xFFFF6980  }
0x14: {  	[tilespmem:s2], [sflag:$0x1] =	stream.strided.gather [hbm4b:s4+s8], $0xB80, s12, s8, $0x38;
	[tilespmem:$0x11600] =	vst v63  }
0x15: {  	_ =	swait.ge [sflag:s11], $0xB80  }
0x16: {  	[sflag:s11] =	ssyncset.done $0x0  }
0x17: {  	[sflag:s11] =	ssyncadd.s32 $0xFFFFF480  }
0x18: {  	[tilespmem:s13], [sflag:$0x1] =	stream.strided.gather [hbm4b:s5+s8], $0x2980, s12, s8, $0x38;
	[tilespmem:$0x11600] =	vst v63  }
0x19: {  	_ =	swait.ge [sflag:s11], $0x2980  }
0x1a: {  	[sflag:s11] =	ssyncset.done $0x0  }
0x1b: {  	[sflag:s11] =	ssyncadd.s32 $0xFFFFD680  }
0x1c: {  	[tilespmem:s14], [sflag:$0x1] =	stream.strided.gather [hbm4b:s6+s8], $0x2980, s12, s8, $0x38;
	[tilespmem:$0x11600] =	vst v63  }
0x1d: {  	_ =	swait.ge [sflag:s11], $0x2980  }
0x1e: {  	[sflag:s11] =	ssyncset.done $0x0  }
0x1f: {  	s18 =	simm.s32 $0x0;
	[sflag:s11] =	ssyncadd.s32 $0xFFFFD680  }
.LBB2_2:
0x20: {  	s19 =	sshll.u32 s18, $0x4;
	v0 =	vlaneseq.u32  }
0x21: {  	v6 =	vor.u32 s19, v0  }
0x22: {  	v17 =	vmul.u32 $0xB, v6;
	_ =	sdelay $0x1  }
0x23: {  	v16 =	vadd.s32 $0x1, v17;
	_ =	sdelay $0x2  }
0x24: {  	s31 =	simm.s32 $0x0  }
0x25: {  	v3 =	vld.idx.msk [tilespmem:v17+s31+$0x0], $0xffff  }
0x26: {  	v8 =	vld.idx.msk [tilespmem:v16+s31+$0x0], $0xffff;
	_ =	sdelay $0x3  }
0x27: {  	v4 =	vadd.s32 $0x4B1, v3  }
0x28: {  	v5 =	vadd.s32 $0x962, v3  }
0x29: {  	v7 =	vadd.s32 $0xE13, v3  }
0x2a: {  	v9 =	vadd.s32 $0x12C4, v3;
	v10 =	vld.idx.msk [tilespmem:v3+s10+$0x0], $0xffff  }
0x2b: {  	v11 =	vadd.s32 $0x1775, v3;
	v29 =	vld.idx.msk [tilespmem:v8+s10+$0x0], $0xffff  }
0x2c: {  	v12 =	vadd.s32 $0x1C26, v3;
	v4 =	vld.idx.msk [tilespmem:v4+s10+$0x0], $0xffff  }
0x2d: {  	v13 =	vadd.s32 $0x20D7, v3;
	v5 =	vld.idx.msk [tilespmem:v5+s10+$0x0], $0xffff  }
0x2e: {  	v14 =	vadd.s32 $0x2588, v3;
	v7 =	vld.idx.msk [tilespmem:v7+s10+$0x0], $0xffff  }
0x2f: {  	v15 =	vadd.s32 $0x2A39, v3;
	v9 =	vld.idx.msk [tilespmem:v9+s10+$0x0], $0xffff  }
0x30: {  	v18 =	vadd.s32 $0x2EEA, v3;
	v11 =	vld.idx.msk [tilespmem:v11+s10+$0x0], $0xffff  }
0x31: {  	v19 =	vadd.s32 $0x339B, v3;
	v12 =	vld.idx.msk [tilespmem:v12+s10+$0x0], $0xffff  }
0x32: {  	v20 =	vadd.s32 $0x384C, v3;
	v13 =	vld.idx.msk [tilespmem:v13+s10+$0x0], $0xffff  }
0x33: {  	v21 =	vadd.s32 $0x3CFD, v3;
	v14 =	vld.idx.msk [tilespmem:v14+s10+$0x0], $0xffff  }
0x34: {  	v23 =	vadd.s32 $0x41AE, v3;
	v22 =	vld.idx.msk [tilespmem:v15+s10+$0x0], $0xffff  }
0x35: {  	v24 =	vadd.s32 $0x4B1, v8;
	v18 =	vld.idx.msk [tilespmem:v18+s10+$0x0], $0xffff  }
0x36: {  	v25 =	vadd.s32 $0x962, v8;
	v19 =	vld.idx.msk [tilespmem:v19+s10+$0x0], $0xffff  }
0x37: {  	v26 =	vadd.s32 $0xE13, v8;
	v20 =	vld.idx.msk [tilespmem:v20+s10+$0x0], $0xffff  }
0x38: {  	v28 =	vadd.s32 $0x12C4, v8;
	v21 =	vld.idx.msk [tilespmem:v21+s10+$0x0], $0xffff  }
0x39: {  	v30 =	vadd.s32 $0x1775, v8;
	v23 =	vld.idx.msk [tilespmem:v23+s10+$0x0], $0xffff  }
0x3a: {  	v31 =	vadd.s32 $0x1C26, v8;
	v24 =	vld.idx.msk [tilespmem:v24+s10+$0x0], $0xffff  }
0x3b: {  	v32 =	vadd.s32 $0x20D7, v8;
	v25 =	vld.idx.msk [tilespmem:v25+s10+$0x0], $0xffff  }
0x3c: {  	v33 =	vadd.s32 $0x2588, v8;
	v26 =	vld.idx.msk [tilespmem:v26+s10+$0x0], $0xffff  }
0x3d: {  	v34 =	vadd.s32 $0x2A39, v8;
	v28 =	vld.idx.msk [tilespmem:v28+s10+$0x0], $0xffff  }
0x3e: {  	v35 =	vadd.s32 $0x2EEA, v8;
	v30 =	vld.idx.msk [tilespmem:v30+s10+$0x0], $0xffff  }
0x3f: {  	v36 =	vadd.s32 $0x339B, v8;
	v31 =	vld.idx.msk [tilespmem:v31+s10+$0x0], $0xffff  }
0x40: {  	v15 =	vadd.s32 $0x2, v17;
	v32 =	vld.idx.msk [tilespmem:v32+s10+$0x0], $0xffff  }
0x41: {  	v0 =	vadd.s32 $0x3, v17;
	v33 =	vld.idx.msk [tilespmem:v33+s10+$0x0], $0xffff  }
0x42: {  	v40 =	vadd.s32 $0x465F, v8;
	v34 =	vld.idx.msk [tilespmem:v34+s10+$0x0], $0xffff;
	v10 =	vmul.bf16 v1, v10  }
0x43: {  	v3 =	vadd.s32 $0x465F, v3;
	v35 =	vld.idx.msk [tilespmem:v35+s10+$0x0], $0xffff;
	v29 =	vmul.bf16 v1, v29;
	v4 =	vmul.bf16 v1, v4  }
0x44: {  	v37 =	vadd.s32 $0x384C, v8;
	v36 =	vld.idx.msk [tilespmem:v36+s10+$0x0], $0xffff;
	v5 =	vmul.bf16 v1, v5;
	v7 =	vmul.bf16 v1, v7  }
0x45: {  	v38 =	vadd.s32 $0x3CFD, v8;
	v27 =	vld.idx.msk [tilespmem:v15+s31+$0x0], $0xffff;
	v9 =	vmul.bf16 v1, v9;
	v11 =	vmul.bf16 v1, v11  }
0x46: {  	v39 =	vadd.s32 $0x41AE, v8;
	v53 =	vmul.bf16 v1, v12;
	v57 =	vmul.bf16 v1, v18;
	v18 =	vld.idx.msk [tilespmem:v0+s31+$0x0], $0xffff  }
0x47: {  	[tilespmem:$0x1FF90] =	vst v0;
	v40 =	vld.idx.msk [tilespmem:v40+s10+$0x0], $0xffff;
	v13 =	vmul.bf16 v1, v13;
	v55 =	vmul.bf16 v1, v14;
	v0 =	vadd.s32 $0x4, v17  }
0x48: {  	v3 =	vld.idx.msk [tilespmem:v3+s10+$0x0], $0xffff;
	v22 =	vmul.bf16 v1, v22;
	v19 =	vmul.bf16 v1, v19  }
0x49: {  	v10 =	vadd.bf16 v2, v10;
	v12 =	vld.idx.msk [tilespmem:v37+s10+$0x0], $0xffff;
	v58 =	vmul.bf16 v1, v20;
	v21 =	vmul.bf16 v1, v21  }
0x4a: {  	v37 =	vld.idx.msk [tilespmem:v38+s10+$0x0], $0xffff;
	v34 =	vmul.bf16 v1, v34;
	v22 =	vadd.bf16 v2, v22;
	v54 =	vadd.s32 $0x4B1, v27  }
0x4b: {  	v14 =	vld.idx.msk [tilespmem:v39+s10+$0x0], $0xffff;
	v60 =	vmul.bf16 v1, v23;
	v36 =	vmul.bf16 v1, v36;
	v56 =	vadd.s32 $0x962, v27  }
0x4c: {  	v19 =	vadd.bf16 v2, v19;
	v22 =	vadd.bf16 v34, v22;
	v43 =	vadd.s32 $0xE13, v27;
	v34 =	vld.idx.msk [tilespmem:v0+s31+$0x0], $0xffff  }
0x4d: {  	v24 =	vmul.bf16 v1, v24;
	v25 =	vmul.bf16 v1, v25;
	v45 =	vadd.s32 $0x12C4, v27;
	v46 =	vld.idx.msk [tilespmem:v27+s10+$0x0], $0xffff  }
0x4e: {  	v26 =	vmul.bf16 v1, v26;
	v19 =	vadd.bf16 v36, v19;
	v47 =	vadd.s32 $0x1775, v27;
	v36 =	vld.idx.msk [tilespmem:v18+s10+$0x0], $0xffff  }
0x4f: {  	v28 =	vmul.bf16 v1, v28;
	v30 =	vmul.bf16 v1, v30;
	v59 =	vadd.s32 $0x1C26, v27;
	v20 =	vld.idx.msk [tilespmem:v54+s10+$0x0], $0xffff  }
0x50: {  	v31 =	vmul.bf16 v1, v31;
	v32 =	vmul.bf16 v1, v32;
	v49 =	vadd.s32 $0x20D7, v27;
	v39 =	vld.idx.msk [tilespmem:v56+s10+$0x0], $0xffff  }
0x51: {  	v35 =	vmul.bf16 v1, v35;
	v40 =	vmul.bf16 v1, v40;
	v61 =	vadd.s32 $0x2588, v27;
	v23 =	vld.idx.msk [tilespmem:v43+s10+$0x0], $0xffff  }
0x52: {  	v4 =	vadd.bf16 v2, v4;
	v5 =	vadd.bf16 v2, v5;
	v51 =	vadd.s32 $0x2A39, v27;
	v45 =	vld.idx.msk [tilespmem:v45+s10+$0x0], $0xffff  }
0x53: {  	v7 =	vadd.bf16 v2, v7;
	v41 =	vadd.bf16 v2, v9;
	v62 =	vadd.s32 $0x2EEA, v27;
	v47 =	vld.idx.msk [tilespmem:v47+s10+$0x0], $0xffff  }
0x54: {  	v11 =	vadd.bf16 v2, v11;
	v10 =	vadd.bf16 v29, v10;
	v63 =	vadd.s32 $0x339B, v27;
	v29 =	vld.idx.msk [tilespmem:v59+s10+$0x0], $0xffff  }
0x55: {  	v42 =	vadd.bf16 v2, v53;
	v13 =	vadd.bf16 v2, v13;
	v53 =	vadd.s32 $0x384C, v27;
	v49 =	vld.idx.msk [tilespmem:v49+s10+$0x0], $0xffff  }
0x56: {  	v4 =	vadd.bf16 v24, v4;
	v7 =	vadd.bf16 v26, v7;
	v26 =	vadd.s32 $0x41AE, v27;
	v24 =	vld.idx.msk [tilespmem:v61+s10+$0x0], $0xffff  }
0x57: {  	v48 =	vadd.bf16 v2, v57;
	v5 =	vadd.bf16 v25, v5;
	v57 =	vadd.s32 $0x4B1, v18;
	v25 =	vld.idx.msk [tilespmem:v51+s10+$0x0], $0xffff  }
0x58: {  	v44 =	vadd.bf16 v2, v55;
	v50 =	vadd.bf16 v2, v58;
	v58 =	vadd.s32 $0x962, v18;
	v51 =	vld.idx.msk [tilespmem:v62+s10+$0x0], $0xffff  }
0x59: {  	v52 =	vadd.bf16 v2, v60;
	v3 =	vmul.bf16 v1, v3;
	v60 =	vadd.s32 $0x12C4, v18;
	v38 =	vld.idx.msk [tilespmem:v63+s10+$0x0], $0xffff  }
0x5a: {  	v11 =	vadd.bf16 v30, v11;
	v30 =	vmul.bf16 v1, v33;
	v56 =	vadd.s32 $0x3CFD, v27;
	v33 =	vld.idx.msk [tilespmem:v53+s10+$0x0], $0xffff  }
0x5b: {  	v21 =	vadd.bf16 v2, v21;
	v28 =	vadd.bf16 v28, v41;
	v27 =	vadd.s32 $0x465F, v27;
	v26 =	vld.idx.msk [tilespmem:v26+s10+$0x0], $0xffff  }
0x5c: {  	v31 =	vadd.bf16 v31, v42;
	v3 =	vadd.bf16 v2, v3;
	v59 =	vadd.s32 $0xE13, v18;
	v41 =	vld.idx.msk [tilespmem:v57+s10+$0x0], $0xffff  }
0x5d: {  	v13 =	vadd.bf16 v32, v13;
	v35 =	vadd.bf16 v35, v48;
	v61 =	vadd.s32 $0x1775, v18;
	v42 =	vld.idx.msk [tilespmem:v58+s10+$0x0], $0xffff  }
0x5e: {  	v12 =	vmul.bf16 v1, v12;
	v3 =	vadd.bf16 v40, v3;
	v62 =	vadd.s32 $0x1C26, v18;
	v40 =	vld.idx.msk [tilespmem:v60+s10+$0x0], $0xffff  }
0x5f: {  	v37 =	vmul.bf16 v1, v37;
	v14 =	vmul.bf16 v1, v14;
	v63 =	vadd.s32 $0x20D7, v18;
	v32 =	vld.idx.msk [tilespmem:v56+s10+$0x0], $0xffff  }
0x60: {  	v30 =	vadd.bf16 v30, v44;
	v12 =	vadd.bf16 v12, v50;
	v57 =	vadd.s32 $0x2A39, v18;
	v27 =	vld.idx.msk [tilespmem:v27+s10+$0x0], $0xffff  }
0x61: {  	[tilespmem:$0x1FFA0] =	vst v0;
	v0 =	vadd.s32 $0x5, v17;
	v21 =	vadd.bf16 v37, v21;
	v14 =	vadd.bf16 v14, v52;
	v43 =	vld.idx.msk [tilespmem:v59+s10+$0x0], $0xffff  }
0x62: {  	v55 =	vmul.bf16 v1, v46;
	v56 =	vadd.s32 $0x2588, v18;
	v58 =	vmul.bf16 v1, v20;
	v20 =	vld.idx.msk [tilespmem:v61+s10+$0x0], $0xffff  }
0x63: {  	v60 =	vadd.s32 $0x339B, v18;
	v9 =	vadd.s32 $0x2588, v34;
	v59 =	vadd.s32 $0x2EEA, v18;
	v50 =	vld.idx.msk [tilespmem:v62+s10+$0x0], $0xffff  }
0x64: {  	v37 =	vadd.bf16 v55, v10;
	v61 =	vmul.bf16 v1, v45;
	v45 =	vld.idx.msk [tilespmem:v63+s10+$0x0], $0xffff;
	v33 =	vmul.bf16 v1, v33  }
0x65: {  	v39 =	vmul.bf16 v1, v39;
	v23 =	vmul.bf16 v1, v23;
	v62 =	vadd.s32 $0x384C, v18;
	v44 =	vld.idx.msk [tilespmem:v57+s10+$0x0], $0xffff  }
0x66: {  	v63 =	vadd.s32 $0x3CFD, v18;
	v54 =	vmul.bf16 v1, v47;
	v12 =	vadd.bf16 v33, v12;
	v33 =	vld.idx.msk [tilespmem:v34+s10+$0x0], $0xffff  }
0x67: {  	v55 =	vadd.s32 $0x41AE, v18;
	v29 =	vmul.bf16 v1, v29;
	v7 =	vadd.bf16 v23, v7;
	v23 =	vld.idx.msk [tilespmem:v56+s10+$0x0], $0xffff  }
0x68: {  	v18 =	vadd.s32 $0x465F, v18;
	v24 =	vmul.bf16 v1, v24;
	v25 =	vmul.bf16 v1, v25;
	v48 =	vld.idx.msk [tilespmem:v59+s10+$0x0], $0xffff  }
0x69: {  	v57 =	vadd.s32 $0x4B1, v34;
	v4 =	vadd.bf16 v58, v4;
	v56 =	vmul.bf16 v1, v49;
	v49 =	vld.idx.msk [tilespmem:v60+s10+$0x0], $0xffff  }
0x6a: {  	v26 =	vmul.bf16 v1, v26;
	v5 =	vadd.bf16 v39, v5;
	v29 =	vadd.bf16 v29, v31;
	v31 =	vld.idx.msk [tilespmem:v62+s10+$0x0], $0xffff  }
0x6b: {  	v22 =	vadd.bf16 v25, v22;
	v25 =	vmul.bf16 v1, v38;
	v58 =	vadd.s32 $0x962, v34;
	v39 =	vld.idx.msk [tilespmem:v63+s10+$0x0], $0xffff  }
0x6c: {  	v10 =	vmul.bf16 v1, v42;
	v28 =	vadd.bf16 v61, v28;
	v11 =	vadd.bf16 v54, v11;
	v38 =	vld.idx.msk [tilespmem:v55+s10+$0x0], $0xffff  }
0x6d: {  	v19 =	vadd.bf16 v25, v19;
	v18 =	vld.idx.msk [tilespmem:v18+s10+$0x0], $0xffff;
	v59 =	vadd.s32 $0xE13, v34;
	v25 =	vmul.bf16 v1, v32  }
0x6e: {  	v24 =	vadd.bf16 v24, v30;
	v30 =	vmul.bf16 v1, v51;
	v32 =	vld.idx.msk [tilespmem:v0+s31+$0x0], $0xffff;
	v60 =	vadd.s32 $0x12C4, v34  }
0x6f: {  	v62 =	vadd.s32 $0x1C26, v34;
	v21 =	vadd.bf16 v25, v21;
	v25 =	vmul.bf16 v1, v27;
	v27 =	vld.idx.msk [tilespmem:v57+s10+$0x0], $0xffff  }
0x70: {  	v61 =	vadd.s32 $0x1775, v34;
	v14 =	vadd.bf16 v26, v14;
	v26 =	vmul.bf16 v1, v36;
	v36 =	vld.idx.msk [tilespmem:v58+s10+$0x0], $0xffff  }
0x71: {  	[tilespmem:$0x1FFB0] =	vst v0;
	v0 =	vadd.s32 $0x6, v17;
	v3 =	vadd.bf16 v25, v3;
	v25 =	vmul.bf16 v1, v41;
	v41 =	vld.idx.msk [tilespmem:v9+s10+$0x0], $0xffff  }
0x72: {  	v54 =	vadd.s32 $0x41AE, v34;
	v30 =	vadd.bf16 v30, v35;
	v57 =	vadd.s32 $0x2EEA, v34;
	v35 =	vld.idx.msk [tilespmem:v59+s10+$0x0], $0xffff  }
0x73: {  	v26 =	vadd.bf16 v26, v37;
	v63 =	vadd.s32 $0x20D7, v34;
	v20 =	vmul.bf16 v1, v20;
	v42 =	vld.idx.msk [tilespmem:v60+s10+$0x0], $0xffff  }
0x74: {  	v13 =	vadd.bf16 v56, v13;
	v56 =	vadd.s32 $0x2A39, v34;
	v58 =	vmul.bf16 v1, v40;
	v40 =	vld.idx.msk [tilespmem:v62+s10+$0x0], $0xffff  }
0x75: {  	v44 =	vmul.bf16 v1, v44;
	v4 =	vadd.bf16 v25, v4;
	v25 =	vmul.bf16 v1, v43;
	v43 =	vld.idx.msk [tilespmem:v61+s10+$0x0], $0xffff  }
0x76: {  	v59 =	vadd.s32 $0x339B, v34;
	v23 =	vmul.bf16 v1, v23;
	v61 =	vmul.bf16 v1, v50;
	v50 =	vld.idx.msk [tilespmem:v0+s31+$0x0], $0xffff  }
0x77: {  	v60 =	vadd.s32 $0x384C, v34;
	v62 =	vadd.s32 $0x3CFD, v34;
	v31 =	vmul.bf16 v1, v31;
	v37 =	vld.idx.msk [tilespmem:v57+s10+$0x0], $0xffff  }
0x78: {  	v23 =	vadd.bf16 v23, v24;
	v24 =	vmul.bf16 v1, v48;
	v7 =	vadd.bf16 v25, v7;
	v25 =	vld.idx.msk [tilespmem:v63+s10+$0x0], $0xffff  }
0x79: {  	v31 =	vadd.bf16 v31, v12;
	v12 =	vmul.bf16 v1, v39;
	v63 =	vmul.bf16 v1, v45;
	v45 =	vld.idx.msk [tilespmem:v56+s10+$0x0], $0xffff  }
0x7a: {  	v28 =	vadd.bf16 v58, v28;
	v34 =	vadd.s32 $0x465F, v34;
	v24 =	vadd.bf16 v24, v30;
	v30 =	vld.idx.msk [tilespmem:v54+s10+$0x0], $0xffff  }
0x7b: {  	v58 =	vadd.s32 $0xE13, v32;
	v21 =	vadd.bf16 v12, v21;
	v12 =	vmul.bf16 v1, v33;
	v33 =	vld.idx.msk [tilespmem:v32+s10+$0x0], $0xffff  }
0x7c: {  	v5 =	vadd.bf16 v10, v5;
	v10 =	vadd.s32 $0x2EEA, v32;
	v47 =	vld.idx.msk [tilespmem:v59+s10+$0x0], $0xffff  }
0x7d: {  	[tilespmem:$0x1FFC0] =	vst v0;
	v20 =	vadd.bf16 v20, v11;
	v22 =	vadd.bf16 v44, v22;
	v0 =	vadd.s32 $0x7, v17;
	v46 =	vld.idx.msk [tilespmem:v60+s10+$0x0], $0xffff  }
0x7e: {  	v55 =	vmul.bf16 v1, v49;
	v38 =	vmul.bf16 v1, v38;
	v57 =	vadd.s32 $0x962, v32;
	v44 =	vld.idx.msk [tilespmem:v62+s10+$0x0], $0xffff  }
0x7f: {  	v18 =	vmul.bf16 v1, v18;
	v36 =	vmul.bf16 v1, v36;
	v56 =	vadd.s32 $0x4B1, v32;
	v34 =	vld.idx.msk [tilespmem:v34+s10+$0x0], $0xffff  }
0x80: {  	v9 =	vadd.s32 $0x2A39, v32;
	v29 =	vadd.bf16 v61, v29;
	v61 =	vadd.s32 $0x1C26, v32;
	v39 =	vld.idx.msk [tilespmem:v58+s10+$0x0], $0xffff  }
0x81: {  	v11 =	vadd.s32 $0x339B, v32;
	v5 =	vadd.bf16 v36, v5;
	v59 =	vadd.s32 $0x12C4, v32;
	v36 =	vld.idx.msk [tilespmem:v10+s10+$0x0], $0xffff  }
0x82: {  	v19 =	vadd.bf16 v55, v19;
	v14 =	vadd.bf16 v38, v14;
	v60 =	vadd.s32 $0x1775, v32;
	v49 =	vld.idx.msk [tilespmem:v0+s31+$0x0], $0xffff  }
0x83: {  	v62 =	vadd.s32 $0x20D7, v32;
	v26 =	vadd.bf16 v12, v26;
	v12 =	vmul.bf16 v1, v27;
	v27 =	vld.idx.msk [tilespmem:v57+s10+$0x0], $0xffff  }
0x84: {  	v3 =	vadd.bf16 v18, v3;
	v13 =	vadd.bf16 v63, v13;
	v35 =	vmul.bf16 v1, v35;
	v18 =	vld.idx.msk [tilespmem:v56+s10+$0x0], $0xffff  }
0x85: {  	v63 =	vadd.s32 $0x2588, v32;
	v40 =	vmul.bf16 v1, v40;
	v58 =	vadd.s32 $0x41AE, v32;
	v38 =	vld.idx.msk [tilespmem:v61+s10+$0x0], $0xffff  }
0x86: {  	v10 =	vadd.s32 $0x1C26, v50;
	v4 =	vadd.bf16 v12, v4;
	v12 =	vmul.bf16 v1, v42;
	v42 =	vld.idx.msk [tilespmem:v59+s10+$0x0], $0xffff  }
0x87: {  	v53 =	vadd.s32 $0x465F, v50;
	v7 =	vadd.bf16 v35, v7;
	v25 =	vmul.bf16 v1, v25;
	v35 =	vld.idx.msk [tilespmem:v60+s10+$0x0], $0xffff  }
0x88: {  	[tilespmem:$0x1FFD0] =	vst v0;
	v0 =	vadd.s32 $0x8, v17;
	v57 =	vadd.s32 $0x3CFD, v32;
	v29 =	vadd.bf16 v40, v29;
	v48 =	vld.idx.msk [tilespmem:v62+s10+$0x0], $0xffff  }
0x89: {  	v37 =	vmul.bf16 v1, v37;
	v56 =	vadd.s32 $0x384C, v32;
	v13 =	vadd.bf16 v25, v13;
	v25 =	vld.idx.msk [tilespmem:v9+s10+$0x0], $0xffff  }
0x8a: {  	v30 =	vmul.bf16 v1, v30;
	v28 =	vadd.bf16 v12, v28;
	v12 =	vmul.bf16 v1, v43;
	v43 =	vld.idx.msk [tilespmem:v11+s10+$0x0], $0xffff  }
0x8b: {  	v45 =	vmul.bf16 v1, v45;
	v32 =	vadd.s32 $0x465F, v32;
	v33 =	vmul.bf16 v1, v33;
	v40 =	vld.idx.msk [tilespmem:v58+s10+$0x0], $0xffff  }
0x8c: {  	v61 =	vadd.s32 $0x962, v50;
	v24 =	vadd.bf16 v37, v24;
	v14 =	vadd.bf16 v30, v14;
	v30 =	vld.idx.msk [tilespmem:v50+s10+$0x0], $0xffff  }
0x8d: {  	v47 =	vmul.bf16 v1, v47;
	v22 =	vadd.bf16 v45, v22;
	v26 =	vadd.bf16 v33, v26;
	v33 =	vld.idx.msk [tilespmem:v10+s10+$0x0], $0xffff  }
0x8e: {  	v60 =	vadd.s32 $0x4B1, v50;
	v20 =	vadd.bf16 v12, v20;
	v12 =	vmul.bf16 v1, v41;
	v41 =	vld.idx.msk [tilespmem:v63+s10+$0x0], $0xffff  }
0x8f: {  	v59 =	vmul.bf16 v1, v46;
	v44 =	vmul.bf16 v1, v44;
	v62 =	vadd.s32 $0xE13, v50;
	v37 =	vld.idx.msk [tilespmem:v57+s10+$0x0], $0xffff  }
0x90: {  	v34 =	vmul.bf16 v1, v34;
	v9 =	vadd.s32 $0x1775, v50;
	v39 =	vmul.bf16 v1, v39;
	v46 =	vld.idx.msk [tilespmem:v56+s10+$0x0], $0xffff  }
0x91: {  	v11 =	vadd.s32 $0x20D7, v50;
	v58 =	vadd.s32 $0x2EEA, v50;
	v32 =	vld.idx.msk [tilespmem:v32+s10+$0x0], $0xffff;
	v18 =	vmul.bf16 v1, v18  }
0x92: {  	v36 =	vmul.bf16 v1, v36;
	v10 =	vadd.s32 $0x41AE, v50;
	v21 =	vadd.bf16 v44, v21;
	v44 =	vld.idx.msk [tilespmem:v61+s10+$0x0], $0xffff  }
0x93: {  	v54 =	vadd.s32 $0x4B1, v49;
	v55 =	vadd.s32 $0x962, v49;
	v4 =	vadd.bf16 v18, v4;
	v18 =	vld.idx.msk [tilespmem:v60+s10+$0x0], $0xffff  }
0x94: {  	v19 =	vadd.bf16 v47, v19;
	v31 =	vadd.bf16 v59, v31;
	v63 =	vadd.s32 $0x12C4, v50;
	v45 =	vld.idx.msk [tilespmem:v62+s10+$0x0], $0xffff  }
0x95: {  	v3 =	vadd.bf16 v34, v3;
	v27 =	vmul.bf16 v1, v27;
	v57 =	vadd.s32 $0x2A39, v50;
	v34 =	vld.idx.msk [tilespmem:v9+s10+$0x0], $0xffff  }
0x96: {  	v7 =	vadd.bf16 v39, v7;
	v24 =	vadd.bf16 v36, v24;
	v56 =	vadd.s32 $0x2588, v50;
	v47 =	vld.idx.msk [tilespmem:v11+s10+$0x0], $0xffff  }
0x97: {  	v38 =	vmul.bf16 v1, v38;
	v61 =	vadd.s32 $0x384C, v50;
	v11 =	vmul.bf16 v1, v43;
	v43 =	vld.idx.msk [tilespmem:v53+s10+$0x0], $0xffff  }
0x98: {  	v23 =	vadd.bf16 v12, v23;
	v42 =	vmul.bf16 v1, v42;
	v25 =	vmul.bf16 v1, v25;
	v39 =	vld.idx.msk [tilespmem:v10+s10+$0x0], $0xffff  }
0x99: {  	v5 =	vadd.bf16 v27, v5;
	v35 =	vmul.bf16 v1, v35;
	v59 =	vmul.bf16 v1, v48;
	v27 =	vld.idx.msk [tilespmem:v63+s10+$0x0], $0xffff  }
0x9a: {  	v60 =	vadd.s32 $0x339B, v50;
	v29 =	vadd.bf16 v38, v29;
	v22 =	vadd.bf16 v25, v22;
	v25 =	vld.idx.msk [tilespmem:v57+s10+$0x0], $0xffff  }
0x9b: {  	v9 =	vadd.s32 $0x3CFD, v50;
	v40 =	vmul.bf16 v1, v40;
	v20 =	vadd.bf16 v35, v20;
	v35 =	vld.idx.msk [tilespmem:v58+s10+$0x0], $0xffff  }
0x9c: {  	v30 =	vmul.bf16 v1, v30;
	v28 =	vadd.bf16 v42, v28;
	v41 =	vmul.bf16 v1, v41;
	v63 =	vld.idx.msk [tilespmem:v56+s10+$0x0], $0xffff  }
0x9d: {  	v33 =	vmul.bf16 v1, v33;
	v62 =	vadd.bf16 v59, v13;
	v19 =	vadd.bf16 v11, v19;
	v36 =	vld.idx.msk [tilespmem:v61+s10+$0x0], $0xffff  }
0x9e: {  	v37 =	vmul.bf16 v1, v37;
	v40 =	vadd.bf16 v40, v14;
	v23 =	vadd.bf16 v41, v23;
	v41 =	vld.idx.msk [tilespmem:v54+s10+$0x0], $0xffff  }
0x9f: {  	v57 =	vadd.s32 $0x1C26, v49;
	v58 =	vadd.s32 $0x20D7, v49;
	v32 =	vmul.bf16 v1, v32;
	v48 =	vld.idx.msk [tilespmem:v60+s10+$0x0], $0xffff  }
0xa0: {  	v11 =	vadd.s32 $0x41AE, v49;
	v46 =	vmul.bf16 v1, v46;
	v21 =	vadd.bf16 v37, v21;
	v37 =	vld.idx.msk [tilespmem:v9+s10+$0x0], $0xffff  }
0xa1: {  	v56 =	vadd.s32 $0xE13, v49;
	v18 =	vmul.bf16 v1, v18;
	v3 =	vadd.bf16 v32, v3;
	v32 =	vld.idx.msk [tilespmem:v0+s31+$0x0], $0xffff  }
0xa2: {  	v26 =	vadd.bf16 v30, v26;
	v30 =	vadd.s32 $0x1775, v49;
	v31 =	vadd.bf16 v46, v31;
	v46 =	vld.idx.msk [tilespmem:v55+s10+$0x0], $0xffff  }
0xa3: {  	v44 =	vmul.bf16 v1, v44;
	v34 =	vmul.bf16 v1, v34;
	v4 =	vadd.bf16 v18, v4;
	v18 =	vld.idx.msk [tilespmem:v49+s10+$0x0], $0xffff  }
0xa4: {  	v14 =	vadd.s32 $0x12C4, v49;
	v61 =	vadd.s32 $0x339B, v49;
	v45 =	vmul.bf16 v1, v45;
	v50 =	vld.idx.msk [tilespmem:v57+s10+$0x0], $0xffff  }
0xa5: {  	v44 =	vadd.bf16 v44, v5;
	v5 =	vadd.s32 $0x2588, v49;
	v20 =	vadd.bf16 v34, v20;
	v34 =	vld.idx.msk [tilespmem:v58+s10+$0x0], $0xffff  }
0xa6: {  	v59 =	vmul.bf16 v1, v47;
	v60 =	vadd.s32 $0x2EEA, v49;
	v55 =	vmul.bf16 v1, v43;
	v43 =	vld.idx.msk [tilespmem:v11+s10+$0x0], $0xffff  }
0xa7: {  	v29 =	vadd.bf16 v33, v29;
	v27 =	vmul.bf16 v1, v27;
	v7 =	vadd.bf16 v45, v7;
	v45 =	vld.idx.msk [tilespmem:v56+s10+$0x0], $0xffff  }
0xa8: {  	v25 =	vmul.bf16 v1, v25;
	v33 =	vadd.bf16 v59, v62;
	v62 =	vadd.s32 $0x384C, v49;
	v30 =	vld.idx.msk [tilespmem:v30+s10+$0x0], $0xffff  }
0xa9: {  	v42 =	vmul.bf16 v1, v63;
	v63 =	vadd.s32 $0x3CFD, v49;
	v27 =	vadd.bf16 v27, v28;
	v28 =	vld.idx.msk [tilespmem:v14+s10+$0x0], $0xffff  }
0xaa: {  	[tilespmem:$0x1FFE0] =	vst v0;
	v0 =	vadd.s32 $0x9, v17;
	v14 =	vadd.s32 $0x2A39, v49;
	v22 =	vadd.bf16 v25, v22;
	v25 =	vld.idx.msk [tilespmem:v5+s10+$0x0], $0xffff  }
0xab: {  	v54 =	vmul.bf16 v1, v39;
	v36 =	vmul.bf16 v1, v36;
	v49 =	vadd.s32 $0x465F, v49;
	v47 =	vld.idx.msk [tilespmem:v60+s10+$0x0], $0xffff  }
0xac: {  	v3 =	vadd.bf16 v55, v3;
	v41 =	vmul.bf16 v1, v41;
	v5 =	vmul.bf16 v1, v35;
	v35 =	vld.idx.msk [tilespmem:v61+s10+$0x0], $0xffff  }
0xad: {  	v23 =	vadd.bf16 v42, v23;
	v9 =	vmul.bf16 v1, v48;
	v31 =	vadd.bf16 v36, v31;
	v36 =	vld.idx.msk [tilespmem:v62+s10+$0x0], $0xffff  }
0xae: {  	v37 =	vmul.bf16 v1, v37;
	v56 =	vadd.s32 $0x4B1, v32;
	v57 =	vadd.s32 $0x962, v32;
	v39 =	vld.idx.msk [tilespmem:v63+s10+$0x0], $0xffff  }
0xaf: {  	v58 =	vadd.s32 $0xE13, v32;
	v59 =	vadd.s32 $0x12C4, v32;
	v18 =	vmul.bf16 v1, v18;
	v10 =	vld.idx.msk [tilespmem:v14+s10+$0x0], $0xffff  }
0xb0: {  	v46 =	vmul.bf16 v1, v46;
	v60 =	vadd.s32 $0x1775, v32;
	v61 =	vadd.s32 $0x1C26, v32;
	v38 =	vld.idx.msk [tilespmem:v49+s10+$0x0], $0xffff  }
0xb1: {  	v11 =	vadd.s32 $0x339B, v32;
	v4 =	vadd.bf16 v41, v4;
	v18 =	vadd.bf16 v18, v26;
	v26 =	vld.idx.msk [tilespmem:v0+s31+$0x0], $0xffff  }
0xb2: {  	v24 =	vadd.bf16 v5, v24;
	v19 =	vadd.bf16 v9, v19;
	v45 =	vmul.bf16 v1, v45;
	v49 =	vld.idx.msk [tilespmem:v32+s10+$0x0], $0xffff  }
0xb3: {  	v5 =	vmul.u32 $0x29, v6;
	v21 =	vadd.bf16 v37, v21;
	v37 =	vadd.bf16 v54, v40;
	v42 =	vld.idx.msk [tilespmem:v56+s10+$0x0], $0xffff  }
0xb4: {  	v62 =	vadd.s32 $0x20D7, v32;
	v30 =	vmul.bf16 v1, v30;
	v7 =	vadd.bf16 v45, v7;
	v45 =	vld.idx.msk [tilespmem:v57+s10+$0x0], $0xffff  }
0xb5: {  	v34 =	vmul.bf16 v1, v34;
	v9 =	vadd.s32 $0x2A39, v32;
	v63 =	vmul.bf16 v1, v50;
	v41 =	vld.idx.msk [tilespmem:v59+s10+$0x0], $0xffff  }
0xb6: {  	v28 =	vmul.bf16 v1, v28;
	v20 =	vadd.bf16 v30, v20;
	v30 =	vadd.s32 $0x2588, v32;
	v51 =	vld.idx.msk [tilespmem:v60+s10+$0x0], $0xffff  }
0xb7: {  	v44 =	vadd.bf16 v46, v44;
	v33 =	vadd.bf16 v34, v33;
	v25 =	vmul.bf16 v1, v25;
	v34 =	vld.idx.msk [tilespmem:v61+s10+$0x0], $0xffff  }
0xb8: {  	v29 =	vadd.bf16 v63, v29;
	v56 =	vadd.s32 $0x384C, v32;
	v27 =	vadd.bf16 v28, v27;
	v28 =	vld.idx.msk [tilespmem:v58+s10+$0x0], $0xffff  }
0xb9: {  	v47 =	vmul.bf16 v1, v47;
	v57 =	vadd.s32 $0x3CFD, v32;
	v23 =	vadd.bf16 v25, v23;
	v25 =	vld.idx.msk [tilespmem:v62+s10+$0x0], $0xffff  }
0xba: {  	v35 =	vmul.bf16 v1, v35;
	v58 =	vadd.s32 $0x41AE, v32;
	v50 =	vld.idx.msk [tilespmem:v9+s10+$0x0], $0xffff;
	v39 =	vmul.bf16 v1, v39  }
0xbb: {  	v59 =	vmul.bf16 v1, v43;
	v36 =	vmul.bf16 v1, v36;
	v24 =	vadd.bf16 v47, v24;
	v30 =	vld.idx.msk [tilespmem:v30+s10+$0x0], $0xffff  }
0xbc: {  	v48 =	vmul.bf16 v1, v10;
	v10 =	vadd.s32 $0x2EEA, v32;
	v21 =	vadd.bf16 v39, v21;
	v39 =	vld.idx.msk [tilespmem:v11+s10+$0x0], $0xffff  }
0xbd: {  	v19 =	vadd.bf16 v35, v19;
	v32 =	vadd.s32 $0x465F, v32;
	v38 =	vmul.bf16 v1, v38;
	v40 =	vld.idx.msk [tilespmem:v56+s10+$0x0], $0xffff  }
0xbe: {  	v31 =	vadd.bf16 v36, v31;
	v61 =	vadd.s32 $0x4B1, v26;
	v36 =	vadd.bf16 v59, v37;
	v37 =	vld.idx.msk [tilespmem:v57+s10+$0x0], $0xffff  }
0xbf: {  	v60 =	vmul.bf16 v1, v49;
	v62 =	vadd.s32 $0x962, v26;
	v3 =	vadd.bf16 v38, v3;
	v38 =	vld.idx.msk [tilespmem:v58+s10+$0x0], $0xffff  }
0xc0: {  	v63 =	vadd.s32 $0xE13, v26;
	v59 =	vadd.s32 $0x2588, v26;
	v22 =	vadd.bf16 v48, v22;
	v48 =	vld.idx.msk [tilespmem:v26+s10+$0x0], $0xffff  }
0xc1: {  	v42 =	vmul.bf16 v1, v42;
	v9 =	vmul.bf16 v1, v45;
	v11 =	vadd.s32 $0x1775, v26;
	v35 =	vld.idx.msk [tilespmem:v10+s10+$0x0], $0xffff  }
0xc2: {  	v56 =	vmul.bf16 v1, v51;
	v57 =	vadd.s32 $0x1C26, v26;
	v18 =	vadd.bf16 v60, v18;
	v32 =	vld.idx.msk [tilespmem:v32+s10+$0x0], $0xffff  }
0xc3: {  	v28 =	vmul.bf16 v1, v28;
	v60 =	vadd.s32 $0x2A39, v26;
	v4 =	vadd.bf16 v42, v4;
	v46 =	vld.idx.msk [tilespmem:v61+s10+$0x0], $0xffff  }
0xc4: {  	v42 =	vadd.bf16 v9, v44;
	v44 =	vadd.bf16 v56, v20;
	v20 =	vmul.bf16 v1, v34;
	v58 =	vld.idx.msk [tilespmem:v62+s10+$0x0], $0xffff  }
0xc5: {  	v41 =	vmul.bf16 v1, v41;
	v28 =	vadd.bf16 v28, v7;
	v7 =	vadd.s32 $0x20D7, v26;
	v34 =	vld.idx.msk [tilespmem:v63+s10+$0x0], $0xffff  }
0xc6: {  	v25 =	vmul.bf16 v1, v25;
	v10 =	vadd.s32 $0x12C4, v26;
	v52 =	vadd.bf16 v20, v29;
	v43 =	vld.idx.msk [tilespmem:v59+s10+$0x0], $0xffff  }
0xc7: {  	v20 =	vmul.bf16 v1, v50;
	v29 =	vadd.s32 $0x2EEA, v26;
	v30 =	vmul.bf16 v1, v30;
	v49 =	vld.idx.msk [tilespmem:v11+s10+$0x0], $0xffff  }
0xc8: {  	v27 =	vadd.bf16 v41, v27;
	v25 =	vadd.bf16 v25, v33;
	v62 =	vadd.s32 $0x339B, v26;
	v9 =	vld.idx.msk [tilespmem:v60+s10+$0x0], $0xffff  }
0xc9: {  	v22 =	vadd.bf16 v20, v22;
	v23 =	vadd.bf16 v30, v23;
	v30 =	vld.idx.msk [tilespmem:v57+s10+$0x0], $0xffff;
	v20 =	vmul.bf16 v1, v35  }
0xca: {  	v63 =	vadd.s32 $0x384C, v26;
	v39 =	vmul.bf16 v1, v39;
	v61 =	vld.idx.msk [tilespmem:v7+s10+$0x0], $0xffff;
	v7 =	vadd.s32 $0x1, v5  }
0xcb: {  	v40 =	vmul.bf16 v1, v40;
	v45 =	vld.idx.msk [tilespmem:v10+s10+$0x0], $0xffff;
	v24 =	vadd.bf16 v20, v24;
	v20 =	vmul.bf16 v1, v37  }
0xcc: {  	v39 =	vadd.bf16 v39, v19;
	v19 =	vadd.s32 $0x3CFD, v26;
	v10 =	vld.idx.msk [tilespmem:v29+s10+$0x0], $0xffff;
	v29 =	vmul.bf16 v1, v32  }
0xcd: {  	v31 =	vadd.bf16 v40, v31;
	v11 =	vadd.bf16 v20, v21;
	v20 =	vmul.bf16 v1, v38;
	v38 =	vld.idx.msk [tilespmem:v5+s13+$0x0], $0xffff  }
0xce: {  	v55 =	vmul.bf16 v1, v48;
	v54 =	vld.idx.msk [tilespmem:v62+s10+$0x0], $0xffff;
	v57 =	vadd.bf16 v29, v3;
	v21 =	vadd.s32 $0x41AE, v26  }
0xcf: {  	v26 =	vadd.s32 $0x465F, v26;
	v29 =	vld.idx.msk [tilespmem:v7+s13+$0x0], $0xffff;
	v36 =	vadd.bf16 v20, v36;
	v20 =	vmul.bf16 v1, v46  }
0xd0: {  	v56 =	vld.idx.msk [tilespmem:v63+s10+$0x0], $0xffff;
	v41 =	vmul.bf16 v1, v58;
	v35 =	vadd.bf16 v55, v18;
	v18 =	vmul.bf16 v1, v45  }
0xd1: {  	v58 =	vld.idx.msk [tilespmem:v19+s10+$0x0], $0xffff;
	v40 =	vmul.bf16 v1, v10;
	v51 =	vadd.bf16 v20, v4;
	v4 =	vmul.bf16 v1, v34  }
0xd2: {  	v19 =	vadd.bf16 v41, v42;
	v27 =	vadd.bf16 v18, v27;
	v18 =	vld.idx.msk [tilespmem:v7+s14+$0x0], $0xffff;
	v60 =	vadd.s32 $0x4B1, v38  }
0xd3: {  	v53 =	vadd.bf16 v40, v24;
	v59 =	vld.idx.msk [tilespmem:v21+s10+$0x0], $0xffff;
	v42 =	vadd.bf16 v4, v28;
	v4 =	vmul.bf16 v1, v49  }
0xd4: {  	v26 =	vld.idx.msk [tilespmem:v26+s10+$0x0], $0xffff;
	v62 =	vadd.s32 $0x2EEA, v29;
	v28 =	vmul.bf16 v1, v30;
	v30 =	vmul.bf16 v1, v61  }
0xd5: {  	v21 =	vld.idx.msk [tilespmem:v5+s14+$0x0], $0xffff;
	v24 =	vadd.s32 $0x12C4, v29;
	v33 =	vadd.bf16 v4, v44;
	v4 =	vmul.bf16 v1, v43  }
0xd6: {  	v61 =	vadd.s32 $0x384C, v29;
	v44 =	vadd.bf16 v28, v52;
	v30 =	vadd.bf16 v30, v25;
	v25 =	vld.idx.msk [tilespmem:v38+s10+$0x0], $0xffff  }
0xd7: {  	v28 =	vadd.s32 $0x465F, v38;
	v45 =	vadd.bf16 v4, v23;
	v4 =	vmul.bf16 v1, v9;
	v41 =	vld.idx.msk [tilespmem:v60+s10+$0x0], $0xffff  }
0xd8: {  	v3 =	vadd.s32 $0x2, v5;
	v63 =	vadd.s32 $0x12C4, v38;
	v9 =	vld.idx.msk [tilespmem:v29+s10+$0x0], $0xffff  }
0xd9: {  	v50 =	vld.idx.msk [tilespmem:v62+s10+$0x0], $0xffff;
	v52 =	vadd.bf16 v4, v22;
	v4 =	vmul.bf16 v1, v56;
	v22 =	vadd.s32 $0x465F, v29  }
0xda: {  	v32 =	vmul.bf16 v1, v54;
	v10 =	vadd.s32 $0x1C26, v38;
	v34 =	vmul.bf16 v1, v59;
	v59 =	vld.idx.msk [tilespmem:v24+s10+$0x0], $0xffff  }
0xdb: {  	v43 =	vld.idx.msk [tilespmem:v61+s10+$0x0], $0xffff;
	v54 =	vadd.bf16 v4, v31;
	v4 =	vmul.bf16 v1, v58;
	v31 =	vadd.s32 $0x3CFD, v38  }
0xdc: {  	v32 =	vadd.bf16 v32, v39;
	v55 =	vadd.s32 $0x41AE, v38;
	v26 =	vmul.bf16 v1, v26;
	v28 =	vld.idx.msk [tilespmem:v28+s10+$0x0], $0xffff  }
0xdd: {  	v60 =	vadd.s32 $0x20D7, v38;
	v11 =	vadd.bf16 v4, v11;
	v4 =	vmul.bf16 v25, v21;
	v25 =	vld.idx.msk [tilespmem:v63+s10+$0x0], $0xffff  }
0xde: {  	v20 =	vadd.s32 s31, v3;
	v62 =	vadd.s32 $0x2EEA, v38;
	v61 =	vadd.s32 $0x2A39, v38;
	v22 =	vld.idx.msk [tilespmem:v22+s10+$0x0], $0xffff  }
0xdf: {  	v39 =	vld.idx.msk [tilespmem:v10+s10+$0x0], $0xffff;
	v10 =	vadd.s32 $0x2588, v29;
	v26 =	vadd.bf16 v26, v57;
	v56 =	vadd.s32 $0xE13, v38  }
0xe0: {  	v57 =	vadd.s32 $0x1775, v38;
	v58 =	vmul.bf16 v9, v18;
	v41 =	vmul.bf16 v41, v21;
	v31 =	vld.idx.msk [tilespmem:v31+s10+$0x0], $0xffff  }
0xe1: {  	v40 =	vld.idx.msk [tilespmem:v55+s10+$0x0], $0xffff;
	v36 =	vadd.bf16 v34, v36;
	v48 =	vmul.bf16 v59, v18;
	v28 =	vmul.bf16 v28, v21  }
0xe2: {  	v9 =	vadd.s32 $0x384C, v38;
	v49 =	vld.idx.msk [tilespmem:v60+s10+$0x0], $0xffff;
	v59 =	vadd.s32 $0x2A39, v29;
	v25 =	vmul.bf16 v25, v21  }
0xe3: {  	v63 =	vadd.s32 $0x2588, v38;
	v55 =	vld.idx.msk [tilespmem:v61+s10+$0x0], $0xffff;
	v26 =	vadd.bf16 v28, v26;
	v22 =	vmul.bf16 v22, v18  }
0xe4: {  	v60 =	vadd.s32 $0xE13, v29;
	v34 =	vld.idx.msk [tilespmem:v56+s10+$0x0], $0xffff;
	v25 =	vadd.bf16 v25, v27;
	v27 =	vadd.s32 $0x339B, v38  }
0xe5: {  	v46 =	vld.idx.msk [tilespmem:v57+s10+$0x0], $0xffff;
	v35 =	vadd.bf16 v4, v35;
	v22 =	vadd.bf16 v22, v26;
	v26 =	vmul.bf16 v31, v21  }
0xe6: {  	v23 =	vld.idx.msk [tilespmem:v20+s13+$0x0], $0xffff;
	v50 =	vmul.bf16 v50, v18;
	v56 =	vmul.bf16 v40, v21;
	v4 =	vadd.s32 $0x3, v5  }
0xe7: {  	v57 =	vld.idx.msk [tilespmem:v62+s10+$0x0], $0xffff;
	v24 =	vadd.bf16 v58, v35;
	v26 =	vadd.bf16 v26, v11;
	v11 =	vadd.s32 $0x339B, v29  }
0xe8: {  	v28 =	vadd.bf16 v41, v51;
	v35 =	vadd.bf16 v56, v36;
	v49 =	vmul.bf16 v49, v21;
	v41 =	vld.idx.msk [tilespmem:v63+s10+$0x0], $0xffff  }
0xe9: {  	v62 =	vmul.bf16 v55, v21;
	v38 =	vadd.s32 $0x962, v38;
	v31 =	vmul.bf16 v39, v21;
	v27 =	vld.idx.msk [tilespmem:v27+s10+$0x0], $0xffff  }
0xea: {  	v61 =	vld.idx.msk [tilespmem:v9+s10+$0x0], $0xffff;
	v63 =	vadd.s32 $0x3CFD, v29;
	v58 =	vmul.bf16 v34, v21;
	v46 =	vmul.bf16 v46, v21  }
0xeb: {  	v25 =	vadd.bf16 v48, v25;
	v48 =	vld.idx.msk [tilespmem:v10+s10+$0x0], $0xffff;
	v34 =	vadd.bf16 v31, v44;
	v31 =	vadd.s32 s31, v4  }
0xec: {  	v9 =	vmul.bf16 v57, v21;
	v37 =	vadd.bf16 v49, v30;
	v40 =	vadd.bf16 v46, v33;
	v46 =	vld.idx.msk [tilespmem:v11+s10+$0x0], $0xffff  }
0xed: {  	v30 =	vadd.s32 $0x1775, v29;
	v39 =	vadd.bf16 v62, v52;
	v44 =	vld.idx.msk [tilespmem:v59+s10+$0x0], $0xffff;
	v41 =	vmul.bf16 v41, v21  }
0xee: {  	v53 =	vadd.bf16 v9, v53;
	v10 =	vadd.s32 $0x41AE, v29;
	v51 =	vld.idx.msk [tilespmem:v38+s10+$0x0], $0xffff;
	v27 =	vmul.bf16 v27, v21  }
0xef: {  	v61 =	vmul.bf16 v61, v21;
	v45 =	vadd.bf16 v41, v45;
	v11 =	vld.idx.msk [tilespmem:v60+s10+$0x0], $0xffff;
	v60 =	vadd.s32 $0x1C26, v29  }
0xf0: {  	v36 =	vld.idx.msk [tilespmem:v31+s13+$0x0], $0xffff;
	v56 =	vadd.bf16 v27, v32;
	v27 =	vadd.bf16 v50, v53;
	v50 =	vadd.s32 $0x4B1, v29  }
0xf1: {  	v41 =	vld.idx.msk [tilespmem:v63+s10+$0x0], $0xffff;
	v62 =	vmul.bf16 v48, v18;
	v63 =	vmul.bf16 v46, v18;
	v46 =	vadd.s32 $0x20D7, v29  }
0xf2: {  	v43 =	vmul.bf16 v43, v18;
	v42 =	vadd.bf16 v58, v42;
	v33 =	vadd.s32 $0x962, v29;
	v48 =	vld.idx.msk [tilespmem:v30+s10+$0x0], $0xffff  }
0xf3: {  	v38 =	vadd.bf16 v61, v54;
	v44 =	vmul.bf16 v44, v18;
	v32 =	vadd.bf16 v62, v45;
	v45 =	vld.idx.msk [tilespmem:v10+s10+$0x0], $0xffff  }
0xf4: {  	s19 =	simm.s32 $0x2;
	[tilespmem:$0x1FFF0] =	vst v0;
	v47 =	vld.idx.msk [tilespmem:v60+s10+$0x0], $0xffff;
	v49 =	vmul.bf16 v11, v18;
	v29 =	vmov v18;
	v30 =	vadd.bf16 v63, v56  }
.LBB2_3:
0xf5: {  	v52 =	vadd.s32 $0x4B1, v23;
	v53 =	vadd.s32 $0x2EEA, v36;
	p0 =	sne.s32 s19, $0x26;
	v50 =	vld.idx.msk [tilespmem:v50+s10+$0x0], $0xffff;
	v38 =	vadd.bf16 v43, v38;
	v54 =	vmovc v23;
	s20 =	smov.u32 s19;
	s19 =	sadd.s32 $0x2, s19  }
0xf6: {  	v43 =	vadd.s32 $0x962, v23;
	v55 =	vadd.s32 $0x384C, v36;
	v51 =	vmul.bf16 v51, v21;
	v46 =	vld.idx.msk [tilespmem:v46+s10+$0x0], $0xffff  }
0xf7: {  	v57 =	vadd.s32 $0xE13, v23;
	v58 =	vadd.s32 $0x465F, v36;
	v56 =	vadd.s32 s20, v3;
	v59 =	vld.idx.msk [tilespmem:v33+s10+$0x0], $0xffff  }
0xf8: {  	v60 =	vadd.s32 $0x12C4, v23;
	v61 =	vadd.s32 $0x3CFD, v23;
	v33 =	vadd.s32 $0x962, v36;
	v21 =	vld.idx.msk [tilespmem:v20+s14+$0x0], $0xffff;
	v20 =	vmovc v56  }
0xf9: {  	v0 =	vadd.s32 $0x1775, v23;
	v8 =	vadd.s32 $0x339B, v36;
	v62 =	vadd.s32 s20, v4;
	v63 =	vld.idx.msk [tilespmem:v23+s10+$0x0], $0xffff  }
0xfa: {  	v9 =	vadd.s32 $0x1C26, v23;
	v10 =	vadd.s32 $0x41AE, v23;
	v48 =	vmul.bf16 v48, v18;
	v52 =	vld.idx.msk [tilespmem:v52+s10+$0x0], $0xffff  }
0xfb: {  	v11 =	vadd.s32 $0x20D7, v23;
	v12 =	vadd.s32 $0x465F, v23;
	v45 =	vmul.bf16 v45, v29;
	v18 =	vld.idx.msk [tilespmem:v31+s14+$0x0], $0xffff;
	v31 =	vmovc v62  }
0xfc: {  	v50 =	vmul.bf16 v50, v29;
	v62 =	vadd.s32 $0x1775, v36;
	v23 =	vld.idx.msk [tilespmem:v56+s13+$0x0], $0xffff;
	v56 =	vadd.s32 $0x2588, v54  }
0xfd: {  	v13 =	vadd.s32 $0x2A39, v54;
	v42 =	vadd.bf16 v49, v42;
	v59 =	vmul.bf16 v59, v29;
	v14 =	vld.idx.msk [tilespmem:v36+s10+$0x0], $0xffff  }
0xfe: {  	v49 =	vadd.s32 $0x2EEA, v54;
	v35 =	vadd.bf16 v45, v35;
	v46 =	vmul.bf16 v46, v29;
	v55 =	vld.idx.msk [tilespmem:v55+s10+$0x0], $0xffff  }
0xff: {  	v47 =	vmul.bf16 v47, v29;
	v45 =	vadd.s32 $0x339B, v54;
	v63 =	vmul.bf16 v63, v21;
	v53 =	vld.idx.msk [tilespmem:v53+s10+$0x0], $0xffff  }
0x100: {  	v40 =	vadd.bf16 v48, v40;
	v54 =	vadd.s32 $0x384C, v54;
	v28 =	vadd.bf16 v50, v28;
	v58 =	vld.idx.msk [tilespmem:v58+s10+$0x0], $0xffff  }
0x101: {  	v39 =	vadd.bf16 v44, v39;
	v41 =	vmul.bf16 v41, v29;
	v19 =	vadd.bf16 v51, v19;
	v12 =	vld.idx.msk [tilespmem:v12+s10+$0x0], $0xffff  }
0x102: {  	v44 =	vadd.s32 $0x12C4, v36;
	v34 =	vadd.bf16 v47, v34;
	v37 =	vadd.bf16 v46, v37;
	v29 =	vmovc v18;
	v10 =	vld.idx.msk [tilespmem:v10+s10+$0x0], $0xffff  }
0x103: {  	v19 =	vadd.bf16 v59, v19;
	v24 =	vadd.bf16 v63, v24;
	v14 =	vmul.bf16 v14, v18;
	v8 =	vld.idx.msk [tilespmem:v8+s10+$0x0], $0xffff  }
0x104: {  	v26 =	vadd.bf16 v41, v26;
	v47 =	vmul.bf16 v52, v21;
	v46 =	vld.idx.msk [tilespmem:v61+s10+$0x0], $0xffff  }
0x105: {  	v24 =	vadd.bf16 v14, v24;
	v41 =	vld.idx.msk [tilespmem:v57+s10+$0x0], $0xffff  }
0x106: {  	v14 =	vld.idx.msk [tilespmem:v60+s10+$0x0], $0xffff  }
0x107: {  	v12 =	vmul.bf16 v12, v21;
	v0 =	vld.idx.msk [tilespmem:v0+s10+$0x0], $0xffff  }
0x108: {  	v10 =	vmul.bf16 v10, v21;
	v44 =	vld.idx.msk [tilespmem:v44+s10+$0x0], $0xffff  }
0x109: {  	v12 =	vadd.bf16 v12, v22;
	v22 =	vmul.bf16 v58, v18;
	v9 =	vld.idx.msk [tilespmem:v9+s10+$0x0], $0xffff  }
0x10a: {  	v28 =	vadd.bf16 v47, v28;
	v47 =	vmul.bf16 v46, v21;
	v11 =	vld.idx.msk [tilespmem:v11+s10+$0x0], $0xffff  }
0x10b: {  	v51 =	vadd.s32 $0x2588, v36;
	v41 =	vmul.bf16 v41, v21;
	v22 =	vadd.bf16 v22, v12;
	v48 =	vld.idx.msk [tilespmem:v56+s10+$0x0], $0xffff  }
0x10c: {  	v46 =	vadd.s32 $0x20D7, v36;
	v12 =	vld.idx.msk [tilespmem:v13+s10+$0x0], $0xffff;
	v13 =	vmul.bf16 v14, v21;
	v14 =	vadd.s32 $0x2A39, v36  }
0x10d: {  	v50 =	vadd.s32 $0x4B1, v36;
	v52 =	vadd.s32 $0xE13, v36;
	v56 =	vadd.s32 $0x1C26, v36;
	v49 =	vld.idx.msk [tilespmem:v49+s10+$0x0], $0xffff  }
0x10e: {  	v53 =	vmul.bf16 v53, v18;
	v45 =	vld.idx.msk [tilespmem:v45+s10+$0x0], $0xffff;
	v13 =	vadd.bf16 v13, v25;
	v25 =	vmul.bf16 v44, v18  }
0x10f: {  	v57 =	vadd.s32 $0x41AE, v36;
	v8 =	vmul.bf16 v8, v18;
	v44 =	vld.idx.msk [tilespmem:v54+s10+$0x0], $0xffff;
	v54 =	vadd.s32 $0x3CFD, v36  }
0x110: {  	v9 =	vmul.bf16 v9, v21;
	v11 =	vmul.bf16 v11, v21;
	v58 =	vld.idx.msk [tilespmem:v51+s10+$0x0], $0xffff;
	v25 =	vadd.bf16 v25, v13  }
0x111: {  	v26 =	vadd.bf16 v47, v26;
	v0 =	vmul.bf16 v0, v21;
	v13 =	vmul.bf16 v48, v21;
	v14 =	vld.idx.msk [tilespmem:v14+s10+$0x0], $0xffff  }
0x112: {  	v35 =	vadd.bf16 v10, v35;
	v34 =	vadd.bf16 v9, v34;
	v9 =	vmul.bf16 v12, v21;
	v10 =	vld.idx.msk [tilespmem:v52+s10+$0x0], $0xffff  }
0x113: {  	v42 =	vadd.bf16 v41, v42;
	v40 =	vadd.bf16 v0, v40;
	v0 =	vmul.bf16 v49, v21;
	v51 =	vld.idx.msk [tilespmem:v43+s10+$0x0], $0xffff  }
.Ltmp0:
0x114: {  	v37 =	vadd.bf16 v11, v37;
	v11 =	vmul.bf16 v45, v21;
	v43 =	vmul.bf16 v55, v18;
	v36 =	vld.idx.msk [tilespmem:v31+s13+$0x0], $0xffff;
	(pc) =	sbr.rel @p0 .LBB2_3-.Ltmp0, $4  }
0x115: {  	v39 =	vadd.bf16 v9, v39;
	v0 =	vadd.bf16 v0, v27;
	v9 =	vmul.bf16 v44, v21;
	v41 =	vld.idx.msk [tilespmem:v54+s10+$0x0], $0xffff  }
0x116: {  	v12 =	vadd.bf16 v13, v32;
	v11 =	vadd.bf16 v11, v30;
	v13 =	vmul.bf16 v58, v18;
	v48 =	vld.idx.msk [tilespmem:v62+s10+$0x0], $0xffff  }
0x117: {  	v38 =	vadd.bf16 v9, v38;
	v44 =	vmul.bf16 v14, v18;
	v27 =	vadd.bf16 v53, v0;
	v45 =	vld.idx.msk [tilespmem:v57+s10+$0x0], $0xffff  }
0x118: {  	v49 =	vmul.bf16 v10, v18;
	v32 =	vadd.bf16 v13, v12;
	v30 =	vadd.bf16 v8, v11;
	v47 =	vld.idx.msk [tilespmem:v56+s10+$0x0], $0xffff  }
0x119: {  	_ =	sdelay $0x3  }
0x11a: {  	v0 =	vld.idx.msk [tilespmem:v50+s10+$0x0], $0xffff  }
0x11b: {  	v8 =	vld.idx.msk [tilespmem:v33+s10+$0x0], $0xffff  }
0x11c: {  	v6 =	vmul.u32 $0x21, v6;
	_ =	sdelay $0x1  }
0x11d: {  	v9 =	vmul.bf16 v51, v21;
	v10 =	vadd.s32 $0x1, v6  }
0x11e: {  	v11 =	vadd.s32 $0x2, v6;
	v0 =	vmul.bf16 v0, v29  }
0x11f: {  	v12 =	vld.idx.msk [tilespmem:v46+s10+$0x0], $0xffff;
	v9 =	vadd.bf16 v9, v19;
	v13 =	vadd.s32 $0x3, v6;
	v8 =	vmul.bf16 v8, v29  }
0x120: {  	v14 =	vadd.s32 $0x4, v6;
	v0 =	vadd.bf16 v0, v28  }
0x121: {  	[tilespmem:v6+s15+$0x0] =	vst.idx.msk $0xffff, v24;
	v8 =	vadd.bf16 v8, v9;
	v9 =	vadd.s32 $0x5, v6  }
0x122: {  	v18 =	vmul.bf16 v48, v18;
	v19 =	vadd.bf16 v49, v42;
	[tilespmem:v10+s15+$0x0] =	vst.idx.msk $0xffff, v0;
	v0 =	vadd.s32 $0x6, v6  }
0x123: {  	v10 =	vmul.bf16 v47, v29;
	[tilespmem:v11+s15+$0x0] =	vst.idx.msk $0xffff, v8;
	v8 =	vadd.s32 $0x7, v6  }
0x124: {  	v11 =	vmul.bf16 v12, v29;
	v12 =	vadd.bf16 v18, v40;
	[tilespmem:v13+s15+$0x0] =	vst.idx.msk $0xffff, v19;
	v13 =	vadd.s32 $0x8, v6  }
0x125: {  	v10 =	vadd.bf16 v10, v34;
	[tilespmem:v14+s15+$0x0] =	vst.idx.msk $0xffff, v25;
	v14 =	vadd.s32 $0x9, v6  }
0x126: {  	v11 =	vadd.bf16 v11, v37;
	[tilespmem:v9+s15+$0x0] =	vst.idx.msk $0xffff, v12;
	v9 =	vadd.s32 $0xA, v6  }
0x127: {  	[tilespmem:v0+s15+$0x0] =	vst.idx.msk $0xffff, v10;
	v0 =	vadd.s32 $0xB, v6  }
0x128: {  	v10 =	vadd.bf16 v44, v39;
	[tilespmem:v8+s15+$0x0] =	vst.idx.msk $0xffff, v11;
	v8 =	vadd.s32 $0xC, v6  }
0x129: {  	v11 =	vadd.s32 $0xD, v6;
	[tilespmem:v13+s15+$0x0] =	vst.idx.msk $0xffff, v32  }
0x12a: {  	v12 =	vmul.bf16 v41, v29;
	[tilespmem:v14+s15+$0x0] =	vst.idx.msk $0xffff, v10;
	v10 =	vadd.s32 $0xE, v6  }
0x12b: {  	v13 =	vadd.bf16 v43, v38;
	v14 =	vmul.bf16 v45, v29;
	[tilespmem:v9+s15+$0x0] =	vst.idx.msk $0xffff, v27;
	v9 =	vadd.s32 $0xF, v6  }
0x12c: {  	v12 =	vadd.bf16 v12, v26;
	[tilespmem:v0+s15+$0x0] =	vst.idx.msk $0xffff, v30  }
0x12d: {  	v0 =	vadd.bf16 v14, v35;
	[tilespmem:v8+s15+$0x0] =	vst.idx.msk $0xffff, v13  }
0x12e: {  	[tilespmem:v11+s15+$0x0] =	vst.idx.msk $0xffff, v12  }
0x12f: {  	[tilespmem:v10+s15+$0x0] =	vst.idx.msk $0xffff, v0  }
0x130: {  	s19 =	simm.s32 $0x0;
	[tilespmem:v9+s15+$0x0] =	vst.idx.msk $0xffff, v22  }
0x131: {  	v0 =	vld.idx.msk [tilespmem:v17+s19+$0x0], $0xffff  }
0x132: {  	[tilespmem:$0x1FF80] =	vst v6;
	v6 =	vld [tilespmem:$0x1FF90];
	_ =	sdelay $0x3  }
0x133: {  	v8 =	vadd.s32 $0x4B10, v0  }
0x134: {  	v9 =	vadd.s32 $0x4FC1, v0  }
0x135: {  	v12 =	vld.idx.msk [tilespmem:v16+s19+$0x0], $0xffff;
	v10 =	vadd.s32 $0x5472, v0  }
0x136: {  	v15 =	vld.idx.msk [tilespmem:v15+s19+$0x0], $0xffff;
	v11 =	vadd.s32 $0x5923, v0  }
0x137: {  	v44 =	vld.idx.msk [tilespmem:v6+s19+$0x0], $0xffff;
	v13 =	vadd.s32 $0x5DD4, v0  }
0x138: {  	v14 =	vadd.s32 $0x6285, v0;
	v8 =	vld.idx.msk [tilespmem:v8+s10+$0x0], $0xffff  }
0x139: {  	v16 =	vadd.s32 $0x6736, v0;
	v9 =	vld.idx.msk [tilespmem:v9+s10+$0x0], $0xffff  }
0x13a: {  	v17 =	vadd.s32 $0x6BE7, v0;
	v10 =	vld.idx.msk [tilespmem:v10+s10+$0x0], $0xffff  }
0x13b: {  	v18 =	vadd.s32 $0x7098, v0;
	v11 =	vld.idx.msk [tilespmem:v11+s10+$0x0], $0xffff  }
0x13c: {  	v19 =	vadd.s32 $0x7549, v0;
	v13 =	vld.idx.msk [tilespmem:v13+s10+$0x0], $0xffff  }
0x13d: {  	v20 =	vadd.s32 $0x79FA, v0;
	v14 =	vld.idx.msk [tilespmem:v14+s10+$0x0], $0xffff  }
0x13e: {  	v21 =	vadd.s32 $0x7EAB, v0;
	v16 =	vld.idx.msk [tilespmem:v16+s10+$0x0], $0xffff  }
0x13f: {  	v22 =	vadd.s32 $0x835C, v0;
	v17 =	vld.idx.msk [tilespmem:v17+s10+$0x0], $0xffff  }
0x140: {  	v23 =	vadd.s32 $0x880D, v0;
	v18 =	vld.idx.msk [tilespmem:v18+s10+$0x0], $0xffff  }
0x141: {  	v24 =	vadd.s32 $0x8CBE, v0;
	v19 =	vld.idx.msk [tilespmem:v19+s10+$0x0], $0xffff  }
0x142: {  	v0 =	vadd.s32 $0x916F, v0;
	v20 =	vld.idx.msk [tilespmem:v20+s10+$0x0], $0xffff  }
0x143: {  	v25 =	vadd.s32 $0x4B10, v12;
	v21 =	vld.idx.msk [tilespmem:v21+s10+$0x0], $0xffff  }
0x144: {  	v26 =	vadd.s32 $0x4FC1, v12;
	v22 =	vld.idx.msk [tilespmem:v22+s10+$0x0], $0xffff  }
0x145: {  	v27 =	vadd.s32 $0x5472, v12;
	v23 =	vld.idx.msk [tilespmem:v23+s10+$0x0], $0xffff  }
0x146: {  	v28 =	vadd.s32 $0x5923, v12;
	v24 =	vld.idx.msk [tilespmem:v24+s10+$0x0], $0xffff  }
0x147: {  	v29 =	vadd.s32 $0x5DD4, v12;
	v0 =	vld.idx.msk [tilespmem:v0+s10+$0x0], $0xffff  }
0x148: {  	v30 =	vadd.s32 $0x6285, v12;
	v25 =	vld.idx.msk [tilespmem:v25+s10+$0x0], $0xffff  }
0x149: {  	v31 =	vadd.s32 $0x6736, v12;
	v26 =	vld.idx.msk [tilespmem:v26+s10+$0x0], $0xffff  }
0x14a: {  	v48 =	vadd.s32 $0x6BE7, v12;
	v27 =	vld.idx.msk [tilespmem:v27+s10+$0x0], $0xffff  }
0x14b: {  	v49 =	vadd.s32 $0x7098, v12;
	v28 =	vld.idx.msk [tilespmem:v28+s10+$0x0], $0xffff  }
0x14c: {  	v50 =	vadd.s32 $0x7549, v12;
	v29 =	vld.idx.msk [tilespmem:v29+s10+$0x0], $0xffff  }
0x14d: {  	v51 =	vadd.s32 $0x79FA, v12;
	v30 =	vld.idx.msk [tilespmem:v30+s10+$0x0], $0xffff  }
0x14e: {  	v36 =	vadd.s32 $0x7EAB, v12;
	v31 =	vld.idx.msk [tilespmem:v31+s10+$0x0], $0xffff  }
0x14f: {  	v52 =	vadd.s32 $0x835C, v12;
	v32 =	vld.idx.msk [tilespmem:v48+s10+$0x0], $0xffff  }
0x150: {  	v56 =	vadd.s32 $0x4FC1, v15;
	v33 =	vld.idx.msk [tilespmem:v49+s10+$0x0], $0xffff  }
0x151: {  	v57 =	vadd.s32 $0x5472, v15;
	v34 =	vld.idx.msk [tilespmem:v50+s10+$0x0], $0xffff  }
0x152: {  	v53 =	vadd.s32 $0x880D, v12;
	v54 =	vadd.s32 $0x8CBE, v12;
	v12 =	vadd.s32 $0x916F, v12;
	v35 =	vld.idx.msk [tilespmem:v51+s10+$0x0], $0xffff  }
0x153: {  	v55 =	vadd.s32 $0x4B10, v15;
	v58 =	vadd.s32 $0x5923, v15;
	v59 =	vadd.s32 $0x5DD4, v15;
	v36 =	vld.idx.msk [tilespmem:v36+s10+$0x0], $0xffff  }
0x154: {  	v60 =	vadd.s32 $0x6285, v15;
	v61 =	vadd.s32 $0x6736, v15;
	v62 =	vadd.s32 $0x6BE7, v15;
	v37 =	vld.idx.msk [tilespmem:v52+s10+$0x0], $0xffff  }
0x155: {  	v63 =	vadd.s32 $0x7098, v15;
	v41 =	vld.idx.msk [tilespmem:v56+s10+$0x0], $0xffff;
	v56 =	vadd.s32 $0x7549, v15;
	v8 =	vmul.bf16 v1, v8  }
0x156: {  	v42 =	vld.idx.msk [tilespmem:v57+s10+$0x0], $0xffff;
	v57 =	vadd.s32 $0x79FA, v15;
	v9 =	vmul.bf16 v1, v9;
	v10 =	vmul.bf16 v1, v10  }
0x157: {  	v38 =	vld.idx.msk [tilespmem:v53+s10+$0x0], $0xffff;
	v52 =	vadd.s32 $0x7EAB, v15;
	v11 =	vmul.bf16 v1, v11;
	v13 =	vmul.bf16 v1, v13  }
0x158: {  	v43 =	vld.idx.msk [tilespmem:v58+s10+$0x0], $0xffff;
	v58 =	vadd.s32 $0x835C, v15;
	v14 =	vmul.bf16 v1, v14;
	v16 =	vmul.bf16 v1, v16  }
0x159: {  	v45 =	vld.idx.msk [tilespmem:v59+s10+$0x0], $0xffff;
	v59 =	vadd.s32 $0x880D, v15;
	v17 =	vmul.bf16 v1, v17;
	v18 =	vmul.bf16 v1, v18  }
0x15a: {  	v46 =	vld.idx.msk [tilespmem:v60+s10+$0x0], $0xffff;
	v60 =	vadd.s32 $0x8CBE, v15;
	v19 =	vmul.bf16 v1, v19;
	v20 =	vmul.bf16 v1, v20  }
0x15b: {  	v39 =	vld.idx.msk [tilespmem:v54+s10+$0x0], $0xffff;
	v15 =	vadd.s32 $0x916F, v15;
	v21 =	vmul.bf16 v1, v21;
	v22 =	vmul.bf16 v1, v22  }
0x15c: {  	v47 =	vld.idx.msk [tilespmem:v61+s10+$0x0], $0xffff;
	v61 =	vadd.s32 $0x4FC1, v44;
	v23 =	vmul.bf16 v1, v23;
	v25 =	vmul.bf16 v1, v25  }
0x15d: {  	v12 =	vld.idx.msk [tilespmem:v12+s10+$0x0], $0xffff;
	v26 =	vmul.bf16 v1, v26;
	v8 =	vadd.bf16 v2, v8;
	v9 =	vadd.bf16 v2, v9  }
0x15e: {  	v40 =	vld.idx.msk [tilespmem:v55+s10+$0x0], $0xffff;
	v24 =	vmul.bf16 v1, v24;
	v10 =	vadd.bf16 v2, v10;
	v11 =	vadd.bf16 v2, v11  }
0x15f: {  	v0 =	vmul.bf16 v1, v0;
	v51 =	vld.idx.msk [tilespmem:v57+s10+$0x0], $0xffff;
	v13 =	vadd.bf16 v2, v13;
	v14 =	vadd.bf16 v2, v14  }
0x160: {  	v28 =	vmul.bf16 v1, v28;
	v52 =	vld.idx.msk [tilespmem:v52+s10+$0x0], $0xffff;
	v16 =	vadd.bf16 v2, v16;
	v17 =	vadd.bf16 v2, v17  }
0x161: {  	v29 =	vmul.bf16 v1, v29;
	v49 =	vld.idx.msk [tilespmem:v60+s10+$0x0], $0xffff;
	v18 =	vadd.bf16 v2, v18;
	v19 =	vadd.bf16 v2, v19  }
0x162: {  	v30 =	vmul.bf16 v1, v30;
	v15 =	vld.idx.msk [tilespmem:v15+s10+$0x0], $0xffff;
	v20 =	vadd.bf16 v2, v20;
	v21 =	vadd.bf16 v2, v21  }
0x163: {  	v57 =	vadd.s32 $0x6285, v44;
	v48 =	vld.idx.msk [tilespmem:v61+s10+$0x0], $0xffff;
	v22 =	vadd.bf16 v2, v22;
	v23 =	vadd.bf16 v2, v23  }
0x164: {  	v60 =	vadd.s32 $0x7549, v44;
	v24 =	vadd.bf16 v2, v24;
	v0 =	vadd.bf16 v2, v0;
	v2 =	vld [tilespmem:$0x1FFA0]  }
0x165: {  	v8 =	vadd.bf16 v25, v8;
	v25 =	vmul.bf16 v1, v27;
	v27 =	vld.idx.msk [tilespmem:v62+s10+$0x0], $0xffff;
	v9 =	vadd.bf16 v26, v9  }
0x166: {  	v37 =	vmul.bf16 v1, v37;
	v26 =	vld.idx.msk [tilespmem:v63+s10+$0x0], $0xffff;
	v11 =	vadd.bf16 v28, v11;
	v13 =	vadd.bf16 v29, v13  }
0x167: {  	v28 =	vld.idx.msk [tilespmem:v58+s10+$0x0], $0xffff;
	v29 =	vadd.s32 $0x4B10, v44;
	v14 =	vadd.bf16 v30, v14;
	v30 =	vmul.bf16 v1, v31  }
0x168: {  	v53 =	vadd.s32 $0x6736, v44;
	v31 =	vld.idx.msk [tilespmem:v59+s10+$0x0], $0xffff;
	v63 =	vadd.s32 $0x5923, v44;
	v58 =	vadd.s32 $0x6BE7, v44  }
0x169: {  	v22 =	vadd.bf16 v37, v22;
	v37 =	vld.idx.msk [tilespmem:v60+s10+$0x0], $0xffff;
	v16 =	vadd.bf16 v30, v16;
	v30 =	vmul.bf16 v1, v34  }
0x16a: {  	v32 =	vmul.bf16 v1, v32;
	v59 =	vadd.s32 $0x7098, v44;
	v10 =	vadd.bf16 v25, v10;
	v25 =	vld.idx.msk [tilespmem:v56+s10+$0x0], $0xffff  }
0x16b: {  	v33 =	vmul.bf16 v1, v33;
	v19 =	vadd.bf16 v30, v19;
	v30 =	vmul.bf16 v1, v35;
	v35 =	vld.idx.msk [tilespmem:v57+s10+$0x0], $0xffff  }
0x16c: {  	v36 =	vmul.bf16 v1, v36;
	v12 =	vmul.bf16 v1, v12;
	v62 =	vadd.s32 $0x5472, v44;
	v29 =	vld.idx.msk [tilespmem:v29+s10+$0x0], $0xffff  }
0x16d: {  	v55 =	vadd.s32 $0x835C, v44;
	v61 =	vmul.bf16 v1, v40;
	v43 =	vmul.bf16 v1, v43;
	v34 =	vld.idx.msk [tilespmem:v63+s10+$0x0], $0xffff  }
0x16e: {  	v45 =	vmul.bf16 v1, v45;
	v0 =	vadd.bf16 v12, v0;
	v56 =	vadd.s32 $0x5DD4, v44;
	v12 =	vld.idx.msk [tilespmem:v58+s10+$0x0], $0xffff  }
0x16f: {  	v17 =	vadd.bf16 v32, v17;
	v21 =	vadd.bf16 v36, v21;
	v57 =	vadd.s32 $0x8CBE, v44;
	v36 =	vld.idx.msk [tilespmem:v59+s10+$0x0], $0xffff  }
0x170: {  	v18 =	vadd.bf16 v33, v18;
	v15 =	vmul.bf16 v1, v15;
	v8 =	vadd.bf16 v61, v8;
	v32 =	vld.idx.msk [tilespmem:v2+s19+$0x0], $0xffff  }
0x171: {  	v63 =	vadd.s32 $0x7EAB, v44;
	v20 =	vadd.bf16 v30, v20;
	v30 =	vmul.bf16 v1, v38;
	v38 =	vld.idx.msk [tilespmem:v62+s10+$0x0], $0xffff  }
0x172: {  	v11 =	vadd.bf16 v43, v11;
	v27 =	vmul.bf16 v1, v27;
	v62 =	vadd.s32 $0x79FA, v44;
	v2 =	vld [tilespmem:$0x1FFB0]  }
0x173: {  	v33 =	vld.idx.msk [tilespmem:v56+s10+$0x0], $0xffff;
	v56 =	vadd.s32 $0x880D, v44;
	v23 =	vadd.bf16 v30, v23;
	v30 =	vmul.bf16 v1, v39  }
0x174: {  	v58 =	vmul.bf16 v1, v47;
	v44 =	vadd.s32 $0x916F, v44;
	v17 =	vadd.bf16 v27, v17;
	v27 =	vld.idx.msk [tilespmem:v57+s10+$0x0], $0xffff  }
0x175: {  	v26 =	vmul.bf16 v1, v26;
	v24 =	vadd.bf16 v30, v24;
	v30 =	vmul.bf16 v1, v41;
	v41 =	vld.idx.msk [tilespmem:v53+s10+$0x0], $0xffff  }
0x176: {  	v13 =	vadd.bf16 v45, v13;
	v0 =	vadd.bf16 v15, v0;
	v45 =	vld.idx.msk [tilespmem:v63+s10+$0x0], $0xffff  }
0x177: {  	v16 =	vadd.bf16 v58, v16;
	v25 =	vmul.bf16 v1, v25;
	v18 =	vadd.bf16 v26, v18;
	v40 =	vld.idx.msk [tilespmem:v62+s10+$0x0], $0xffff  }
0x178: {  	v59 =	vadd.s32 $0x4B10, v32;
	v9 =	vadd.bf16 v30, v9;
	v30 =	vmul.bf16 v1, v42;
	v42 =	vld.idx.msk [tilespmem:v56+s10+$0x0], $0xffff  }
0x179: {  	v26 =	vmul.bf16 v1, v51;
	v19 =	vadd.bf16 v25, v19;
	v60 =	vadd.s32 $0x4FC1, v32;
	v44 =	vld.idx.msk [tilespmem:v44+s10+$0x0], $0xffff  }
0x17a: {  	v61 =	vadd.s32 $0x5472, v32;
	v10 =	vadd.bf16 v30, v10;
	v30 =	vmul.bf16 v1, v46;
	v50 =	vld.idx.msk [tilespmem:v2+s19+$0x0], $0xffff  }
0x17b: {  	v25 =	vmul.bf16 v1, v52;
	v20 =	vadd.bf16 v26, v20;
	v62 =	vadd.s32 $0x5923, v32;
	v2 =	vld [tilespmem:$0x1FFC0]  }
0x17c: {  	v26 =	vmul.bf16 v1, v28;
	v63 =	vadd.s32 $0x5DD4, v32;
	v14 =	vadd.bf16 v30, v14;
	v30 =	vld.idx.msk [tilespmem:v55+s10+$0x0], $0xffff  }
0x17d: {  	v54 =	vadd.s32 $0x6285, v32;
	v21 =	vadd.bf16 v25, v21;
	v25 =	vmul.bf16 v1, v31;
	v28 =	vld.idx.msk [tilespmem:v59+s10+$0x0], $0xffff  }
0x17e: {  	v22 =	vadd.bf16 v26, v22;
	v26 =	vmul.bf16 v1, v49;
	v58 =	vadd.s32 $0x7549, v32;
	v31 =	vld.idx.msk [tilespmem:v60+s10+$0x0], $0xffff  }
0x17f: {  	v15 =	vmul.bf16 v1, v48;
	v57 =	vadd.s32 $0x7098, v32;
	v56 =	vadd.s32 $0x6BE7, v32;
	v46 =	vld.idx.msk [tilespmem:v61+s10+$0x0], $0xffff  }
0x180: {  	v23 =	vadd.bf16 v25, v23;
	v24 =	vadd.bf16 v26, v24;
	v26 =	vmul.bf16 v1, v29;
	v25 =	vld.idx.msk [tilespmem:v62+s10+$0x0], $0xffff  }
0x181: {  	v9 =	vadd.bf16 v15, v9;
	v15 =	vmul.bf16 v1, v34;
	v55 =	vadd.s32 $0x6736, v32;
	v29 =	vld.idx.msk [tilespmem:v63+s10+$0x0], $0xffff  }
0x182: {  	v8 =	vadd.bf16 v26, v8;
	v26 =	vmul.bf16 v1, v38;
	v39 =	vld.idx.msk [tilespmem:v54+s10+$0x0], $0xffff;
	v59 =	vadd.s32 $0x79FA, v32  }
0x183: {  	v60 =	vadd.s32 $0x7EAB, v32;
	v11 =	vadd.bf16 v15, v11;
	v15 =	vmul.bf16 v1, v35;
	v35 =	vld.idx.msk [tilespmem:v58+s10+$0x0], $0xffff  }
0x184: {  	v61 =	vadd.s32 $0x835C, v32;
	v34 =	vld.idx.msk [tilespmem:v56+s10+$0x0], $0xffff  }
0x185: {  	v62 =	vadd.s32 $0x880D, v32;
	v10 =	vadd.bf16 v26, v10;
	v26 =	vmul.bf16 v1, v33;
	v33 =	vld.idx.msk [tilespmem:v57+s10+$0x0], $0xffff  }
0x186: {  	v63 =	vadd.s32 $0x8CBE, v32;
	v32 =	vadd.s32 $0x916F, v32;
	v38 =	vld.idx.msk [tilespmem:v55+s10+$0x0], $0xffff  }
0x187: {  	v12 =	vmul.bf16 v1, v12;
	v13 =	vadd.bf16 v26, v13;
	v26 =	vmul.bf16 v1, v41;
	v41 =	vld.idx.msk [tilespmem:v59+s10+$0x0], $0xffff  }
0x188: {  	v14 =	vadd.bf16 v15, v14;
	v15 =	vmul.bf16 v1, v36;
	v54 =	vadd.s32 $0x4B10, v50;
	v36 =	vld.idx.msk [tilespmem:v60+s10+$0x0], $0xffff  }
0x189: {  	v57 =	vadd.s32 $0x5DD4, v50;
	v16 =	vadd.bf16 v26, v16;
	v26 =	vmul.bf16 v1, v37;
	v37 =	vld.idx.msk [tilespmem:v61+s10+$0x0], $0xffff  }
0x18a: {  	v12 =	vadd.bf16 v12, v17;
	v58 =	vadd.s32 $0x6285, v50;
	v17 =	vld.idx.msk [tilespmem:v62+s10+$0x0], $0xffff  }
0x18b: {  	v52 =	vadd.s32 $0x835C, v50;
	v30 =	vmul.bf16 v1, v30;
	v32 =	vld.idx.msk [tilespmem:v32+s10+$0x0], $0xffff  }
0x18c: {  	v28 =	vmul.bf16 v1, v28;
	v19 =	vadd.bf16 v26, v19;
	v26 =	vmul.bf16 v1, v40;
	v40 =	vld.idx.msk [tilespmem:v63+s10+$0x0], $0xffff  }
0x18d: {  	v15 =	vadd.bf16 v15, v18;
	v18 =	vadd.s32 $0x4FC1, v50;
	v22 =	vadd.bf16 v30, v22;
	v30 =	vld.idx.msk [tilespmem:v54+s10+$0x0], $0xffff  }
0x18e: {  	v33 =	vmul.bf16 v1, v33;
	v8 =	vadd.bf16 v28, v8;
	v28 =	vld.idx.msk [tilespmem:v57+s10+$0x0], $0xffff  }
0x18f: {  	v55 =	vadd.s32 $0x5472, v50;
	v43 =	vld.idx.msk [tilespmem:v58+s10+$0x0], $0xffff  }
0x190: {  	v45 =	vmul.bf16 v1, v45;
	v60 =	vadd.s32 $0x7098, v50;
	v15 =	vadd.bf16 v33, v15;
	v33 =	vld.idx.msk [tilespmem:v52+s10+$0x0], $0xffff  }
0x191: {  	v53 =	vadd.s32 $0x8CBE, v50;
	v20 =	vadd.bf16 v26, v20;
	v26 =	vmul.bf16 v1, v42;
	v42 =	vld.idx.msk [tilespmem:v2+s19+$0x0], $0xffff  }
0x192: {  	v21 =	vadd.bf16 v45, v21;
	v44 =	vmul.bf16 v1, v44;
	v63 =	vadd.s32 $0x7EAB, v50;
	v18 =	vld.idx.msk [tilespmem:v18+s10+$0x0], $0xffff  }
0x193: {  	v56 =	vadd.s32 $0x5923, v50;
	v59 =	vadd.s32 $0x6BE7, v50;
	v25 =	vmul.bf16 v1, v25;
	v2 =	vld [tilespmem:$0x1FFD0]  }
0x194: {  	v61 =	vadd.s32 $0x7549, v50;
	v62 =	vadd.s32 $0x79FA, v50;
	v54 =	vadd.s32 $0x916F, v50;
	v45 =	vld.idx.msk [tilespmem:v55+s10+$0x0], $0xffff  }
0x195: {  	v11 =	vadd.bf16 v25, v11;
	v25 =	vld.idx.msk [tilespmem:v60+s10+$0x0], $0xffff;
	v23 =	vadd.bf16 v26, v23;
	v26 =	vmul.bf16 v1, v27  }
0x196: {  	v29 =	vmul.bf16 v1, v29;
	v58 =	vmul.bf16 v1, v37;
	v37 =	vld.idx.msk [tilespmem:v53+s10+$0x0], $0xffff;
	v27 =	vadd.s32 $0x6736, v50  }
0x197: {  	v55 =	vmul.bf16 v1, v41;
	v41 =	vld.idx.msk [tilespmem:v63+s10+$0x0], $0xffff;
	v24 =	vadd.bf16 v26, v24;
	v26 =	vmul.bf16 v1, v31  }
0x198: {  	v13 =	vadd.bf16 v29, v13;
	v57 =	vmul.bf16 v1, v36;
	v17 =	vmul.bf16 v1, v17;
	v31 =	vld.idx.msk [tilespmem:v56+s10+$0x0], $0xffff  }
0x199: {  	v47 =	vld.idx.msk [tilespmem:v54+s10+$0x0], $0xffff;
	v56 =	vadd.s32 $0x4B10, v42;
	v9 =	vadd.bf16 v26, v9;
	v26 =	vmul.bf16 v1, v46  }
0x19a: {  	v20 =	vadd.bf16 v55, v20;
	v40 =	vmul.bf16 v1, v40;
	v60 =	vadd.s32 $0x5923, v42;
	v46 =	vld.idx.msk [tilespmem:v62+s10+$0x0], $0xffff  }
0x19b: {  	v63 =	vadd.s32 $0x6736, v42;
	v27 =	vld.idx.msk [tilespmem:v27+s10+$0x0], $0xffff;
	v10 =	vadd.bf16 v26, v10;
	v26 =	vmul.bf16 v1, v39  }
0x19c: {  	v21 =	vadd.bf16 v57, v21;
	v30 =	vmul.bf16 v1, v30;
	v52 =	vadd.s32 $0x6BE7, v42;
	v39 =	vld.idx.msk [tilespmem:v59+s10+$0x0], $0xffff  }
0x19d: {  	v54 =	vadd.s32 $0x7549, v42;
	v14 =	vadd.bf16 v26, v14;
	v26 =	vmul.bf16 v1, v38;
	v38 =	vld.idx.msk [tilespmem:v61+s10+$0x0], $0xffff  }
0x19e: {  	v17 =	vadd.bf16 v17, v23;
	v55 =	vadd.s32 $0x79FA, v42;
	v23 =	vadd.bf16 v40, v24;
	v24 =	vld.idx.msk [tilespmem:v56+s10+$0x0], $0xffff  }
0x19f: {  	v28 =	vmul.bf16 v1, v28;
	v57 =	vadd.s32 $0x880D, v42;
	v8 =	vadd.bf16 v30, v8;
	v30 =	vld.idx.msk [tilespmem:v60+s10+$0x0], $0xffff  }
0x1a0: {  	v62 =	vadd.s32 $0x6285, v42;
	v40 =	vld.idx.msk [tilespmem:v63+s10+$0x0], $0xffff  }
0x1a1: {  	v0 =	vadd.bf16 v44, v0;
	v45 =	vmul.bf16 v1, v45;
	v13 =	vadd.bf16 v28, v13;
	v28 =	vld.idx.msk [tilespmem:v52+s10+$0x0], $0xffff  }
0x1a2: {  	v32 =	vmul.bf16 v1, v32;
	v22 =	vadd.bf16 v58, v22;
	v58 =	vadd.s32 $0x8CBE, v42;
	v36 =	vld.idx.msk [tilespmem:v54+s10+$0x0], $0xffff  }
0x1a3: {  	v34 =	vmul.bf16 v1, v34;
	v10 =	vadd.bf16 v45, v10;
	v45 =	vld.idx.msk [tilespmem:v55+s10+$0x0], $0xffff  }
0x1a4: {  	v0 =	vadd.bf16 v32, v0;
	v59 =	vadd.s32 $0x5472, v42;
	v32 =	vld.idx.msk [tilespmem:v57+s10+$0x0], $0xffff  }
0x1a5: {  	v29 =	vadd.s32 $0x880D, v50;
	v12 =	vadd.bf16 v34, v12;
	v43 =	vmul.bf16 v1, v43;
	v34 =	vld.idx.msk [tilespmem:v62+s10+$0x0], $0xffff  }
0x1a6: {  	v53 =	vadd.s32 $0x7098, v42;
	v16 =	vadd.bf16 v26, v16;
	v26 =	vmul.bf16 v1, v35;
	v35 =	vld.idx.msk [tilespmem:v2+s19+$0x0], $0xffff  }
0x1a7: {  	v31 =	vmul.bf16 v1, v31;
	v61 =	vadd.s32 $0x5DD4, v42;
	v14 =	vadd.bf16 v43, v14;
	v43 =	vld.idx.msk [tilespmem:v58+s10+$0x0], $0xffff  }
0x1a8: {  	v56 =	vadd.s32 $0x7EAB, v42;
	v2 =	vld [tilespmem:$0x1FFE0]  }
0x1a9: {  	v11 =	vadd.bf16 v31, v11;
	v31 =	vadd.s32 $0x835C, v42;
	v27 =	vmul.bf16 v1, v27;
	v44 =	vld.idx.msk [tilespmem:v59+s10+$0x0], $0xffff  }
0x1aa: {  	v18 =	vmul.bf16 v1, v18;
	v19 =	vadd.bf16 v26, v19;
	v26 =	vld.idx.msk [tilespmem:v29+s10+$0x0], $0xffff;
	v29 =	vadd.s32 $0x4FC1, v42  }
0x1ab: {  	v25 =	vmul.bf16 v1, v25;
	v16 =	vadd.bf16 v27, v16;
	v27 =	vld.idx.msk [tilespmem:v53+s10+$0x0], $0xffff;
	v42 =	vadd.s32 $0x916F, v42  }
0x1ac: {  	v33 =	vmul.bf16 v1, v33;
	v9 =	vadd.bf16 v18, v9;
	v18 =	vld.idx.msk [tilespmem:v61+s10+$0x0], $0xffff  }
0x1ad: {  	v37 =	vmul.bf16 v1, v37;
	v15 =	vadd.bf16 v25, v15;
	v25 =	vld.idx.msk [tilespmem:v56+s10+$0x0], $0xffff  }
0x1ae: {  	v22 =	vadd.bf16 v33, v22;
	v60 =	vmul.bf16 v1, v41;
	v31 =	vld.idx.msk [tilespmem:v31+s10+$0x0], $0xffff;
	v59 =	vadd.s32 $0x4B10, v35  }
0x1af: {  	v23 =	vadd.bf16 v37, v23;
	v61 =	vadd.s32 $0x4FC1, v35;
	v29 =	vld.idx.msk [tilespmem:v29+s10+$0x0], $0xffff;
	v26 =	vmul.bf16 v1, v26  }
0x1b0: {  	v46 =	vmul.bf16 v1, v46;
	v21 =	vadd.bf16 v60, v21;
	v62 =	vadd.s32 $0x5472, v35;
	v33 =	vld.idx.msk [tilespmem:v42+s10+$0x0], $0xffff  }
0x1b1: {  	v38 =	vmul.bf16 v1, v38;
	v52 =	vadd.s32 $0x5DD4, v35;
	v17 =	vadd.bf16 v26, v17;
	v26 =	vld.idx.msk [tilespmem:v2+s19+$0x0], $0xffff  }
0x1b2: {  	v39 =	vmul.bf16 v1, v39;
	v20 =	vadd.bf16 v46, v20;
	v54 =	vadd.s32 $0x6285, v35;
	v2 =	vld [tilespmem:$0x1FFF0]  }
0x1b3: {  	v24 =	vmul.bf16 v1, v24;
	v19 =	vadd.bf16 v38, v19;
	v55 =	vadd.s32 $0x6736, v35;
	v38 =	vld.idx.msk [tilespmem:v59+s10+$0x0], $0xffff  }
0x1b4: {  	v53 =	vmul.bf16 v1, v47;
	v12 =	vadd.bf16 v39, v12;
	v56 =	vadd.s32 $0x6BE7, v35;
	v41 =	vld.idx.msk [tilespmem:v61+s10+$0x0], $0xffff  }
0x1b5: {  	v30 =	vmul.bf16 v1, v30;
	v8 =	vadd.bf16 v24, v8;
	v57 =	vadd.s32 $0x7098, v35;
	v24 =	vld.idx.msk [tilespmem:v62+s10+$0x0], $0xffff  }
0x1b6: {  	v40 =	vmul.bf16 v1, v40;
	v58 =	vadd.s32 $0x7549, v35;
	v18 =	vmul.bf16 v1, v18;
	v37 =	vld.idx.msk [tilespmem:v52+s10+$0x0], $0xffff  }
0x1b7: {  	v28 =	vmul.bf16 v1, v28;
	v34 =	vmul.bf16 v1, v34;
	v60 =	vadd.s32 $0x79FA, v35;
	v59 =	vld.idx.msk [tilespmem:v54+s10+$0x0], $0xffff  }
0x1b8: {  	v11 =	vadd.bf16 v30, v11;
	v30 =	vadd.s32 $0x7EAB, v35;
	v13 =	vadd.bf16 v18, v13;
	v18 =	vld.idx.msk [tilespmem:v55+s10+$0x0], $0xffff  }
0x1b9: {  	v63 =	vadd.s32 $0x5923, v35;
	v44 =	vmul.bf16 v1, v44;
	v14 =	vadd.bf16 v34, v14;
	v34 =	vld.idx.msk [tilespmem:v56+s10+$0x0], $0xffff  }
0x1ba: {  	v12 =	vadd.bf16 v28, v12;
	v28 =	vadd.s32 $0x916F, v35;
	v27 =	vmul.bf16 v1, v27;
	v39 =	vld.idx.msk [tilespmem:v57+s10+$0x0], $0xffff  }
0x1bb: {  	v36 =	vmul.bf16 v1, v36;
	v10 =	vadd.bf16 v44, v10;
	v61 =	vadd.s32 $0x835C, v35;
	v44 =	vld.idx.msk [tilespmem:v58+s10+$0x0], $0xffff  }
0x1bc: {  	v15 =	vadd.bf16 v27, v15;
	v62 =	vadd.s32 $0x880D, v35;
	v27 =	vld.idx.msk [tilespmem:v60+s10+$0x0], $0xffff;
	v29 =	vmul.bf16 v1, v29  }
0x1bd: {  	v45 =	vmul.bf16 v1, v45;
	v32 =	vmul.bf16 v1, v32;
	v0 =	vadd.bf16 v53, v0;
	v30 =	vld.idx.msk [tilespmem:v30+s10+$0x0], $0xffff  }
0x1be: {  	v16 =	vadd.bf16 v40, v16;
	v9 =	vadd.bf16 v29, v9;
	v29 =	vld.idx.msk [tilespmem:v63+s10+$0x0], $0xffff;
	v63 =	vadd.s32 $0x8CBE, v35  }
0x1bf: {  	v20 =	vadd.bf16 v45, v20;
	v31 =	vmul.bf16 v1, v31;
	v28 =	vld.idx.msk [tilespmem:v28+s10+$0x0], $0xffff;
	v51 =	vadd.s32 $0x4B10, v26  }
0x1c0: {  	v19 =	vadd.bf16 v36, v19;
	v25 =	vmul.bf16 v1, v25;
	v53 =	vadd.s32 $0x4FC1, v26;
	v35 =	vld.idx.msk [tilespmem:v61+s10+$0x0], $0xffff  }
0x1c1: {  	v52 =	vmul.bf16 v1, v43;
	v22 =	vadd.bf16 v31, v22;
	v31 =	vadd.s32 $0x5472, v26;
	v42 =	vld.idx.msk [tilespmem:v62+s10+$0x0], $0xffff  }
0x1c2: {  	v21 =	vadd.bf16 v25, v21;
	v17 =	vadd.bf16 v32, v17;
	v54 =	vadd.s32 $0x5923, v26;
	v40 =	vld.idx.msk [tilespmem:v2+s19+$0x0], $0xffff  }
0x1c3: {  	v23 =	vadd.bf16 v52, v23;
	v33 =	vmul.bf16 v1, v33;
	v55 =	vadd.s32 $0x5DD4, v26;
	v25 =	vld.idx.msk [tilespmem:v63+s10+$0x0], $0xffff  }
0x1c4: {  	v56 =	vadd.s32 $0x6285, v26;
	v57 =	vadd.s32 $0x6736, v26;
	v24 =	vmul.bf16 v1, v24;
	v36 =	vld.idx.msk [tilespmem:v51+s10+$0x0], $0xffff  }
0x1c5: {  	v0 =	vadd.bf16 v33, v0;
	v58 =	vadd.s32 $0x7098, v26;
	v60 =	vadd.s32 $0x7549, v26;
	v33 =	vld.idx.msk [tilespmem:v53+s10+$0x0], $0xffff  }
0x1c6: {  	v48 =	vadd.s32 $0x880D, v26;
	v38 =	vmul.bf16 v1, v38;
	v10 =	vadd.bf16 v24, v10;
	v24 =	vld.idx.msk [tilespmem:v31+s10+$0x0], $0xffff  }
0x1c7: {  	v50 =	vadd.s32 $0x8CBE, v26;
	v41 =	vmul.bf16 v1, v41;
	v18 =	vmul.bf16 v1, v18;
	v32 =	vld.idx.msk [tilespmem:v54+s10+$0x0], $0xffff  }
0x1c8: {  	v37 =	vmul.bf16 v1, v37;
	v59 =	vmul.bf16 v1, v59;
	v61 =	vadd.s32 $0x79FA, v26;
	v45 =	vld.idx.msk [tilespmem:v55+s10+$0x0], $0xffff  }
0x1c9: {  	v62 =	vadd.s32 $0x7EAB, v26;
	v34 =	vmul.bf16 v1, v34;
	v16 =	vadd.bf16 v18, v16;
	v18 =	vld.idx.msk [tilespmem:v57+s10+$0x0], $0xffff  }
0x1ca: {  	v39 =	vmul.bf16 v1, v39;
	v30 =	vmul.bf16 v1, v30;
	v9 =	vadd.bf16 v41, v9;
	v41 =	vld.idx.msk [tilespmem:v58+s10+$0x0], $0xffff  }
0x1cb: {  	v27 =	vmul.bf16 v1, v27;
	v8 =	vadd.bf16 v38, v8;
	v31 =	vadd.s32 $0x6BE7, v26;
	v49 =	vld.idx.msk [tilespmem:v60+s10+$0x0], $0xffff  }
0x1cc: {  	v13 =	vadd.bf16 v37, v13;
	v21 =	vadd.bf16 v30, v21;
	v63 =	vadd.s32 $0x835C, v26;
	v30 =	vld.idx.msk [tilespmem:v48+s10+$0x0], $0xffff  }
0x1cd: {  	v20 =	vadd.bf16 v27, v20;
	v29 =	vmul.bf16 v1, v29;
	v26 =	vadd.s32 $0x916F, v26;
	v27 =	vld.idx.msk [tilespmem:v61+s10+$0x0], $0xffff  }
0x1ce: {  	v44 =	vmul.bf16 v1, v44;
	v14 =	vadd.bf16 v59, v14;
	v12 =	vadd.bf16 v34, v12;
	v51 =	vld.idx.msk [tilespmem:v62+s10+$0x0], $0xffff  }
0x1cf: {  	v28 =	vmul.bf16 v1, v28;
	v15 =	vadd.bf16 v39, v15;
	v11 =	vadd.bf16 v29, v11;
	v29 =	vld.idx.msk [tilespmem:v56+s10+$0x0], $0xffff  }
0x1d0: {  	v19 =	vadd.bf16 v44, v19;
	v35 =	vmul.bf16 v1, v35;
	v52 =	vadd.s32 $0x4B10, v40;
	v31 =	vld.idx.msk [tilespmem:v31+s10+$0x0], $0xffff  }
0x1d1: {  	v42 =	vmul.bf16 v1, v42;
	v53 =	vadd.s32 $0x4FC1, v40;
	v25 =	vmul.bf16 v1, v25;
	v43 =	vld.idx.msk [tilespmem:v63+s10+$0x0], $0xffff  }
0x1d2: {  	v0 =	vadd.bf16 v28, v0;
	v22 =	vadd.bf16 v35, v22;
	v54 =	vadd.s32 $0x5472, v40;
	v26 =	vld.idx.msk [tilespmem:v26+s10+$0x0], $0xffff  }
0x1d3: {  	v17 =	vadd.bf16 v42, v17;
	v55 =	vadd.s32 $0x5923, v40;
	v23 =	vadd.bf16 v25, v23;
	v25 =	vld.idx.msk [tilespmem:v50+s10+$0x0], $0xffff  }
0x1d4: {  	v56 =	vadd.s32 $0x5DD4, v40;
	v57 =	vadd.s32 $0x6285, v40;
	v36 =	vmul.bf16 v1, v36;
	v50 =	vld.idx.msk [tilespmem:v5+s13+$0x0], $0xffff  }
0x1d5: {  	v58 =	vadd.s32 $0x6736, v40;
	v33 =	vmul.bf16 v1, v33;
	v24 =	vmul.bf16 v1, v24;
	v38 =	vld.idx.msk [tilespmem:v52+s10+$0x0], $0xffff  }
0x1d6: {  	v60 =	vadd.s32 $0x7098, v40;
	v32 =	vmul.bf16 v1, v32;
	v59 =	vmul.bf16 v1, v45;
	v28 =	vld.idx.msk [tilespmem:v53+s10+$0x0], $0xffff  }
0x1d7: {  	v33 =	vadd.bf16 v33, v9;
	v10 =	vadd.bf16 v24, v10;
	v9 =	vadd.s32 $0x6BE7, v40;
	v24 =	vld.idx.msk [tilespmem:v54+s10+$0x0], $0xffff  }
0x1d8: {  	v61 =	vadd.s32 $0x7549, v40;
	v18 =	vmul.bf16 v1, v18;
	v29 =	vmul.bf16 v1, v29;
	v39 =	vld.idx.msk [tilespmem:v55+s10+$0x0], $0xffff  }
0x1d9: {  	v34 =	vmul.bf16 v1, v49;
	v32 =	vadd.bf16 v32, v11;
	v42 =	vld.idx.msk [tilespmem:v56+s10+$0x0], $0xffff;
	v11 =	vmul.bf16 v1, v31  }
0x1da: {  	v16 =	vadd.bf16 v18, v16;
	v18 =	vld.idx.msk [tilespmem:v58+s10+$0x0], $0xffff;
	v29 =	vadd.bf16 v29, v14;
	v14 =	vadd.s32 $0x79FA, v40  }
0x1db: {  	v63 =	vld.idx.msk [tilespmem:v60+s10+$0x0], $0xffff;
	v52 =	vadd.s32 $0x7EAB, v40;
	v12 =	vadd.bf16 v11, v12;
	v11 =	vmul.bf16 v1, v41  }
0x1dc: {  	v8 =	vadd.bf16 v36, v8;
	v34 =	vadd.bf16 v34, v19;
	v62 =	vld.idx.msk [tilespmem:v9+s10+$0x0], $0xffff;
	v9 =	vmul.bf16 v1, v27  }
0x1dd: {  	v53 =	vld.idx.msk [tilespmem:v61+s10+$0x0], $0xffff;
	v27 =	vmul.bf16 v1, v51;
	v41 =	vadd.bf16 v11, v15;
	v11 =	vadd.s32 $0x835C, v40  }
0x1de: {  	v31 =	vld.idx.msk [tilespmem:v57+s10+$0x0], $0xffff;
	v19 =	vmul.bf16 v1, v43;
	v57 =	vadd.bf16 v9, v20;
	v15 =	vadd.s32 $0x880D, v40  }
0x1df: {  	v54 =	vadd.bf16 v27, v21;
	v20 =	vmul.bf16 v1, v30;
	v30 =	vld.idx.msk [tilespmem:v14+s10+$0x0], $0xffff;
	v14 =	vadd.s32 $0x8CBE, v40  }
0x1e0: {  	v37 =	vld.idx.msk [tilespmem:v52+s10+$0x0], $0xffff;
	v21 =	vmul.bf16 v1, v25;
	v25 =	vmul.bf16 v1, v26;
	v26 =	vadd.s32 $0x916F, v40  }
0x1e1: {  	v13 =	vadd.bf16 v59, v13;
	v9 =	vld.idx.msk [tilespmem:v7+s13+$0x0], $0xffff;
	v55 =	vadd.bf16 v20, v17;
	v20 =	vadd.s32 $0x7098, v50  }
0x1e2: {  	v22 =	vadd.bf16 v19, v22;
	v43 =	vadd.s32 $0x5923, v50;
	v17 =	vmul.bf16 v1, v24;
	v58 =	vld.idx.msk [tilespmem:v11+s10+$0x0], $0xffff  }
0x1e3: {  	v56 =	vadd.bf16 v21, v23;
	v23 =	vadd.s32 $0x8CBE, v50;
	v11 =	vmul.bf16 v1, v38;
	v59 =	vld.idx.msk [tilespmem:v15+s10+$0x0], $0xffff  }
0x1e4: {  	v10 =	vadd.bf16 v17, v10;
	v17 =	vmul.bf16 v1, v31;
	v15 =	vmul.bf16 v1, v28;
	v28 =	vld.idx.msk [tilespmem:v14+s10+$0x0], $0xffff  }
0x1e5: {  	v31 =	vadd.s32 $0x916F, v50;
	v26 =	vld.idx.msk [tilespmem:v26+s10+$0x0], $0xffff;
	v11 =	vadd.bf16 v11, v8;
	v8 =	vmul.bf16 v1, v39  }
0x1e6: {  	v18 =	vmul.bf16 v1, v18;
	v24 =	vadd.s32 $0x4FC1, v9;
	v60 =	vadd.s32 $0x880D, v9;
	v20 =	vld.idx.msk [tilespmem:v20+s10+$0x0], $0xffff  }
0x1e7: {  	v19 =	vadd.bf16 v15, v33;
	v15 =	vmul.bf16 v1, v42;
	v14 =	vadd.bf16 v8, v32;
	v8 =	vld.idx.msk [tilespmem:v5+s14+$0x0], $0xffff  }
0x1e8: {  	v0 =	vadd.bf16 v25, v0;
	v61 =	vmul.bf16 v1, v37;
	v5 =	vld.idx.msk [tilespmem:v7+s14+$0x0], $0xffff;
	v7 =	vadd.s32 $0x916F, v9  }
0x1e9: {  	v49 =	vadd.s32 $0x5923, v9;
	v21 =	vadd.bf16 v17, v29;
	v25 =	vadd.bf16 v15, v13;
	v13 =	vld.idx.msk [tilespmem:v23+s10+$0x0], $0xffff  }
0x1ea: {  	v29 =	vmul.bf16 v1, v30;
	v30 =	vadd.s32 $0x835C, v50;
	v15 =	vmul.bf16 v1, v62;
	v31 =	vld.idx.msk [tilespmem:v31+s10+$0x0], $0xffff  }
0x1eb: {  	v17 =	vadd.bf16 v18, v16;
	v16 =	vadd.s32 $0x8CBE, v9;
	v18 =	vadd.s32 $0x835C, v9;
	v27 =	vld.idx.msk [tilespmem:v24+s10+$0x0], $0xffff  }
0x1ec: {  	v36 =	vld.idx.msk [tilespmem:v60+s10+$0x0], $0xffff;
	v28 =	vmul.bf16 v1, v28;
	v15 =	vadd.bf16 v15, v12;
	v12 =	vmul.bf16 v1, v63  }
0x1ed: {  	v62 =	vadd.s32 $0x880D, v50;
	v26 =	vmul.bf16 v1, v26;
	v63 =	vld.idx.msk [tilespmem:v7+s10+$0x0], $0xffff;
	v7 =	vmul.bf16 v1, v58  }
0x1ee: {  	v48 =	vld.idx.msk [tilespmem:v49+s10+$0x0], $0xffff;
	v24 =	vadd.bf16 v12, v41;
	v12 =	vadd.bf16 v29, v57;
	v29 =	vadd.s32 $0x79FA, v9  }
0x1ef: {  	v30 =	vld.idx.msk [tilespmem:v30+s10+$0x0], $0xffff;
	v22 =	vadd.bf16 v7, v22;
	v7 =	vadd.bf16 v28, v56;
	v28 =	vadd.s32 $0x6736, v50  }
0x1f0: {  	v23 =	vmul.bf16 v1, v53;
	v16 =	vld.idx.msk [tilespmem:v16+s10+$0x0], $0xffff;
	v57 =	vmul.bf16 v1, v59;
	v59 =	vadd.s32 $0x6285, v9  }
0x1f1: {  	v45 =	vadd.s32 $0x6285, v50;
	v18 =	vld.idx.msk [tilespmem:v18+s10+$0x0], $0xffff;
	v0 =	vadd.bf16 v26, v0;
	v26 =	vadd.s32 $0x7EAB, v50  }
0x1f2: {  	v35 =	vadd.bf16 v23, v34;
	v23 =	vadd.bf16 v61, v54;
	v58 =	vadd.s32 $0x5DD4, v9;
	v61 =	vld.idx.msk [tilespmem:v62+s10+$0x0], $0xffff  }
0x1f3: {  	v37 =	vadd.s32 $0x5DD4, v50;
	v38 =	vadd.s32 $0x4FC1, v50;
	v62 =	vadd.s32 $0x79FA, v50;
	v44 =	vld.idx.msk [tilespmem:v29+s10+$0x0], $0xffff  }
0x1f4: {  	v33 =	vadd.s32 $0x6BE7, v50;
	v54 =	vadd.s32 $0x7549, v9;
	v41 =	vld.idx.msk [tilespmem:v28+s10+$0x0], $0xffff;
	v28 =	vmul.bf16 v30, v8  }
0x1f5: {  	v42 =	vadd.s32 $0x5472, v50;
	v49 =	vadd.s32 s19, v3;
	v31 =	vmul.bf16 v31, v8;
	v40 =	vld.idx.msk [tilespmem:v59+s10+$0x0], $0xffff  }
0x1f6: {  	v32 =	vadd.s32 $0x7549, v50;
	v29 =	vadd.s32 $0x4B10, v50;
	v50 =	vld.idx.msk [tilespmem:v26+s10+$0x0], $0xffff;
	v22 =	vadd.bf16 v28, v22  }
0x1f7: {  	v39 =	vadd.s32 $0x7EAB, v9;
	v0 =	vadd.bf16 v31, v0;
	v47 =	vld.idx.msk [tilespmem:v58+s10+$0x0], $0xffff;
	v63 =	vmul.bf16 v63, v5  }
0x1f8: {  	v60 =	vadd.bf16 v57, v55;
	v18 =	vmul.bf16 v18, v5;
	v31 =	vmul.bf16 v61, v8;
	v51 =	vld.idx.msk [tilespmem:v62+s10+$0x0], $0xffff  }
0x1f9: {  	v36 =	vmul.bf16 v36, v5;
	v26 =	vmul.bf16 v16, v5;
	v30 =	vld.idx.msk [tilespmem:v54+s10+$0x0], $0xffff;
	v16 =	vadd.bf16 v63, v0  }
0x1fa: {  	s20 =	simm.s32 $0x2;
	v46 =	vadd.s32 $0x4B10, v9;
	v31 =	vadd.bf16 v31, v60;
	v28 =	vld.idx.msk [tilespmem:v49+s14+$0x0], $0xffff;
	v18 =	vadd.bf16 v18, v22;
	v22 =	vmovc v5  }
.LBB2_5:
0x1fb: {  	p0 =	sne.s32 s20, $0x26;
	v34 =	vld.idx.msk [tilespmem:v49+s13+$0x0], $0xffff;
	s21 =	smov.u32 s20;
	s20 =	sadd.s32 $0x2, s20  }
0x1fc: {  	v48 =	vmul.bf16 v48, v5;
	v40 =	vmul.bf16 v40, v5;
	v0 =	vld.idx.msk [tilespmem:v39+s10+$0x0], $0xffff  }
0x1fd: {  	v49 =	vmul.bf16 v27, v5;
	v39 =	vld.idx.msk [tilespmem:v43+s10+$0x0], $0xffff;
	v43 =	vmul.bf16 v50, v8  }
0x1fe: {  	v50 =	vadd.s32 s19, v4;
	s19 =	smov.u32 s21;
	v27 =	vld.idx.msk [tilespmem:v32+s10+$0x0], $0xffff  }
0x1ff: {  	v47 =	vmul.bf16 v47, v5;
	v31 =	vadd.bf16 v36, v31;
	v32 =	vld.idx.msk [tilespmem:v33+s10+$0x0], $0xffff;
	v33 =	vmul.bf16 v44, v5  }
0x200: {  	v51 =	vmul.bf16 v51, v8;
	v36 =	vadd.s32 $0x7098, v34;
	v44 =	vadd.s32 $0x8CBE, v34;
	v37 =	vld.idx.msk [tilespmem:v37+s10+$0x0], $0xffff  }
0x201: {  	v23 =	vadd.bf16 v43, v23;
	v43 =	vadd.s32 $0x7098, v9;
	v38 =	vld.idx.msk [tilespmem:v38+s10+$0x0], $0xffff  }
0x202: {  	v12 =	vadd.bf16 v51, v12;
	v51 =	vadd.s32 $0x6BE7, v9;
	v0 =	vmul.bf16 v0, v5;
	v45 =	vld.idx.msk [tilespmem:v45+s10+$0x0], $0xffff  }
0x203: {  	v13 =	vmul.bf16 v13, v8;
	v52 =	vadd.s32 $0x5472, v9;
	v53 =	vadd.s32 $0x6736, v9;
	v9 =	vld.idx.msk [tilespmem:v50+s13+$0x0], $0xffff  }
0x204: {  	v20 =	vmul.bf16 v20, v8;
	v27 =	vmul.bf16 v27, v8;
	v12 =	vadd.bf16 v33, v12;
	v42 =	vld.idx.msk [tilespmem:v42+s10+$0x0], $0xffff  }
0x205: {  	v7 =	vadd.bf16 v13, v7;
	v39 =	vmul.bf16 v39, v8;
	v55 =	vmul.bf16 v32, v8;
	v54 =	vld.idx.msk [tilespmem:v29+s10+$0x0], $0xffff  }
0x206: {  	v41 =	vmul.bf16 v41, v8;
	v23 =	vadd.bf16 v0, v23;
	v35 =	vadd.bf16 v27, v35;
	v27 =	vld.idx.msk [tilespmem:v43+s10+$0x0], $0xffff  }
0x207: {  	v7 =	vadd.bf16 v26, v7;
	v0 =	vmul.bf16 v37, v8;
	v29 =	vld.idx.msk [tilespmem:v51+s10+$0x0], $0xffff;
	v51 =	vmul.bf16 v30, v5  }
0x208: {  	v13 =	vmul.bf16 v38, v8;
	v30 =	vmul.bf16 v45, v8;
	v26 =	vadd.s32 $0x4FC1, v9;
	v37 =	vld.idx.msk [tilespmem:v46+s10+$0x0], $0xffff  }
0x209: {  	v24 =	vadd.bf16 v20, v24;
	v45 =	vadd.s32 $0x916F, v34;
	v0 =	vadd.bf16 v0, v25;
	v25 =	vld.idx.msk [tilespmem:v53+s10+$0x0], $0xffff  }
0x20a: {  	v46 =	vadd.s32 $0x916F, v9;
	v19 =	vadd.bf16 v13, v19;
	v20 =	vld.idx.msk [tilespmem:v36+s10+$0x0], $0xffff;
	v36 =	vadd.s32 $0x880D, v9  }
0x20b: {  	v53 =	vadd.s32 $0x8CBE, v9;
	v21 =	vadd.bf16 v30, v21;
	v13 =	vld.idx.msk [tilespmem:v44+s10+$0x0], $0xffff;
	v44 =	vadd.s32 $0x835C, v9  }
0x20c: {  	v56 =	vadd.s32 $0x880D, v34;
	v30 =	vadd.s32 $0x835C, v34;
	v57 =	vmul.bf16 v27, v5;
	v52 =	vld.idx.msk [tilespmem:v52+s10+$0x0], $0xffff  }
0x20d: {  	v58 =	vadd.s32 $0x79FA, v34;
	v32 =	vadd.s32 $0x7549, v34;
	v27 =	vld.idx.msk [tilespmem:v26+s10+$0x0], $0xffff;
	v26 =	vmul.bf16 v29, v5  }
0x20e: {  	v59 =	vadd.s32 $0x6736, v34;
	v33 =	vadd.s32 $0x6BE7, v34;
	v5 =	vld.idx.msk [tilespmem:v50+s14+$0x0], $0xffff;
	v50 =	vmul.bf16 v37, v22  }
0x20f: {  	v43 =	vadd.s32 $0x5923, v34;
	v37 =	vadd.s32 $0x5DD4, v34;
	v60 =	vmul.bf16 v25, v22;
	v36 =	vld.idx.msk [tilespmem:v36+s10+$0x0], $0xffff  }
0x210: {  	v38 =	vadd.s32 $0x4FC1, v34;
	v54 =	vmul.bf16 v54, v8;
	v29 =	vadd.s32 $0x4B10, v34;
	v46 =	vld.idx.msk [tilespmem:v46+s10+$0x0], $0xffff  }
0x211: {  	v61 =	vadd.s32 $0x7EAB, v34;
	v14 =	vadd.bf16 v39, v14;
	v25 =	vadd.s32 $0x79FA, v9;
	v45 =	vld.idx.msk [tilespmem:v45+s10+$0x0], $0xffff  }
0x212: {  	v15 =	vadd.bf16 v55, v15;
	v62 =	vadd.s32 $0x5923, v9;
	v63 =	vadd.s32 $0x6285, v9;
	v53 =	vld.idx.msk [tilespmem:v53+s10+$0x0], $0xffff  }
0x213: {  	v55 =	vadd.s32 $0x5DD4, v9;
	v39 =	vadd.s32 $0x7EAB, v9;
	v19 =	vadd.bf16 v49, v19;
	v2 =	vld.idx.msk [tilespmem:v44+s10+$0x0], $0xffff  }
0x214: {  	v6 =	vmul.bf16 v42, v8;
	v24 =	vadd.bf16 v57, v24;
	v52 =	vmul.bf16 v52, v22;
	v30 =	vld.idx.msk [tilespmem:v30+s10+$0x0], $0xffff  }
0x215: {  	v17 =	vadd.bf16 v41, v17;
	v14 =	vadd.bf16 v48, v14;
	v57 =	vadd.s32 $0x7549, v9;
	v22 =	vmovc v5;
	v56 =	vld.idx.msk [tilespmem:v56+s10+$0x0], $0xffff  }
0x216: {  	v49 =	vadd.s32 s19, v3;
	v8 =	vmovc v28;
	v15 =	vadd.bf16 v26, v15;
	v44 =	vld.idx.msk [tilespmem:v25+s10+$0x0], $0xffff;
	v25 =	vadd.bf16 v47, v0  }
0x217: {  	v42 =	vadd.s32 $0x5472, v34;
	v21 =	vadd.bf16 v40, v21;
	v0 =	vmul.bf16 v45, v28;
	v48 =	vld.idx.msk [tilespmem:v62+s10+$0x0], $0xffff  }
0x218: {  	v11 =	vadd.bf16 v54, v11;
	v45 =	vadd.s32 $0x6285, v34;
	v34 =	vmul.bf16 v46, v5;
	v47 =	vld.idx.msk [tilespmem:v55+s10+$0x0], $0xffff  }
0x219: {  	v6 =	vadd.bf16 v6, v10;
	v26 =	vmul.bf16 v53, v5;
	v0 =	vadd.bf16 v0, v16;
	v40 =	vld.idx.msk [tilespmem:v63+s10+$0x0], $0xffff  }
.Ltmp1:
0x21a: {  	v11 =	vadd.bf16 v50, v11;
	v2 =	vmul.bf16 v2, v5;
	v30 =	vmul.bf16 v30, v28;
	v41 =	vld.idx.msk [tilespmem:v59+s10+$0x0], $0xffff;
	(pc) =	sbr.rel @p0 .LBB2_5-.Ltmp1, $4  }
0x21b: {  	v10 =	vadd.bf16 v52, v6;
	v46 =	vmul.bf16 v56, v28;
	v16 =	vadd.bf16 v34, v0;
	v50 =	vld.idx.msk [tilespmem:v61+s10+$0x0], $0xffff  }
0x21c: {  	v17 =	vadd.bf16 v60, v17;
	v36 =	vmul.bf16 v36, v5;
	v0 =	vadd.bf16 v30, v18;
	v30 =	vld.idx.msk [tilespmem:v57+s10+$0x0], $0xffff  }
0x21d: {  	v35 =	vadd.bf16 v51, v35;
	v31 =	vadd.bf16 v46, v31;
	v46 =	vadd.s32 $0x4B10, v9;
	v28 =	vld.idx.msk [tilespmem:v49+s14+$0x0], $0xffff  }
0x21e: {  	v18 =	vadd.bf16 v2, v0;
	v51 =	vld.idx.msk [tilespmem:v58+s10+$0x0], $0xffff  }
0x21f: {  	_ =	sdelay $0x3  }
0x220: {  	v0 =	vld.idx.msk [tilespmem:v43+s10+$0x0], $0xffff  }
0x221: {  	v2 =	vld.idx.msk [tilespmem:v32+s10+$0x0], $0xffff  }
0x222: {  	v3 =	vld.idx.msk [tilespmem:v37+s10+$0x0], $0xffff  }
0x223: {  	v49 =	vld.idx.msk [tilespmem:v38+s10+$0x0], $0xffff  }
0x224: {  	v4 =	vmul.bf16 v48, v5;
	v29 =	vld.idx.msk [tilespmem:v29+s10+$0x0], $0xffff  }
0x225: {  	v6 =	vmul.bf16 v40, v5;
	v27 =	vmul.bf16 v27, v5;
	v53 =	vld.idx.msk [tilespmem:v46+s10+$0x0], $0xffff  }
0x226: {  	v34 =	vadd.s32 $0x5472, v9;
	v37 =	vmul.bf16 v47, v5;
	v38 =	vmul.bf16 v44, v5;
	v42 =	vld.idx.msk [tilespmem:v42+s10+$0x0], $0xffff  }
0x227: {  	v52 =	vadd.s32 $0x6BE7, v9;
	v20 =	vmul.bf16 v20, v8;
	v57 =	vmul.bf16 v41, v8;
	v44 =	vld [tilespmem:$0x1FF80]  }
0x228: {  	v54 =	vadd.s32 $0x6736, v9;
	v48 =	vmul.bf16 v50, v8;
	v43 =	vmul.bf16 v51, v8  }
0x229: {  	v56 =	vadd.s32 $0x7098, v9;
	v50 =	vld.idx.msk [tilespmem:v45+s10+$0x0], $0xffff;
	v2 =	vmul.bf16 v2, v8;
	v3 =	vmul.bf16 v3, v8  }
0x22a: {  	v28 =	vld.idx.msk [tilespmem:v33+s10+$0x0], $0xffff;
	v20 =	vadd.bf16 v20, v24;
	v0 =	vmul.bf16 v0, v8;
	v33 =	vmul.bf16 v49, v8  }
0x22b: {  	v23 =	vadd.bf16 v48, v23;
	v55 =	vld.idx.msk [tilespmem:v34+s10+$0x0], $0xffff;
	v58 =	vmul.bf16 v29, v8;
	v60 =	vmul.bf16 v53, v22  }
0x22c: {  	v61 =	vadd.s32 $0x10, v44;
	v62 =	vmul.bf16 v42, v8;
	v63 =	vadd.s32 $0x11, v44  }
0x22d: {  	v45 =	vadd.s32 $0x12, v44;
	v46 =	vadd.s32 $0x13, v44;
	v53 =	vadd.bf16 v57, v17  }
0x22e: {  	v39 =	vld.idx.msk [tilespmem:v39+s10+$0x0], $0xffff;
	v40 =	vmul.bf16 v50, v8;
	v2 =	vadd.bf16 v2, v35;
	v11 =	vadd.bf16 v58, v11  }
0x22f: {  	v3 =	vadd.bf16 v3, v25;
	v25 =	vmul.bf16 v28, v8;
	v19 =	vadd.bf16 v33, v19;
	v35 =	vld.idx.msk [tilespmem:v54+s10+$0x0], $0xffff  }
0x230: {  	v59 =	vld.idx.msk [tilespmem:v52+s10+$0x0], $0xffff;
	v10 =	vadd.bf16 v62, v10;
	v11 =	vadd.bf16 v60, v11;
	v28 =	vmul.bf16 v55, v22  }
0x231: {  	v9 =	vld.idx.msk [tilespmem:v56+s10+$0x0], $0xffff;
	v48 =	vadd.s32 $0x14, v44;
	v0 =	vadd.bf16 v0, v14;
	v47 =	vadd.bf16 v27, v19  }
0x232: {  	v50 =	vadd.s32 $0x15, v44;
	v21 =	vadd.bf16 v40, v21;
	[tilespmem:v61+s15+$0x0] =	vst.idx.msk $0xffff, v11;
	v10 =	vadd.bf16 v28, v10  }
0x233: {  	v52 =	vadd.s32 $0x16, v44;
	v0 =	vadd.bf16 v4, v0;
	v3 =	vadd.bf16 v37, v3;
	[tilespmem:v63+s15+$0x0] =	vst.idx.msk $0xffff, v47  }
0x234: {  	v54 =	vadd.s32 $0x17, v44;
	v15 =	vadd.bf16 v25, v15;
	v51 =	vmul.bf16 v35, v22;
	[tilespmem:v45+s15+$0x0] =	vst.idx.msk $0xffff, v10  }
0x235: {  	v49 =	vmul.bf16 v59, v5;
	v6 =	vadd.bf16 v6, v21;
	[tilespmem:v46+s15+$0x0] =	vst.idx.msk $0xffff, v0;
	v0 =	vadd.s32 $0x18, v44  }
0x236: {  	v9 =	vmul.bf16 v9, v5;
	v14 =	vadd.bf16 v51, v53;
	[tilespmem:v48+s15+$0x0] =	vst.idx.msk $0xffff, v3;
	v3 =	vadd.s32 $0x19, v44  }
0x237: {  	v56 =	vadd.s32 $0x1A, v44;
	v55 =	vmul.bf16 v30, v5;
	v15 =	vadd.bf16 v49, v15;
	[tilespmem:v50+s15+$0x0] =	vst.idx.msk $0xffff, v6  }
0x238: {  	v57 =	vadd.bf16 v43, v12;
	v58 =	vadd.s32 $0x1B, v44;
	v9 =	vadd.bf16 v9, v20;
	[tilespmem:v52+s15+$0x0] =	vst.idx.msk $0xffff, v14  }
0x239: {  	v60 =	vadd.s32 $0x1C, v44;
	v59 =	vmul.bf16 v39, v5;
	v2 =	vadd.bf16 v55, v2;
	[tilespmem:v54+s15+$0x0] =	vst.idx.msk $0xffff, v15  }
0x23a: {  	v61 =	vmul.bf16 v13, v8;
	v11 =	vadd.bf16 v38, v57;
	[tilespmem:v0+s15+$0x0] =	vst.idx.msk $0xffff, v9;
	v0 =	vadd.s32 $0x1D, v44  }
0x23b: {  	s18 =	sadd.s32 $0x1, s18;
	v5 =	vadd.bf16 v59, v23;
	[tilespmem:v3+s15+$0x0] =	vst.idx.msk $0xffff, v2;
	v2 =	vadd.s32 $0x1E, v44  }
0x23c: {  	p0 =	sne.s32 s18, $0x10;
	v62 =	vadd.s32 $0x1F, v44;
	v3 =	vadd.bf16 v61, v7;
	[tilespmem:v56+s15+$0x0] =	vst.idx.msk $0xffff, v11  }
.Ltmp2:
0x23d: {  	v63 =	vadd.bf16 v36, v31;
	[tilespmem:v58+s15+$0x0] =	vst.idx.msk $0xffff, v5;
	(pc) =	sbr.rel @p0 .LBB2_2-.Ltmp2, $4  }
0x23e: {  	v3 =	vadd.bf16 v26, v3;
	[tilespmem:v60+s15+$0x0] =	vst.idx.msk $0xffff, v18  }
0x23f: {  	[tilespmem:v0+s15+$0x0] =	vst.idx.msk $0xffff, v63  }
0x240: {  	[tilespmem:v2+s15+$0x0] =	vst.idx.msk $0xffff, v3  }
0x241: {  	v2 =	vimm.bf16 $0.0e+00;
	[tilespmem:v62+s15+$0x0] =	vst.idx.msk $0xffff, v16  }
0x242: {  	s17 =	sadd.s32 $0x1, s17  }
0x243: {  	p0 =	sne.s32 s17, s7  }
.Ltmp3:
0x244: {  	_ = 	snop;
	(pc) =	sbr.rel @p0 .LBB2_1-.Ltmp3, $4  }
0x245: {  	[hbm4b:s16+s8] =	stream.strided.scatter [tilespmem:s15], [sflag:$0x1], $0x2100, s9, s8, $0x38;
	[tilespmem:$0x11600] =	vst v63  }
0x246: {  	_ =	swait.ge [sflag:s11], $0x2100  }
0x247: {  	[sflag:s11] =	ssyncset.done $0x0  }
0x248: {  	[sflag:s11] =	ssyncadd.s32 $0xFFFFDF00  }
0x249: {  	_ =	sfence.sel $0x180000  }
0x24a: {  	[bflag:$0x0] =	sbarrier.arrive $0xFFFF  }
0x24b: {  	p0 =	sne.s32 s0, $0x0;
	_ =	strace $0x90000047  }
0x24c: {  	s0 =	sadd.s32 @!p0 $0x100000, s1;
	[bflag:$0x2] =	sbarrier.arrive $0xFFFF  }
0x24d: {  	[sflag:s0] =	ssyncadd.tile.s32 @!p0 $0x1;
	_ =	shalt  }
.Lfunc_end2:
_tile_overlayer_lowered:
.L_overlay_start_2:
0x24e: {  	(tag) =	ssettag $0x2  }
0x24f: {  	s0 =	rddreg [dreg:$0x0];
	s2 =	stileid.u32  }
0x250: {  	s1 =	rddreg [dreg:$0x1];
	p0 =	sne.s32 s2, $0x0  }
0x251: {  	s3 =	rddreg [dreg:$0x2];
	[bflag:$0x3] =	sbarrier.arrive $0xFFFF;
	s2 =	simm.s32 @!p0 $0x1C01  }
0x252: {  	[timem:s3], [sflag:s2] =	dma.local @!p0 [hbm:s0], s1  }
0x253: {  	s0 =	simm.s32 @!p0 $0x1  }
0x254: {  	_ =	swait.ge @!p0 [sflag:s0], s1  }
0x255: {  	s1 =	ssub.s32 @!p0 $0x0, s1;
	[sflag:s0] =	ssyncset.done @!p0 $0x0  }
0x256: {  	[sflag:s0] =	ssyncadd.s32 @!p0 s1  }
0x257: {  	[bflag:$0x3] =	sbarrier.arrive $0xFFFF  }
0x258: {  	_ =	shalt  }

</sc_bundles>
